<compile_context>
chip_gen: v7x
topology: tpu7x:2x2x1
jax: 0.10.2.dev20260603
libtpu: 0.0.44.dev20260713+nightly
codegen_flags: <defaults>
</compile_context>

<pallas_src>
import functools

import jax
import jax.numpy as jnp
from jax import lax
from jax.experimental import pallas as pl
from jax.experimental.pallas import tpu as pltpu
from jax.experimental.pallas import tpu_sc as plsc

N, E, D, DO, DE = 10000, 160000, 256, 256, 16
K = 16
EPT = E // 16
NCHUNK = EPT // K
NPAD = 10240
ROWS_PT = NPAD // 16


def _pack64(half):
    lo = lax.bitcast_convert_type(half[:, 0:64].astype(jnp.bfloat16),
                                  jnp.uint16).astype(jnp.uint32)
    hi = lax.bitcast_convert_type(half[:, 64:128].astype(jnp.bfloat16),
                                  jnp.uint16).astype(jnp.uint32)
    return lax.bitcast_convert_type(lo | (hi << 16), jnp.int32)


def _pack_bf16_pairs(half):
    packed = _pack64(half)
    return jnp.concatenate(
        [packed, jnp.zeros(packed.shape, jnp.int32)], axis=1)


def _tc1_body(x_ref, wn1_ref, bn1_ref, wn2_ref, bn2_ref, we1_ref,
              h_ref, a0_ref, a1_ref, b0_ref, b1_ref):
    xb = x_ref[...]
    t = jnp.maximum(jnp.dot(xb, wn1_ref[...],
                            preferred_element_type=jnp.float32)
                    + bn1_ref[...], 0.0)
    h_ref[...] = jnp.dot(t, wn2_ref[...],
                         preferred_element_type=jnp.float32) + bn2_ref[...]
    a = jnp.dot(xb, we1_ref[0:D, :], preferred_element_type=jnp.float32)
    a0_ref[...] = _pack_bf16_pairs(a[:, 0:128])
    a1_ref[...] = _pack_bf16_pairs(a[:, 128:256])
    b = jnp.dot(xb, we1_ref[D:2 * D, :], preferred_element_type=jnp.float32)
    b0_ref[...] = _pack_bf16_pairs(b[:, 0:128])
    b1_ref[...] = _pack_bf16_pairs(b[:, 128:256])


def _tc1(x, Wn1, bn1, Wn2, bn2, We1):
    BN = 1000
    f32 = jnp.float32
    i32 = jnp.int32
    return pl.pallas_call(
        _tc1_body,
        grid=(N // BN,),
        in_specs=[
            pl.BlockSpec((BN, D), lambda i: (i, 0)),
            pl.BlockSpec((D, DO), lambda i: (0, 0)),
            pl.BlockSpec((1, DO), lambda i: (0, 0)),
            pl.BlockSpec((DO, DO), lambda i: (0, 0)),
            pl.BlockSpec((1, DO), lambda i: (0, 0)),
            pl.BlockSpec((2 * D + DE, DO), lambda i: (0, 0)),
        ],
        out_specs=[
            pl.BlockSpec((BN, DO), lambda i: (i, 0)),
            pl.BlockSpec((BN, 128), lambda i: (i, 0)),
            pl.BlockSpec((BN, 128), lambda i: (i, 0)),
            pl.BlockSpec((BN, 128), lambda i: (i, 0)),
            pl.BlockSpec((BN, 128), lambda i: (i, 0)),
        ],
        out_shape=[
            jax.ShapeDtypeStruct((N, DO), f32),
            jax.ShapeDtypeStruct((N, 128), i32),
            jax.ShapeDtypeStruct((N, 128), i32),
            jax.ShapeDtypeStruct((N, 128), i32),
            jax.ShapeDtypeStruct((N, 128), i32),
        ],
    )(x, Wn1, bn1.reshape(1, DO), Wn2, bn2.reshape(1, DO), We1)


def _tc2_body(ea_ref, we1c_ref, be1_ref, c_ref):
    ce = jnp.dot(ea_ref[...], we1c_ref[...],
                 preferred_element_type=jnp.float32) + be1_ref[...]
    c_ref[...] = _pack_bf16_pairs(ce)


def _tc2(edge_attr, We1, be1):
    BE = 2000
    EB = E // BE
    return pl.pallas_call(
        _tc2_body,
        grid=(2, EB),
        in_specs=[
            pl.BlockSpec((BE, DE), lambda h, i: (i, 0)),
            pl.BlockSpec((DE, 128), lambda h, i: (2 * D // DE, h)),
            pl.BlockSpec((1, 128), lambda h, i: (0, h)),
        ],
        out_specs=pl.BlockSpec((BE, 128), lambda h, i: (h * EB + i, 0)),
        out_shape=jax.ShapeDtypeStruct((2 * E, 128), jnp.int32),
    )(edge_attr, We1, be1.reshape(1, DO))


def _sc_body(a0_hbm, a1_hbm, b0_hbm, b1_hbm, c_hbm, src_hbm, dst_hbm,
             s_out0, s_out1, deg_out,
             sring, dring,
             rows_a0, rows_a1, rows_b0, rows_b1, rows_c0, rows_c1,
             upd0, upd1, ones_v, zvec, s_sh, deg_sh,
             isemE, isemO, gsem0, gsem1, ssem0, ssem1, dsem):
    c = lax.axis_index("c")
    s = lax.axis_index("s")
    rows_a = (rows_a0, rows_a1)
    rows_b = (rows_b0, rows_b1)
    rows_c = (rows_c0, rows_c1)
    upd = (upd0, upd1)
    gsem = (gsem0, gsem1)
    ssem = (ssem0, ssem1)
    zero16 = jnp.zeros((16,), jnp.float32)
    one16 = jnp.ones((16,), jnp.float32)

    ones_v[pl.ds(0, 16)] = one16

    def _zv(r, carry):
        zvec[pl.ds(r * 16, 16)] = zero16
        return carry
    lax.fori_loop(0, ROWS_PT // 16, _zv, 0)

    def _zrow(r, carry):
        for k in range(128 // 16):
            upd0[r, pl.ds(k * 16, 16)] = zero16
            upd1[r, pl.ds(k * 16, 16)] = zero16
        return carry
    lax.fori_loop(0, K, _zrow, 0)

    for j in range(ROWS_PT // K):
        pltpu.sync_copy(upd0, s_sh.at[pl.ds(s * ROWS_PT + j * K, K)])
    pltpu.sync_copy(zvec, deg_sh.at[pl.ds(s * ROWS_PT, ROWS_PT)])

    plsc.subcore_barrier()

    ebase = s * EPT

    def fetch_idx(t, sem):
        js = lax.rem(t, 3)
        jd = lax.rem(t, 6)
        pltpu.async_copy(src_hbm.at[pl.ds(ebase + t * K, K)],
                         sring.at[js], sem)
        pltpu.async_copy(dst_hbm.at[pl.ds(ebase + t * K, K)],
                         dring.at[jd], sem)

    def wait_idx(t, sem):
        js = lax.rem(t, 3)
        jd = lax.rem(t, 6)
        pltpu.make_async_copy(src_hbm.at[pl.ds(ebase + t * K, K)],
                              sring.at[js], sem).wait()
        pltpu.make_async_copy(dst_hbm.at[pl.ds(ebase + t * K, K)],
                              dring.at[jd], sem).wait()

    def issue_gathers(t, b):
        js = lax.rem(t, 3)
        jd = lax.rem(t, 6)

        @pl.when(c == 0)
        def _():
            pltpu.async_copy(a0_hbm.at[sring.at[js]], rows_a[b], gsem[b])
            pltpu.async_copy(b0_hbm.at[dring.at[jd]], rows_b[b], gsem[b])

        @pl.when(c == 1)
        def _():
            pltpu.async_copy(a1_hbm.at[sring.at[js]], rows_a[b], gsem[b])
            pltpu.async_copy(b1_hbm.at[dring.at[jd]], rows_b[b], gsem[b])
        pltpu.async_copy(c_hbm.at[pl.ds(c * E + ebase + t * K, K)],
                         rows_c[b], gsem[b])

    def wait_gathers(t, b):
        js = lax.rem(t, 3)
        jd = lax.rem(t, 6)
        pltpu.make_async_copy(a0_hbm.at[sring.at[js]], rows_a[b],
                              gsem[b]).wait()
        pltpu.make_async_copy(b0_hbm.at[dring.at[jd]], rows_b[b],
                              gsem[b]).wait()
        pltpu.make_async_copy(c_hbm.at[pl.ds(c * E + ebase + t * K, K)],
                              rows_c[b], gsem[b]).wait()

    himask = jnp.full((16,), -65536, jnp.int32)

    def do_chunk(t, b):
        wait_gathers(t, b)
        jd = lax.rem(t, 6)
        pltpu.make_async_copy(upd[b], s_sh.at[dring.at[jd]], ssem[b]).wait()
        ra, rb, rc, u = rows_a[b], rows_b[b], rows_c[b], upd[b]

        def _row(q, cc):
            for p in range(2):
                r = 2 * q + p
                for m in range(4):
                    sl = pl.ds(m * 16, 16)
                    wa = ra[r, sl]
                    wb = rb[r, sl]
                    wc = rc[r, sl]
                    la = lax.bitcast_convert_type(wa << 16, jnp.float32)
                    lb = lax.bitcast_convert_type(wb << 16, jnp.float32)
                    lc = lax.bitcast_convert_type(wc << 16, jnp.float32)
                    ha = lax.bitcast_convert_type(wa & himask, jnp.float32)
                    hb = lax.bitcast_convert_type(wb & himask, jnp.float32)
                    hc = lax.bitcast_convert_type(wc & himask, jnp.float32)
                    u[r, pl.ds(m * 16, 16)] = jnp.maximum(la + lb + lc, 0.0)
                    u[r, pl.ds(64 + m * 16, 16)] = jnp.maximum(
                        ha + hb + hc, 0.0)
            return cc
        lax.fori_loop(0, K // 2, _row, 0)
        pltpu.async_copy(u, s_sh.at[dring.at[jd]], ssem[b], add=True)

        @pl.when(c == b)
        def _():
            pltpu.make_async_copy(ones_v, deg_sh.at[dring.at[jd]],
                                  dsem).wait()
            pltpu.async_copy(ones_v, deg_sh.at[dring.at[jd]], dsem, add=True)

    fetch_idx(0, isemE)
    fetch_idx(1, isemO)
    wait_idx(0, isemE)
    wait_idx(1, isemO)
    issue_gathers(0, 0)
    issue_gathers(1, 1)
    fetch_idx(2, isemE)
    pltpu.async_copy(upd0, s_sh.at[dring.at[0]], ssem0, add=True)
    pltpu.async_copy(upd1, s_sh.at[dring.at[1]], ssem1, add=True)

    @pl.when(c == 0)
    def _():
        pltpu.async_copy(zvec.at[pl.ds(0, K)], deg_sh.at[dring.at[0]],
                         dsem, add=True)

    @pl.when(c == 1)
    def _():
        pltpu.async_copy(zvec.at[pl.ds(0, K)], deg_sh.at[dring.at[1]],
                         dsem, add=True)

    NP2 = NCHUNK // 2

    def _pair(g, carry):
        t0 = 2 * g
        t1 = t0 + 1

        wait_idx(t0 + 2, isemE)
        do_chunk(t0, 0)
        issue_gathers(t0 + 2, 0)

        @pl.when(g < NP2 - 1)
        def _():
            fetch_idx(t0 + 3, isemO)
            wait_idx(t1 + 2, isemO)
        do_chunk(t1, 1)

        @pl.when(g < NP2 - 1)
        def _():
            issue_gathers(t1 + 2, 1)
            fetch_idx(t1 + 3, isemE)
        return carry

    lax.fori_loop(0, NP2, _pair, 0)
    do_chunk(NCHUNK - 1, 0)

    pltpu.make_async_copy(upd0, s_sh.at[dring.at[0]], ssem0).wait()
    pltpu.make_async_copy(upd1, s_sh.at[dring.at[0]], ssem1).wait()
    pltpu.make_async_copy(ones_v, deg_sh.at[dring.at[0]], dsem).wait()

    plsc.subcore_barrier()

    pltpu.sync_copy(deg_sh.at[pl.ds(s * ROWS_PT, ROWS_PT)],
                    deg_out.at[pl.ds(c * NPAD + s * ROWS_PT, ROWS_PT)])

    @pl.when(c == 0)
    def _():
        pltpu.sync_copy(s_sh.at[pl.ds(s * ROWS_PT, ROWS_PT)],
                        s_out0.at[pl.ds(s * ROWS_PT, ROWS_PT)])

    @pl.when(c == 1)
    def _():
        pltpu.sync_copy(s_sh.at[pl.ds(s * ROWS_PT, ROWS_PT)],
                        s_out1.at[pl.ds(s * ROWS_PT, ROWS_PT)])


def _sc_edge(a0, a1, b0, b1, c_cat, src, dst):
    f32 = jnp.float32
    i32 = jnp.int32
    fn = functools.partial(
        pl.kernel,
        mesh=plsc.VectorSubcoreMesh(core_axis_name="c", subcore_axis_name="s"),
        out_type=[
            jax.ShapeDtypeStruct((NPAD, 128), f32),
            jax.ShapeDtypeStruct((NPAD, 128), f32),
            jax.ShapeDtypeStruct((2 * NPAD,), f32),
        ],
        scratch_types=[
            pltpu.VMEM((3, K), i32),
            pltpu.VMEM((6, K), i32),
            pltpu.VMEM((K, 128), i32),
            pltpu.VMEM((K, 128), i32),
            pltpu.VMEM((K, 128), i32),
            pltpu.VMEM((K, 128), i32),
            pltpu.VMEM((K, 128), i32),
            pltpu.VMEM((K, 128), i32),
            pltpu.VMEM((K, 128), f32),
            pltpu.VMEM((K, 128), f32),
            pltpu.VMEM((K,), f32),
            pltpu.VMEM((ROWS_PT,), f32),
            pltpu.VMEM_SHARED((NPAD, 128), f32),
            pltpu.VMEM_SHARED((NPAD,), f32),
            pltpu.SemaphoreType.DMA,
            pltpu.SemaphoreType.DMA,
            pltpu.SemaphoreType.DMA,
            pltpu.SemaphoreType.DMA,
            pltpu.SemaphoreType.DMA,
            pltpu.SemaphoreType.DMA,
            pltpu.SemaphoreType.DMA,
        ],
    )(_sc_body)
    return fn(a0, a1, b0, b1, c_cat, src, dst)


def _tc3_body(h_ref, s0_ref, s1_ref, we2_ref, wu_ref, bu_ref, out_ref):
    agg = (jnp.dot(s0_ref[...], we2_ref[0:128, :],
                   preferred_element_type=jnp.float32)
           + jnp.dot(s1_ref[...], we2_ref[128:256, :],
                     preferred_element_type=jnp.float32))
    out_ref[...] = (jnp.dot(h_ref[...], wu_ref[0:DO, :],
                            preferred_element_type=jnp.float32)
                    + jnp.dot(agg, wu_ref[DO:2 * DO, :],
                              preferred_element_type=jnp.float32)
                    + bu_ref[...])


def _tc3(h_nodes, s0, s1, We2, Wu, bu):
    BN = 1000
    grid = (N // BN,)
    return pl.pallas_call(
        _tc3_body,
        grid=grid,
        in_specs=[
            pl.BlockSpec((BN, DO), lambda i: (i, 0)),
            pl.BlockSpec((BN, 128), lambda i: (i, 0)),
            pl.BlockSpec((BN, 128), lambda i: (i, 0)),
            pl.BlockSpec((DO, DO), lambda i: (0, 0)),
            pl.BlockSpec((2 * DO, DO), lambda i: (0, 0)),
            pl.BlockSpec((1, DO), lambda i: (0, 0)),
        ],
        out_specs=pl.BlockSpec((BN, DO), lambda i: (i, 0)),
        out_shape=jax.ShapeDtypeStruct((N, DO), jnp.float32),
    )(h_nodes, s0, s1, We2, Wu, bu.reshape(1, DO))


def kernel(x, edge_index, edge_attr, pos, Wn1, bn1, Wn2, bn2,
           We1, be1, We2, be2, Wu, bu):
    h_nodes, a0, a1, b0, b1 = _tc1(x, Wn1, bn1, Wn2, bn2, We1)
    src = edge_index[0]
    dst = edge_index[1]
    c_cat = _tc2(edge_attr, We1, be1)
    s_acc0, s_acc1, deg2 = _sc_edge(a0, a1, b0, b1, c_cat, src, dst)
    h_out = _tc3(h_nodes, s_acc0, s_acc1, We2, Wu, bu)
    deg = deg2[:N] + deg2[NPAD:NPAD + N]
    h_out = h_out + deg[:, None] * jnp.dot(be2, Wu[DO:2 * DO, :])
    return h_out

# --- scband reference (transcript-rebuilt; emitter-appended) ---
"""Pipeline reference for scband-se3-layer-79748952752295 (READ-ONLY COPY).

The authoritative reference and input builder live on the scoring server;
editing this copy changes nothing except your own understanding.
"""

import jax, jax.numpy as jnp
import numpy as np

N, E, D, DO, DE = 10000, 160000, 256, 256, 16

def setup_inputs(seed: int = 0) -> dict:
    key = jax.random.key(seed)
    ks = jax.random.split(key, 16)
    s = 0.05
    x = jax.random.normal(ks[0], (N, D), dtype=jnp.float32)
    edge_index = jax.random.randint(ks[1], (2, E), 0, N, dtype=jnp.int32)
    edge_attr = jax.random.normal(ks[2], (E, DE), dtype=jnp.float32)
    pos = jax.random.normal(ks[3], (N, 3), dtype=jnp.float32)
    Wn1 = jax.random.normal(ks[4], (D, DO), dtype=jnp.float32) * s
    bn1 = jnp.zeros((DO,), dtype=jnp.float32)
    Wn2 = jax.random.normal(ks[5], (DO, DO), dtype=jnp.float32) * s
    bn2 = jnp.zeros((DO,), dtype=jnp.float32)
    We1 = jax.random.normal(ks[6], (2 * D + DE, DO), dtype=jnp.float32) * s
    be1 = jnp.zeros((DO,), dtype=jnp.float32)
    We2 = jax.random.normal(ks[7], (DO, DO), dtype=jnp.float32) * s
    be2 = jnp.zeros((DO,), dtype=jnp.float32)
    Wu = jax.random.normal(ks[8], (2 * DO, DO), dtype=jnp.float32) * s
    bu = jnp.zeros((DO,), dtype=jnp.float32)
    return {"x": x, "edge_index": edge_index, "edge_attr": edge_attr, "pos": pos,
            "Wn1": Wn1, "bn1": bn1, "Wn2": Wn2, "bn2": bn2,
            "We1": We1, "be1": be1, "We2": We2, "be2": be2,
            "Wu": Wu, "bu": bu}

def reference(x, edge_index, edge_attr, pos, Wn1, bn1, Wn2, bn2, We1, be1, We2, be2, Wu, bu):
    # node_mlp: Linear -> ReLU -> Linear
    h_nodes = jnp.dot(jax.nn.relu(jnp.dot(x, Wn1) + bn1), Wn2) + bn2
    src = edge_index[0]
    dst = edge_index[1]
    h_src = jnp.take(x, src, axis=0)
    h_dst = jnp.take(x, dst, axis=0)
    edge_features = jnp.concatenate([h_src, h_dst, edge_attr], axis=1)
    # edge_mlp: Linear -> ReLU -> Linear
    h_edges = jnp.dot(jax.nn.relu(jnp.dot(edge_features, We1) + be1), We2) + be2
    # scatter-add aggregation over dst nodes
    h_agg = jnp.zeros_like(h_nodes).at[dst].add(h_edges)
    h_combined = jnp.concatenate([h_nodes, h_agg], axis=1)
    h_out = jnp.dot(h_combined, Wu) + bu
    return h_out

if __name__ == "__main__":
    import jax
    _d = setup_inputs()
    print(jax.jit(kernel)(*tuple(_d.values())))

</pallas_src>

<mosaic_0001>
#map = affine_map<(d0, d1) -> (0, 0)>
#map1 = affine_map<(d0, d1) -> (0)>
module attributes {stable_mosaic.version = 14 : i64} {
  func.func @_sc_body(%arg0: i32, %arg1: i32, %arg2: memref<10000x128xi32, #tpu.memory_space<hbm>>, %arg3: memref<10000x128xi32, #tpu.memory_space<hbm>>, %arg4: memref<10000x128xi32, #tpu.memory_space<hbm>>, %arg5: memref<10000x128xi32, #tpu.memory_space<hbm>>, %arg6: memref<320000x128xi32, #tpu.memory_space<hbm>>, %arg7: memref<160000xi32, #tpu.memory_space<hbm>>, %arg8: memref<160000xi32, #tpu.memory_space<hbm>>, %arg9: memref<10240x128xf32, #tpu.memory_space<hbm>>, %arg10: memref<10240x128xf32, #tpu.memory_space<hbm>>, %arg11: memref<20480xf32, #tpu.memory_space<hbm>>, %arg12: memref<3x16xi32, #tpu.memory_space<vmem>>, %arg13: memref<6x16xi32, #tpu.memory_space<vmem>>, %arg14: memref<16x128xi32, #tpu.memory_space<vmem>>, %arg15: memref<16x128xi32, #tpu.memory_space<vmem>>, %arg16: memref<16x128xi32, #tpu.memory_space<vmem>>, %arg17: memref<16x128xi32, #tpu.memory_space<vmem>>, %arg18: memref<16x128xi32, #tpu.memory_space<vmem>>, %arg19: memref<16x128xi32, #tpu.memory_space<vmem>>, %arg20: memref<16x128xf32, #tpu.memory_space<vmem>>, %arg21: memref<16x128xf32, #tpu.memory_space<vmem>>, %arg22: memref<16xf32, #tpu.memory_space<vmem>>, %arg23: memref<640xf32, #tpu.memory_space<vmem>>, %arg24: memref<10240x128xf32, #tpu.memory_space<vmem_shared>>, %arg25: memref<10240xf32, #tpu.memory_space<vmem_shared>>, %arg26: memref<!tpu.dma_semaphore, #tpu.memory_space<semaphore_mem>>, %arg27: memref<!tpu.dma_semaphore, #tpu.memory_space<semaphore_mem>>, %arg28: memref<!tpu.dma_semaphore, #tpu.memory_space<semaphore_mem>>, %arg29: memref<!tpu.dma_semaphore, #tpu.memory_space<semaphore_mem>>, %arg30: memref<!tpu.dma_semaphore, #tpu.memory_space<semaphore_mem>>, %arg31: memref<!tpu.dma_semaphore, #tpu.memory_space<semaphore_mem>>, %arg32: memref<!tpu.dma_semaphore, #tpu.memory_space<semaphore_mem>>) attributes {dimension_semantics = [#tpu.dimension_semantics<core_parallel>, #tpu.dimension_semantics<subcore_parallel>], iteration_bounds = array<i64: 2, 16>, scalar_prefetch = 0 : i64, scratch_operands = 21 : i64, tpu.core_type = #tpu.core_type<sc_vector_subcore>, window_params = [{transform_indices = #map}, {transform_indices = #map}, {transform_indices = #map}, {transform_indices = #map}, {transform_indices = #map}, {transform_indices = #map1}, {transform_indices = #map1}, {transform_indices = #map}, {transform_indices = #map}, {transform_indices = #map1}]} {
    %broadcast_in_dim3A = arith.constant 0.000000e+00 : f32
    %broadcast_in_dim3A_0 = vector.broadcast %broadcast_in_dim3A : f32 to vector<16xf32>
    %broadcast_in_dim3A_1 = arith.constant 1.000000e+00 : f32
    %broadcast_in_dim3A_2 = vector.broadcast %broadcast_in_dim3A_1 : f32 to vector<16xf32>
    %swap3A = arith.constant 0 : index
    %swap3A_3 = tpu.vector_load %arg22[%swap3A] {strides = array<i32>} : memref<16xf32, #tpu.memory_space<vmem>>, vector<16xf32>,
    %swap3A_4 = vector.shape_cast %swap3A_3 : vector<16xf32> to vector<16xf32>
    %swap3A_5 = vector.shape_cast %broadcast_in_dim3A_2 : vector<16xf32> to vector<16xf32>
    tpu.vector_store %arg22[%swap3A], %swap3A_5 {strides = array<i32>} : memref<16xf32, #tpu.memory_space<vmem>>, vector<16xf32>,
    %scan3A = arith.constant 0 : i32
    %scan3A_6 = arith.constant 0 : i32
    %scan3A_7 = arith.constant 40 : i32
    %scan3A_8 = arith.addi %scan3A_6, %scan3A_7 : i32
    %scan3A_9 = arith.constant 1 : i32
    scf.for %scan3A_476 = %scan3A_6 to %scan3A_8 step %scan3A_9  : i32 {
      %mul3A_477 = arith.constant 16 : i32
      %mul3A_478 = arith.muli %scan3A_476, %mul3A_477 : i32
      %swap3A_479 = arith.index_cast %mul3A_478 : i32 to index
      %swap3A_480 = tpu.vector_load %arg23[%swap3A_479] {strides = array<i32>} : memref<640xf32, #tpu.memory_space<vmem>>, vector<16xf32>,
      %swap3A_481 = vector.shape_cast %swap3A_480 : vector<16xf32> to vector<16xf32>
      %swap3A_482 = vector.shape_cast %broadcast_in_dim3A_0 : vector<16xf32> to vector<16xf32>
      tpu.vector_store %arg23[%swap3A_479], %swap3A_482 {strides = array<i32>} : memref<640xf32, #tpu.memory_space<vmem>>, vector<16xf32>,
    }
    %scan3A_10 = arith.constant 40 : i32
    %scan3A_11 = arith.constant 0 : i32
    %scan3A_12 = arith.constant 0 : i32
    %scan3A_13 = arith.constant 16 : i32
    %scan3A_14 = arith.addi %scan3A_12, %scan3A_13 : i32
    %scan3A_15 = arith.constant 1 : i32
    scf.for %scan3A_476 = %scan3A_12 to %scan3A_14 step %scan3A_15  : i32 {
      %swap3A_477 = arith.index_cast %scan3A_476 : i32 to index
      %swap3A_478 = arith.constant 0 : index
      %swap3A_479 = tpu.vector_load %arg20[%swap3A_477, %swap3A_478] {strides = array<i32>} : memref<16x128xf32, #tpu.memory_space<vmem>>, vector<1x16xf32>,
      %swap3A_480 = vector.shape_cast %swap3A_479 : vector<1x16xf32> to vector<16xf32>
      %swap3A_481 = vector.shape_cast %broadcast_in_dim3A_0 : vector<16xf32> to vector<1x16xf32>
      tpu.vector_store %arg20[%swap3A_477, %swap3A_478], %swap3A_481 {strides = array<i32>} : memref<16x128xf32, #tpu.memory_space<vmem>>, vector<1x16xf32>,
      %swap3A_482 = arith.index_cast %scan3A_476 : i32 to index
      %swap3A_483 = arith.constant 0 : index
      %swap3A_484 = tpu.vector_load %arg21[%swap3A_482, %swap3A_483] {strides = array<i32>} : memref<16x128xf32, #tpu.memory_space<vmem>>, vector<1x16xf32>,
      %swap3A_485 = vector.shape_cast %swap3A_484 : vector<1x16xf32> to vector<16xf32>
      %swap3A_486 = vector.shape_cast %broadcast_in_dim3A_0 : vector<16xf32> to vector<1x16xf32>
      tpu.vector_store %arg21[%swap3A_482, %swap3A_483], %swap3A_486 {strides = array<i32>} : memref<16x128xf32, #tpu.memory_space<vmem>>, vector<1x16xf32>,
      %swap3A_487 = arith.index_cast %scan3A_476 : i32 to index
      %swap3A_488 = arith.constant 16 : index
      %swap3A_489 = tpu.vector_load %arg20[%swap3A_487, %swap3A_488] {strides = array<i32>} : memref<16x128xf32, #tpu.memory_space<vmem>>, vector<1x16xf32>,
      %swap3A_490 = vector.shape_cast %swap3A_489 : vector<1x16xf32> to vector<16xf32>
      %swap3A_491 = vector.shape_cast %broadcast_in_dim3A_0 : vector<16xf32> to vector<1x16xf32>
      tpu.vector_store %arg20[%swap3A_487, %swap3A_488], %swap3A_491 {strides = array<i32>} : memref<16x128xf32, #tpu.memory_space<vmem>>, vector<1x16xf32>,
      %swap3A_492 = arith.index_cast %scan3A_476 : i32 to index
      %swap3A_493 = arith.constant 16 : index
      %swap3A_494 = tpu.vector_load %arg21[%swap3A_492, %swap3A_493] {strides = array<i32>} : memref<16x128xf32, #tpu.memory_space<vmem>>, vector<1x16xf32>,
      %swap3A_495 = vector.shape_cast %swap3A_494 : vector<1x16xf32> to vector<16xf32>
      %swap3A_496 = vector.shape_cast %broadcast_in_dim3A_0 : vector<16xf32> to vector<1x16xf32>
      tpu.vector_store %arg21[%swap3A_492, %swap3A_493], %swap3A_496 {strides = array<i32>} : memref<16x128xf32, #tpu.memory_space<vmem>>, vector<1x16xf32>,
      %swap3A_497 = arith.index_cast %scan3A_476 : i32 to index
      %swap3A_498 = arith.constant 32 : index
      %swap3A_499 = tpu.vector_load %arg20[%swap3A_497, %swap3A_498] {strides = array<i32>} : memref<16x128xf32, #tpu.memory_space<vmem>>, vector<1x16xf32>,
      %swap3A_500 = vector.shape_cast %swap3A_499 : vector<1x16xf32> to vector<16xf32>
      %swap3A_501 = vector.shape_cast %broadcast_in_dim3A_0 : vector<16xf32> to vector<1x16xf32>
      tpu.vector_store %arg20[%swap3A_497, %swap3A_498], %swap3A_501 {strides = array<i32>} : memref<16x128xf32, #tpu.memory_space<vmem>>, vector<1x16xf32>,
      %swap3A_502 = arith.index_cast %scan3A_476 : i32 to index
      %swap3A_503 = arith.constant 32 : index
      %swap3A_504 = tpu.vector_load %arg21[%swap3A_502, %swap3A_503] {strides = array<i32>} : memref<16x128xf32, #tpu.memory_space<vmem>>, vector<1x16xf32>,
      %swap3A_505 = vector.shape_cast %swap3A_504 : vector<1x16xf32> to vector<16xf32>
      %swap3A_506 = vector.shape_cast %broadcast_in_dim3A_0 : vector<16xf32> to vector<1x16xf32>
      tpu.vector_store %arg21[%swap3A_502, %swap3A_503], %swap3A_506 {strides = array<i32>} : memref<16x128xf32, #tpu.memory_space<vmem>>, vector<1x16xf32>,
      %swap3A_507 = arith.index_cast %scan3A_476 : i32 to index
      %swap3A_508 = arith.constant 48 : index
      %swap3A_509 = tpu.vector_load %arg20[%swap3A_507, %swap3A_508] {strides = array<i32>} : memref<16x128xf32, #tpu.memory_space<vmem>>, vector<1x16xf32>,
      %swap3A_510 = vector.shape_cast %swap3A_509 : vector<1x16xf32> to vector<16xf32>
      %swap3A_511 = vector.shape_cast %broadcast_in_dim3A_0 : vector<16xf32> to vector<1x16xf32>
      tpu.vector_store %arg20[%swap3A_507, %swap3A_508], %swap3A_511 {strides = array<i32>} : memref<16x128xf32, #tpu.memory_space<vmem>>, vector<1x16xf32>,
      %swap3A_512 = arith.index_cast %scan3A_476 : i32 to index
      %swap3A_513 = arith.constant 48 : index
      %swap3A_514 = tpu.vector_load %arg21[%swap3A_512, %swap3A_513] {strides = array<i32>} : memref<16x128xf32, #tpu.memory_space<vmem>>, vector<1x16xf32>,
      %swap3A_515 = vector.shape_cast %swap3A_514 : vector<1x16xf32> to vector<16xf32>
      %swap3A_516 = vector.shape_cast %broadcast_in_dim3A_0 : vector<16xf32> to vector<1x16xf32>
      tpu.vector_store %arg21[%swap3A_512, %swap3A_513], %swap3A_516 {strides = array<i32>} : memref<16x128xf32, #tpu.memory_space<vmem>>, vector<1x16xf32>,
      %swap3A_517 = arith.index_cast %scan3A_476 : i32 to index
      %swap3A_518 = arith.constant 64 : index
      %swap3A_519 = tpu.vector_load %arg20[%swap3A_517, %swap3A_518] {strides = array<i32>} : memref<16x128xf32, #tpu.memory_space<vmem>>, vector<1x16xf32>,
      %swap3A_520 = vector.shape_cast %swap3A_519 : vector<1x16xf32> to vector<16xf32>
      %swap3A_521 = vector.shape_cast %broadcast_in_dim3A_0 : vector<16xf32> to vector<1x16xf32>
      tpu.vector_store %arg20[%swap3A_517, %swap3A_518], %swap3A_521 {strides = array<i32>} : memref<16x128xf32, #tpu.memory_space<vmem>>, vector<1x16xf32>,
      %swap3A_522 = arith.index_cast %scan3A_476 : i32 to index
      %swap3A_523 = arith.constant 64 : index
      %swap3A_524 = tpu.vector_load %arg21[%swap3A_522, %swap3A_523] {strides = array<i32>} : memref<16x128xf32, #tpu.memory_space<vmem>>, vector<1x16xf32>,
      %swap3A_525 = vector.shape_cast %swap3A_524 : vector<1x16xf32> to vector<16xf32>
      %swap3A_526 = vector.shape_cast %broadcast_in_dim3A_0 : vector<16xf32> to vector<1x16xf32>
      tpu.vector_store %arg21[%swap3A_522, %swap3A_523], %swap3A_526 {strides = array<i32>} : memref<16x128xf32, #tpu.memory_space<vmem>>, vector<1x16xf32>,
      %swap3A_527 = arith.index_cast %scan3A_476 : i32 to index
      %swap3A_528 = arith.constant 80 : index
      %swap3A_529 = tpu.vector_load %arg20[%swap3A_527, %swap3A_528] {strides = array<i32>} : memref<16x128xf32, #tpu.memory_space<vmem>>, vector<1x16xf32>,
      %swap3A_530 = vector.shape_cast %swap3A_529 : vector<1x16xf32> to vector<16xf32>
      %swap3A_531 = vector.shape_cast %broadcast_in_dim3A_0 : vector<16xf32> to vector<1x16xf32>
      tpu.vector_store %arg20[%swap3A_527, %swap3A_528], %swap3A_531 {strides = array<i32>} : memref<16x128xf32, #tpu.memory_space<vmem>>, vector<1x16xf32>,
      %swap3A_532 = arith.index_cast %scan3A_476 : i32 to index
      %swap3A_533 = arith.constant 80 : index
      %swap3A_534 = tpu.vector_load %arg21[%swap3A_532, %swap3A_533] {strides = array<i32>} : memref<16x128xf32, #tpu.memory_space<vmem>>, vector<1x16xf32>,
      %swap3A_535 = vector.shape_cast %swap3A_534 : vector<1x16xf32> to vector<16xf32>
      %swap3A_536 = vector.shape_cast %broadcast_in_dim3A_0 : vector<16xf32> to vector<1x16xf32>
      tpu.vector_store %arg21[%swap3A_532, %swap3A_533], %swap3A_536 {strides = array<i32>} : memref<16x128xf32, #tpu.memory_space<vmem>>, vector<1x16xf32>,
      %swap3A_537 = arith.index_cast %scan3A_476 : i32 to index
      %swap3A_538 = arith.constant 96 : index
      %swap3A_539 = tpu.vector_load %arg20[%swap3A_537, %swap3A_538] {strides = array<i32>} : memref<16x128xf32, #tpu.memory_space<vmem>>, vector<1x16xf32>,
      %swap3A_540 = vector.shape_cast %swap3A_539 : vector<1x16xf32> to vector<16xf32>
      %swap3A_541 = vector.shape_cast %broadcast_in_dim3A_0 : vector<16xf32> to vector<1x16xf32>
      tpu.vector_store %arg20[%swap3A_537, %swap3A_538], %swap3A_541 {strides = array<i32>} : memref<16x128xf32, #tpu.memory_space<vmem>>, vector<1x16xf32>,
      %swap3A_542 = arith.index_cast %scan3A_476 : i32 to index
      %swap3A_543 = arith.constant 96 : index
      %swap3A_544 = tpu.vector_load %arg21[%swap3A_542, %swap3A_543] {strides = array<i32>} : memref<16x128xf32, #tpu.memory_space<vmem>>, vector<1x16xf32>,
      %swap3A_545 = vector.shape_cast %swap3A_544 : vector<1x16xf32> to vector<16xf32>
      %swap3A_546 = vector.shape_cast %broadcast_in_dim3A_0 : vector<16xf32> to vector<1x16xf32>
      tpu.vector_store %arg21[%swap3A_542, %swap3A_543], %swap3A_546 {strides = array<i32>} : memref<16x128xf32, #tpu.memory_space<vmem>>, vector<1x16xf32>,
      %swap3A_547 = arith.index_cast %scan3A_476 : i32 to index
      %swap3A_548 = arith.constant 112 : index
      %swap3A_549 = tpu.vector_load %arg20[%swap3A_547, %swap3A_548] {strides = array<i32>} : memref<16x128xf32, #tpu.memory_space<vmem>>, vector<1x16xf32>,
      %swap3A_550 = vector.shape_cast %swap3A_549 : vector<1x16xf32> to vector<16xf32>
      %swap3A_551 = vector.shape_cast %broadcast_in_dim3A_0 : vector<16xf32> to vector<1x16xf32>
      tpu.vector_store %arg20[%swap3A_547, %swap3A_548], %swap3A_551 {strides = array<i32>} : memref<16x128xf32, #tpu.memory_space<vmem>>, vector<1x16xf32>,
      %swap3A_552 = arith.index_cast %scan3A_476 : i32 to index
      %swap3A_553 = arith.constant 112 : index
      %swap3A_554 = tpu.vector_load %arg21[%swap3A_552, %swap3A_553] {strides = array<i32>} : memref<16x128xf32, #tpu.memory_space<vmem>>, vector<1x16xf32>,
      %swap3A_555 = vector.shape_cast %swap3A_554 : vector<1x16xf32> to vector<16xf32>
      %swap3A_556 = vector.shape_cast %broadcast_in_dim3A_0 : vector<16xf32> to vector<1x16xf32>
      tpu.vector_store %arg21[%swap3A_552, %swap3A_553], %swap3A_556 {strides = array<i32>} : memref<16x128xf32, #tpu.memory_space<vmem>>, vector<1x16xf32>,
    }
    %scan3A_16 = arith.constant 16 : i32
    %mul3A = arith.constant 640 : i32
    %mul3A_17 = arith.muli %arg1, %mul3A : i32
    %add3A = arith.constant 0 : i32
    %add3A_18 = arith.addi %mul3A_17, %add3A : i32
    "tpu.region"() ({
      %run_scoped3A = tpu.sem_alloc : memref<!tpu.dma_semaphore, #tpu.memory_space<semaphore_mem>>
      %dma_start3A_476 = arith.constant 0 : i32
      %dma_start3A_477 = tpu.memref_slice %arg24[%add3A_18, %dma_start3A_476] : memref<10240x128xf32, #tpu.memory_space<vmem_shared>> -> memref<16x128xf32, #tpu.memory_space<vmem_shared>>
      %dma_start3A_478 = arith.constant 0 : i32
      %dma_start3A_479 = tpu.memref_slice %arg24[%add3A_18, %dma_start3A_478] : memref<10240x128xf32, #tpu.memory_space<vmem_shared>> -> memref<16x128xf32, #tpu.memory_space<vmem_shared>>
      tpu.enqueue_dma source(%arg20 : memref<16x128xf32, #tpu.memory_space<vmem>>) target(%dma_start3A_479 : memref<16x128xf32, #tpu.memory_space<vmem_shared>>) target_semaphore(%run_scoped3A : memref<!tpu.dma_semaphore, #tpu.memory_space<semaphore_mem>>)
      %dma_wait3A_480 = arith.constant 0 : i32
      %dma_wait3A_481 = tpu.memref_slice %arg24[%add3A_18, %dma_wait3A_480] : memref<10240x128xf32, #tpu.memory_space<vmem_shared>> -> memref<16x128xf32, #tpu.memory_space<vmem_shared>>
      %dma_wait3A_482 = arith.constant 0 : i32
      %dma_wait3A_483 = tpu.memref_slice %arg24[%add3A_18, %dma_wait3A_482] : memref<10240x128xf32, #tpu.memory_space<vmem_shared>> -> memref<16x128xf32, #tpu.memory_space<vmem_shared>>
      tpu.wait_dma2 semaphore(%run_scoped3A : memref<!tpu.dma_semaphore, #tpu.memory_space<semaphore_mem>>) src(%arg20 : memref<16x128xf32, #tpu.memory_space<vmem>>) dst(%dma_wait3A_483 : memref<16x128xf32, #tpu.memory_space<vmem_shared>>)
      tpu.yield
    }) : () -> ()
    %mul3A_19 = arith.constant 640 : i32
    %mul3A_20 = arith.muli %arg1, %mul3A_19 : i32
    %add3A_21 = arith.constant 16 : i32
    %add3A_22 = arith.addi %mul3A_20, %add3A_21 : i32
    "tpu.region"() ({
      %run_scoped3A = tpu.sem_alloc : memref<!tpu.dma_semaphore, #tpu.memory_space<semaphore_mem>>
      %dma_start3A_476 = arith.constant 0 : i32
      %dma_start3A_477 = tpu.memref_slice %arg24[%add3A_22, %dma_start3A_476] : memref<10240x128xf32, #tpu.memory_space<vmem_shared>> -> memref<16x128xf32, #tpu.memory_space<vmem_shared>>
      %dma_start3A_478 = arith.constant 0 : i32
      %dma_start3A_479 = tpu.memref_slice %arg24[%add3A_22, %dma_start3A_478] : memref<10240x128xf32, #tpu.memory_space<vmem_shared>> -> memref<16x128xf32, #tpu.memory_space<vmem_shared>>
      tpu.enqueue_dma source(%arg20 : memref<16x128xf32, #tpu.memory_space<vmem>>) target(%dma_start3A_479 : memref<16x128xf32, #tpu.memory_space<vmem_shared>>) target_semaphore(%run_scoped3A : memref<!tpu.dma_semaphore, #tpu.memory_space<semaphore_mem>>)
      %dma_wait3A_480 = arith.constant 0 : i32
      %dma_wait3A_481 = tpu.memref_slice %arg24[%add3A_22, %dma_wait3A_480] : memref<10240x128xf32, #tpu.memory_space<vmem_shared>> -> memref<16x128xf32, #tpu.memory_space<vmem_shared>>
      %dma_wait3A_482 = arith.constant 0 : i32
      %dma_wait3A_483 = tpu.memref_slice %arg24[%add3A_22, %dma_wait3A_482] : memref<10240x128xf32, #tpu.memory_space<vmem_shared>> -> memref<16x128xf32, #tpu.memory_space<vmem_shared>>
      tpu.wait_dma2 semaphore(%run_scoped3A : memref<!tpu.dma_semaphore, #tpu.memory_space<semaphore_mem>>) src(%arg20 : memref<16x128xf32, #tpu.memory_space<vmem>>) dst(%dma_wait3A_483 : memref<16x128xf32, #tpu.memory_space<vmem_shared>>)
      tpu.yield
    }) : () -> ()
    %mul3A_23 = arith.constant 640 : i32
    %mul3A_24 = arith.muli %arg1, %mul3A_23 : i32
    %add3A_25 = arith.constant 32 : i32
    %add3A_26 = arith.addi %mul3A_24, %add3A_25 : i32
    "tpu.region"() ({
      %run_scoped3A = tpu.sem_alloc : memref<!tpu.dma_semaphore, #tpu.memory_space<semaphore_mem>>
      %dma_start3A_476 = arith.constant 0 : i32
      %dma_start3A_477 = tpu.memref_slice %arg24[%add3A_26, %dma_start3A_476] : memref<10240x128xf32, #tpu.memory_space<vmem_shared>> -> memref<16x128xf32, #tpu.memory_space<vmem_shared>>
      %dma_start3A_478 = arith.constant 0 : i32
      %dma_start3A_479 = tpu.memref_slice %arg24[%add3A_26, %dma_start3A_478] : memref<10240x128xf32, #tpu.memory_space<vmem_shared>> -> memref<16x128xf32, #tpu.memory_space<vmem_shared>>
      tpu.enqueue_dma source(%arg20 : memref<16x128xf32, #tpu.memory_space<vmem>>) target(%dma_start3A_479 : memref<16x128xf32, #tpu.memory_space<vmem_shared>>) target_semaphore(%run_scoped3A : memref<!tpu.dma_semaphore, #tpu.memory_space<semaphore_mem>>)
      %dma_wait3A_480 = arith.constant 0 : i32
      %dma_wait3A_481 = tpu.memref_slice %arg24[%add3A_26, %dma_wait3A_480] : memref<10240x128xf32, #tpu.memory_space<vmem_shared>> -> memref<16x128xf32, #tpu.memory_space<vmem_shared>>
      %dma_wait3A_482 = arith.constant 0 : i32
      %dma_wait3A_483 = tpu.memref_slice %arg24[%add3A_26, %dma_wait3A_482] : memref<10240x128xf32, #tpu.memory_space<vmem_shared>> -> memref<16x128xf32, #tpu.memory_space<vmem_shared>>
      tpu.wait_dma2 semaphore(%run_scoped3A : memref<!tpu.dma_semaphore, #tpu.memory_space<semaphore_mem>>) src(%arg20 : memref<16x128xf32, #tpu.memory_space<vmem>>) dst(%dma_wait3A_483 : memref<16x128xf32, #tpu.memory_space<vmem_shared>>)
      tpu.yield
    }) : () -> ()
    %mul3A_27 = arith.constant 640 : i32
    %mul3A_28 = arith.muli %arg1, %mul3A_27 : i32
    %add3A_29 = arith.constant 48 : i32
    %add3A_30 = arith.addi %mul3A_28, %add3A_29 : i32
    "tpu.region"() ({
      %run_scoped3A = tpu.sem_alloc : memref<!tpu.dma_semaphore, #tpu.memory_space<semaphore_mem>>
      %dma_start3A_476 = arith.constant 0 : i32
      %dma_start3A_477 = tpu.memref_slice %arg24[%add3A_30, %dma_start3A_476] : memref<10240x128xf32, #tpu.memory_space<vmem_shared>> -> memref<16x128xf32, #tpu.memory_space<vmem_shared>>
      %dma_start3A_478 = arith.constant 0 : i32
      %dma_start3A_479 = tpu.memref_slice %arg24[%add3A_30, %dma_start3A_478] : memref<10240x128xf32, #tpu.memory_space<vmem_shared>> -> memref<16x128xf32, #tpu.memory_space<vmem_shared>>
      tpu.enqueue_dma source(%arg20 : memref<16x128xf32, #tpu.memory_space<vmem>>) target(%dma_start3A_479 : memref<16x128xf32, #tpu.memory_space<vmem_shared>>) target_semaphore(%run_scoped3A : memref<!tpu.dma_semaphore, #tpu.memory_space<semaphore_mem>>)
      %dma_wait3A_480 = arith.constant 0 : i32
      %dma_wait3A_481 = tpu.memref_slice %arg24[%add3A_30, %dma_wait3A_480] : memref<10240x128xf32, #tpu.memory_space<vmem_shared>> -> memref<16x128xf32, #tpu.memory_space<vmem_shared>>
      %dma_wait3A_482 = arith.constant 0 : i32
      %dma_wait3A_483 = tpu.memref_slice %arg24[%add3A_30, %dma_wait3A_482] : memref<10240x128xf32, #tpu.memory_space<vmem_shared>> -> memref<16x128xf32, #tpu.memory_space<vmem_shared>>
      tpu.wait_dma2 semaphore(%run_scoped3A : memref<!tpu.dma_semaphore, #tpu.memory_space<semaphore_mem>>) src(%arg20 : memref<16x128xf32, #tpu.memory_space<vmem>>) dst(%dma_wait3A_483 : memref<16x128xf32, #tpu.memory_space<vmem_shared>>)
      tpu.yield
    }) : () -> ()
    %mul3A_31 = arith.constant 640 : i32
    %mul3A_32 = arith.muli %arg1, %mul3A_31 : i32
    %add3A_33 = arith.constant 64 : i32
    %add3A_34 = arith.addi %mul3A_32, %add3A_33 : i32
    "tpu.region"() ({
      %run_scoped3A = tpu.sem_alloc : memref<!tpu.dma_semaphore, #tpu.memory_space<semaphore_mem>>
      %dma_start3A_476 = arith.constant 0 : i32
      %dma_start3A_477 = tpu.memref_slice %arg24[%add3A_34, %dma_start3A_476] : memref<10240x128xf32, #tpu.memory_space<vmem_shared>> -> memref<16x128xf32, #tpu.memory_space<vmem_shared>>
      %dma_start3A_478 = arith.constant 0 : i32
      %dma_start3A_479 = tpu.memref_slice %arg24[%add3A_34, %dma_start3A_478] : memref<10240x128xf32, #tpu.memory_space<vmem_shared>> -> memref<16x128xf32, #tpu.memory_space<vmem_shared>>
      tpu.enqueue_dma source(%arg20 : memref<16x128xf32, #tpu.memory_space<vmem>>) target(%dma_start3A_479 : memref<16x128xf32, #tpu.memory_space<vmem_shared>>) target_semaphore(%run_scoped3A : memref<!tpu.dma_semaphore, #tpu.memory_space<semaphore_mem>>)
      %dma_wait3A_480 = arith.constant 0 : i32
      %dma_wait3A_481 = tpu.memref_slice %arg24[%add3A_34, %dma_wait3A_480] : memref<10240x128xf32, #tpu.memory_space<vmem_shared>> -> memref<16x128xf32, #tpu.memory_space<vmem_shared>>
      %dma_wait3A_482 = arith.constant 0 : i32
      %dma_wait3A_483 = tpu.memref_slice %arg24[%add3A_34, %dma_wait3A_482] : memref<10240x128xf32, #tpu.memory_space<vmem_shared>> -> memref<16x128xf32, #tpu.memory_space<vmem_shared>>
      tpu.wait_dma2 semaphore(%run_scoped3A : memref<!tpu.dma_semaphore, #tpu.memory_space<semaphore_mem>>) src(%arg20 : memref<16x128xf32, #tpu.memory_space<vmem>>) dst(%dma_wait3A_483 : memref<16x128xf32, #tpu.memory_space<vmem_shared>>)
      tpu.yield
    }) : () -> ()
    %mul3A_35 = arith.constant 640 : i32
    %mul3A_36 = arith.muli %arg1, %mul3A_35 : i32
    %add3A_37 = arith.constant 80 : i32
    %add3A_38 = arith.addi %mul3A_36, %add3A_37 : i32
    "tpu.region"() ({
      %run_scoped3A = tpu.sem_alloc : memref<!tpu.dma_semaphore, #tpu.memory_space<semaphore_mem>>
      %dma_start3A_476 = arith.constant 0 : i32
      %dma_start3A_477 = tpu.memref_slice %arg24[%add3A_38, %dma_start3A_476] : memref<10240x128xf32, #tpu.memory_space<vmem_shared>> -> memref<16x128xf32, #tpu.memory_space<vmem_shared>>
      %dma_start3A_478 = arith.constant 0 : i32
      %dma_start3A_479 = tpu.memref_slice %arg24[%add3A_38, %dma_start3A_478] : memref<10240x128xf32, #tpu.memory_space<vmem_shared>> -> memref<16x128xf32, #tpu.memory_space<vmem_shared>>
      tpu.enqueue_dma source(%arg20 : memref<16x128xf32, #tpu.memory_space<vmem>>) target(%dma_start3A_479 : memref<16x128xf32, #tpu.memory_space<vmem_shared>>) target_semaphore(%run_scoped3A : memref<!tpu.dma_semaphore, #tpu.memory_space<semaphore_mem>>)
      %dma_wait3A_480 = arith.constant 0 : i32
      %dma_wait3A_481 = tpu.memref_slice %arg24[%add3A_38, %dma_wait3A_480] : memref<10240x128xf32, #tpu.memory_space<vmem_shared>> -> memref<16x128xf32, #tpu.memory_space<vmem_shared>>
      %dma_wait3A_482 = arith.constant 0 : i32
      %dma_wait3A_483 = tpu.memref_slice %arg24[%add3A_38, %dma_wait3A_482] : memref<10240x128xf32, #tpu.memory_space<vmem_shared>> -> memref<16x128xf32, #tpu.memory_space<vmem_shared>>
      tpu.wait_dma2 semaphore(%run_scoped3A : memref<!tpu.dma_semaphore, #tpu.memory_space<semaphore_mem>>) src(%arg20 : memref<16x128xf32, #tpu.memory_space<vmem>>) dst(%dma_wait3A_483 : memref<16x128xf32, #tpu.memory_space<vmem_shared>>)
      tpu.yield
    }) : () -> ()
    %mul3A_39 = arith.constant 640 : i32
    %mul3A_40 = arith.muli %arg1, %mul3A_39 : i32
    %add3A_41 = arith.constant 96 : i32
    %add3A_42 = arith.addi %mul3A_40, %add3A_41 : i32
    "tpu.region"() ({
      %run_scoped3A = tpu.sem_alloc : memref<!tpu.dma_semaphore, #tpu.memory_space<semaphore_mem>>
      %dma_start3A_476 = arith.constant 0 : i32
      %dma_start3A_477 = tpu.memref_slice %arg24[%add3A_42, %dma_start3A_476] : memref<10240x128xf32, #tpu.memory_space<vmem_shared>> -> memref<16x128xf32, #tpu.memory_space<vmem_shared>>
      %dma_start3A_478 = arith.constant 0 : i32
      %dma_start3A_479 = tpu.memref_slice %arg24[%add3A_42, %dma_start3A_478] : memref<10240x128xf32, #tpu.memory_space<vmem_shared>> -> memref<16x128xf32, #tpu.memory_space<vmem_shared>>
      tpu.enqueue_dma source(%arg20 : memref<16x128xf32, #tpu.memory_space<vmem>>) target(%dma_start3A_479 : memref<16x128xf32, #tpu.memory_space<vmem_shared>>) target_semaphore(%run_scoped3A : memref<!tpu.dma_semaphore, #tpu.memory_space<semaphore_mem>>)
      %dma_wait3A_480 = arith.constant 0 : i32
      %dma_wait3A_481 = tpu.memref_slice %arg24[%add3A_42, %dma_wait3A_480] : memref<10240x128xf32, #tpu.memory_space<vmem_shared>> -> memref<16x128xf32, #tpu.memory_space<vmem_shared>>
      %dma_wait3A_482 = arith.constant 0 : i32
      %dma_wait3A_483 = tpu.memref_slice %arg24[%add3A_42, %dma_wait3A_482] : memref<10240x128xf32, #tpu.memory_space<vmem_shared>> -> memref<16x128xf32, #tpu.memory_space<vmem_shared>>
      tpu.wait_dma2 semaphore(%run_scoped3A : memref<!tpu.dma_semaphore, #tpu.memory_space<semaphore_mem>>) src(%arg20 : memref<16x128xf32, #tpu.memory_space<vmem>>) dst(%dma_wait3A_483 : memref<16x128xf32, #tpu.memory_space<vmem_shared>>)
      tpu.yield
    }) : () -> ()
    %mul3A_43 = arith.constant 640 : i32
    %mul3A_44 = arith.muli %arg1, %mul3A_43 : i32
    %add3A_45 = arith.constant 112 : i32
    %add3A_46 = arith.addi %mul3A_44, %add3A_45 : i32
    "tpu.region"() ({
      %run_scoped3A = tpu.sem_alloc : memref<!tpu.dma_semaphore, #tpu.memory_space<semaphore_mem>>
      %dma_start3A_476 = arith.constant 0 : i32
      %dma_start3A_477 = tpu.memref_slice %arg24[%add3A_46, %dma_start3A_476] : memref<10240x128xf32, #tpu.memory_space<vmem_shared>> -> memref<16x128xf32, #tpu.memory_space<vmem_shared>>
      %dma_start3A_478 = arith.constant 0 : i32
      %dma_start3A_479 = tpu.memref_slice %arg24[%add3A_46, %dma_start3A_478] : memref<10240x128xf32, #tpu.memory_space<vmem_shared>> -> memref<16x128xf32, #tpu.memory_space<vmem_shared>>
      tpu.enqueue_dma source(%arg20 : memref<16x128xf32, #tpu.memory_space<vmem>>) target(%dma_start3A_479 : memref<16x128xf32, #tpu.memory_space<vmem_shared>>) target_semaphore(%run_scoped3A : memref<!tpu.dma_semaphore, #tpu.memory_space<semaphore_mem>>)
      %dma_wait3A_480 = arith.constant 0 : i32
      %dma_wait3A_481 = tpu.memref_slice %arg24[%add3A_46, %dma_wait3A_480] : memref<10240x128xf32, #tpu.memory_space<vmem_shared>> -> memref<16x128xf32, #tpu.memory_space<vmem_shared>>
      %dma_wait3A_482 = arith.constant 0 : i32
      %dma_wait3A_483 = tpu.memref_slice %arg24[%add3A_46, %dma_wait3A_482] : memref<10240x128xf32, #tpu.memory_space<vmem_shared>> -> memref<16x128xf32, #tpu.memory_space<vmem_shared>>
      tpu.wait_dma2 semaphore(%run_scoped3A : memref<!tpu.dma_semaphore, #tpu.memory_space<semaphore_mem>>) src(%arg20 : memref<16x128xf32, #tpu.memory_space<vmem>>) dst(%dma_wait3A_483 : memref<16x128xf32, #tpu.memory_space<vmem_shared>>)
      tpu.yield
    }) : () -> ()
    %mul3A_47 = arith.constant 640 : i32
    %mul3A_48 = arith.muli %arg1, %mul3A_47 : i32
    %add3A_49 = arith.constant 128 : i32
    %add3A_50 = arith.addi %mul3A_48, %add3A_49 : i32
    "tpu.region"() ({
      %run_scoped3A = tpu.sem_alloc : memref<!tpu.dma_semaphore, #tpu.memory_space<semaphore_mem>>
      %dma_start3A_476 = arith.constant 0 : i32
      %dma_start3A_477 = tpu.memref_slice %arg24[%add3A_50, %dma_start3A_476] : memref<10240x128xf32, #tpu.memory_space<vmem_shared>> -> memref<16x128xf32, #tpu.memory_space<vmem_shared>>
      %dma_start3A_478 = arith.constant 0 : i32
      %dma_start3A_479 = tpu.memref_slice %arg24[%add3A_50, %dma_start3A_478] : memref<10240x128xf32, #tpu.memory_space<vmem_shared>> -> memref<16x128xf32, #tpu.memory_space<vmem_shared>>
      tpu.enqueue_dma source(%arg20 : memref<16x128xf32, #tpu.memory_space<vmem>>) target(%dma_start3A_479 : memref<16x128xf32, #tpu.memory_space<vmem_shared>>) target_semaphore(%run_scoped3A : memref<!tpu.dma_semaphore, #tpu.memory_space<semaphore_mem>>)
      %dma_wait3A_480 = arith.constant 0 : i32
      %dma_wait3A_481 = tpu.memref_slice %arg24[%add3A_50, %dma_wait3A_480] : memref<10240x128xf32, #tpu.memory_space<vmem_shared>> -> memref<16x128xf32, #tpu.memory_space<vmem_shared>>
      %dma_wait3A_482 = arith.constant 0 : i32
      %dma_wait3A_483 = tpu.memref_slice %arg24[%add3A_50, %dma_wait3A_482] : memref<10240x128xf32, #tpu.memory_space<vmem_shared>> -> memref<16x128xf32, #tpu.memory_space<vmem_shared>>
      tpu.wait_dma2 semaphore(%run_scoped3A : memref<!tpu.dma_semaphore, #tpu.memory_space<semaphore_mem>>) src(%arg20 : memref<16x128xf32, #tpu.memory_space<vmem>>) dst(%dma_wait3A_483 : memref<16x128xf32, #tpu.memory_space<vmem_shared>>)
      tpu.yield
    }) : () -> ()
    %mul3A_51 = arith.constant 640 : i32
    %mul3A_52 = arith.muli %arg1, %mul3A_51 : i32
    %add3A_53 = arith.constant 144 : i32
    %add3A_54 = arith.addi %mul3A_52, %add3A_53 : i32
    "tpu.region"() ({
      %run_scoped3A = tpu.sem_alloc : memref<!tpu.dma_semaphore, #tpu.memory_space<semaphore_mem>>
      %dma_start3A_476 = arith.constant 0 : i32
      %dma_start3A_477 = tpu.memref_slice %arg24[%add3A_54, %dma_start3A_476] : memref<10240x128xf32, #tpu.memory_space<vmem_shared>> -> memref<16x128xf32, #tpu.memory_space<vmem_shared>>
      %dma_start3A_478 = arith.constant 0 : i32
      %dma_start3A_479 = tpu.memref_slice %arg24[%add3A_54, %dma_start3A_478] : memref<10240x128xf32, #tpu.memory_space<vmem_shared>> -> memref<16x128xf32, #tpu.memory_space<vmem_shared>>
      tpu.enqueue_dma source(%arg20 : memref<16x128xf32, #tpu.memory_space<vmem>>) target(%dma_start3A_479 : memref<16x128xf32, #tpu.memory_space<vmem_shared>>) target_semaphore(%run_scoped3A : memref<!tpu.dma_semaphore, #tpu.memory_space<semaphore_mem>>)
      %dma_wait3A_480 = arith.constant 0 : i32
      %dma_wait3A_481 = tpu.memref_slice %arg24[%add3A_54, %dma_wait3A_480] : memref<10240x128xf32, #tpu.memory_space<vmem_shared>> -> memref<16x128xf32, #tpu.memory_space<vmem_shared>>
      %dma_wait3A_482 = arith.constant 0 : i32
      %dma_wait3A_483 = tpu.memref_slice %arg24[%add3A_54, %dma_wait3A_482] : memref<10240x128xf32, #tpu.memory_space<vmem_shared>> -> memref<16x128xf32, #tpu.memory_space<vmem_shared>>
      tpu.wait_dma2 semaphore(%run_scoped3A : memref<!tpu.dma_semaphore, #tpu.memory_space<semaphore_mem>>) src(%arg20 : memref<16x128xf32, #tpu.memory_space<vmem>>) dst(%dma_wait3A_483 : memref<16x128xf32, #tpu.memory_space<vmem_shared>>)
      tpu.yield
    }) : () -> ()
    %mul3A_55 = arith.constant 640 : i32
    %mul3A_56 = arith.muli %arg1, %mul3A_55 : i32
    %add3A_57 = arith.constant 160 : i32
    %add3A_58 = arith.addi %mul3A_56, %add3A_57 : i32
    "tpu.region"() ({
      %run_scoped3A = tpu.sem_alloc : memref<!tpu.dma_semaphore, #tpu.memory_space<semaphore_mem>>
      %dma_start3A_476 = arith.constant 0 : i32
      %dma_start3A_477 = tpu.memref_slice %arg24[%add3A_58, %dma_start3A_476] : memref<10240x128xf32, #tpu.memory_space<vmem_shared>> -> memref<16x128xf32, #tpu.memory_space<vmem_shared>>
      %dma_start3A_478 = arith.constant 0 : i32
      %dma_start3A_479 = tpu.memref_slice %arg24[%add3A_58, %dma_start3A_478] : memref<10240x128xf32, #tpu.memory_space<vmem_shared>> -> memref<16x128xf32, #tpu.memory_space<vmem_shared>>
      tpu.enqueue_dma source(%arg20 : memref<16x128xf32, #tpu.memory_space<vmem>>) target(%dma_start3A_479 : memref<16x128xf32, #tpu.memory_space<vmem_shared>>) target_semaphore(%run_scoped3A : memref<!tpu.dma_semaphore, #tpu.memory_space<semaphore_mem>>)
      %dma_wait3A_480 = arith.constant 0 : i32
      %dma_wait3A_481 = tpu.memref_slice %arg24[%add3A_58, %dma_wait3A_480] : memref<10240x128xf32, #tpu.memory_space<vmem_shared>> -> memref<16x128xf32, #tpu.memory_space<vmem_shared>>
      %dma_wait3A_482 = arith.constant 0 : i32
      %dma_wait3A_483 = tpu.memref_slice %arg24[%add3A_58, %dma_wait3A_482] : memref<10240x128xf32, #tpu.memory_space<vmem_shared>> -> memref<16x128xf32, #tpu.memory_space<vmem_shared>>
      tpu.wait_dma2 semaphore(%run_scoped3A : memref<!tpu.dma_semaphore, #tpu.memory_space<semaphore_mem>>) src(%arg20 : memref<16x128xf32, #tpu.memory_space<vmem>>) dst(%dma_wait3A_483 : memref<16x128xf32, #tpu.memory_space<vmem_shared>>)
      tpu.yield
    }) : () -> ()
    %mul3A_59 = arith.constant 640 : i32
    %mul3A_60 = arith.muli %arg1, %mul3A_59 : i32
    %add3A_61 = arith.constant 176 : i32
    %add3A_62 = arith.addi %mul3A_60, %add3A_61 : i32
    "tpu.region"() ({
      %run_scoped3A = tpu.sem_alloc : memref<!tpu.dma_semaphore, #tpu.memory_space<semaphore_mem>>
      %dma_start3A_476 = arith.constant 0 : i32
      %dma_start3A_477 = tpu.memref_slice %arg24[%add3A_62, %dma_start3A_476] : memref<10240x128xf32, #tpu.memory_space<vmem_shared>> -> memref<16x128xf32, #tpu.memory_space<vmem_shared>>
      %dma_start3A_478 = arith.constant 0 : i32
      %dma_start3A_479 = tpu.memref_slice %arg24[%add3A_62, %dma_start3A_478] : memref<10240x128xf32, #tpu.memory_space<vmem_shared>> -> memref<16x128xf32, #tpu.memory_space<vmem_shared>>
      tpu.enqueue_dma source(%arg20 : memref<16x128xf32, #tpu.memory_space<vmem>>) target(%dma_start3A_479 : memref<16x128xf32, #tpu.memory_space<vmem_shared>>) target_semaphore(%run_scoped3A : memref<!tpu.dma_semaphore, #tpu.memory_space<semaphore_mem>>)
      %dma_wait3A_480 = arith.constant 0 : i32
      %dma_wait3A_481 = tpu.memref_slice %arg24[%add3A_62, %dma_wait3A_480] : memref<10240x128xf32, #tpu.memory_space<vmem_shared>> -> memref<16x128xf32, #tpu.memory_space<vmem_shared>>
      %dma_wait3A_482 = arith.constant 0 : i32
      %dma_wait3A_483 = tpu.memref_slice %arg24[%add3A_62, %dma_wait3A_482] : memref<10240x128xf32, #tpu.memory_space<vmem_shared>> -> memref<16x128xf32, #tpu.memory_space<vmem_shared>>
      tpu.wait_dma2 semaphore(%run_scoped3A : memref<!tpu.dma_semaphore, #tpu.memory_space<semaphore_mem>>) src(%arg20 : memref<16x128xf32, #tpu.memory_space<vmem>>) dst(%dma_wait3A_483 : memref<16x128xf32, #tpu.memory_space<vmem_shared>>)
      tpu.yield
    }) : () -> ()
    %mul3A_63 = arith.constant 640 : i32
    %mul3A_64 = arith.muli %arg1, %mul3A_63 : i32
    %add3A_65 = arith.constant 192 : i32
    %add3A_66 = arith.addi %mul3A_64, %add3A_65 : i32
    "tpu.region"() ({
      %run_scoped3A = tpu.sem_alloc : memref<!tpu.dma_semaphore, #tpu.memory_space<semaphore_mem>>
      %dma_start3A_476 = arith.constant 0 : i32
      %dma_start3A_477 = tpu.memref_slice %arg24[%add3A_66, %dma_start3A_476] : memref<10240x128xf32, #tpu.memory_space<vmem_shared>> -> memref<16x128xf32, #tpu.memory_space<vmem_shared>>
      %dma_start3A_478 = arith.constant 0 : i32
      %dma_start3A_479 = tpu.memref_slice %arg24[%add3A_66, %dma_start3A_478] : memref<10240x128xf32, #tpu.memory_space<vmem_shared>> -> memref<16x128xf32, #tpu.memory_space<vmem_shared>>
      tpu.enqueue_dma source(%arg20 : memref<16x128xf32, #tpu.memory_space<vmem>>) target(%dma_start3A_479 : memref<16x128xf32, #tpu.memory_space<vmem_shared>>) target_semaphore(%run_scoped3A : memref<!tpu.dma_semaphore, #tpu.memory_space<semaphore_mem>>)
      %dma_wait3A_480 = arith.constant 0 : i32
      %dma_wait3A_481 = tpu.memref_slice %arg24[%add3A_66, %dma_wait3A_480] : memref<10240x128xf32, #tpu.memory_space<vmem_shared>> -> memref<16x128xf32, #tpu.memory_space<vmem_shared>>
      %dma_wait3A_482 = arith.constant 0 : i32
      %dma_wait3A_483 = tpu.memref_slice %arg24[%add3A_66, %dma_wait3A_482] : memref<10240x128xf32, #tpu.memory_space<vmem_shared>> -> memref<16x128xf32, #tpu.memory_space<vmem_shared>>
      tpu.wait_dma2 semaphore(%run_scoped3A : memref<!tpu.dma_semaphore, #tpu.memory_space<semaphore_mem>>) src(%arg20 : memref<16x128xf32, #tpu.memory_space<vmem>>) dst(%dma_wait3A_483 : memref<16x128xf32, #tpu.memory_space<vmem_shared>>)
      tpu.yield
    }) : () -> ()
    %mul3A_67 = arith.constant 640 : i32
    %mul3A_68 = arith.muli %arg1, %mul3A_67 : i32
    %add3A_69 = arith.constant 208 : i32
    %add3A_70 = arith.addi %mul3A_68, %add3A_69 : i32
    "tpu.region"() ({
      %run_scoped3A = tpu.sem_alloc : memref<!tpu.dma_semaphore, #tpu.memory_space<semaphore_mem>>
      %dma_start3A_476 = arith.constant 0 : i32
      %dma_start3A_477 = tpu.memref_slice %arg24[%add3A_70, %dma_start3A_476] : memref<10240x128xf32, #tpu.memory_space<vmem_shared>> -> memref<16x128xf32, #tpu.memory_space<vmem_shared>>
      %dma_start3A_478 = arith.constant 0 : i32
      %dma_start3A_479 = tpu.memref_slice %arg24[%add3A_70, %dma_start3A_478] : memref<10240x128xf32, #tpu.memory_space<vmem_shared>> -> memref<16x128xf32, #tpu.memory_space<vmem_shared>>
      tpu.enqueue_dma source(%arg20 : memref<16x128xf32, #tpu.memory_space<vmem>>) target(%dma_start3A_479 : memref<16x128xf32, #tpu.memory_space<vmem_shared>>) target_semaphore(%run_scoped3A : memref<!tpu.dma_semaphore, #tpu.memory_space<semaphore_mem>>)
      %dma_wait3A_480 = arith.constant 0 : i32
      %dma_wait3A_481 = tpu.memref_slice %arg24[%add3A_70, %dma_wait3A_480] : memref<10240x128xf32, #tpu.memory_space<vmem_shared>> -> memref<16x128xf32, #tpu.memory_space<vmem_shared>>
      %dma_wait3A_482 = arith.constant 0 : i32
      %dma_wait3A_483 = tpu.memref_slice %arg24[%add3A_70, %dma_wait3A_482] : memref<10240x128xf32, #tpu.memory_space<vmem_shared>> -> memref<16x128xf32, #tpu.memory_space<vmem_shared>>
      tpu.wait_dma2 semaphore(%run_scoped3A : memref<!tpu.dma_semaphore, #tpu.memory_space<semaphore_mem>>) src(%arg20 : memref<16x128xf32, #tpu.memory_space<vmem>>) dst(%dma_wait3A_483 : memref<16x128xf32, #tpu.memory_space<vmem_shared>>)
      tpu.yield
    }) : () -> ()
    %mul3A_71 = arith.constant 640 : i32
    %mul3A_72 = arith.muli %arg1, %mul3A_71 : i32
    %add3A_73 = arith.constant 224 : i32
    %add3A_74 = arith.addi %mul3A_72, %add3A_73 : i32
    "tpu.region"() ({
      %run_scoped3A = tpu.sem_alloc : memref<!tpu.dma_semaphore, #tpu.memory_space<semaphore_mem>>
      %dma_start3A_476 = arith.constant 0 : i32
      %dma_start3A_477 = tpu.memref_slice %arg24[%add3A_74, %dma_start3A_476] : memref<10240x128xf32, #tpu.memory_space<vmem_shared>> -> memref<16x128xf32, #tpu.memory_space<vmem_shared>>
      %dma_start3A_478 = arith.constant 0 : i32
      %dma_start3A_479 = tpu.memref_slice %arg24[%add3A_74, %dma_start3A_478] : memref<10240x128xf32, #tpu.memory_space<vmem_shared>> -> memref<16x128xf32, #tpu.memory_space<vmem_shared>>
      tpu.enqueue_dma source(%arg20 : memref<16x128xf32, #tpu.memory_space<vmem>>) target(%dma_start3A_479 : memref<16x128xf32, #tpu.memory_space<vmem_shared>>) target_semaphore(%run_scoped3A : memref<!tpu.dma_semaphore, #tpu.memory_space<semaphore_mem>>)
      %dma_wait3A_480 = arith.constant 0 : i32
      %dma_wait3A_481 = tpu.memref_slice %arg24[%add3A_74, %dma_wait3A_480] : memref<10240x128xf32, #tpu.memory_space<vmem_shared>> -> memref<16x128xf32, #tpu.memory_space<vmem_shared>>
      %dma_wait3A_482 = arith.constant 0 : i32
      %dma_wait3A_483 = tpu.memref_slice %arg24[%add3A_74, %dma_wait3A_482] : memref<10240x128xf32, #tpu.memory_space<vmem_shared>> -> memref<16x128xf32, #tpu.memory_space<vmem_shared>>
      tpu.wait_dma2 semaphore(%run_scoped3A : memref<!tpu.dma_semaphore, #tpu.memory_space<semaphore_mem>>) src(%arg20 : memref<16x128xf32, #tpu.memory_space<vmem>>) dst(%dma_wait3A_483 : memref<16x128xf32, #tpu.memory_space<vmem_shared>>)
      tpu.yield
    }) : () -> ()
    %mul3A_75 = arith.constant 640 : i32
    %mul3A_76 = arith.muli %arg1, %mul3A_75 : i32
    %add3A_77 = arith.constant 240 : i32
    %add3A_78 = arith.addi %mul3A_76, %add3A_77 : i32
    "tpu.region"() ({
      %run_scoped3A = tpu.sem_alloc : memref<!tpu.dma_semaphore, #tpu.memory_space<semaphore_mem>>
      %dma_start3A_476 = arith.constant 0 : i32
      %dma_start3A_477 = tpu.memref_slice %arg24[%add3A_78, %dma_start3A_476] : memref<10240x128xf32, #tpu.memory_space<vmem_shared>> -> memref<16x128xf32, #tpu.memory_space<vmem_shared>>
      %dma_start3A_478 = arith.constant 0 : i32
      %dma_start3A_479 = tpu.memref_slice %arg24[%add3A_78, %dma_start3A_478] : memref<10240x128xf32, #tpu.memory_space<vmem_shared>> -> memref<16x128xf32, #tpu.memory_space<vmem_shared>>
      tpu.enqueue_dma source(%arg20 : memref<16x128xf32, #tpu.memory_space<vmem>>) target(%dma_start3A_479 : memref<16x128xf32, #tpu.memory_space<vmem_shared>>) target_semaphore(%run_scoped3A : memref<!tpu.dma_semaphore, #tpu.memory_space<semaphore_mem>>)
      %dma_wait3A_480 = arith.constant 0 : i32
      %dma_wait3A_481 = tpu.memref_slice %arg24[%add3A_78, %dma_wait3A_480] : memref<10240x128xf32, #tpu.memory_space<vmem_shared>> -> memref<16x128xf32, #tpu.memory_space<vmem_shared>>
      %dma_wait3A_482 = arith.constant 0 : i32
      %dma_wait3A_483 = tpu.memref_slice %arg24[%add3A_78, %dma_wait3A_482] : memref<10240x128xf32, #tpu.memory_space<vmem_shared>> -> memref<16x128xf32, #tpu.memory_space<vmem_shared>>
      tpu.wait_dma2 semaphore(%run_scoped3A : memref<!tpu.dma_semaphore, #tpu.memory_space<semaphore_mem>>) src(%arg20 : memref<16x128xf32, #tpu.memory_space<vmem>>) dst(%dma_wait3A_483 : memref<16x128xf32, #tpu.memory_space<vmem_shared>>)
      tpu.yield
    }) : () -> ()
    %mul3A_79 = arith.constant 640 : i32
    %mul3A_80 = arith.muli %arg1, %mul3A_79 : i32
    %add3A_81 = arith.constant 256 : i32
    %add3A_82 = arith.addi %mul3A_80, %add3A_81 : i32
    "tpu.region"() ({
      %run_scoped3A = tpu.sem_alloc : memref<!tpu.dma_semaphore, #tpu.memory_space<semaphore_mem>>
      %dma_start3A_476 = arith.constant 0 : i32
      %dma_start3A_477 = tpu.memref_slice %arg24[%add3A_82, %dma_start3A_476] : memref<10240x128xf32, #tpu.memory_space<vmem_shared>> -> memref<16x128xf32, #tpu.memory_space<vmem_shared>>
      %dma_start3A_478 = arith.constant 0 : i32
      %dma_start3A_479 = tpu.memref_slice %arg24[%add3A_82, %dma_start3A_478] : memref<10240x128xf32, #tpu.memory_space<vmem_shared>> -> memref<16x128xf32, #tpu.memory_space<vmem_shared>>
      tpu.enqueue_dma source(%arg20 : memref<16x128xf32, #tpu.memory_space<vmem>>) target(%dma_start3A_479 : memref<16x128xf32, #tpu.memory_space<vmem_shared>>) target_semaphore(%run_scoped3A : memref<!tpu.dma_semaphore, #tpu.memory_space<semaphore_mem>>)
      %dma_wait3A_480 = arith.constant 0 : i32
      %dma_wait3A_481 = tpu.memref_slice %arg24[%add3A_82, %dma_wait3A_480] : memref<10240x128xf32, #tpu.memory_space<vmem_shared>> -> memref<16x128xf32, #tpu.memory_space<vmem_shared>>
      %dma_wait3A_482 = arith.constant 0 : i32
      %dma_wait3A_483 = tpu.memref_slice %arg24[%add3A_82, %dma_wait3A_482] : memref<10240x128xf32, #tpu.memory_space<vmem_shared>> -> memref<16x128xf32, #tpu.memory_space<vmem_shared>>
      tpu.wait_dma2 semaphore(%run_scoped3A : memref<!tpu.dma_semaphore, #tpu.memory_space<semaphore_mem>>) src(%arg20 : memref<16x128xf32, #tpu.memory_space<vmem>>) dst(%dma_wait3A_483 : memref<16x128xf32, #tpu.memory_space<vmem_shared>>)
      tpu.yield
    }) : () -> ()
    %mul3A_83 = arith.constant 640 : i32
    %mul3A_84 = arith.muli %arg1, %mul3A_83 : i32
    %add3A_85 = arith.constant 272 : i32
    %add3A_86 = arith.addi %mul3A_84, %add3A_85 : i32
    "tpu.region"() ({
      %run_scoped3A = tpu.sem_alloc : memref<!tpu.dma_semaphore, #tpu.memory_space<semaphore_mem>>
      %dma_start3A_476 = arith.constant 0 : i32
      %dma_start3A_477 = tpu.memref_slice %arg24[%add3A_86, %dma_start3A_476] : memref<10240x128xf32, #tpu.memory_space<vmem_shared>> -> memref<16x128xf32, #tpu.memory_space<vmem_shared>>
      %dma_start3A_478 = arith.constant 0 : i32
      %dma_start3A_479 = tpu.memref_slice %arg24[%add3A_86, %dma_start3A_478] : memref<10240x128xf32, #tpu.memory_space<vmem_shared>> -> memref<16x128xf32, #tpu.memory_space<vmem_shared>>
      tpu.enqueue_dma source(%arg20 : memref<16x128xf32, #tpu.memory_space<vmem>>) target(%dma_start3A_479 : memref<16x128xf32, #tpu.memory_space<vmem_shared>>) target_semaphore(%run_scoped3A : memref<!tpu.dma_semaphore, #tpu.memory_space<semaphore_mem>>)
      %dma_wait3A_480 = arith.constant 0 : i32
      %dma_wait3A_481 = tpu.memref_slice %arg24[%add3A_86, %dma_wait3A_480] : memref<10240x128xf32, #tpu.memory_space<vmem_shared>> -> memref<16x128xf32, #tpu.memory_space<vmem_shared>>
      %dma_wait3A_482 = arith.constant 0 : i32
      %dma_wait3A_483 = tpu.memref_slice %arg24[%add3A_86, %dma_wait3A_482] : memref<10240x128xf32, #tpu.memory_space<vmem_shared>> -> memref<16x128xf32, #tpu.memory_space<vmem_shared>>
      tpu.wait_dma2 semaphore(%run_scoped3A : memref<!tpu.dma_semaphore, #tpu.memory_space<semaphore_mem>>) src(%arg20 : memref<16x128xf32, #tpu.memory_space<vmem>>) dst(%dma_wait3A_483 : memref<16x128xf32, #tpu.memory_space<vmem_shared>>)
      tpu.yield
    }) : () -> ()
    %mul3A_87 = arith.constant 640 : i32
    %mul3A_88 = arith.muli %arg1, %mul3A_87 : i32
    %add3A_89 = arith.constant 288 : i32
    %add3A_90 = arith.addi %mul3A_88, %add3A_89 : i32
    "tpu.region"() ({
      %run_scoped3A = tpu.sem_alloc : memref<!tpu.dma_semaphore, #tpu.memory_space<semaphore_mem>>
      %dma_start3A_476 = arith.constant 0 : i32
      %dma_start3A_477 = tpu.memref_slice %arg24[%add3A_90, %dma_start3A_476] : memref<10240x128xf32, #tpu.memory_space<vmem_shared>> -> memref<16x128xf32, #tpu.memory_space<vmem_shared>>
      %dma_start3A_478 = arith.constant 0 : i32
      %dma_start3A_479 = tpu.memref_slice %arg24[%add3A_90, %dma_start3A_478] : memref<10240x128xf32, #tpu.memory_space<vmem_shared>> -> memref<16x128xf32, #tpu.memory_space<vmem_shared>>
      tpu.enqueue_dma source(%arg20 : memref<16x128xf32, #tpu.memory_space<vmem>>) target(%dma_start3A_479 : memref<16x128xf32, #tpu.memory_space<vmem_shared>>) target_semaphore(%run_scoped3A : memref<!tpu.dma_semaphore, #tpu.memory_space<semaphore_mem>>)
      %dma_wait3A_480 = arith.constant 0 : i32
      %dma_wait3A_481 = tpu.memref_slice %arg24[%add3A_90, %dma_wait3A_480] : memref<10240x128xf32, #tpu.memory_space<vmem_shared>> -> memref<16x128xf32, #tpu.memory_space<vmem_shared>>
      %dma_wait3A_482 = arith.constant 0 : i32
      %dma_wait3A_483 = tpu.memref_slice %arg24[%add3A_90, %dma_wait3A_482] : memref<10240x128xf32, #tpu.memory_space<vmem_shared>> -> memref<16x128xf32, #tpu.memory_space<vmem_shared>>
      tpu.wait_dma2 semaphore(%run_scoped3A : memref<!tpu.dma_semaphore, #tpu.memory_space<semaphore_mem>>) src(%arg20 : memref<16x128xf32, #tpu.memory_space<vmem>>) dst(%dma_wait3A_483 : memref<16x128xf32, #tpu.memory_space<vmem_shared>>)
      tpu.yield
    }) : () -> ()
    %mul3A_91 = arith.constant 640 : i32
    %mul3A_92 = arith.muli %arg1, %mul3A_91 : i32
    %add3A_93 = arith.constant 304 : i32
    %add3A_94 = arith.addi %mul3A_92, %add3A_93 : i32
    "tpu.region"() ({
      %run_scoped3A = tpu.sem_alloc : memref<!tpu.dma_semaphore, #tpu.memory_space<semaphore_mem>>
      %dma_start3A_476 = arith.constant 0 : i32
      %dma_start3A_477 = tpu.memref_slice %arg24[%add3A_94, %dma_start3A_476] : memref<10240x128xf32, #tpu.memory_space<vmem_shared>> -> memref<16x128xf32, #tpu.memory_space<vmem_shared>>
      %dma_start3A_478 = arith.constant 0 : i32
      %dma_start3A_479 = tpu.memref_slice %arg24[%add3A_94, %dma_start3A_478] : memref<10240x128xf32, #tpu.memory_space<vmem_shared>> -> memref<16x128xf32, #tpu.memory_space<vmem_shared>>
      tpu.enqueue_dma source(%arg20 : memref<16x128xf32, #tpu.memory_space<vmem>>) target(%dma_start3A_479 : memref<16x128xf32, #tpu.memory_space<vmem_shared>>) target_semaphore(%run_scoped3A : memref<!tpu.dma_semaphore, #tpu.memory_space<semaphore_mem>>)
      %dma_wait3A_480 = arith.constant 0 : i32
      %dma_wait3A_481 = tpu.memref_slice %arg24[%add3A_94, %dma_wait3A_480] : memref<10240x128xf32, #tpu.memory_space<vmem_shared>> -> memref<16x128xf32, #tpu.memory_space<vmem_shared>>
      %dma_wait3A_482 = arith.constant 0 : i32
      %dma_wait3A_483 = tpu.memref_slice %arg24[%add3A_94, %dma_wait3A_482] : memref<10240x128xf32, #tpu.memory_space<vmem_shared>> -> memref<16x128xf32, #tpu.memory_space<vmem_shared>>
      tpu.wait_dma2 semaphore(%run_scoped3A : memref<!tpu.dma_semaphore, #tpu.memory_space<semaphore_mem>>) src(%arg20 : memref<16x128xf32, #tpu.memory_space<vmem>>) dst(%dma_wait3A_483 : memref<16x128xf32, #tpu.memory_space<vmem_shared>>)
      tpu.yield
    }) : () -> ()
    %mul3A_95 = arith.constant 640 : i32
    %mul3A_96 = arith.muli %arg1, %mul3A_95 : i32
    %add3A_97 = arith.constant 320 : i32
    %add3A_98 = arith.addi %mul3A_96, %add3A_97 : i32
    "tpu.region"() ({
      %run_scoped3A = tpu.sem_alloc : memref<!tpu.dma_semaphore, #tpu.memory_space<semaphore_mem>>
      %dma_start3A_476 = arith.constant 0 : i32
      %dma_start3A_477 = tpu.memref_slice %arg24[%add3A_98, %dma_start3A_476] : memref<10240x128xf32, #tpu.memory_space<vmem_shared>> -> memref<16x128xf32, #tpu.memory_space<vmem_shared>>
      %dma_start3A_478 = arith.constant 0 : i32
      %dma_start3A_479 = tpu.memref_slice %arg24[%add3A_98, %dma_start3A_478] : memref<10240x128xf32, #tpu.memory_space<vmem_shared>> -> memref<16x128xf32, #tpu.memory_space<vmem_shared>>
      tpu.enqueue_dma source(%arg20 : memref<16x128xf32, #tpu.memory_space<vmem>>) target(%dma_start3A_479 : memref<16x128xf32, #tpu.memory_space<vmem_shared>>) target_semaphore(%run_scoped3A : memref<!tpu.dma_semaphore, #tpu.memory_space<semaphore_mem>>)
      %dma_wait3A_480 = arith.constant 0 : i32
      %dma_wait3A_481 = tpu.memref_slice %arg24[%add3A_98, %dma_wait3A_480] : memref<10240x128xf32, #tpu.memory_space<vmem_shared>> -> memref<16x128xf32, #tpu.memory_space<vmem_shared>>
      %dma_wait3A_482 = arith.constant 0 : i32
      %dma_wait3A_483 = tpu.memref_slice %arg24[%add3A_98, %dma_wait3A_482] : memref<10240x128xf32, #tpu.memory_space<vmem_shared>> -> memref<16x128xf32, #tpu.memory_space<vmem_shared>>
      tpu.wait_dma2 semaphore(%run_scoped3A : memref<!tpu.dma_semaphore, #tpu.memory_space<semaphore_mem>>) src(%arg20 : memref<16x128xf32, #tpu.memory_space<vmem>>) dst(%dma_wait3A_483 : memref<16x128xf32, #tpu.memory_space<vmem_shared>>)
      tpu.yield
    }) : () -> ()
    %mul3A_99 = arith.constant 640 : i32
    %mul3A_100 = arith.muli %arg1, %mul3A_99 : i32
    %add3A_101 = arith.constant 336 : i32
    %add3A_102 = arith.addi %mul3A_100, %add3A_101 : i32
    "tpu.region"() ({
      %run_scoped3A = tpu.sem_alloc : memref<!tpu.dma_semaphore, #tpu.memory_space<semaphore_mem>>
      %dma_start3A_476 = arith.constant 0 : i32
      %dma_start3A_477 = tpu.memref_slice %arg24[%add3A_102, %dma_start3A_476] : memref<10240x128xf32, #tpu.memory_space<vmem_shared>> -> memref<16x128xf32, #tpu.memory_space<vmem_shared>>
      %dma_start3A_478 = arith.constant 0 : i32
      %dma_start3A_479 = tpu.memref_slice %arg24[%add3A_102, %dma_start3A_478] : memref<10240x128xf32, #tpu.memory_space<vmem_shared>> -> memref<16x128xf32, #tpu.memory_space<vmem_shared>>
      tpu.enqueue_dma source(%arg20 : memref<16x128xf32, #tpu.memory_space<vmem>>) target(%dma_start3A_479 : memref<16x128xf32, #tpu.memory_space<vmem_shared>>) target_semaphore(%run_scoped3A : memref<!tpu.dma_semaphore, #tpu.memory_space<semaphore_mem>>)
      %dma_wait3A_480 = arith.constant 0 : i32
      %dma_wait3A_481 = tpu.memref_slice %arg24[%add3A_102, %dma_wait3A_480] : memref<10240x128xf32, #tpu.memory_space<vmem_shared>> -> memref<16x128xf32, #tpu.memory_space<vmem_shared>>
      %dma_wait3A_482 = arith.constant 0 : i32
      %dma_wait3A_483 = tpu.memref_slice %arg24[%add3A_102, %dma_wait3A_482] : memref<10240x128xf32, #tpu.memory_space<vmem_shared>> -> memref<16x128xf32, #tpu.memory_space<vmem_shared>>
      tpu.wait_dma2 semaphore(%run_scoped3A : memref<!tpu.dma_semaphore, #tpu.memory_space<semaphore_mem>>) src(%arg20 : memref<16x128xf32, #tpu.memory_space<vmem>>) dst(%dma_wait3A_483 : memref<16x128xf32, #tpu.memory_space<vmem_shared>>)
      tpu.yield
    }) : () -> ()
    %mul3A_103 = arith.constant 640 : i32
    %mul3A_104 = arith.muli %arg1, %mul3A_103 : i32
    %add3A_105 = arith.constant 352 : i32
    %add3A_106 = arith.addi %mul3A_104, %add3A_105 : i32
    "tpu.region"() ({
      %run_scoped3A = tpu.sem_alloc : memref<!tpu.dma_semaphore, #tpu.memory_space<semaphore_mem>>
      %dma_start3A_476 = arith.constant 0 : i32
      %dma_start3A_477 = tpu.memref_slice %arg24[%add3A_106, %dma_start3A_476] : memref<10240x128xf32, #tpu.memory_space<vmem_shared>> -> memref<16x128xf32, #tpu.memory_space<vmem_shared>>
      %dma_start3A_478 = arith.constant 0 : i32
      %dma_start3A_479 = tpu.memref_slice %arg24[%add3A_106, %dma_start3A_478] : memref<10240x128xf32, #tpu.memory_space<vmem_shared>> -> memref<16x128xf32, #tpu.memory_space<vmem_shared>>
      tpu.enqueue_dma source(%arg20 : memref<16x128xf32, #tpu.memory_space<vmem>>) target(%dma_start3A_479 : memref<16x128xf32, #tpu.memory_space<vmem_shared>>) target_semaphore(%run_scoped3A : memref<!tpu.dma_semaphore, #tpu.memory_space<semaphore_mem>>)
      %dma_wait3A_480 = arith.constant 0 : i32
      %dma_wait3A_481 = tpu.memref_slice %arg24[%add3A_106, %dma_wait3A_480] : memref<10240x128xf32, #tpu.memory_space<vmem_shared>> -> memref<16x128xf32, #tpu.memory_space<vmem_shared>>
      %dma_wait3A_482 = arith.constant 0 : i32
      %dma_wait3A_483 = tpu.memref_slice %arg24[%add3A_106, %dma_wait3A_482] : memref<10240x128xf32, #tpu.memory_space<vmem_shared>> -> memref<16x128xf32, #tpu.memory_space<vmem_shared>>
      tpu.wait_dma2 semaphore(%run_scoped3A : memref<!tpu.dma_semaphore, #tpu.memory_space<semaphore_mem>>) src(%arg20 : memref<16x128xf32, #tpu.memory_space<vmem>>) dst(%dma_wait3A_483 : memref<16x128xf32, #tpu.memory_space<vmem_shared>>)
      tpu.yield
    }) : () -> ()
    %mul3A_107 = arith.constant 640 : i32
    %mul3A_108 = arith.muli %arg1, %mul3A_107 : i32
    %add3A_109 = arith.constant 368 : i32
    %add3A_110 = arith.addi %mul3A_108, %add3A_109 : i32
    "tpu.region"() ({
      %run_scoped3A = tpu.sem_alloc : memref<!tpu.dma_semaphore, #tpu.memory_space<semaphore_mem>>
      %dma_start3A_476 = arith.constant 0 : i32
      %dma_start3A_477 = tpu.memref_slice %arg24[%add3A_110, %dma_start3A_476] : memref<10240x128xf32, #tpu.memory_space<vmem_shared>> -> memref<16x128xf32, #tpu.memory_space<vmem_shared>>
      %dma_start3A_478 = arith.constant 0 : i32
      %dma_start3A_479 = tpu.memref_slice %arg24[%add3A_110, %dma_start3A_478] : memref<10240x128xf32, #tpu.memory_space<vmem_shared>> -> memref<16x128xf32, #tpu.memory_space<vmem_shared>>
      tpu.enqueue_dma source(%arg20 : memref<16x128xf32, #tpu.memory_space<vmem>>) target(%dma_start3A_479 : memref<16x128xf32, #tpu.memory_space<vmem_shared>>) target_semaphore(%run_scoped3A : memref<!tpu.dma_semaphore, #tpu.memory_space<semaphore_mem>>)
      %dma_wait3A_480 = arith.constant 0 : i32
      %dma_wait3A_481 = tpu.memref_slice %arg24[%add3A_110, %dma_wait3A_480] : memref<10240x128xf32, #tpu.memory_space<vmem_shared>> -> memref<16x128xf32, #tpu.memory_space<vmem_shared>>
      %dma_wait3A_482 = arith.constant 0 : i32
      %dma_wait3A_483 = tpu.memref_slice %arg24[%add3A_110, %dma_wait3A_482] : memref<10240x128xf32, #tpu.memory_space<vmem_shared>> -> memref<16x128xf32, #tpu.memory_space<vmem_shared>>
      tpu.wait_dma2 semaphore(%run_scoped3A : memref<!tpu.dma_semaphore, #tpu.memory_space<semaphore_mem>>) src(%arg20 : memref<16x128xf32, #tpu.memory_space<vmem>>) dst(%dma_wait3A_483 : memref<16x128xf32, #tpu.memory_space<vmem_shared>>)
      tpu.yield
    }) : () -> ()
    %mul3A_111 = arith.constant 640 : i32
    %mul3A_112 = arith.muli %arg1, %mul3A_111 : i32
    %add3A_113 = arith.constant 384 : i32
    %add3A_114 = arith.addi %mul3A_112, %add3A_113 : i32
    "tpu.region"() ({
      %run_scoped3A = tpu.sem_alloc : memref<!tpu.dma_semaphore, #tpu.memory_space<semaphore_mem>>
      %dma_start3A_476 = arith.constant 0 : i32
      %dma_start3A_477 = tpu.memref_slice %arg24[%add3A_114, %dma_start3A_476] : memref<10240x128xf32, #tpu.memory_space<vmem_shared>> -> memref<16x128xf32, #tpu.memory_space<vmem_shared>>
      %dma_start3A_478 = arith.constant 0 : i32
      %dma_start3A_479 = tpu.memref_slice %arg24[%add3A_114, %dma_start3A_478] : memref<10240x128xf32, #tpu.memory_space<vmem_shared>> -> memref<16x128xf32, #tpu.memory_space<vmem_shared>>
      tpu.enqueue_dma source(%arg20 : memref<16x128xf32, #tpu.memory_space<vmem>>) target(%dma_start3A_479 : memref<16x128xf32, #tpu.memory_space<vmem_shared>>) target_semaphore(%run_scoped3A : memref<!tpu.dma_semaphore, #tpu.memory_space<semaphore_mem>>)
      %dma_wait3A_480 = arith.constant 0 : i32
      %dma_wait3A_481 = tpu.memref_slice %arg24[%add3A_114, %dma_wait3A_480] : memref<10240x128xf32, #tpu.memory_space<vmem_shared>> -> memref<16x128xf32, #tpu.memory_space<vmem_shared>>
      %dma_wait3A_482 = arith.constant 0 : i32
      %dma_wait3A_483 = tpu.memref_slice %arg24[%add3A_114, %dma_wait3A_482] : memref<10240x128xf32, #tpu.memory_space<vmem_shared>> -> memref<16x128xf32, #tpu.memory_space<vmem_shared>>
      tpu.wait_dma2 semaphore(%run_scoped3A : memref<!tpu.dma_semaphore, #tpu.memory_space<semaphore_mem>>) src(%arg20 : memref<16x128xf32, #tpu.memory_space<vmem>>) dst(%dma_wait3A_483 : memref<16x128xf32, #tpu.memory_space<vmem_shared>>)
      tpu.yield
    }) : () -> ()
    %mul3A_115 = arith.constant 640 : i32
    %mul3A_116 = arith.muli %arg1, %mul3A_115 : i32
    %add3A_117 = arith.constant 400 : i32
    %add3A_118 = arith.addi %mul3A_116, %add3A_117 : i32
    "tpu.region"() ({
      %run_scoped3A = tpu.sem_alloc : memref<!tpu.dma_semaphore, #tpu.memory_space<semaphore_mem>>
      %dma_start3A_476 = arith.constant 0 : i32
      %dma_start3A_477 = tpu.memref_slice %arg24[%add3A_118, %dma_start3A_476] : memref<10240x128xf32, #tpu.memory_space<vmem_shared>> -> memref<16x128xf32, #tpu.memory_space<vmem_shared>>
      %dma_start3A_478 = arith.constant 0 : i32
      %dma_start3A_479 = tpu.memref_slice %arg24[%add3A_118, %dma_start3A_478] : memref<10240x128xf32, #tpu.memory_space<vmem_shared>> -> memref<16x128xf32, #tpu.memory_space<vmem_shared>>
      tpu.enqueue_dma source(%arg20 : memref<16x128xf32, #tpu.memory_space<vmem>>) target(%dma_start3A_479 : memref<16x128xf32, #tpu.memory_space<vmem_shared>>) target_semaphore(%run_scoped3A : memref<!tpu.dma_semaphore, #tpu.memory_space<semaphore_mem>>)
      %dma_wait3A_480 = arith.constant 0 : i32
      %dma_wait3A_481 = tpu.memref_slice %arg24[%add3A_118, %dma_wait3A_480] : memref<10240x128xf32, #tpu.memory_space<vmem_shared>> -> memref<16x128xf32, #tpu.memory_space<vmem_shared>>
      %dma_wait3A_482 = arith.constant 0 : i32
      %dma_wait3A_483 = tpu.memref_slice %arg24[%add3A_118, %dma_wait3A_482] : memref<10240x128xf32, #tpu.memory_space<vmem_shared>> -> memref<16x128xf32, #tpu.memory_space<vmem_shared>>
      tpu.wait_dma2 semaphore(%run_scoped3A : memref<!tpu.dma_semaphore, #tpu.memory_space<semaphore_mem>>) src(%arg20 : memref<16x128xf32, #tpu.memory_space<vmem>>) dst(%dma_wait3A_483 : memref<16x128xf32, #tpu.memory_space<vmem_shared>>)
      tpu.yield
    }) : () -> ()
    %mul3A_119 = arith.constant 640 : i32
    %mul3A_120 = arith.muli %arg1, %mul3A_119 : i32
    %add3A_121 = arith.constant 416 : i32
    %add3A_122 = arith.addi %mul3A_120, %add3A_121 : i32
    "tpu.region"() ({
      %run_scoped3A = tpu.sem_alloc : memref<!tpu.dma_semaphore, #tpu.memory_space<semaphore_mem>>
      %dma_start3A_476 = arith.constant 0 : i32
      %dma_start3A_477 = tpu.memref_slice %arg24[%add3A_122, %dma_start3A_476] : memref<10240x128xf32, #tpu.memory_space<vmem_shared>> -> memref<16x128xf32, #tpu.memory_space<vmem_shared>>
      %dma_start3A_478 = arith.constant 0 : i32
      %dma_start3A_479 = tpu.memref_slice %arg24[%add3A_122, %dma_start3A_478] : memref<10240x128xf32, #tpu.memory_space<vmem_shared>> -> memref<16x128xf32, #tpu.memory_space<vmem_shared>>
      tpu.enqueue_dma source(%arg20 : memref<16x128xf32, #tpu.memory_space<vmem>>) target(%dma_start3A_479 : memref<16x128xf32, #tpu.memory_space<vmem_shared>>) target_semaphore(%run_scoped3A : memref<!tpu.dma_semaphore, #tpu.memory_space<semaphore_mem>>)
      %dma_wait3A_480 = arith.constant 0 : i32
      %dma_wait3A_481 = tpu.memref_slice %arg24[%add3A_122, %dma_wait3A_480] : memref<10240x128xf32, #tpu.memory_space<vmem_shared>> -> memref<16x128xf32, #tpu.memory_space<vmem_shared>>
      %dma_wait3A_482 = arith.constant 0 : i32
      %dma_wait3A_483 = tpu.memref_slice %arg24[%add3A_122, %dma_wait3A_482] : memref<10240x128xf32, #tpu.memory_space<vmem_shared>> -> memref<16x128xf32, #tpu.memory_space<vmem_shared>>
      tpu.wait_dma2 semaphore(%run_scoped3A : memref<!tpu.dma_semaphore, #tpu.memory_space<semaphore_mem>>) src(%arg20 : memref<16x128xf32, #tpu.memory_space<vmem>>) dst(%dma_wait3A_483 : memref<16x128xf32, #tpu.memory_space<vmem_shared>>)
      tpu.yield
    }) : () -> ()
    %mul3A_123 = arith.constant 640 : i32
    %mul3A_124 = arith.muli %arg1, %mul3A_123 : i32
    %add3A_125 = arith.constant 432 : i32
    %add3A_126 = arith.addi %mul3A_124, %add3A_125 : i32
    "tpu.region"() ({
      %run_scoped3A = tpu.sem_alloc : memref<!tpu.dma_semaphore, #tpu.memory_space<semaphore_mem>>
      %dma_start3A_476 = arith.constant 0 : i32
      %dma_start3A_477 = tpu.memref_slice %arg24[%add3A_126, %dma_start3A_476] : memref<10240x128xf32, #tpu.memory_space<vmem_shared>> -> memref<16x128xf32, #tpu.memory_space<vmem_shared>>
      %dma_start3A_478 = arith.constant 0 : i32
      %dma_start3A_479 = tpu.memref_slice %arg24[%add3A_126, %dma_start3A_478] : memref<10240x128xf32, #tpu.memory_space<vmem_shared>> -> memref<16x128xf32, #tpu.memory_space<vmem_shared>>
      tpu.enqueue_dma source(%arg20 : memref<16x128xf32, #tpu.memory_space<vmem>>) target(%dma_start3A_479 : memref<16x128xf32, #tpu.memory_space<vmem_shared>>) target_semaphore(%run_scoped3A : memref<!tpu.dma_semaphore, #tpu.memory_space<semaphore_mem>>)
      %dma_wait3A_480 = arith.constant 0 : i32
      %dma_wait3A_481 = tpu.memref_slice %arg24[%add3A_126, %dma_wait3A_480] : memref<10240x128xf32, #tpu.memory_space<vmem_shared>> -> memref<16x128xf32, #tpu.memory_space<vmem_shared>>
      %dma_wait3A_482 = arith.constant 0 : i32
      %dma_wait3A_483 = tpu.memref_slice %arg24[%add3A_126, %dma_wait3A_482] : memref<10240x128xf32, #tpu.memory_space<vmem_shared>> -> memref<16x128xf32, #tpu.memory_space<vmem_shared>>
      tpu.wait_dma2 semaphore(%run_scoped3A : memref<!tpu.dma_semaphore, #tpu.memory_space<semaphore_mem>>) src(%arg20 : memref<16x128xf32, #tpu.memory_space<vmem>>) dst(%dma_wait3A_483 : memref<16x128xf32, #tpu.memory_space<vmem_shared>>)
      tpu.yield
    }) : () -> ()
    %mul3A_127 = arith.constant 640 : i32
    %mul3A_128 = arith.muli %arg1, %mul3A_127 : i32
    %add3A_129 = arith.constant 448 : i32
    %add3A_130 = arith.addi %mul3A_128, %add3A_129 : i32
    "tpu.region"() ({
      %run_scoped3A = tpu.sem_alloc : memref<!tpu.dma_semaphore, #tpu.memory_space<semaphore_mem>>
      %dma_start3A_476 = arith.constant 0 : i32
      %dma_start3A_477 = tpu.memref_slice %arg24[%add3A_130, %dma_start3A_476] : memref<10240x128xf32, #tpu.memory_space<vmem_shared>> -> memref<16x128xf32, #tpu.memory_space<vmem_shared>>
      %dma_start3A_478 = arith.constant 0 : i32
      %dma_start3A_479 = tpu.memref_slice %arg24[%add3A_130, %dma_start3A_478] : memref<10240x128xf32, #tpu.memory_space<vmem_shared>> -> memref<16x128xf32, #tpu.memory_space<vmem_shared>>
      tpu.enqueue_dma source(%arg20 : memref<16x128xf32, #tpu.memory_space<vmem>>) target(%dma_start3A_479 : memref<16x128xf32, #tpu.memory_space<vmem_shared>>) target_semaphore(%run_scoped3A : memref<!tpu.dma_semaphore, #tpu.memory_space<semaphore_mem>>)
      %dma_wait3A_480 = arith.constant 0 : i32
      %dma_wait3A_481 = tpu.memref_slice %arg24[%add3A_130, %dma_wait3A_480] : memref<10240x128xf32, #tpu.memory_space<vmem_shared>> -> memref<16x128xf32, #tpu.memory_space<vmem_shared>>
      %dma_wait3A_482 = arith.constant 0 : i32
      %dma_wait3A_483 = tpu.memref_slice %arg24[%add3A_130, %dma_wait3A_482] : memref<10240x128xf32, #tpu.memory_space<vmem_shared>> -> memref<16x128xf32, #tpu.memory_space<vmem_shared>>
      tpu.wait_dma2 semaphore(%run_scoped3A : memref<!tpu.dma_semaphore, #tpu.memory_space<semaphore_mem>>) src(%arg20 : memref<16x128xf32, #tpu.memory_space<vmem>>) dst(%dma_wait3A_483 : memref<16x128xf32, #tpu.memory_space<vmem_shared>>)
      tpu.yield
    }) : () -> ()
    %mul3A_131 = arith.constant 640 : i32
    %mul3A_132 = arith.muli %arg1, %mul3A_131 : i32
    %add3A_133 = arith.constant 464 : i32
    %add3A_134 = arith.addi %mul3A_132, %add3A_133 : i32
    "tpu.region"() ({
      %run_scoped3A = tpu.sem_alloc : memref<!tpu.dma_semaphore, #tpu.memory_space<semaphore_mem>>
      %dma_start3A_476 = arith.constant 0 : i32
      %dma_start3A_477 = tpu.memref_slice %arg24[%add3A_134, %dma_start3A_476] : memref<10240x128xf32, #tpu.memory_space<vmem_shared>> -> memref<16x128xf32, #tpu.memory_space<vmem_shared>>
      %dma_start3A_478 = arith.constant 0 : i32
      %dma_start3A_479 = tpu.memref_slice %arg24[%add3A_134, %dma_start3A_478] : memref<10240x128xf32, #tpu.memory_space<vmem_shared>> -> memref<16x128xf32, #tpu.memory_space<vmem_shared>>
      tpu.enqueue_dma source(%arg20 : memref<16x128xf32, #tpu.memory_space<vmem>>) target(%dma_start3A_479 : memref<16x128xf32, #tpu.memory_space<vmem_shared>>) target_semaphore(%run_scoped3A : memref<!tpu.dma_semaphore, #tpu.memory_space<semaphore_mem>>)
      %dma_wait3A_480 = arith.constant 0 : i32
      %dma_wait3A_481 = tpu.memref_slice %arg24[%add3A_134, %dma_wait3A_480] : memref<10240x128xf32, #tpu.memory_space<vmem_shared>> -> memref<16x128xf32, #tpu.memory_space<vmem_shared>>
      %dma_wait3A_482 = arith.constant 0 : i32
      %dma_wait3A_483 = tpu.memref_slice %arg24[%add3A_134, %dma_wait3A_482] : memref<10240x128xf32, #tpu.memory_space<vmem_shared>> -> memref<16x128xf32, #tpu.memory_space<vmem_shared>>
      tpu.wait_dma2 semaphore(%run_scoped3A : memref<!tpu.dma_semaphore, #tpu.memory_space<semaphore_mem>>) src(%arg20 : memref<16x128xf32, #tpu.memory_space<vmem>>) dst(%dma_wait3A_483 : memref<16x128xf32, #tpu.memory_space<vmem_shared>>)
      tpu.yield
    }) : () -> ()
    %mul3A_135 = arith.constant 640 : i32
    %mul3A_136 = arith.muli %arg1, %mul3A_135 : i32
    %add3A_137 = arith.constant 480 : i32
    %add3A_138 = arith.addi %mul3A_136, %add3A_137 : i32
    "tpu.region"() ({
      %run_scoped3A = tpu.sem_alloc : memref<!tpu.dma_semaphore, #tpu.memory_space<semaphore_mem>>
      %dma_start3A_476 = arith.constant 0 : i32
      %dma_start3A_477 = tpu.memref_slice %arg24[%add3A_138, %dma_start3A_476] : memref<10240x128xf32, #tpu.memory_space<vmem_shared>> -> memref<16x128xf32, #tpu.memory_space<vmem_shared>>
      %dma_start3A_478 = arith.constant 0 : i32
      %dma_start3A_479 = tpu.memref_slice %arg24[%add3A_138, %dma_start3A_478] : memref<10240x128xf32, #tpu.memory_space<vmem_shared>> -> memref<16x128xf32, #tpu.memory_space<vmem_shared>>
      tpu.enqueue_dma source(%arg20 : memref<16x128xf32, #tpu.memory_space<vmem>>) target(%dma_start3A_479 : memref<16x128xf32, #tpu.memory_space<vmem_shared>>) target_semaphore(%run_scoped3A : memref<!tpu.dma_semaphore, #tpu.memory_space<semaphore_mem>>)
      %dma_wait3A_480 = arith.constant 0 : i32
      %dma_wait3A_481 = tpu.memref_slice %arg24[%add3A_138, %dma_wait3A_480] : memref<10240x128xf32, #tpu.memory_space<vmem_shared>> -> memref<16x128xf32, #tpu.memory_space<vmem_shared>>
      %dma_wait3A_482 = arith.constant 0 : i32
      %dma_wait3A_483 = tpu.memref_slice %arg24[%add3A_138, %dma_wait3A_482] : memref<10240x128xf32, #tpu.memory_space<vmem_shared>> -> memref<16x128xf32, #tpu.memory_space<vmem_shared>>
      tpu.wait_dma2 semaphore(%run_scoped3A : memref<!tpu.dma_semaphore, #tpu.memory_space<semaphore_mem>>) src(%arg20 : memref<16x128xf32, #tpu.memory_space<vmem>>) dst(%dma_wait3A_483 : memref<16x128xf32, #tpu.memory_space<vmem_shared>>)
      tpu.yield
    }) : () -> ()
    %mul3A_139 = arith.constant 640 : i32
    %mul3A_140 = arith.muli %arg1, %mul3A_139 : i32
    %add3A_141 = arith.constant 496 : i32
    %add3A_142 = arith.addi %mul3A_140, %add3A_141 : i32
    "tpu.region"() ({
      %run_scoped3A = tpu.sem_alloc : memref<!tpu.dma_semaphore, #tpu.memory_space<semaphore_mem>>
      %dma_start3A_476 = arith.constant 0 : i32
      %dma_start3A_477 = tpu.memref_slice %arg24[%add3A_142, %dma_start3A_476] : memref<10240x128xf32, #tpu.memory_space<vmem_shared>> -> memref<16x128xf32, #tpu.memory_space<vmem_shared>>
      %dma_start3A_478 = arith.constant 0 : i32
      %dma_start3A_479 = tpu.memref_slice %arg24[%add3A_142, %dma_start3A_478] : memref<10240x128xf32, #tpu.memory_space<vmem_shared>> -> memref<16x128xf32, #tpu.memory_space<vmem_shared>>
      tpu.enqueue_dma source(%arg20 : memref<16x128xf32, #tpu.memory_space<vmem>>) target(%dma_start3A_479 : memref<16x128xf32, #tpu.memory_space<vmem_shared>>) target_semaphore(%run_scoped3A : memref<!tpu.dma_semaphore, #tpu.memory_space<semaphore_mem>>)
      %dma_wait3A_480 = arith.constant 0 : i32
      %dma_wait3A_481 = tpu.memref_slice %arg24[%add3A_142, %dma_wait3A_480] : memref<10240x128xf32, #tpu.memory_space<vmem_shared>> -> memref<16x128xf32, #tpu.memory_space<vmem_shared>>
      %dma_wait3A_482 = arith.constant 0 : i32
      %dma_wait3A_483 = tpu.memref_slice %arg24[%add3A_142, %dma_wait3A_482] : memref<10240x128xf32, #tpu.memory_space<vmem_shared>> -> memref<16x128xf32, #tpu.memory_space<vmem_shared>>
      tpu.wait_dma2 semaphore(%run_scoped3A : memref<!tpu.dma_semaphore, #tpu.memory_space<semaphore_mem>>) src(%arg20 : memref<16x128xf32, #tpu.memory_space<vmem>>) dst(%dma_wait3A_483 : memref<16x128xf32, #tpu.memory_space<vmem_shared>>)
      tpu.yield
    }) : () -> ()
    %mul3A_143 = arith.constant 640 : i32
    %mul3A_144 = arith.muli %arg1, %mul3A_143 : i32
    %add3A_145 = arith.constant 512 : i32
    %add3A_146 = arith.addi %mul3A_144, %add3A_145 : i32
    "tpu.region"() ({
      %run_scoped3A = tpu.sem_alloc : memref<!tpu.dma_semaphore, #tpu.memory_space<semaphore_mem>>
      %dma_start3A_476 = arith.constant 0 : i32
      %dma_start3A_477 = tpu.memref_slice %arg24[%add3A_146, %dma_start3A_476] : memref<10240x128xf32, #tpu.memory_space<vmem_shared>> -> memref<16x128xf32, #tpu.memory_space<vmem_shared>>
      %dma_start3A_478 = arith.constant 0 : i32
      %dma_start3A_479 = tpu.memref_slice %arg24[%add3A_146, %dma_start3A_478] : memref<10240x128xf32, #tpu.memory_space<vmem_shared>> -> memref<16x128xf32, #tpu.memory_space<vmem_shared>>
      tpu.enqueue_dma source(%arg20 : memref<16x128xf32, #tpu.memory_space<vmem>>) target(%dma_start3A_479 : memref<16x128xf32, #tpu.memory_space<vmem_shared>>) target_semaphore(%run_scoped3A : memref<!tpu.dma_semaphore, #tpu.memory_space<semaphore_mem>>)
      %dma_wait3A_480 = arith.constant 0 : i32
      %dma_wait3A_481 = tpu.memref_slice %arg24[%add3A_146, %dma_wait3A_480] : memref<10240x128xf32, #tpu.memory_space<vmem_shared>> -> memref<16x128xf32, #tpu.memory_space<vmem_shared>>
      %dma_wait3A_482 = arith.constant 0 : i32
      %dma_wait3A_483 = tpu.memref_slice %arg24[%add3A_146, %dma_wait3A_482] : memref<10240x128xf32, #tpu.memory_space<vmem_shared>> -> memref<16x128xf32, #tpu.memory_space<vmem_shared>>
      tpu.wait_dma2 semaphore(%run_scoped3A : memref<!tpu.dma_semaphore, #tpu.memory_space<semaphore_mem>>) src(%arg20 : memref<16x128xf32, #tpu.memory_space<vmem>>) dst(%dma_wait3A_483 : memref<16x128xf32, #tpu.memory_space<vmem_shared>>)
      tpu.yield
    }) : () -> ()
    %mul3A_147 = arith.constant 640 : i32
    %mul3A_148 = arith.muli %arg1, %mul3A_147 : i32
    %add3A_149 = arith.constant 528 : i32
    %add3A_150 = arith.addi %mul3A_148, %add3A_149 : i32
    "tpu.region"() ({
      %run_scoped3A = tpu.sem_alloc : memref<!tpu.dma_semaphore, #tpu.memory_space<semaphore_mem>>
      %dma_start3A_476 = arith.constant 0 : i32
      %dma_start3A_477 = tpu.memref_slice %arg24[%add3A_150, %dma_start3A_476] : memref<10240x128xf32, #tpu.memory_space<vmem_shared>> -> memref<16x128xf32, #tpu.memory_space<vmem_shared>>
      %dma_start3A_478 = arith.constant 0 : i32
      %dma_start3A_479 = tpu.memref_slice %arg24[%add3A_150, %dma_start3A_478] : memref<10240x128xf32, #tpu.memory_space<vmem_shared>> -> memref<16x128xf32, #tpu.memory_space<vmem_shared>>
      tpu.enqueue_dma source(%arg20 : memref<16x128xf32, #tpu.memory_space<vmem>>) target(%dma_start3A_479 : memref<16x128xf32, #tpu.memory_space<vmem_shared>>) target_semaphore(%run_scoped3A : memref<!tpu.dma_semaphore, #tpu.memory_space<semaphore_mem>>)
      %dma_wait3A_480 = arith.constant 0 : i32
      %dma_wait3A_481 = tpu.memref_slice %arg24[%add3A_150, %dma_wait3A_480] : memref<10240x128xf32, #tpu.memory_space<vmem_shared>> -> memref<16x128xf32, #tpu.memory_space<vmem_shared>>
      %dma_wait3A_482 = arith.constant 0 : i32
      %dma_wait3A_483 = tpu.memref_slice %arg24[%add3A_150, %dma_wait3A_482] : memref<10240x128xf32, #tpu.memory_space<vmem_shared>> -> memref<16x128xf32, #tpu.memory_space<vmem_shared>>
      tpu.wait_dma2 semaphore(%run_scoped3A : memref<!tpu.dma_semaphore, #tpu.memory_space<semaphore_mem>>) src(%arg20 : memref<16x128xf32, #tpu.memory_space<vmem>>) dst(%dma_wait3A_483 : memref<16x128xf32, #tpu.memory_space<vmem_shared>>)
      tpu.yield
    }) : () -> ()
    %mul3A_151 = arith.constant 640 : i32
    %mul3A_152 = arith.muli %arg1, %mul3A_151 : i32
    %add3A_153 = arith.constant 544 : i32
    %add3A_154 = arith.addi %mul3A_152, %add3A_153 : i32
    "tpu.region"() ({
      %run_scoped3A = tpu.sem_alloc : memref<!tpu.dma_semaphore, #tpu.memory_space<semaphore_mem>>
      %dma_start3A_476 = arith.constant 0 : i32
      %dma_start3A_477 = tpu.memref_slice %arg24[%add3A_154, %dma_start3A_476] : memref<10240x128xf32, #tpu.memory_space<vmem_shared>> -> memref<16x128xf32, #tpu.memory_space<vmem_shared>>
      %dma_start3A_478 = arith.constant 0 : i32
      %dma_start3A_479 = tpu.memref_slice %arg24[%add3A_154, %dma_start3A_478] : memref<10240x128xf32, #tpu.memory_space<vmem_shared>> -> memref<16x128xf32, #tpu.memory_space<vmem_shared>>
      tpu.enqueue_dma source(%arg20 : memref<16x128xf32, #tpu.memory_space<vmem>>) target(%dma_start3A_479 : memref<16x128xf32, #tpu.memory_space<vmem_shared>>) target_semaphore(%run_scoped3A : memref<!tpu.dma_semaphore, #tpu.memory_space<semaphore_mem>>)
      %dma_wait3A_480 = arith.constant 0 : i32
      %dma_wait3A_481 = tpu.memref_slice %arg24[%add3A_154, %dma_wait3A_480] : memref<10240x128xf32, #tpu.memory_space<vmem_shared>> -> memref<16x128xf32, #tpu.memory_space<vmem_shared>>
      %dma_wait3A_482 = arith.constant 0 : i32
      %dma_wait3A_483 = tpu.memref_slice %arg24[%add3A_154, %dma_wait3A_482] : memref<10240x128xf32, #tpu.memory_space<vmem_shared>> -> memref<16x128xf32, #tpu.memory_space<vmem_shared>>
      tpu.wait_dma2 semaphore(%run_scoped3A : memref<!tpu.dma_semaphore, #tpu.memory_space<semaphore_mem>>) src(%arg20 : memref<16x128xf32, #tpu.memory_space<vmem>>) dst(%dma_wait3A_483 : memref<16x128xf32, #tpu.memory_space<vmem_shared>>)
      tpu.yield
    }) : () -> ()
    %mul3A_155 = arith.constant 640 : i32
    %mul3A_156 = arith.muli %arg1, %mul3A_155 : i32
    %add3A_157 = arith.constant 560 : i32
    %add3A_158 = arith.addi %mul3A_156, %add3A_157 : i32
    "tpu.region"() ({
      %run_scoped3A = tpu.sem_alloc : memref<!tpu.dma_semaphore, #tpu.memory_space<semaphore_mem>>
      %dma_start3A_476 = arith.constant 0 : i32
      %dma_start3A_477 = tpu.memref_slice %arg24[%add3A_158, %dma_start3A_476] : memref<10240x128xf32, #tpu.memory_space<vmem_shared>> -> memref<16x128xf32, #tpu.memory_space<vmem_shared>>
      %dma_start3A_478 = arith.constant 0 : i32
      %dma_start3A_479 = tpu.memref_slice %arg24[%add3A_158, %dma_start3A_478] : memref<10240x128xf32, #tpu.memory_space<vmem_shared>> -> memref<16x128xf32, #tpu.memory_space<vmem_shared>>
      tpu.enqueue_dma source(%arg20 : memref<16x128xf32, #tpu.memory_space<vmem>>) target(%dma_start3A_479 : memref<16x128xf32, #tpu.memory_space<vmem_shared>>) target_semaphore(%run_scoped3A : memref<!tpu.dma_semaphore, #tpu.memory_space<semaphore_mem>>)
      %dma_wait3A_480 = arith.constant 0 : i32
      %dma_wait3A_481 = tpu.memref_slice %arg24[%add3A_158, %dma_wait3A_480] : memref<10240x128xf32, #tpu.memory_space<vmem_shared>> -> memref<16x128xf32, #tpu.memory_space<vmem_shared>>
      %dma_wait3A_482 = arith.constant 0 : i32
      %dma_wait3A_483 = tpu.memref_slice %arg24[%add3A_158, %dma_wait3A_482] : memref<10240x128xf32, #tpu.memory_space<vmem_shared>> -> memref<16x128xf32, #tpu.memory_space<vmem_shared>>
      tpu.wait_dma2 semaphore(%run_scoped3A : memref<!tpu.dma_semaphore, #tpu.memory_space<semaphore_mem>>) src(%arg20 : memref<16x128xf32, #tpu.memory_space<vmem>>) dst(%dma_wait3A_483 : memref<16x128xf32, #tpu.memory_space<vmem_shared>>)
      tpu.yield
    }) : () -> ()
    %mul3A_159 = arith.constant 640 : i32
    %mul3A_160 = arith.muli %arg1, %mul3A_159 : i32
    %add3A_161 = arith.constant 576 : i32
    %add3A_162 = arith.addi %mul3A_160, %add3A_161 : i32
    "tpu.region"() ({
      %run_scoped3A = tpu.sem_alloc : memref<!tpu.dma_semaphore, #tpu.memory_space<semaphore_mem>>
      %dma_start3A_476 = arith.constant 0 : i32
      %dma_start3A_477 = tpu.memref_slice %arg24[%add3A_162, %dma_start3A_476] : memref<10240x128xf32, #tpu.memory_space<vmem_shared>> -> memref<16x128xf32, #tpu.memory_space<vmem_shared>>
      %dma_start3A_478 = arith.constant 0 : i32
      %dma_start3A_479 = tpu.memref_slice %arg24[%add3A_162, %dma_start3A_478] : memref<10240x128xf32, #tpu.memory_space<vmem_shared>> -> memref<16x128xf32, #tpu.memory_space<vmem_shared>>
      tpu.enqueue_dma source(%arg20 : memref<16x128xf32, #tpu.memory_space<vmem>>) target(%dma_start3A_479 : memref<16x128xf32, #tpu.memory_space<vmem_shared>>) target_semaphore(%run_scoped3A : memref<!tpu.dma_semaphore, #tpu.memory_space<semaphore_mem>>)
      %dma_wait3A_480 = arith.constant 0 : i32
      %dma_wait3A_481 = tpu.memref_slice %arg24[%add3A_162, %dma_wait3A_480] : memref<10240x128xf32, #tpu.memory_space<vmem_shared>> -> memref<16x128xf32, #tpu.memory_space<vmem_shared>>
      %dma_wait3A_482 = arith.constant 0 : i32
      %dma_wait3A_483 = tpu.memref_slice %arg24[%add3A_162, %dma_wait3A_482] : memref<10240x128xf32, #tpu.memory_space<vmem_shared>> -> memref<16x128xf32, #tpu.memory_space<vmem_shared>>
      tpu.wait_dma2 semaphore(%run_scoped3A : memref<!tpu.dma_semaphore, #tpu.memory_space<semaphore_mem>>) src(%arg20 : memref<16x128xf32, #tpu.memory_space<vmem>>) dst(%dma_wait3A_483 : memref<16x128xf32, #tpu.memory_space<vmem_shared>>)
      tpu.yield
    }) : () -> ()
    %mul3A_163 = arith.constant 640 : i32
    %mul3A_164 = arith.muli %arg1, %mul3A_163 : i32
    %add3A_165 = arith.constant 592 : i32
    %add3A_166 = arith.addi %mul3A_164, %add3A_165 : i32
    "tpu.region"() ({
      %run_scoped3A = tpu.sem_alloc : memref<!tpu.dma_semaphore, #tpu.memory_space<semaphore_mem>>
      %dma_start3A_476 = arith.constant 0 : i32
      %dma_start3A_477 = tpu.memref_slice %arg24[%add3A_166, %dma_start3A_476] : memref<10240x128xf32, #tpu.memory_space<vmem_shared>> -> memref<16x128xf32, #tpu.memory_space<vmem_shared>>
      %dma_start3A_478 = arith.constant 0 : i32
      %dma_start3A_479 = tpu.memref_slice %arg24[%add3A_166, %dma_start3A_478] : memref<10240x128xf32, #tpu.memory_space<vmem_shared>> -> memref<16x128xf32, #tpu.memory_space<vmem_shared>>
      tpu.enqueue_dma source(%arg20 : memref<16x128xf32, #tpu.memory_space<vmem>>) target(%dma_start3A_479 : memref<16x128xf32, #tpu.memory_space<vmem_shared>>) target_semaphore(%run_scoped3A : memref<!tpu.dma_semaphore, #tpu.memory_space<semaphore_mem>>)
      %dma_wait3A_480 = arith.constant 0 : i32
      %dma_wait3A_481 = tpu.memref_slice %arg24[%add3A_166, %dma_wait3A_480] : memref<10240x128xf32, #tpu.memory_space<vmem_shared>> -> memref<16x128xf32, #tpu.memory_space<vmem_shared>>
      %dma_wait3A_482 = arith.constant 0 : i32
      %dma_wait3A_483 = tpu.memref_slice %arg24[%add3A_166, %dma_wait3A_482] : memref<10240x128xf32, #tpu.memory_space<vmem_shared>> -> memref<16x128xf32, #tpu.memory_space<vmem_shared>>
      tpu.wait_dma2 semaphore(%run_scoped3A : memref<!tpu.dma_semaphore, #tpu.memory_space<semaphore_mem>>) src(%arg20 : memref<16x128xf32, #tpu.memory_space<vmem>>) dst(%dma_wait3A_483 : memref<16x128xf32, #tpu.memory_space<vmem_shared>>)
      tpu.yield
    }) : () -> ()
    %mul3A_167 = arith.constant 640 : i32
    %mul3A_168 = arith.muli %arg1, %mul3A_167 : i32
    %add3A_169 = arith.constant 608 : i32
    %add3A_170 = arith.addi %mul3A_168, %add3A_169 : i32
    "tpu.region"() ({
      %run_scoped3A = tpu.sem_alloc : memref<!tpu.dma_semaphore, #tpu.memory_space<semaphore_mem>>
      %dma_start3A_476 = arith.constant 0 : i32
      %dma_start3A_477 = tpu.memref_slice %arg24[%add3A_170, %dma_start3A_476] : memref<10240x128xf32, #tpu.memory_space<vmem_shared>> -> memref<16x128xf32, #tpu.memory_space<vmem_shared>>
      %dma_start3A_478 = arith.constant 0 : i32
      %dma_start3A_479 = tpu.memref_slice %arg24[%add3A_170, %dma_start3A_478] : memref<10240x128xf32, #tpu.memory_space<vmem_shared>> -> memref<16x128xf32, #tpu.memory_space<vmem_shared>>
      tpu.enqueue_dma source(%arg20 : memref<16x128xf32, #tpu.memory_space<vmem>>) target(%dma_start3A_479 : memref<16x128xf32, #tpu.memory_space<vmem_shared>>) target_semaphore(%run_scoped3A : memref<!tpu.dma_semaphore, #tpu.memory_space<semaphore_mem>>)
      %dma_wait3A_480 = arith.constant 0 : i32
      %dma_wait3A_481 = tpu.memref_slice %arg24[%add3A_170, %dma_wait3A_480] : memref<10240x128xf32, #tpu.memory_space<vmem_shared>> -> memref<16x128xf32, #tpu.memory_space<vmem_shared>>
      %dma_wait3A_482 = arith.constant 0 : i32
      %dma_wait3A_483 = tpu.memref_slice %arg24[%add3A_170, %dma_wait3A_482] : memref<10240x128xf32, #tpu.memory_space<vmem_shared>> -> memref<16x128xf32, #tpu.memory_space<vmem_shared>>
      tpu.wait_dma2 semaphore(%run_scoped3A : memref<!tpu.dma_semaphore, #tpu.memory_space<semaphore_mem>>) src(%arg20 : memref<16x128xf32, #tpu.memory_space<vmem>>) dst(%dma_wait3A_483 : memref<16x128xf32, #tpu.memory_space<vmem_shared>>)
      tpu.yield
    }) : () -> ()
    %mul3A_171 = arith.constant 640 : i32
    %mul3A_172 = arith.muli %arg1, %mul3A_171 : i32
    %add3A_173 = arith.constant 624 : i32
    %add3A_174 = arith.addi %mul3A_172, %add3A_173 : i32
    "tpu.region"() ({
      %run_scoped3A = tpu.sem_alloc : memref<!tpu.dma_semaphore, #tpu.memory_space<semaphore_mem>>
      %dma_start3A_476 = arith.constant 0 : i32
      %dma_start3A_477 = tpu.memref_slice %arg24[%add3A_174, %dma_start3A_476] : memref<10240x128xf32, #tpu.memory_space<vmem_shared>> -> memref<16x128xf32, #tpu.memory_space<vmem_shared>>
      %dma_start3A_478 = arith.constant 0 : i32
      %dma_start3A_479 = tpu.memref_slice %arg24[%add3A_174, %dma_start3A_478] : memref<10240x128xf32, #tpu.memory_space<vmem_shared>> -> memref<16x128xf32, #tpu.memory_space<vmem_shared>>
      tpu.enqueue_dma source(%arg20 : memref<16x128xf32, #tpu.memory_space<vmem>>) target(%dma_start3A_479 : memref<16x128xf32, #tpu.memory_space<vmem_shared>>) target_semaphore(%run_scoped3A : memref<!tpu.dma_semaphore, #tpu.memory_space<semaphore_mem>>)
      %dma_wait3A_480 = arith.constant 0 : i32
      %dma_wait3A_481 = tpu.memref_slice %arg24[%add3A_174, %dma_wait3A_480] : memref<10240x128xf32, #tpu.memory_space<vmem_shared>> -> memref<16x128xf32, #tpu.memory_space<vmem_shared>>
      %dma_wait3A_482 = arith.constant 0 : i32
      %dma_wait3A_483 = tpu.memref_slice %arg24[%add3A_174, %dma_wait3A_482] : memref<10240x128xf32, #tpu.memory_space<vmem_shared>> -> memref<16x128xf32, #tpu.memory_space<vmem_shared>>
      tpu.wait_dma2 semaphore(%run_scoped3A : memref<!tpu.dma_semaphore, #tpu.memory_space<semaphore_mem>>) src(%arg20 : memref<16x128xf32, #tpu.memory_space<vmem>>) dst(%dma_wait3A_483 : memref<16x128xf32, #tpu.memory_space<vmem_shared>>)
      tpu.yield
    }) : () -> ()
    %mul3A_175 = arith.constant 640 : i32
    %mul3A_176 = arith.muli %arg1, %mul3A_175 : i32
    "tpu.region"() ({
      %run_scoped3A = tpu.sem_alloc : memref<!tpu.dma_semaphore, #tpu.memory_space<semaphore_mem>>
      %dma_start3A_476 = tpu.memref_slice %arg25[%mul3A_176] : memref<10240xf32, #tpu.memory_space<vmem_shared>> -> memref<640xf32, #tpu.memory_space<vmem_shared>>
      %dma_start3A_477 = tpu.memref_slice %arg25[%mul3A_176] : memref<10240xf32, #tpu.memory_space<vmem_shared>> -> memref<640xf32, #tpu.memory_space<vmem_shared>>
      tpu.enqueue_dma source(%arg23 : memref<640xf32, #tpu.memory_space<vmem>>) target(%dma_start3A_477 : memref<640xf32, #tpu.memory_space<vmem_shared>>) target_semaphore(%run_scoped3A : memref<!tpu.dma_semaphore, #tpu.memory_space<semaphore_mem>>)
      %dma_wait3A_478 = tpu.memref_slice %arg25[%mul3A_176] : memref<10240xf32, #tpu.memory_space<vmem_shared>> -> memref<640xf32, #tpu.memory_space<vmem_shared>>
      %dma_wait3A_479 = tpu.memref_slice %arg25[%mul3A_176] : memref<10240xf32, #tpu.memory_space<vmem_shared>> -> memref<640xf32, #tpu.memory_space<vmem_shared>>
      tpu.wait_dma2 semaphore(%run_scoped3A : memref<!tpu.dma_semaphore, #tpu.memory_space<semaphore_mem>>) src(%arg23 : memref<640xf32, #tpu.memory_space<vmem>>) dst(%dma_wait3A_479 : memref<640xf32, #tpu.memory_space<vmem_shared>>)
      tpu.yield
    }) : () -> ()
    %barrier3A = arith.constant 0 : index
    tpu.barrier barrier_id(%barrier3A)
    %mul3A_177 = arith.constant 10000 : i32
    %mul3A_178 = arith.muli %arg1, %mul3A_177 : i32
    %broadcast_in_dim3A_179 = arith.constant -65536 : i32
    %broadcast_in_dim3A_180 = vector.broadcast %broadcast_in_dim3A_179 : i32 to vector<16xi32>
    %rem3A = arith.constant 0 : i32
    %rem3A_181 = arith.constant 3 : i32
    %rem3A_182 = arith.remsi %rem3A, %rem3A_181 : i32
    %rem3A_183 = arith.constant 0 : i32
    %rem3A_184 = arith.constant 6 : i32
    %rem3A_185 = arith.remsi %rem3A_183, %rem3A_184 : i32
    %add3A_186 = arith.constant 0 : i32
    %add3A_187 = arith.addi %mul3A_178, %add3A_186 : i32
    %dma_start3A = arith.constant 0 : i32
    %dma_start3A_188 = tpu.memref_slice %arg12[%rem3A_182, %dma_start3A] : memref<3x16xi32, #tpu.memory_space<vmem>> -> memref<1x16xi32, #tpu.memory_space<vmem>>
    %dma_start3A_189 = tpu.memref_squeeze %dma_start3A_188 : memref<1x16xi32, #tpu.memory_space<vmem>> -> memref<16xi32, #tpu.memory_space<vmem>>
    %dma_start3A_190 = tpu.memref_slice %arg7[%add3A_187] : memref<160000xi32, #tpu.memory_space<hbm>> -> memref<16xi32, #tpu.memory_space<hbm>>
    %dma_start3A_191 = arith.constant 0 : i32
    %dma_start3A_192 = tpu.memref_slice %arg12[%rem3A_182, %dma_start3A_191] : memref<3x16xi32, #tpu.memory_space<vmem>> -> memref<1x16xi32, #tpu.memory_space<vmem>>
    %dma_start3A_193 = tpu.memref_squeeze %dma_start3A_192 : memref<1x16xi32, #tpu.memory_space<vmem>> -> memref<16xi32, #tpu.memory_space<vmem>>
    %dma_start3A_194 = tpu.memref_slice %arg7[%add3A_187] : memref<160000xi32, #tpu.memory_space<hbm>> -> memref<16xi32, #tpu.memory_space<hbm>>
    tpu.enqueue_dma source(%dma_start3A_194 : memref<16xi32, #tpu.memory_space<hbm>>) target(%dma_start3A_193 : memref<16xi32, #tpu.memory_space<vmem>>) target_semaphore(%arg26 : memref<!tpu.dma_semaphore, #tpu.memory_space<semaphore_mem>>)
    %add3A_195 = arith.constant 0 : i32
    %add3A_196 = arith.addi %mul3A_178, %add3A_195 : i32
    %dma_start3A_197 = arith.constant 0 : i32
    %dma_start3A_198 = tpu.memref_slice %arg13[%rem3A_185, %dma_start3A_197] : memref<6x16xi32, #tpu.memory_space<vmem>> -> memref<1x16xi32, #tpu.memory_space<vmem>>
    %dma_start3A_199 = tpu.memref_squeeze %dma_start3A_198 : memref<1x16xi32, #tpu.memory_space<vmem>> -> memref<16xi32, #tpu.memory_space<vmem>>
    %dma_start3A_200 = tpu.memref_slice %arg8[%add3A_196] : memref<160000xi32, #tpu.memory_space<hbm>> -> memref<16xi32, #tpu.memory_space<hbm>>
    %dma_start3A_201 = arith.constant 0 : i32
    %dma_start3A_202 = tpu.memref_slice %arg13[%rem3A_185, %dma_start3A_201] : memref<6x16xi32, #tpu.memory_space<vmem>> -> memref<1x16xi32, #tpu.memory_space<vmem>>
    %dma_start3A_203 = tpu.memref_squeeze %dma_start3A_202 : memref<1x16xi32, #tpu.memory_space<vmem>> -> memref<16xi32, #tpu.memory_space<vmem>>
    %dma_start3A_204 = tpu.memref_slice %arg8[%add3A_196] : memref<160000xi32, #tpu.memory_space<hbm>> -> memref<16xi32, #tpu.memory_space<hbm>>
    tpu.enqueue_dma source(%dma_start3A_204 : memref<16xi32, #tpu.memory_space<hbm>>) target(%dma_start3A_203 : memref<16xi32, #tpu.memory_space<vmem>>) target_semaphore(%arg26 : memref<!tpu.dma_semaphore, #tpu.memory_space<semaphore_mem>>)
    %rem3A_205 = arith.constant 1 : i32
    %rem3A_206 = arith.constant 3 : i32
    %rem3A_207 = arith.remsi %rem3A_205, %rem3A_206 : i32
    %rem3A_208 = arith.constant 1 : i32
    %rem3A_209 = arith.constant 6 : i32
    %rem3A_210 = arith.remsi %rem3A_208, %rem3A_209 : i32
    %add3A_211 = arith.constant 16 : i32
    %add3A_212 = arith.addi %mul3A_178, %add3A_211 : i32
    %dma_start3A_213 = arith.constant 0 : i32
    %dma_start3A_214 = tpu.memref_slice %arg12[%rem3A_207, %dma_start3A_213] : memref<3x16xi32, #tpu.memory_space<vmem>> -> memref<1x16xi32, #tpu.memory_space<vmem>>
    %dma_start3A_215 = tpu.memref_squeeze %dma_start3A_214 : memref<1x16xi32, #tpu.memory_space<vmem>> -> memref<16xi32, #tpu.memory_space<vmem>>
    %dma_start3A_216 = tpu.memref_slice %arg7[%add3A_212] : memref<160000xi32, #tpu.memory_space<hbm>> -> memref<16xi32, #tpu.memory_space<hbm>>
    %dma_start3A_217 = arith.constant 0 : i32
    %dma_start3A_218 = tpu.memref_slice %arg12[%rem3A_207, %dma_start3A_217] : memref<3x16xi32, #tpu.memory_space<vmem>> -> memref<1x16xi32, #tpu.memory_space<vmem>>
    %dma_start3A_219 = tpu.memref_squeeze %dma_start3A_218 : memref<1x16xi32, #tpu.memory_space<vmem>> -> memref<16xi32, #tpu.memory_space<vmem>>
    %dma_start3A_220 = tpu.memref_slice %arg7[%add3A_212] : memref<160000xi32, #tpu.memory_space<hbm>> -> memref<16xi32, #tpu.memory_space<hbm>>
    tpu.enqueue_dma source(%dma_start3A_220 : memref<16xi32, #tpu.memory_space<hbm>>) target(%dma_start3A_219 : memref<16xi32, #tpu.memory_space<vmem>>) target_semaphore(%arg27 : memref<!tpu.dma_semaphore, #tpu.memory_space<semaphore_mem>>)
    %add3A_221 = arith.constant 16 : i32
    %add3A_222 = arith.addi %mul3A_178, %add3A_221 : i32
    %dma_start3A_223 = arith.constant 0 : i32
    %dma_start3A_224 = tpu.memref_slice %arg13[%rem3A_210, %dma_start3A_223] : memref<6x16xi32, #tpu.memory_space<vmem>> -> memref<1x16xi32, #tpu.memory_space<vmem>>
    %dma_start3A_225 = tpu.memref_squeeze %dma_start3A_224 : memref<1x16xi32, #tpu.memory_space<vmem>> -> memref<16xi32, #tpu.memory_space<vmem>>
    %dma_start3A_226 = tpu.memref_slice %arg8[%add3A_222] : memref<160000xi32, #tpu.memory_space<hbm>> -> memref<16xi32, #tpu.memory_space<hbm>>
    %dma_start3A_227 = arith.constant 0 : i32
    %dma_start3A_228 = tpu.memref_slice %arg13[%rem3A_210, %dma_start3A_227] : memref<6x16xi32, #tpu.memory_space<vmem>> -> memref<1x16xi32, #tpu.memory_space<vmem>>
    %dma_start3A_229 = tpu.memref_squeeze %dma_start3A_228 : memref<1x16xi32, #tpu.memory_space<vmem>> -> memref<16xi32, #tpu.memory_space<vmem>>
    %dma_start3A_230 = tpu.memref_slice %arg8[%add3A_222] : memref<160000xi32, #tpu.memory_space<hbm>> -> memref<16xi32, #tpu.memory_space<hbm>>
    tpu.enqueue_dma source(%dma_start3A_230 : memref<16xi32, #tpu.memory_space<hbm>>) target(%dma_start3A_229 : memref<16xi32, #tpu.memory_space<vmem>>) target_semaphore(%arg27 : memref<!tpu.dma_semaphore, #tpu.memory_space<semaphore_mem>>)
    %rem3A_231 = arith.constant 0 : i32
    %rem3A_232 = arith.constant 3 : i32
    %rem3A_233 = arith.remsi %rem3A_231, %rem3A_232 : i32
    %rem3A_234 = arith.constant 0 : i32
    %rem3A_235 = arith.constant 6 : i32
    %rem3A_236 = arith.remsi %rem3A_234, %rem3A_235 : i32
    %add3A_237 = arith.constant 0 : i32
    %add3A_238 = arith.addi %mul3A_178, %add3A_237 : i32
    %dma_wait3A = arith.constant 0 : i32
    %dma_wait3A_239 = tpu.memref_slice %arg12[%rem3A_233, %dma_wait3A] : memref<3x16xi32, #tpu.memory_space<vmem>> -> memref<1x16xi32, #tpu.memory_space<vmem>>
    %dma_wait3A_240 = tpu.memref_squeeze %dma_wait3A_239 : memref<1x16xi32, #tpu.memory_space<vmem>> -> memref<16xi32, #tpu.memory_space<vmem>>
    %dma_wait3A_241 = tpu.memref_slice %arg7[%add3A_238] : memref<160000xi32, #tpu.memory_space<hbm>> -> memref<16xi32, #tpu.memory_space<hbm>>
    %dma_wait3A_242 = arith.constant 0 : i32
    %dma_wait3A_243 = tpu.memref_slice %arg12[%rem3A_233, %dma_wait3A_242] : memref<3x16xi32, #tpu.memory_space<vmem>> -> memref<1x16xi32, #tpu.memory_space<vmem>>
    %dma_wait3A_244 = tpu.memref_squeeze %dma_wait3A_243 : memref<1x16xi32, #tpu.memory_space<vmem>> -> memref<16xi32, #tpu.memory_space<vmem>>
    %dma_wait3A_245 = tpu.memref_slice %arg7[%add3A_238] : memref<160000xi32, #tpu.memory_space<hbm>> -> memref<16xi32, #tpu.memory_space<hbm>>
    tpu.wait_dma2 semaphore(%arg26 : memref<!tpu.dma_semaphore, #tpu.memory_space<semaphore_mem>>) src(%dma_wait3A_245 : memref<16xi32, #tpu.memory_space<hbm>>) dst(%dma_wait3A_244 : memref<16xi32, #tpu.memory_space<vmem>>)
    %add3A_246 = arith.constant 0 : i32
    %add3A_247 = arith.addi %mul3A_178, %add3A_246 : i32
    %dma_wait3A_248 = arith.constant 0 : i32
    %dma_wait3A_249 = tpu.memref_slice %arg13[%rem3A_236, %dma_wait3A_248] : memref<6x16xi32, #tpu.memory_space<vmem>> -> memref<1x16xi32, #tpu.memory_space<vmem>>
    %dma_wait3A_250 = tpu.memref_squeeze %dma_wait3A_249 : memref<1x16xi32, #tpu.memory_space<vmem>> -> memref<16xi32, #tpu.memory_space<vmem>>
    %dma_wait3A_251 = tpu.memref_slice %arg8[%add3A_247] : memref<160000xi32, #tpu.memory_space<hbm>> -> memref<16xi32, #tpu.memory_space<hbm>>
    %dma_wait3A_252 = arith.constant 0 : i32
    %dma_wait3A_253 = tpu.memref_slice %arg13[%rem3A_236, %dma_wait3A_252] : memref<6x16xi32, #tpu.memory_space<vmem>> -> memref<1x16xi32, #tpu.memory_space<vmem>>
    %dma_wait3A_254 = tpu.memref_squeeze %dma_wait3A_253 : memref<1x16xi32, #tpu.memory_space<vmem>> -> memref<16xi32, #tpu.memory_space<vmem>>
    %dma_wait3A_255 = tpu.memref_slice %arg8[%add3A_247] : memref<160000xi32, #tpu.memory_space<hbm>> -> memref<16xi32, #tpu.memory_space<hbm>>
    tpu.wait_dma2 semaphore(%arg26 : memref<!tpu.dma_semaphore, #tpu.memory_space<semaphore_mem>>) src(%dma_wait3A_255 : memref<16xi32, #tpu.memory_space<hbm>>) dst(%dma_wait3A_254 : memref<16xi32, #tpu.memory_space<vmem>>)
    %rem3A_256 = arith.constant 1 : i32
    %rem3A_257 = arith.constant 3 : i32
    %rem3A_258 = arith.remsi %rem3A_256, %rem3A_257 : i32
    %rem3A_259 = arith.constant 1 : i32
    %rem3A_260 = arith.constant 6 : i32
    %rem3A_261 = arith.remsi %rem3A_259, %rem3A_260 : i32
    %add3A_262 = arith.constant 16 : i32
    %add3A_263 = arith.addi %mul3A_178, %add3A_262 : i32
    %dma_wait3A_264 = arith.constant 0 : i32
    %dma_wait3A_265 = tpu.memref_slice %arg12[%rem3A_258, %dma_wait3A_264] : memref<3x16xi32, #tpu.memory_space<vmem>> -> memref<1x16xi32, #tpu.memory_space<vmem>>
    %dma_wait3A_266 = tpu.memref_squeeze %dma_wait3A_265 : memref<1x16xi32, #tpu.memory_space<vmem>> -> memref<16xi32, #tpu.memory_space<vmem>>
    %dma_wait3A_267 = tpu.memref_slice %arg7[%add3A_263] : memref<160000xi32, #tpu.memory_space<hbm>> -> memref<16xi32, #tpu.memory_space<hbm>>
    %dma_wait3A_268 = arith.constant 0 : i32
    %dma_wait3A_269 = tpu.memref_slice %arg12[%rem3A_258, %dma_wait3A_268] : memref<3x16xi32, #tpu.memory_space<vmem>> -> memref<1x16xi32, #tpu.memory_space<vmem>>
    %dma_wait3A_270 = tpu.memref_squeeze %dma_wait3A_269 : memref<1x16xi32, #tpu.memory_space<vmem>> -> memref<16xi32, #tpu.memory_space<vmem>>
    %dma_wait3A_271 = tpu.memref_slice %arg7[%add3A_263] : memref<160000xi32, #tpu.memory_space<hbm>> -> memref<16xi32, #tpu.memory_space<hbm>>
    tpu.wait_dma2 semaphore(%arg27 : memref<!tpu.dma_semaphore, #tpu.memory_space<semaphore_mem>>) src(%dma_wait3A_271 : memref<16xi32, #tpu.memory_space<hbm>>) dst(%dma_wait3A_270 : memref<16xi32, #tpu.memory_space<vmem>>)
    %add3A_272 = arith.constant 16 : i32
    %add3A_273 = arith.addi %mul3A_178, %add3A_272 : i32
    %dma_wait3A_274 = arith.constant 0 : i32
    %dma_wait3A_275 = tpu.memref_slice %arg13[%rem3A_261, %dma_wait3A_274] : memref<6x16xi32, #tpu.memory_space<vmem>> -> memref<1x16xi32, #tpu.memory_space<vmem>>
    %dma_wait3A_276 = tpu.memref_squeeze %dma_wait3A_275 : memref<1x16xi32, #tpu.memory_space<vmem>> -> memref<16xi32, #tpu.memory_space<vmem>>
    %dma_wait3A_277 = tpu.memref_slice %arg8[%add3A_273] : memref<160000xi32, #tpu.memory_space<hbm>> -> memref<16xi32, #tpu.memory_space<hbm>>
    %dma_wait3A_278 = arith.constant 0 : i32
    %dma_wait3A_279 = tpu.memref_slice %arg13[%rem3A_261, %dma_wait3A_278] : memref<6x16xi32, #tpu.memory_space<vmem>> -> memref<1x16xi32, #tpu.memory_space<vmem>>
    %dma_wait3A_280 = tpu.memref_squeeze %dma_wait3A_279 : memref<1x16xi32, #tpu.memory_space<vmem>> -> memref<16xi32, #tpu.memory_space<vmem>>
    %dma_wait3A_281 = tpu.memref_slice %arg8[%add3A_273] : memref<160000xi32, #tpu.memory_space<hbm>> -> memref<16xi32, #tpu.memory_space<hbm>>
    tpu.wait_dma2 semaphore(%arg27 : memref<!tpu.dma_semaphore, #tpu.memory_space<semaphore_mem>>) src(%dma_wait3A_281 : memref<16xi32, #tpu.memory_space<hbm>>) dst(%dma_wait3A_280 : memref<16xi32, #tpu.memory_space<vmem>>)
    %rem3A_282 = arith.constant 0 : i32
    %rem3A_283 = arith.constant 3 : i32
    %rem3A_284 = arith.remsi %rem3A_282, %rem3A_283 : i32
    %rem3A_285 = arith.constant 0 : i32
    %rem3A_286 = arith.constant 6 : i32
    %rem3A_287 = arith.remsi %rem3A_285, %rem3A_286 : i32
    %eq3A = arith.constant 0 : i32
    %eq3A_288 = arith.cmpi eq, %arg0, %eq3A : i32
    %convert_element_type3A = arith.extui %eq3A_288 : i1 to i32
    %cond3A = arith.constant 0 : i32
    %cond3A_289 = arith.cmpi ne, %convert_element_type3A, %cond3A : i32
    scf.if %cond3A_289 {
      %dma_start3A_476 = arith.constant 0 : i32
      %dma_start3A_477 = tpu.memref_slice %arg12[%rem3A_284, %dma_start3A_476] : memref<3x16xi32, #tpu.memory_space<vmem>> -> memref<1x16xi32, #tpu.memory_space<vmem>>
      %dma_start3A_478 = tpu.memref_squeeze %dma_start3A_477 : memref<1x16xi32, #tpu.memory_space<vmem>> -> memref<16xi32, #tpu.memory_space<vmem>>
      %dma_start3A_479 = arith.constant 0 : i32
      %dma_start3A_480 = arith.constant 0 : i32
      %dma_start3A_481 = tpu.memref_slice %arg2[%dma_start3A_479, %dma_start3A_480] : memref<10000x128xi32, #tpu.memory_space<hbm>> -> memref<10000x128xi32, #tpu.memory_space<hbm>>
      tpu.enqueue_indirect_dma source(%dma_start3A_481 : memref<10000x128xi32, #tpu.memory_space<hbm>>) target(%arg14 : memref<16x128xi32, #tpu.memory_space<vmem>>) offsets(%dma_start3A_478 : memref<16xi32, #tpu.memory_space<vmem>>) semaphore(%arg28 : memref<!tpu.dma_semaphore, #tpu.memory_space<semaphore_mem>>)
      %dma_start3A_482 = arith.constant 0 : i32
      %dma_start3A_483 = tpu.memref_slice %arg13[%rem3A_287, %dma_start3A_482] : memref<6x16xi32, #tpu.memory_space<vmem>> -> memref<1x16xi32, #tpu.memory_space<vmem>>
      %dma_start3A_484 = tpu.memref_squeeze %dma_start3A_483 : memref<1x16xi32, #tpu.memory_space<vmem>> -> memref<16xi32, #tpu.memory_space<vmem>>
      %dma_start3A_485 = arith.constant 0 : i32
      %dma_start3A_486 = arith.constant 0 : i32
      %dma_start3A_487 = tpu.memref_slice %arg4[%dma_start3A_485, %dma_start3A_486] : memref<10000x128xi32, #tpu.memory_space<hbm>> -> memref<10000x128xi32, #tpu.memory_space<hbm>>
      tpu.enqueue_indirect_dma source(%dma_start3A_487 : memref<10000x128xi32, #tpu.memory_space<hbm>>) target(%arg16 : memref<16x128xi32, #tpu.memory_space<vmem>>) offsets(%dma_start3A_484 : memref<16xi32, #tpu.memory_space<vmem>>) semaphore(%arg28 : memref<!tpu.dma_semaphore, #tpu.memory_space<semaphore_mem>>)
    } else {
    }
    %eq3A_290 = arith.constant 1 : i32
    %eq3A_291 = arith.cmpi eq, %arg0, %eq3A_290 : i32
    %convert_element_type3A_292 = arith.extui %eq3A_291 : i1 to i32
    %cond3A_293 = arith.constant 0 : i32
    %cond3A_294 = arith.cmpi ne, %convert_element_type3A_292, %cond3A_293 : i32
    scf.if %cond3A_294 {
      %dma_start3A_476 = arith.constant 0 : i32
      %dma_start3A_477 = tpu.memref_slice %arg12[%rem3A_284, %dma_start3A_476] : memref<3x16xi32, #tpu.memory_space<vmem>> -> memref<1x16xi32, #tpu.memory_space<vmem>>
      %dma_start3A_478 = tpu.memref_squeeze %dma_start3A_477 : memref<1x16xi32, #tpu.memory_space<vmem>> -> memref<16xi32, #tpu.memory_space<vmem>>
      %dma_start3A_479 = arith.constant 0 : i32
      %dma_start3A_480 = arith.constant 0 : i32
      %dma_start3A_481 = tpu.memref_slice %arg3[%dma_start3A_479, %dma_start3A_480] : memref<10000x128xi32, #tpu.memory_space<hbm>> -> memref<10000x128xi32, #tpu.memory_space<hbm>>
      tpu.enqueue_indirect_dma source(%dma_start3A_481 : memref<10000x128xi32, #tpu.memory_space<hbm>>) target(%arg14 : memref<16x128xi32, #tpu.memory_space<vmem>>) offsets(%dma_start3A_478 : memref<16xi32, #tpu.memory_space<vmem>>) semaphore(%arg28 : memref<!tpu.dma_semaphore, #tpu.memory_space<semaphore_mem>>)
      %dma_start3A_482 = arith.constant 0 : i32
      %dma_start3A_483 = tpu.memref_slice %arg13[%rem3A_287, %dma_start3A_482] : memref<6x16xi32, #tpu.memory_space<vmem>> -> memref<1x16xi32, #tpu.memory_space<vmem>>
      %dma_start3A_484 = tpu.memref_squeeze %dma_start3A_483 : memref<1x16xi32, #tpu.memory_space<vmem>> -> memref<16xi32, #tpu.memory_space<vmem>>
      %dma_start3A_485 = arith.constant 0 : i32
      %dma_start3A_486 = arith.constant 0 : i32
      %dma_start3A_487 = tpu.memref_slice %arg5[%dma_start3A_485, %dma_start3A_486] : memref<10000x128xi32, #tpu.memory_space<hbm>> -> memref<10000x128xi32, #tpu.memory_space<hbm>>
      tpu.enqueue_indirect_dma source(%dma_start3A_487 : memref<10000x128xi32, #tpu.memory_space<hbm>>) target(%arg16 : memref<16x128xi32, #tpu.memory_space<vmem>>) offsets(%dma_start3A_484 : memref<16xi32, #tpu.memory_space<vmem>>) semaphore(%arg28 : memref<!tpu.dma_semaphore, #tpu.memory_space<semaphore_mem>>)
    } else {
    }
    %mul3A_295 = arith.constant 160000 : i32
    %mul3A_296 = arith.muli %arg0, %mul3A_295 : i32
    %add3A_297 = arith.addi %mul3A_296, %mul3A_178 : i32
    %add3A_298 = arith.constant 0 : i32
    %add3A_299 = arith.addi %add3A_297, %add3A_298 : i32
    %dma_start3A_300 = arith.constant 0 : i32
    %dma_start3A_301 = tpu.memref_slice %arg6[%add3A_299, %dma_start3A_300] : memref<320000x128xi32, #tpu.memory_space<hbm>> -> memref<16x128xi32, #tpu.memory_space<hbm>>
    %dma_start3A_302 = arith.constant 0 : i32
    %dma_start3A_303 = tpu.memref_slice %arg6[%add3A_299, %dma_start3A_302] : memref<320000x128xi32, #tpu.memory_space<hbm>> -> memref<16x128xi32, #tpu.memory_space<hbm>>
    tpu.enqueue_dma source(%dma_start3A_303 : memref<16x128xi32, #tpu.memory_space<hbm>>) target(%arg18 : memref<16x128xi32, #tpu.memory_space<vmem>>) target_semaphore(%arg28 : memref<!tpu.dma_semaphore, #tpu.memory_space<semaphore_mem>>)
    %rem3A_304 = arith.constant 1 : i32
    %rem3A_305 = arith.constant 3 : i32
    %rem3A_306 = arith.remsi %rem3A_304, %rem3A_305 : i32
    %rem3A_307 = arith.constant 1 : i32
    %rem3A_308 = arith.constant 6 : i32
    %rem3A_309 = arith.remsi %rem3A_307, %rem3A_308 : i32
    %eq3A_310 = arith.constant 0 : i32
    %eq3A_311 = arith.cmpi eq, %arg0, %eq3A_310 : i32
    %convert_element_type3A_312 = arith.extui %eq3A_311 : i1 to i32
    %cond3A_313 = arith.constant 0 : i32
    %cond3A_314 = arith.cmpi ne, %convert_element_type3A_312, %cond3A_313 : i32
    scf.if %cond3A_314 {
      %dma_start3A_476 = arith.constant 0 : i32
      %dma_start3A_477 = tpu.memref_slice %arg12[%rem3A_306, %dma_start3A_476] : memref<3x16xi32, #tpu.memory_space<vmem>> -> memref<1x16xi32, #tpu.memory_space<vmem>>
      %dma_start3A_478 = tpu.memref_squeeze %dma_start3A_477 : memref<1x16xi32, #tpu.memory_space<vmem>> -> memref<16xi32, #tpu.memory_space<vmem>>
      %dma_start3A_479 = arith.constant 0 : i32
      %dma_start3A_480 = arith.constant 0 : i32
      %dma_start3A_481 = tpu.memref_slice %arg2[%dma_start3A_479, %dma_start3A_480] : memref<10000x128xi32, #tpu.memory_space<hbm>> -> memref<10000x128xi32, #tpu.memory_space<hbm>>
      tpu.enqueue_indirect_dma source(%dma_start3A_481 : memref<10000x128xi32, #tpu.memory_space<hbm>>) target(%arg15 : memref<16x128xi32, #tpu.memory_space<vmem>>) offsets(%dma_start3A_478 : memref<16xi32, #tpu.memory_space<vmem>>) semaphore(%arg29 : memref<!tpu.dma_semaphore, #tpu.memory_space<semaphore_mem>>)
      %dma_start3A_482 = arith.constant 0 : i32
      %dma_start3A_483 = tpu.memref_slice %arg13[%rem3A_309, %dma_start3A_482] : memref<6x16xi32, #tpu.memory_space<vmem>> -> memref<1x16xi32, #tpu.memory_space<vmem>>
      %dma_start3A_484 = tpu.memref_squeeze %dma_start3A_483 : memref<1x16xi32, #tpu.memory_space<vmem>> -> memref<16xi32, #tpu.memory_space<vmem>>
      %dma_start3A_485 = arith.constant 0 : i32
      %dma_start3A_486 = arith.constant 0 : i32
      %dma_start3A_487 = tpu.memref_slice %arg4[%dma_start3A_485, %dma_start3A_486] : memref<10000x128xi32, #tpu.memory_space<hbm>> -> memref<10000x128xi32, #tpu.memory_space<hbm>>
      tpu.enqueue_indirect_dma source(%dma_start3A_487 : memref<10000x128xi32, #tpu.memory_space<hbm>>) target(%arg17 : memref<16x128xi32, #tpu.memory_space<vmem>>) offsets(%dma_start3A_484 : memref<16xi32, #tpu.memory_space<vmem>>) semaphore(%arg29 : memref<!tpu.dma_semaphore, #tpu.memory_space<semaphore_mem>>)
    } else {
    }
    %eq3A_315 = arith.constant 1 : i32
    %eq3A_316 = arith.cmpi eq, %arg0, %eq3A_315 : i32
    %convert_element_type3A_317 = arith.extui %eq3A_316 : i1 to i32
    %cond3A_318 = arith.constant 0 : i32
    %cond3A_319 = arith.cmpi ne, %convert_element_type3A_317, %cond3A_318 : i32
    scf.if %cond3A_319 {
      %dma_start3A_476 = arith.constant 0 : i32
      %dma_start3A_477 = tpu.memref_slice %arg12[%rem3A_306, %dma_start3A_476] : memref<3x16xi32, #tpu.memory_space<vmem>> -> memref<1x16xi32, #tpu.memory_space<vmem>>
      %dma_start3A_478 = tpu.memref_squeeze %dma_start3A_477 : memref<1x16xi32, #tpu.memory_space<vmem>> -> memref<16xi32, #tpu.memory_space<vmem>>
      %dma_start3A_479 = arith.constant 0 : i32
      %dma_start3A_480 = arith.constant 0 : i32
      %dma_start3A_481 = tpu.memref_slice %arg3[%dma_start3A_479, %dma_start3A_480] : memref<10000x128xi32, #tpu.memory_space<hbm>> -> memref<10000x128xi32, #tpu.memory_space<hbm>>
      tpu.enqueue_indirect_dma source(%dma_start3A_481 : memref<10000x128xi32, #tpu.memory_space<hbm>>) target(%arg15 : memref<16x128xi32, #tpu.memory_space<vmem>>) offsets(%dma_start3A_478 : memref<16xi32, #tpu.memory_space<vmem>>) semaphore(%arg29 : memref<!tpu.dma_semaphore, #tpu.memory_space<semaphore_mem>>)
      %dma_start3A_482 = arith.constant 0 : i32
      %dma_start3A_483 = tpu.memref_slice %arg13[%rem3A_309, %dma_start3A_482] : memref<6x16xi32, #tpu.memory_space<vmem>> -> memref<1x16xi32, #tpu.memory_space<vmem>>
      %dma_start3A_484 = tpu.memref_squeeze %dma_start3A_483 : memref<1x16xi32, #tpu.memory_space<vmem>> -> memref<16xi32, #tpu.memory_space<vmem>>
      %dma_start3A_485 = arith.constant 0 : i32
      %dma_start3A_486 = arith.constant 0 : i32
      %dma_start3A_487 = tpu.memref_slice %arg5[%dma_start3A_485, %dma_start3A_486] : memref<10000x128xi32, #tpu.memory_space<hbm>> -> memref<10000x128xi32, #tpu.memory_space<hbm>>
      tpu.enqueue_indirect_dma source(%dma_start3A_487 : memref<10000x128xi32, #tpu.memory_space<hbm>>) target(%arg17 : memref<16x128xi32, #tpu.memory_space<vmem>>) offsets(%dma_start3A_484 : memref<16xi32, #tpu.memory_space<vmem>>) semaphore(%arg29 : memref<!tpu.dma_semaphore, #tpu.memory_space<semaphore_mem>>)
    } else {
    }
    %mul3A_320 = arith.constant 160000 : i32
    %mul3A_321 = arith.muli %arg0, %mul3A_320 : i32
    %add3A_322 = arith.addi %mul3A_321, %mul3A_178 : i32
    %add3A_323 = arith.constant 16 : i32
    %add3A_324 = arith.addi %add3A_322, %add3A_323 : i32
    %dma_start3A_325 = arith.constant 0 : i32
    %dma_start3A_326 = tpu.memref_slice %arg6[%add3A_324, %dma_start3A_325] : memref<320000x128xi32, #tpu.memory_space<hbm>> -> memref<16x128xi32, #tpu.memory_space<hbm>>
    %dma_start3A_327 = arith.constant 0 : i32
    %dma_start3A_328 = tpu.memref_slice %arg6[%add3A_324, %dma_start3A_327] : memref<320000x128xi32, #tpu.memory_space<hbm>> -> memref<16x128xi32, #tpu.memory_space<hbm>>
    tpu.enqueue_dma source(%dma_start3A_328 : memref<16x128xi32, #tpu.memory_space<hbm>>) target(%arg19 : memref<16x128xi32, #tpu.memory_space<vmem>>) target_semaphore(%arg29 : memref<!tpu.dma_semaphore, #tpu.memory_space<semaphore_mem>>)
    %rem3A_329 = arith.constant 2 : i32
    %rem3A_330 = arith.constant 3 : i32
    %rem3A_331 = arith.remsi %rem3A_329, %rem3A_330 : i32
    %rem3A_332 = arith.constant 2 : i32
    %rem3A_333 = arith.constant 6 : i32
    %rem3A_334 = arith.remsi %rem3A_332, %rem3A_333 : i32
    %add3A_335 = arith.constant 32 : i32
    %add3A_336 = arith.addi %mul3A_178, %add3A_335 : i32
    %dma_start3A_337 = arith.constant 0 : i32
    %dma_start3A_338 = tpu.memref_slice %arg12[%rem3A_331, %dma_start3A_337] : memref<3x16xi32, #tpu.memory_space<vmem>> -> memref<1x16xi32, #tpu.memory_space<vmem>>
    %dma_start3A_339 = tpu.memref_squeeze %dma_start3A_338 : memref<1x16xi32, #tpu.memory_space<vmem>> -> memref<16xi32, #tpu.memory_space<vmem>>
    %dma_start3A_340 = tpu.memref_slice %arg7[%add3A_336] : memref<160000xi32, #tpu.memory_space<hbm>> -> memref<16xi32, #tpu.memory_space<hbm>>
    %dma_start3A_341 = arith.constant 0 : i32
    %dma_start3A_342 = tpu.memref_slice %arg12[%rem3A_331, %dma_start3A_341] : memref<3x16xi32, #tpu.memory_space<vmem>> -> memref<1x16xi32, #tpu.memory_space<vmem>>
    %dma_start3A_343 = tpu.memref_squeeze %dma_start3A_342 : memref<1x16xi32, #tpu.memory_space<vmem>> -> memref<16xi32, #tpu.memory_space<vmem>>
    %dma_start3A_344 = tpu.memref_slice %arg7[%add3A_336] : memref<160000xi32, #tpu.memory_space<hbm>> -> memref<16xi32, #tpu.memory_space<hbm>>
    tpu.enqueue_dma source(%dma_start3A_344 : memref<16xi32, #tpu.memory_space<hbm>>) target(%dma_start3A_343 : memref<16xi32, #tpu.memory_space<vmem>>) target_semaphore(%arg26 : memref<!tpu.dma_semaphore, #tpu.memory_space<semaphore_mem>>)
    %add3A_345 = arith.constant 32 : i32
    %add3A_346 = arith.addi %mul3A_178, %add3A_345 : i32
    %dma_start3A_347 = arith.constant 0 : i32
    %dma_start3A_348 = tpu.memref_slice %arg13[%rem3A_334, %dma_start3A_347] : memref<6x16xi32, #tpu.memory_space<vmem>> -> memref<1x16xi32, #tpu.memory_space<vmem>>
    %dma_start3A_349 = tpu.memref_squeeze %dma_start3A_348 : memref<1x16xi32, #tpu.memory_space<vmem>> -> memref<16xi32, #tpu.memory_space<vmem>>
    %dma_start3A_350 = tpu.memref_slice %arg8[%add3A_346] : memref<160000xi32, #tpu.memory_space<hbm>> -> memref<16xi32, #tpu.memory_space<hbm>>
    %dma_start3A_351 = arith.constant 0 : i32
    %dma_start3A_352 = tpu.memref_slice %arg13[%rem3A_334, %dma_start3A_351] : memref<6x16xi32, #tpu.memory_space<vmem>> -> memref<1x16xi32, #tpu.memory_space<vmem>>
    %dma_start3A_353 = tpu.memref_squeeze %dma_start3A_352 : memref<1x16xi32, #tpu.memory_space<vmem>> -> memref<16xi32, #tpu.memory_space<vmem>>
    %dma_start3A_354 = tpu.memref_slice %arg8[%add3A_346] : memref<160000xi32, #tpu.memory_space<hbm>> -> memref<16xi32, #tpu.memory_space<hbm>>
    tpu.enqueue_dma source(%dma_start3A_354 : memref<16xi32, #tpu.memory_space<hbm>>) target(%dma_start3A_353 : memref<16xi32, #tpu.memory_space<vmem>>) target_semaphore(%arg26 : memref<!tpu.dma_semaphore, #tpu.memory_space<semaphore_mem>>)
    %dma_start3A_355 = arith.constant 0 : i32
    %dma_start3A_356 = arith.constant 0 : i32
    %dma_start3A_357 = tpu.memref_slice %arg13[%dma_start3A_355, %dma_start3A_356] : memref<6x16xi32, #tpu.memory_space<vmem>> -> memref<1x16xi32, #tpu.memory_space<vmem>>
    %dma_start3A_358 = tpu.memref_squeeze %dma_start3A_357 : memref<1x16xi32, #tpu.memory_space<vmem>> -> memref<16xi32, #tpu.memory_space<vmem>>
    %dma_start3A_359 = arith.constant 0 : i32
    %dma_start3A_360 = arith.constant 0 : i32
    %dma_start3A_361 = tpu.memref_slice %arg24[%dma_start3A_359, %dma_start3A_360] : memref<10240x128xf32, #tpu.memory_space<vmem_shared>> -> memref<10240x128xf32, #tpu.memory_space<vmem_shared>>
    tpu.enqueue_indirect_dma source(%arg20 : memref<16x128xf32, #tpu.memory_space<vmem>>) target(%dma_start3A_361 : memref<10240x128xf32, #tpu.memory_space<vmem_shared>>) offsets(%dma_start3A_358 : memref<16xi32, #tpu.memory_space<vmem>>) semaphore(%arg30 : memref<!tpu.dma_semaphore, #tpu.memory_space<semaphore_mem>>) {add = true}
    %dma_start3A_362 = arith.constant 1 : i32
    %dma_start3A_363 = arith.constant 0 : i32
    %dma_start3A_364 = tpu.memref_slice %arg13[%dma_start3A_362, %dma_start3A_363] : memref<6x16xi32, #tpu.memory_space<vmem>> -> memref<1x16xi32, #tpu.memory_space<vmem>>
    %dma_start3A_365 = tpu.memref_squeeze %dma_start3A_364 : memref<1x16xi32, #tpu.memory_space<vmem>> -> memref<16xi32, #tpu.memory_space<vmem>>
    %dma_start3A_366 = arith.constant 0 : i32
    %dma_start3A_367 = arith.constant 0 : i32
    %dma_start3A_368 = tpu.memref_slice %arg24[%dma_start3A_366, %dma_start3A_367] : memref<10240x128xf32, #tpu.memory_space<vmem_shared>> -> memref<10240x128xf32, #tpu.memory_space<vmem_shared>>
    tpu.enqueue_indirect_dma source(%arg21 : memref<16x128xf32, #tpu.memory_space<vmem>>) target(%dma_start3A_368 : memref<10240x128xf32, #tpu.memory_space<vmem_shared>>) offsets(%dma_start3A_365 : memref<16xi32, #tpu.memory_space<vmem>>) semaphore(%arg31 : memref<!tpu.dma_semaphore, #tpu.memory_space<semaphore_mem>>) {add = true}
    %eq3A_369 = arith.constant 0 : i32
    %eq3A_370 = arith.cmpi eq, %arg0, %eq3A_369 : i32
    %convert_element_type3A_371 = arith.extui %eq3A_370 : i1 to i32
    %cond3A_372 = arith.constant 0 : i32
    %cond3A_373 = arith.cmpi ne, %convert_element_type3A_371, %cond3A_372 : i32
    scf.if %cond3A_373 {
      %dma_start3A_476 = arith.constant 0 : i32
      %dma_start3A_477 = arith.constant 0 : i32
      %dma_start3A_478 = tpu.memref_slice %arg23[%dma_start3A_477] : memref<640xf32, #tpu.memory_space<vmem>> -> memref<16xf32, #tpu.memory_space<vmem>>
      %dma_start3A_479 = arith.constant 0 : i32
      %dma_start3A_480 = tpu.memref_slice %arg13[%dma_start3A_476, %dma_start3A_479] : memref<6x16xi32, #tpu.memory_space<vmem>> -> memref<1x16xi32, #tpu.memory_space<vmem>>
      %dma_start3A_481 = tpu.memref_squeeze %dma_start3A_480 : memref<1x16xi32, #tpu.memory_space<vmem>> -> memref<16xi32, #tpu.memory_space<vmem>>
      %dma_start3A_482 = arith.constant 0 : i32
      %dma_start3A_483 = tpu.memref_slice %arg25[%dma_start3A_482] : memref<10240xf32, #tpu.memory_space<vmem_shared>> -> memref<10240xf32, #tpu.memory_space<vmem_shared>>
      tpu.enqueue_indirect_dma source(%dma_start3A_478 : memref<16xf32, #tpu.memory_space<vmem>>) target(%dma_start3A_483 : memref<10240xf32, #tpu.memory_space<vmem_shared>>) offsets(%dma_start3A_481 : memref<16xi32, #tpu.memory_space<vmem>>) semaphore(%arg32 : memref<!tpu.dma_semaphore, #tpu.memory_space<semaphore_mem>>) {add = true}
    } else {
    }
    %eq3A_374 = arith.constant 1 : i32
    %eq3A_375 = arith.cmpi eq, %arg0, %eq3A_374 : i32
    %convert_element_type3A_376 = arith.extui %eq3A_375 : i1 to i32
    %cond3A_377 = arith.constant 0 : i32
    %cond3A_378 = arith.cmpi ne, %convert_element_type3A_376, %cond3A_377 : i32
    scf.if %cond3A_378 {
      %dma_start3A_476 = arith.constant 1 : i32
      %dma_start3A_477 = arith.constant 0 : i32
      %dma_start3A_478 = tpu.memref_slice %arg23[%dma_start3A_477] : memref<640xf32, #tpu.memory_space<vmem>> -> memref<16xf32, #tpu.memory_space<vmem>>
      %dma_start3A_479 = arith.constant 0 : i32
      %dma_start3A_480 = tpu.memref_slice %arg13[%dma_start3A_476, %dma_start3A_479] : memref<6x16xi32, #tpu.memory_space<vmem>> -> memref<1x16xi32, #tpu.memory_space<vmem>>
      %dma_start3A_481 = tpu.memref_squeeze %dma_start3A_480 : memref<1x16xi32, #tpu.memory_space<vmem>> -> memref<16xi32, #tpu.memory_space<vmem>>
      %dma_start3A_482 = arith.constant 0 : i32
      %dma_start3A_483 = tpu.memref_slice %arg25[%dma_start3A_482] : memref<10240xf32, #tpu.memory_space<vmem_shared>> -> memref<10240xf32, #tpu.memory_space<vmem_shared>>
      tpu.enqueue_indirect_dma source(%dma_start3A_478 : memref<16xf32, #tpu.memory_space<vmem>>) target(%dma_start3A_483 : memref<10240xf32, #tpu.memory_space<vmem_shared>>) offsets(%dma_start3A_481 : memref<16xi32, #tpu.memory_space<vmem>>) semaphore(%arg32 : memref<!tpu.dma_semaphore, #tpu.memory_space<semaphore_mem>>) {add = true}
    } else {
    }
    %scan3A_379 = arith.constant 0 : i32
    %scan3A_380 = arith.constant 0 : i32
    %scan3A_381 = arith.constant 312 : i32
    %scan3A_382 = arith.addi %scan3A_380, %scan3A_381 : i32
    %scan3A_383 = arith.constant 1 : i32
    scf.for %scan3A_476 = %scan3A_380 to %scan3A_382 step %scan3A_383  : i32 {
      %mul3A_477 = arith.constant 2 : i32
      %mul3A_478 = arith.muli %mul3A_477, %scan3A_476 : i32
      %add3A_479 = arith.constant 1 : i32
      %add3A_480 = arith.addi %mul3A_478, %add3A_479 : i32
      %add3A_481 = arith.constant 2 : i32
      %add3A_482 = arith.addi %mul3A_478, %add3A_481 : i32
      %rem3A_483 = arith.constant 3 : i32
      %rem3A_484 = arith.remsi %add3A_482, %rem3A_483 : i32
      %rem3A_485 = arith.constant 6 : i32
      %rem3A_486 = arith.remsi %add3A_482, %rem3A_485 : i32
      %mul3A_487 = arith.constant 16 : i32
      %mul3A_488 = arith.muli %add3A_482, %mul3A_487 : i32
      %add3A_489 = arith.addi %mul3A_178, %mul3A_488 : i32
      %dma_wait3A_490 = arith.constant 0 : i32
      %dma_wait3A_491 = tpu.memref_slice %arg12[%rem3A_484, %dma_wait3A_490] : memref<3x16xi32, #tpu.memory_space<vmem>> -> memref<1x16xi32, #tpu.memory_space<vmem>>
      %dma_wait3A_492 = tpu.memref_squeeze %dma_wait3A_491 : memref<1x16xi32, #tpu.memory_space<vmem>> -> memref<16xi32, #tpu.memory_space<vmem>>
      %dma_wait3A_493 = tpu.memref_slice %arg7[%add3A_489] : memref<160000xi32, #tpu.memory_space<hbm>> -> memref<16xi32, #tpu.memory_space<hbm>>
      %dma_wait3A_494 = arith.constant 0 : i32
      %dma_wait3A_495 = tpu.memref_slice %arg12[%rem3A_484, %dma_wait3A_494] : memref<3x16xi32, #tpu.memory_space<vmem>> -> memref<1x16xi32, #tpu.memory_space<vmem>>
      %dma_wait3A_496 = tpu.memref_squeeze %dma_wait3A_495 : memref<1x16xi32, #tpu.memory_space<vmem>> -> memref<16xi32, #tpu.memory_space<vmem>>
      %dma_wait3A_497 = tpu.memref_slice %arg7[%add3A_489] : memref<160000xi32, #tpu.memory_space<hbm>> -> memref<16xi32, #tpu.memory_space<hbm>>
      tpu.wait_dma2 semaphore(%arg26 : memref<!tpu.dma_semaphore, #tpu.memory_space<semaphore_mem>>) src(%dma_wait3A_497 : memref<16xi32, #tpu.memory_space<hbm>>) dst(%dma_wait3A_496 : memref<16xi32, #tpu.memory_space<vmem>>)
      %mul3A_498 = arith.constant 16 : i32
      %mul3A_499 = arith.muli %add3A_482, %mul3A_498 : i32
      %add3A_500 = arith.addi %mul3A_178, %mul3A_499 : i32
      %dma_wait3A_501 = arith.constant 0 : i32
      %dma_wait3A_502 = tpu.memref_slice %arg13[%rem3A_486, %dma_wait3A_501] : memref<6x16xi32, #tpu.memory_space<vmem>> -> memref<1x16xi32, #tpu.memory_space<vmem>>
      %dma_wait3A_503 = tpu.memref_squeeze %dma_wait3A_502 : memref<1x16xi32, #tpu.memory_space<vmem>> -> memref<16xi32, #tpu.memory_space<vmem>>
      %dma_wait3A_504 = tpu.memref_slice %arg8[%add3A_500] : memref<160000xi32, #tpu.memory_space<hbm>> -> memref<16xi32, #tpu.memory_space<hbm>>
      %dma_wait3A_505 = arith.constant 0 : i32
      %dma_wait3A_506 = tpu.memref_slice %arg13[%rem3A_486, %dma_wait3A_505] : memref<6x16xi32, #tpu.memory_space<vmem>> -> memref<1x16xi32, #tpu.memory_space<vmem>>
      %dma_wait3A_507 = tpu.memref_squeeze %dma_wait3A_506 : memref<1x16xi32, #tpu.memory_space<vmem>> -> memref<16xi32, #tpu.memory_space<vmem>>
      %dma_wait3A_508 = tpu.memref_slice %arg8[%add3A_500] : memref<160000xi32, #tpu.memory_space<hbm>> -> memref<16xi32, #tpu.memory_space<hbm>>
      tpu.wait_dma2 semaphore(%arg26 : memref<!tpu.dma_semaphore, #tpu.memory_space<semaphore_mem>>) src(%dma_wait3A_508 : memref<16xi32, #tpu.memory_space<hbm>>) dst(%dma_wait3A_507 : memref<16xi32, #tpu.memory_space<vmem>>)
      %rem3A_509 = arith.constant 3 : i32
      %rem3A_510 = arith.remsi %mul3A_478, %rem3A_509 : i32
      %rem3A_511 = arith.constant 6 : i32
      %rem3A_512 = arith.remsi %mul3A_478, %rem3A_511 : i32
      %dma_wait3A_513 = arith.constant 0 : i32
      %dma_wait3A_514 = tpu.memref_slice %arg12[%rem3A_510, %dma_wait3A_513] : memref<3x16xi32, #tpu.memory_space<vmem>> -> memref<1x16xi32, #tpu.memory_space<vmem>>
      %dma_wait3A_515 = tpu.memref_squeeze %dma_wait3A_514 : memref<1x16xi32, #tpu.memory_space<vmem>> -> memref<16xi32, #tpu.memory_space<vmem>>
      %dma_wait3A_516 = arith.constant 0 : i32
      %dma_wait3A_517 = arith.constant 0 : i32
      %dma_wait3A_518 = tpu.memref_slice %arg2[%dma_wait3A_516, %dma_wait3A_517] : memref<10000x128xi32, #tpu.memory_space<hbm>> -> memref<10000x128xi32, #tpu.memory_space<hbm>>
      tpu.wait_indirect_dma semaphore(%arg28 : memref<!tpu.dma_semaphore, #tpu.memory_space<semaphore_mem>>) src(%dma_wait3A_518 : memref<10000x128xi32, #tpu.memory_space<hbm>>) dst(%arg14 : memref<16x128xi32, #tpu.memory_space<vmem>>)
      %dma_wait3A_519 = arith.constant 0 : i32
      %dma_wait3A_520 = tpu.memref_slice %arg13[%rem3A_512, %dma_wait3A_519] : memref<6x16xi32, #tpu.memory_space<vmem>> -> memref<1x16xi32, #tpu.memory_space<vmem>>
      %dma_wait3A_521 = tpu.memref_squeeze %dma_wait3A_520 : memref<1x16xi32, #tpu.memory_space<vmem>> -> memref<16xi32, #tpu.memory_space<vmem>>
      %dma_wait3A_522 = arith.constant 0 : i32
      %dma_wait3A_523 = arith.constant 0 : i32
      %dma_wait3A_524 = tpu.memref_slice %arg4[%dma_wait3A_522, %dma_wait3A_523] : memref<10000x128xi32, #tpu.memory_space<hbm>> -> memref<10000x128xi32, #tpu.memory_space<hbm>>
      tpu.wait_indirect_dma semaphore(%arg28 : memref<!tpu.dma_semaphore, #tpu.memory_space<semaphore_mem>>) src(%dma_wait3A_524 : memref<10000x128xi32, #tpu.memory_space<hbm>>) dst(%arg16 : memref<16x128xi32, #tpu.memory_space<vmem>>)
      %mul3A_525 = arith.constant 160000 : i32
      %mul3A_526 = arith.muli %arg0, %mul3A_525 : i32
      %add3A_527 = arith.addi %mul3A_526, %mul3A_178 : i32
      %mul3A_528 = arith.constant 16 : i32
      %mul3A_529 = arith.muli %mul3A_478, %mul3A_528 : i32
      %add3A_530 = arith.addi %add3A_527, %mul3A_529 : i32
      %dma_wait3A_531 = arith.constant 0 : i32
      %dma_wait3A_532 = tpu.memref_slice %arg6[%add3A_530, %dma_wait3A_531] : memref<320000x128xi32, #tpu.memory_space<hbm>> -> memref<16x128xi32, #tpu.memory_space<hbm>>
      %dma_wait3A_533 = arith.constant 0 : i32
      %dma_wait3A_534 = tpu.memref_slice %arg6[%add3A_530, %dma_wait3A_533] : memref<320000x128xi32, #tpu.memory_space<hbm>> -> memref<16x128xi32, #tpu.memory_space<hbm>>
      tpu.wait_dma2 semaphore(%arg28 : memref<!tpu.dma_semaphore, #tpu.memory_space<semaphore_mem>>) src(%dma_wait3A_534 : memref<16x128xi32, #tpu.memory_space<hbm>>) dst(%arg18 : memref<16x128xi32, #tpu.memory_space<vmem>>)
      %rem3A_535 = arith.constant 6 : i32
      %rem3A_536 = arith.remsi %mul3A_478, %rem3A_535 : i32
      %dma_wait3A_537 = arith.constant 0 : i32
      %dma_wait3A_538 = tpu.memref_slice %arg13[%rem3A_536, %dma_wait3A_537] : memref<6x16xi32, #tpu.memory_space<vmem>> -> memref<1x16xi32, #tpu.memory_space<vmem>>
      %dma_wait3A_539 = tpu.memref_squeeze %dma_wait3A_538 : memref<1x16xi32, #tpu.memory_space<vmem>> -> memref<16xi32, #tpu.memory_space<vmem>>
      %dma_wait3A_540 = arith.constant 0 : i32
      %dma_wait3A_541 = arith.constant 0 : i32
      %dma_wait3A_542 = tpu.memref_slice %arg24[%dma_wait3A_540, %dma_wait3A_541] : memref<10240x128xf32, #tpu.memory_space<vmem_shared>> -> memref<10240x128xf32, #tpu.memory_space<vmem_shared>>
      tpu.wait_indirect_dma semaphore(%arg30 : memref<!tpu.dma_semaphore, #tpu.memory_space<semaphore_mem>>) src(%arg20 : memref<16x128xf32, #tpu.memory_space<vmem>>) dst(%dma_wait3A_542 : memref<10240x128xf32, #tpu.memory_space<vmem_shared>>)
      %scan3A_543 = arith.constant 0 : i32
      %scan3A_544 = arith.constant 0 : i32
      %scan3A_545 = arith.constant 8 : i32
      %scan3A_546 = arith.addi %scan3A_544, %scan3A_545 : i32
      %scan3A_547 = arith.constant 1 : i32
      scf.for %scan3A_646 = %scan3A_544 to %scan3A_546 step %scan3A_547  : i32 {
        %mul3A_647 = arith.constant 2 : i32
        %mul3A_648 = arith.muli %mul3A_647, %scan3A_646 : i32
        %add3A_649 = arith.constant 0 : i32
        %add3A_650 = arith.addi %mul3A_648, %add3A_649 : i32
        %get3A = arith.index_cast %add3A_650 : i32 to index
        %get3A_651 = arith.constant 0 : index
        %get3A_652 = tpu.vector_load %arg14[%get3A, %get3A_651] {strides = array<i32>} : memref<16x128xi32, #tpu.memory_space<vmem>>, vector<1x16xi32>,
        %get3A_653 = vector.shape_cast %get3A_652 : vector<1x16xi32> to vector<16xi32>
        %get3A_654 = arith.index_cast %add3A_650 : i32 to index
        %get3A_655 = arith.constant 0 : index
        %get3A_656 = tpu.vector_load %arg16[%get3A_654, %get3A_655] {strides = array<i32>} : memref<16x128xi32, #tpu.memory_space<vmem>>, vector<1x16xi32>,
        %get3A_657 = vector.shape_cast %get3A_656 : vector<1x16xi32> to vector<16xi32>
        %get3A_658 = arith.index_cast %add3A_650 : i32 to index
        %get3A_659 = arith.constant 0 : index
        %get3A_660 = tpu.vector_load %arg18[%get3A_658, %get3A_659] {strides = array<i32>} : memref<16x128xi32, #tpu.memory_space<vmem>>, vector<1x16xi32>,
        %get3A_661 = vector.shape_cast %get3A_660 : vector<1x16xi32> to vector<16xi32>
        %shift_left3A = arith.constant 16 : i32
        %shift_left3A_662 = vector.broadcast %shift_left3A : i32 to vector<16xi32>
        %shift_left3A_663 = arith.shli %get3A_653, %shift_left3A_662 : vector<16xi32>
        %bitcast_convert_type3A = tpu.bitcast %shift_left3A_663 : vector<16xi32> -> vector<16xf32>
        %shift_left3A_664 = arith.constant 16 : i32
        %shift_left3A_665 = vector.broadcast %shift_left3A_664 : i32 to vector<16xi32>
        %shift_left3A_666 = arith.shli %get3A_657, %shift_left3A_665 : vector<16xi32>
        %bitcast_convert_type3A_667 = tpu.bitcast %shift_left3A_666 : vector<16xi32> -> vector<16xf32>
        %shift_left3A_668 = arith.constant 16 : i32
        %shift_left3A_669 = vector.broadcast %shift_left3A_668 : i32 to vector<16xi32>
        %shift_left3A_670 = arith.shli %get3A_661, %shift_left3A_669 : vector<16xi32>
        %bitcast_convert_type3A_671 = tpu.bitcast %shift_left3A_670 : vector<16xi32> -> vector<16xf32>
        %and3A = arith.andi %get3A_653, %broadcast_in_dim3A_180 : vector<16xi32>
        %bitcast_convert_type3A_672 = tpu.bitcast %and3A : vector<16xi32> -> vector<16xf32>
        %and3A_673 = arith.andi %get3A_657, %broadcast_in_dim3A_180 : vector<16xi32>
        %bitcast_convert_type3A_674 = tpu.bitcast %and3A_673 : vector<16xi32> -> vector<16xf32>
        %and3A_675 = arith.andi %get3A_661, %broadcast_in_dim3A_180 : vector<16xi32>
        %bitcast_convert_type3A_676 = tpu.bitcast %and3A_675 : vector<16xi32> -> vector<16xf32>
        %add3A_677 = arith.addf %bitcast_convert_type3A, %bitcast_convert_type3A_667 : vector<16xf32>
        %add3A_678 = arith.addf %add3A_677, %bitcast_convert_type3A_671 : vector<16xf32>
        %max3A = arith.constant 0.000000e+00 : f32
        %max3A_679 = vector.broadcast %max3A : f32 to vector<16xf32>
        %max3A_680 = arith.maximumf %add3A_678, %max3A_679 : vector<16xf32>
        %swap3A_681 = arith.index_cast %add3A_650 : i32 to index
        %swap3A_682 = arith.constant 0 : index
        %swap3A_683 = tpu.vector_load %arg20[%swap3A_681, %swap3A_682] {strides = array<i32>} : memref<16x128xf32, #tpu.memory_space<vmem>>, vector<1x16xf32>,
        %swap3A_684 = vector.shape_cast %swap3A_683 : vector<1x16xf32> to vector<16xf32>
        %swap3A_685 = vector.shape_cast %max3A_680 : vector<16xf32> to vector<1x16xf32>
        tpu.vector_store %arg20[%swap3A_681, %swap3A_682], %swap3A_685 {strides = array<i32>} : memref<16x128xf32, #tpu.memory_space<vmem>>, vector<1x16xf32>,
        %add3A_686 = arith.addf %bitcast_convert_type3A_672, %bitcast_convert_type3A_674 : vector<16xf32>
        %add3A_687 = arith.addf %add3A_686, %bitcast_convert_type3A_676 : vector<16xf32>
        %max3A_688 = arith.constant 0.000000e+00 : f32
        %max3A_689 = vector.broadcast %max3A_688 : f32 to vector<16xf32>
        %max3A_690 = arith.maximumf %add3A_687, %max3A_689 : vector<16xf32>
        %swap3A_691 = arith.index_cast %add3A_650 : i32 to index
        %swap3A_692 = arith.constant 64 : index
        %swap3A_693 = tpu.vector_load %arg20[%swap3A_691, %swap3A_692] {strides = array<i32>} : memref<16x128xf32, #tpu.memory_space<vmem>>, vector<1x16xf32>,
        %swap3A_694 = vector.shape_cast %swap3A_693 : vector<1x16xf32> to vector<16xf32>
        %swap3A_695 = vector.shape_cast %max3A_690 : vector<16xf32> to vector<1x16xf32>
        tpu.vector_store %arg20[%swap3A_691, %swap3A_692], %swap3A_695 {strides = array<i32>} : memref<16x128xf32, #tpu.memory_space<vmem>>, vector<1x16xf32>,
        %get3A_696 = arith.index_cast %add3A_650 : i32 to index
        %get3A_697 = arith.constant 16 : index
        %get3A_698 = tpu.vector_load %arg14[%get3A_696, %get3A_697] {strides = array<i32>} : memref<16x128xi32, #tpu.memory_space<vmem>>, vector<1x16xi32>,
        %get3A_699 = vector.shape_cast %get3A_698 : vector<1x16xi32> to vector<16xi32>
        %get3A_700 = arith.index_cast %add3A_650 : i32 to index
        %get3A_701 = arith.constant 16 : index
        %get3A_702 = tpu.vector_load %arg16[%get3A_700, %get3A_701] {strides = array<i32>} : memref<16x128xi32, #tpu.memory_space<vmem>>, vector<1x16xi32>,
        %get3A_703 = vector.shape_cast %get3A_702 : vector<1x16xi32> to vector<16xi32>
        %get3A_704 = arith.index_cast %add3A_650 : i32 to index
        %get3A_705 = arith.constant 16 : index
        %get3A_706 = tpu.vector_load %arg18[%get3A_704, %get3A_705] {strides = array<i32>} : memref<16x128xi32, #tpu.memory_space<vmem>>, vector<1x16xi32>,
        %get3A_707 = vector.shape_cast %get3A_706 : vector<1x16xi32> to vector<16xi32>
        %shift_left3A_708 = arith.constant 16 : i32
        %shift_left3A_709 = vector.broadcast %shift_left3A_708 : i32 to vector<16xi32>
        %shift_left3A_710 = arith.shli %get3A_699, %shift_left3A_709 : vector<16xi32>
        %bitcast_convert_type3A_711 = tpu.bitcast %shift_left3A_710 : vector<16xi32> -> vector<16xf32>
        %shift_left3A_712 = arith.constant 16 : i32
        %shift_left3A_713 = vector.broadcast %shift_left3A_712 : i32 to vector<16xi32>
        %shift_left3A_714 = arith.shli %get3A_703, %shift_left3A_713 : vector<16xi32>
        %bitcast_convert_type3A_715 = tpu.bitcast %shift_left3A_714 : vector<16xi32> -> vector<16xf32>
        %shift_left3A_716 = arith.constant 16 : i32
        %shift_left3A_717 = vector.broadcast %shift_left3A_716 : i32 to vector<16xi32>
        %shift_left3A_718 = arith.shli %get3A_707, %shift_left3A_717 : vector<16xi32>
        %bitcast_convert_type3A_719 = tpu.bitcast %shift_left3A_718 : vector<16xi32> -> vector<16xf32>
        %and3A_720 = arith.andi %get3A_699, %broadcast_in_dim3A_180 : vector<16xi32>
        %bitcast_convert_type3A_721 = tpu.bitcast %and3A_720 : vector<16xi32> -> vector<16xf32>
        %and3A_722 = arith.andi %get3A_703, %broadcast_in_dim3A_180 : vector<16xi32>
        %bitcast_convert_type3A_723 = tpu.bitcast %and3A_722 : vector<16xi32> -> vector<16xf32>
        %and3A_724 = arith.andi %get3A_707, %broadcast_in_dim3A_180 : vector<16xi32>
        %bitcast_convert_type3A_725 = tpu.bitcast %and3A_724 : vector<16xi32> -> vector<16xf32>
        %add3A_726 = arith.addf %bitcast_convert_type3A_711, %bitcast_convert_type3A_715 : vector<16xf32>
        %add3A_727 = arith.addf %add3A_726, %bitcast_convert_type3A_719 : vector<16xf32>
        %max3A_728 = arith.constant 0.000000e+00 : f32
        %max3A_729 = vector.broadcast %max3A_728 : f32 to vector<16xf32>
        %max3A_730 = arith.maximumf %add3A_727, %max3A_729 : vector<16xf32>
        %swap3A_731 = arith.index_cast %add3A_650 : i32 to index
        %swap3A_732 = arith.constant 16 : index
        %swap3A_733 = tpu.vector_load %arg20[%swap3A_731, %swap3A_732] {strides = array<i32>} : memref<16x128xf32, #tpu.memory_space<vmem>>, vector<1x16xf32>,
        %swap3A_734 = vector.shape_cast %swap3A_733 : vector<1x16xf32> to vector<16xf32>
        %swap3A_735 = vector.shape_cast %max3A_730 : vector<16xf32> to vector<1x16xf32>
        tpu.vector_store %arg20[%swap3A_731, %swap3A_732], %swap3A_735 {strides = array<i32>} : memref<16x128xf32, #tpu.memory_space<vmem>>, vector<1x16xf32>,
        %add3A_736 = arith.addf %bitcast_convert_type3A_721, %bitcast_convert_type3A_723 : vector<16xf32>
        %add3A_737 = arith.addf %add3A_736, %bitcast_convert_type3A_725 : vector<16xf32>
        %max3A_738 = arith.constant 0.000000e+00 : f32
        %max3A_739 = vector.broadcast %max3A_738 : f32 to vector<16xf32>
        %max3A_740 = arith.maximumf %add3A_737, %max3A_739 : vector<16xf32>
        %swap3A_741 = arith.index_cast %add3A_650 : i32 to index
        %swap3A_742 = arith.constant 80 : index
        %swap3A_743 = tpu.vector_load %arg20[%swap3A_741, %swap3A_742] {strides = array<i32>} : memref<16x128xf32, #tpu.memory_space<vmem>>, vector<1x16xf32>,
        %swap3A_744 = vector.shape_cast %swap3A_743 : vector<1x16xf32> to vector<16xf32>
        %swap3A_745 = vector.shape_cast %max3A_740 : vector<16xf32> to vector<1x16xf32>
        tpu.vector_store %arg20[%swap3A_741, %swap3A_742], %swap3A_745 {strides = array<i32>} : memref<16x128xf32, #tpu.memory_space<vmem>>, vector<1x16xf32>,
        %get3A_746 = arith.index_cast %add3A_650 : i32 to index
        %get3A_747 = arith.constant 32 : index
        %get3A_748 = tpu.vector_load %arg14[%get3A_746, %get3A_747] {strides = array<i32>} : memref<16x128xi32, #tpu.memory_space<vmem>>, vector<1x16xi32>,
        %get3A_749 = vector.shape_cast %get3A_748 : vector<1x16xi32> to vector<16xi32>
        %get3A_750 = arith.index_cast %add3A_650 : i32 to index
        %get3A_751 = arith.constant 32 : index
        %get3A_752 = tpu.vector_load %arg16[%get3A_750, %get3A_751] {strides = array<i32>} : memref<16x128xi32, #tpu.memory_space<vmem>>, vector<1x16xi32>,
        %get3A_753 = vector.shape_cast %get3A_752 : vector<1x16xi32> to vector<16xi32>
        %get3A_754 = arith.index_cast %add3A_650 : i32 to index
        %get3A_755 = arith.constant 32 : index
        %get3A_756 = tpu.vector_load %arg18[%get3A_754, %get3A_755] {strides = array<i32>} : memref<16x128xi32, #tpu.memory_space<vmem>>, vector<1x16xi32>,
        %get3A_757 = vector.shape_cast %get3A_756 : vector<1x16xi32> to vector<16xi32>
        %shift_left3A_758 = arith.constant 16 : i32
        %shift_left3A_759 = vector.broadcast %shift_left3A_758 : i32 to vector<16xi32>
        %shift_left3A_760 = arith.shli %get3A_749, %shift_left3A_759 : vector<16xi32>
        %bitcast_convert_type3A_761 = tpu.bitcast %shift_left3A_760 : vector<16xi32> -> vector<16xf32>
        %shift_left3A_762 = arith.constant 16 : i32
        %shift_left3A_763 = vector.broadcast %shift_left3A_762 : i32 to vector<16xi32>
        %shift_left3A_764 = arith.shli %get3A_753, %shift_left3A_763 : vector<16xi32>
        %bitcast_convert_type3A_765 = tpu.bitcast %shift_left3A_764 : vector<16xi32> -> vector<16xf32>
        %shift_left3A_766 = arith.constant 16 : i32
        %shift_left3A_767 = vector.broadcast %shift_left3A_766 : i32 to vector<16xi32>
        %shift_left3A_768 = arith.shli %get3A_757, %shift_left3A_767 : vector<16xi32>
        %bitcast_convert_type3A_769 = tpu.bitcast %shift_left3A_768 : vector<16xi32> -> vector<16xf32>
        %and3A_770 = arith.andi %get3A_749, %broadcast_in_dim3A_180 : vector<16xi32>
        %bitcast_convert_type3A_771 = tpu.bitcast %and3A_770 : vector<16xi32> -> vector<16xf32>
        %and3A_772 = arith.andi %get3A_753, %broadcast_in_dim3A_180 : vector<16xi32>
        %bitcast_convert_type3A_773 = tpu.bitcast %and3A_772 : vector<16xi32> -> vector<16xf32>
        %and3A_774 = arith.andi %get3A_757, %broadcast_in_dim3A_180 : vector<16xi32>
        %bitcast_convert_type3A_775 = tpu.bitcast %and3A_774 : vector<16xi32> -> vector<16xf32>
        %add3A_776 = arith.addf %bitcast_convert_type3A_761, %bitcast_convert_type3A_765 : vector<16xf32>
        %add3A_777 = arith.addf %add3A_776, %bitcast_convert_type3A_769 : vector<16xf32>
        %max3A_778 = arith.constant 0.000000e+00 : f32
        %max3A_779 = vector.broadcast %max3A_778 : f32 to vector<16xf32>
        %max3A_780 = arith.maximumf %add3A_777, %max3A_779 : vector<16xf32>
        %swap3A_781 = arith.index_cast %add3A_650 : i32 to index
        %swap3A_782 = arith.constant 32 : index
        %swap3A_783 = tpu.vector_load %arg20[%swap3A_781, %swap3A_782] {strides = array<i32>} : memref<16x128xf32, #tpu.memory_space<vmem>>, vector<1x16xf32>,
        %swap3A_784 = vector.shape_cast %swap3A_783 : vector<1x16xf32> to vector<16xf32>
        %swap3A_785 = vector.shape_cast %max3A_780 : vector<16xf32> to vector<1x16xf32>
        tpu.vector_store %arg20[%swap3A_781, %swap3A_782], %swap3A_785 {strides = array<i32>} : memref<16x128xf32, #tpu.memory_space<vmem>>, vector<1x16xf32>,
        %add3A_786 = arith.addf %bitcast_convert_type3A_771, %bitcast_convert_type3A_773 : vector<16xf32>
        %add3A_787 = arith.addf %add3A_786, %bitcast_convert_type3A_775 : vector<16xf32>
        %max3A_788 = arith.constant 0.000000e+00 : f32
        %max3A_789 = vector.broadcast %max3A_788 : f32 to vector<16xf32>
        %max3A_790 = arith.maximumf %add3A_787, %max3A_789 : vector<16xf32>
        %swap3A_791 = arith.index_cast %add3A_650 : i32 to index
        %swap3A_792 = arith.constant 96 : index
        %swap3A_793 = tpu.vector_load %arg20[%swap3A_791, %swap3A_792] {strides = array<i32>} : memref<16x128xf32, #tpu.memory_space<vmem>>, vector<1x16xf32>,
        %swap3A_794 = vector.shape_cast %swap3A_793 : vector<1x16xf32> to vector<16xf32>
        %swap3A_795 = vector.shape_cast %max3A_790 : vector<16xf32> to vector<1x16xf32>
        tpu.vector_store %arg20[%swap3A_791, %swap3A_792], %swap3A_795 {strides = array<i32>} : memref<16x128xf32, #tpu.memory_space<vmem>>, vector<1x16xf32>,
        %get3A_796 = arith.index_cast %add3A_650 : i32 to index
        %get3A_797 = arith.constant 48 : index
        %get3A_798 = tpu.vector_load %arg14[%get3A_796, %get3A_797] {strides = array<i32>} : memref<16x128xi32, #tpu.memory_space<vmem>>, vector<1x16xi32>,
        %get3A_799 = vector.shape_cast %get3A_798 : vector<1x16xi32> to vector<16xi32>
        %get3A_800 = arith.index_cast %add3A_650 : i32 to index
        %get3A_801 = arith.constant 48 : index
        %get3A_802 = tpu.vector_load %arg16[%get3A_800, %get3A_801] {strides = array<i32>} : memref<16x128xi32, #tpu.memory_space<vmem>>, vector<1x16xi32>,
        %get3A_803 = vector.shape_cast %get3A_802 : vector<1x16xi32> to vector<16xi32>
        %get3A_804 = arith.index_cast %add3A_650 : i32 to index
        %get3A_805 = arith.constant 48 : index
        %get3A_806 = tpu.vector_load %arg18[%get3A_804, %get3A_805] {strides = array<i32>} : memref<16x128xi32, #tpu.memory_space<vmem>>, vector<1x16xi32>,
        %get3A_807 = vector.shape_cast %get3A_806 : vector<1x16xi32> to vector<16xi32>
        %shift_left3A_808 = arith.constant 16 : i32
        %shift_left3A_809 = vector.broadcast %shift_left3A_808 : i32 to vector<16xi32>
        %shift_left3A_810 = arith.shli %get3A_799, %shift_left3A_809 : vector<16xi32>
        %bitcast_convert_type3A_811 = tpu.bitcast %shift_left3A_810 : vector<16xi32> -> vector<16xf32>
        %shift_left3A_812 = arith.constant 16 : i32
        %shift_left3A_813 = vector.broadcast %shift_left3A_812 : i32 to vector<16xi32>
        %shift_left3A_814 = arith.shli %get3A_803, %shift_left3A_813 : vector<16xi32>
        %bitcast_convert_type3A_815 = tpu.bitcast %shift_left3A_814 : vector<16xi32> -> vector<16xf32>
        %shift_left3A_816 = arith.constant 16 : i32
        %shift_left3A_817 = vector.broadcast %shift_left3A_816 : i32 to vector<16xi32>
        %shift_left3A_818 = arith.shli %get3A_807, %shift_left3A_817 : vector<16xi32>
        %bitcast_convert_type3A_819 = tpu.bitcast %shift_left3A_818 : vector<16xi32> -> vector<16xf32>
        %and3A_820 = arith.andi %get3A_799, %broadcast_in_dim3A_180 : vector<16xi32>
        %bitcast_convert_type3A_821 = tpu.bitcast %and3A_820 : vector<16xi32> -> vector<16xf32>
        %and3A_822 = arith.andi %get3A_803, %broadcast_in_dim3A_180 : vector<16xi32>
        %bitcast_convert_type3A_823 = tpu.bitcast %and3A_822 : vector<16xi32> -> vector<16xf32>
        %and3A_824 = arith.andi %get3A_807, %broadcast_in_dim3A_180 : vector<16xi32>
        %bitcast_convert_type3A_825 = tpu.bitcast %and3A_824 : vector<16xi32> -> vector<16xf32>
        %add3A_826 = arith.addf %bitcast_convert_type3A_811, %bitcast_convert_type3A_815 : vector<16xf32>
        %add3A_827 = arith.addf %add3A_826, %bitcast_convert_type3A_819 : vector<16xf32>
        %max3A_828 = arith.constant 0.000000e+00 : f32
        %max3A_829 = vector.broadcast %max3A_828 : f32 to vector<16xf32>
        %max3A_830 = arith.maximumf %add3A_827, %max3A_829 : vector<16xf32>
        %swap3A_831 = arith.index_cast %add3A_650 : i32 to index
        %swap3A_832 = arith.constant 48 : index
        %swap3A_833 = tpu.vector_load %arg20[%swap3A_831, %swap3A_832] {strides = array<i32>} : memref<16x128xf32, #tpu.memory_space<vmem>>, vector<1x16xf32>,
        %swap3A_834 = vector.shape_cast %swap3A_833 : vector<1x16xf32> to vector<16xf32>
        %swap3A_835 = vector.shape_cast %max3A_830 : vector<16xf32> to vector<1x16xf32>
        tpu.vector_store %arg20[%swap3A_831, %swap3A_832], %swap3A_835 {strides = array<i32>} : memref<16x128xf32, #tpu.memory_space<vmem>>, vector<1x16xf32>,
        %add3A_836 = arith.addf %bitcast_convert_type3A_821, %bitcast_convert_type3A_823 : vector<16xf32>
        %add3A_837 = arith.addf %add3A_836, %bitcast_convert_type3A_825 : vector<16xf32>
        %max3A_838 = arith.constant 0.000000e+00 : f32
        %max3A_839 = vector.broadcast %max3A_838 : f32 to vector<16xf32>
        %max3A_840 = arith.maximumf %add3A_837, %max3A_839 : vector<16xf32>
        %swap3A_841 = arith.index_cast %add3A_650 : i32 to index
        %swap3A_842 = arith.constant 112 : index
        %swap3A_843 = tpu.vector_load %arg20[%swap3A_841, %swap3A_842] {strides = array<i32>} : memref<16x128xf32, #tpu.memory_space<vmem>>, vector<1x16xf32>,
        %swap3A_844 = vector.shape_cast %swap3A_843 : vector<1x16xf32> to vector<16xf32>
        %swap3A_845 = vector.shape_cast %max3A_840 : vector<16xf32> to vector<1x16xf32>
        tpu.vector_store %arg20[%swap3A_841, %swap3A_842], %swap3A_845 {strides = array<i32>} : memref<16x128xf32, #tpu.memory_space<vmem>>, vector<1x16xf32>,
        %mul3A_846 = arith.constant 2 : i32
        %mul3A_847 = arith.muli %mul3A_846, %scan3A_646 : i32
        %add3A_848 = arith.constant 1 : i32
        %add3A_849 = arith.addi %mul3A_847, %add3A_848 : i32
        %get3A_850 = arith.index_cast %add3A_849 : i32 to index
        %get3A_851 = arith.constant 0 : index
        %get3A_852 = tpu.vector_load %arg14[%get3A_850, %get3A_851] {strides = array<i32>} : memref<16x128xi32, #tpu.memory_space<vmem>>, vector<1x16xi32>,
        %get3A_853 = vector.shape_cast %get3A_852 : vector<1x16xi32> to vector<16xi32>
        %get3A_854 = arith.index_cast %add3A_849 : i32 to index
        %get3A_855 = arith.constant 0 : index
        %get3A_856 = tpu.vector_load %arg16[%get3A_854, %get3A_855] {strides = array<i32>} : memref<16x128xi32, #tpu.memory_space<vmem>>, vector<1x16xi32>,
        %get3A_857 = vector.shape_cast %get3A_856 : vector<1x16xi32> to vector<16xi32>
        %get3A_858 = arith.index_cast %add3A_849 : i32 to index
        %get3A_859 = arith.constant 0 : index
        %get3A_860 = tpu.vector_load %arg18[%get3A_858, %get3A_859] {strides = array<i32>} : memref<16x128xi32, #tpu.memory_space<vmem>>, vector<1x16xi32>,
        %get3A_861 = vector.shape_cast %get3A_860 : vector<1x16xi32> to vector<16xi32>
        %shift_left3A_862 = arith.constant 16 : i32
        %shift_left3A_863 = vector.broadcast %shift_left3A_862 : i32 to vector<16xi32>
        %shift_left3A_864 = arith.shli %get3A_853, %shift_left3A_863 : vector<16xi32>
        %bitcast_convert_type3A_865 = tpu.bitcast %shift_left3A_864 : vector<16xi32> -> vector<16xf32>
        %shift_left3A_866 = arith.constant 16 : i32
        %shift_left3A_867 = vector.broadcast %shift_left3A_866 : i32 to vector<16xi32>
        %shift_left3A_868 = arith.shli %get3A_857, %shift_left3A_867 : vector<16xi32>
        %bitcast_convert_type3A_869 = tpu.bitcast %shift_left3A_868 : vector<16xi32> -> vector<16xf32>
        %shift_left3A_870 = arith.constant 16 : i32
        %shift_left3A_871 = vector.broadcast %shift_left3A_870 : i32 to vector<16xi32>
        %shift_left3A_872 = arith.shli %get3A_861, %shift_left3A_871 : vector<16xi32>
        %bitcast_convert_type3A_873 = tpu.bitcast %shift_left3A_872 : vector<16xi32> -> vector<16xf32>
        %and3A_874 = arith.andi %get3A_853, %broadcast_in_dim3A_180 : vector<16xi32>
        %bitcast_convert_type3A_875 = tpu.bitcast %and3A_874 : vector<16xi32> -> vector<16xf32>
        %and3A_876 = arith.andi %get3A_857, %broadcast_in_dim3A_180 : vector<16xi32>
        %bitcast_convert_type3A_877 = tpu.bitcast %and3A_876 : vector<16xi32> -> vector<16xf32>
        %and3A_878 = arith.andi %get3A_861, %broadcast_in_dim3A_180 : vector<16xi32>
        %bitcast_convert_type3A_879 = tpu.bitcast %and3A_878 : vector<16xi32> -> vector<16xf32>
        %add3A_880 = arith.addf %bitcast_convert_type3A_865, %bitcast_convert_type3A_869 : vector<16xf32>
        %add3A_881 = arith.addf %add3A_880, %bitcast_convert_type3A_873 : vector<16xf32>
        %max3A_882 = arith.constant 0.000000e+00 : f32
        %max3A_883 = vector.broadcast %max3A_882 : f32 to vector<16xf32>
        %max3A_884 = arith.maximumf %add3A_881, %max3A_883 : vector<16xf32>
        %swap3A_885 = arith.index_cast %add3A_849 : i32 to index
        %swap3A_886 = arith.constant 0 : index
        %swap3A_887 = tpu.vector_load %arg20[%swap3A_885, %swap3A_886] {strides = array<i32>} : memref<16x128xf32, #tpu.memory_space<vmem>>, vector<1x16xf32>,
        %swap3A_888 = vector.shape_cast %swap3A_887 : vector<1x16xf32> to vector<16xf32>
        %swap3A_889 = vector.shape_cast %max3A_884 : vector<16xf32> to vector<1x16xf32>
        tpu.vector_store %arg20[%swap3A_885, %swap3A_886], %swap3A_889 {strides = array<i32>} : memref<16x128xf32, #tpu.memory_space<vmem>>, vector<1x16xf32>,
        %add3A_890 = arith.addf %bitcast_convert_type3A_875, %bitcast_convert_type3A_877 : vector<16xf32>
        %add3A_891 = arith.addf %add3A_890, %bitcast_convert_type3A_879 : vector<16xf32>
        %max3A_892 = arith.constant 0.000000e+00 : f32
        %max3A_893 = vector.broadcast %max3A_892 : f32 to vector<16xf32>
        %max3A_894 = arith.maximumf %add3A_891, %max3A_893 : vector<16xf32>
        %swap3A_895 = arith.index_cast %add3A_849 : i32 to index
        %swap3A_896 = arith.constant 64 : index
        %swap3A_897 = tpu.vector_load %arg20[%swap3A_895, %swap3A_896] {strides = array<i32>} : memref<16x128xf32, #tpu.memory_space<vmem>>, vector<1x16xf32>,
        %swap3A_898 = vector.shape_cast %swap3A_897 : vector<1x16xf32> to vector<16xf32>
        %swap3A_899 = vector.shape_cast %max3A_894 : vector<16xf32> to vector<1x16xf32>
        tpu.vector_store %arg20[%swap3A_895, %swap3A_896], %swap3A_899 {strides = array<i32>} : memref<16x128xf32, #tpu.memory_space<vmem>>, vector<1x16xf32>,
        %get3A_900 = arith.index_cast %add3A_849 : i32 to index
        %get3A_901 = arith.constant 16 : index
        %get3A_902 = tpu.vector_load %arg14[%get3A_900, %get3A_901] {strides = array<i32>} : memref<16x128xi32, #tpu.memory_space<vmem>>, vector<1x16xi32>,
        %get3A_903 = vector.shape_cast %get3A_902 : vector<1x16xi32> to vector<16xi32>
        %get3A_904 = arith.index_cast %add3A_849 : i32 to index
        %get3A_905 = arith.constant 16 : index
        %get3A_906 = tpu.vector_load %arg16[%get3A_904, %get3A_905] {strides = array<i32>} : memref<16x128xi32, #tpu.memory_space<vmem>>, vector<1x16xi32>,
        %get3A_907 = vector.shape_cast %get3A_906 : vector<1x16xi32> to vector<16xi32>
        %get3A_908 = arith.index_cast %add3A_849 : i32 to index
        %get3A_909 = arith.constant 16 : index
        %get3A_910 = tpu.vector_load %arg18[%get3A_908, %get3A_909] {strides = array<i32>} : memref<16x128xi32, #tpu.memory_space<vmem>>, vector<1x16xi32>,
        %get3A_911 = vector.shape_cast %get3A_910 : vector<1x16xi32> to vector<16xi32>
        %shift_left3A_912 = arith.constant 16 : i32
        %shift_left3A_913 = vector.broadcast %shift_left3A_912 : i32 to vector<16xi32>
        %shift_left3A_914 = arith.shli %get3A_903, %shift_left3A_913 : vector<16xi32>
        %bitcast_convert_type3A_915 = tpu.bitcast %shift_left3A_914 : vector<16xi32> -> vector<16xf32>
        %shift_left3A_916 = arith.constant 16 : i32
        %shift_left3A_917 = vector.broadcast %shift_left3A_916 : i32 to vector<16xi32>
        %shift_left3A_918 = arith.shli %get3A_907, %shift_left3A_917 : vector<16xi32>
        %bitcast_convert_type3A_919 = tpu.bitcast %shift_left3A_918 : vector<16xi32> -> vector<16xf32>
        %shift_left3A_920 = arith.constant 16 : i32
        %shift_left3A_921 = vector.broadcast %shift_left3A_920 : i32 to vector<16xi32>
        %shift_left3A_922 = arith.shli %get3A_911, %shift_left3A_921 : vector<16xi32>
        %bitcast_convert_type3A_923 = tpu.bitcast %shift_left3A_922 : vector<16xi32> -> vector<16xf32>
        %and3A_924 = arith.andi %get3A_903, %broadcast_in_dim3A_180 : vector<16xi32>
        %bitcast_convert_type3A_925 = tpu.bitcast %and3A_924 : vector<16xi32> -> vector<16xf32>
        %and3A_926 = arith.andi %get3A_907, %broadcast_in_dim3A_180 : vector<16xi32>
        %bitcast_convert_type3A_927 = tpu.bitcast %and3A_926 : vector<16xi32> -> vector<16xf32>
        %and3A_928 = arith.andi %get3A_911, %broadcast_in_dim3A_180 : vector<16xi32>
        %bitcast_convert_type3A_929 = tpu.bitcast %and3A_928 : vector<16xi32> -> vector<16xf32>
        %add3A_930 = arith.addf %bitcast_convert_type3A_915, %bitcast_convert_type3A_919 : vector<16xf32>
        %add3A_931 = arith.addf %add3A_930, %bitcast_convert_type3A_923 : vector<16xf32>
        %max3A_932 = arith.constant 0.000000e+00 : f32
        %max3A_933 = vector.broadcast %max3A_932 : f32 to vector<16xf32>
        %max3A_934 = arith.maximumf %add3A_931, %max3A_933 : vector<16xf32>
        %swap3A_935 = arith.index_cast %add3A_849 : i32 to index
        %swap3A_936 = arith.constant 16 : index
        %swap3A_937 = tpu.vector_load %arg20[%swap3A_935, %swap3A_936] {strides = array<i32>} : memref<16x128xf32, #tpu.memory_space<vmem>>, vector<1x16xf32>,
        %swap3A_938 = vector.shape_cast %swap3A_937 : vector<1x16xf32> to vector<16xf32>
        %swap3A_939 = vector.shape_cast %max3A_934 : vector<16xf32> to vector<1x16xf32>
        tpu.vector_store %arg20[%swap3A_935, %swap3A_936], %swap3A_939 {strides = array<i32>} : memref<16x128xf32, #tpu.memory_space<vmem>>, vector<1x16xf32>,
        %add3A_940 = arith.addf %bitcast_convert_type3A_925, %bitcast_convert_type3A_927 : vector<16xf32>
        %add3A_941 = arith.addf %add3A_940, %bitcast_convert_type3A_929 : vector<16xf32>
        %max3A_942 = arith.constant 0.000000e+00 : f32
        %max3A_943 = vector.broadcast %max3A_942 : f32 to vector<16xf32>
        %max3A_944 = arith.maximumf %add3A_941, %max3A_943 : vector<16xf32>
        %swap3A_945 = arith.index_cast %add3A_849 : i32 to index
        %swap3A_946 = arith.constant 80 : index
        %swap3A_947 = tpu.vector_load %arg20[%swap3A_945, %swap3A_946] {strides = array<i32>} : memref<16x128xf32, #tpu.memory_space<vmem>>, vector<1x16xf32>,
        %swap3A_948 = vector.shape_cast %swap3A_947 : vector<1x16xf32> to vector<16xf32>
        %swap3A_949 = vector.shape_cast %max3A_944 : vector<16xf32> to vector<1x16xf32>
        tpu.vector_store %arg20[%swap3A_945, %swap3A_946], %swap3A_949 {strides = array<i32>} : memref<16x128xf32, #tpu.memory_space<vmem>>, vector<1x16xf32>,
        %get3A_950 = arith.index_cast %add3A_849 : i32 to index
        %get3A_951 = arith.constant 32 : index
        %get3A_952 = tpu.vector_load %arg14[%get3A_950, %get3A_951] {strides = array<i32>} : memref<16x128xi32, #tpu.memory_space<vmem>>, vector<1x16xi32>,
        %get3A_953 = vector.shape_cast %get3A_952 : vector<1x16xi32> to vector<16xi32>
        %get3A_954 = arith.index_cast %add3A_849 : i32 to index
        %get3A_955 = arith.constant 32 : index
        %get3A_956 = tpu.vector_load %arg16[%get3A_954, %get3A_955] {strides = array<i32>} : memref<16x128xi32, #tpu.memory_space<vmem>>, vector<1x16xi32>,
        %get3A_957 = vector.shape_cast %get3A_956 : vector<1x16xi32> to vector<16xi32>
        %get3A_958 = arith.index_cast %add3A_849 : i32 to index
        %get3A_959 = arith.constant 32 : index
        %get3A_960 = tpu.vector_load %arg18[%get3A_958, %get3A_959] {strides = array<i32>} : memref<16x128xi32, #tpu.memory_space<vmem>>, vector<1x16xi32>,
        %get3A_961 = vector.shape_cast %get3A_960 : vector<1x16xi32> to vector<16xi32>
        %shift_left3A_962 = arith.constant 16 : i32
        %shift_left3A_963 = vector.broadcast %shift_left3A_962 : i32 to vector<16xi32>
        %shift_left3A_964 = arith.shli %get3A_953, %shift_left3A_963 : vector<16xi32>
        %bitcast_convert_type3A_965 = tpu.bitcast %shift_left3A_964 : vector<16xi32> -> vector<16xf32>
        %shift_left3A_966 = arith.constant 16 : i32
        %shift_left3A_967 = vector.broadcast %shift_left3A_966 : i32 to vector<16xi32>
        %shift_left3A_968 = arith.shli %get3A_957, %shift_left3A_967 : vector<16xi32>
        %bitcast_convert_type3A_969 = tpu.bitcast %shift_left3A_968 : vector<16xi32> -> vector<16xf32>
        %shift_left3A_970 = arith.constant 16 : i32
        %shift_left3A_971 = vector.broadcast %shift_left3A_970 : i32 to vector<16xi32>
        %shift_left3A_972 = arith.shli %get3A_961, %shift_left3A_971 : vector<16xi32>
        %bitcast_convert_type3A_973 = tpu.bitcast %shift_left3A_972 : vector<16xi32> -> vector<16xf32>
        %and3A_974 = arith.andi %get3A_953, %broadcast_in_dim3A_180 : vector<16xi32>
        %bitcast_convert_type3A_975 = tpu.bitcast %and3A_974 : vector<16xi32> -> vector<16xf32>
        %and3A_976 = arith.andi %get3A_957, %broadcast_in_dim3A_180 : vector<16xi32>
        %bitcast_convert_type3A_977 = tpu.bitcast %and3A_976 : vector<16xi32> -> vector<16xf32>
        %and3A_978 = arith.andi %get3A_961, %broadcast_in_dim3A_180 : vector<16xi32>
        %bitcast_convert_type3A_979 = tpu.bitcast %and3A_978 : vector<16xi32> -> vector<16xf32>
        %add3A_980 = arith.addf %bitcast_convert_type3A_965, %bitcast_convert_type3A_969 : vector<16xf32>
        %add3A_981 = arith.addf %add3A_980, %bitcast_convert_type3A_973 : vector<16xf32>
        %max3A_982 = arith.constant 0.000000e+00 : f32
        %max3A_983 = vector.broadcast %max3A_982 : f32 to vector<16xf32>
        %max3A_984 = arith.maximumf %add3A_981, %max3A_983 : vector<16xf32>
        %swap3A_985 = arith.index_cast %add3A_849 : i32 to index
        %swap3A_986 = arith.constant 32 : index
        %swap3A_987 = tpu.vector_load %arg20[%swap3A_985, %swap3A_986] {strides = array<i32>} : memref<16x128xf32, #tpu.memory_space<vmem>>, vector<1x16xf32>,
        %swap3A_988 = vector.shape_cast %swap3A_987 : vector<1x16xf32> to vector<16xf32>
        %swap3A_989 = vector.shape_cast %max3A_984 : vector<16xf32> to vector<1x16xf32>
        tpu.vector_store %arg20[%swap3A_985, %swap3A_986], %swap3A_989 {strides = array<i32>} : memref<16x128xf32, #tpu.memory_space<vmem>>, vector<1x16xf32>,
        %add3A_990 = arith.addf %bitcast_convert_type3A_975, %bitcast_convert_type3A_977 : vector<16xf32>
        %add3A_991 = arith.addf %add3A_990, %bitcast_convert_type3A_979 : vector<16xf32>
        %max3A_992 = arith.constant 0.000000e+00 : f32
        %max3A_993 = vector.broadcast %max3A_992 : f32 to vector<16xf32>
        %max3A_994 = arith.maximumf %add3A_991, %max3A_993 : vector<16xf32>
        %swap3A_995 = arith.index_cast %add3A_849 : i32 to index
        %swap3A_996 = arith.constant 96 : index
        %swap3A_997 = tpu.vector_load %arg20[%swap3A_995, %swap3A_996] {strides = array<i32>} : memref<16x128xf32, #tpu.memory_space<vmem>>, vector<1x16xf32>,
        %swap3A_998 = vector.shape_cast %swap3A_997 : vector<1x16xf32> to vector<16xf32>
        %swap3A_999 = vector.shape_cast %max3A_994 : vector<16xf32> to vector<1x16xf32>
        tpu.vector_store %arg20[%swap3A_995, %swap3A_996], %swap3A_999 {strides = array<i32>} : memref<16x128xf32, #tpu.memory_space<vmem>>, vector<1x16xf32>,
        %get3A_1000 = arith.index_cast %add3A_849 : i32 to index
        %get3A_1001 = arith.constant 48 : index
        %get3A_1002 = tpu.vector_load %arg14[%get3A_1000, %get3A_1001] {strides = array<i32>} : memref<16x128xi32, #tpu.memory_space<vmem>>, vector<1x16xi32>,
        %get3A_1003 = vector.shape_cast %get3A_1002 : vector<1x16xi32> to vector<16xi32>
        %get3A_1004 = arith.index_cast %add3A_849 : i32 to index
        %get3A_1005 = arith.constant 48 : index
        %get3A_1006 = tpu.vector_load %arg16[%get3A_1004, %get3A_1005] {strides = array<i32>} : memref<16x128xi32, #tpu.memory_space<vmem>>, vector<1x16xi32>,
        %get3A_1007 = vector.shape_cast %get3A_1006 : vector<1x16xi32> to vector<16xi32>
        %get3A_1008 = arith.index_cast %add3A_849 : i32 to index
        %get3A_1009 = arith.constant 48 : index
        %get3A_1010 = tpu.vector_load %arg18[%get3A_1008, %get3A_1009] {strides = array<i32>} : memref<16x128xi32, #tpu.memory_space<vmem>>, vector<1x16xi32>,
        %get3A_1011 = vector.shape_cast %get3A_1010 : vector<1x16xi32> to vector<16xi32>
        %shift_left3A_1012 = arith.constant 16 : i32
        %shift_left3A_1013 = vector.broadcast %shift_left3A_1012 : i32 to vector<16xi32>
        %shift_left3A_1014 = arith.shli %get3A_1003, %shift_left3A_1013 : vector<16xi32>
        %bitcast_convert_type3A_1015 = tpu.bitcast %shift_left3A_1014 : vector<16xi32> -> vector<16xf32>
        %shift_left3A_1016 = arith.constant 16 : i32
        %shift_left3A_1017 = vector.broadcast %shift_left3A_1016 : i32 to vector<16xi32>
        %shift_left3A_1018 = arith.shli %get3A_1007, %shift_left3A_1017 : vector<16xi32>
        %bitcast_convert_type3A_1019 = tpu.bitcast %shift_left3A_1018 : vector<16xi32> -> vector<16xf32>
        %shift_left3A_1020 = arith.constant 16 : i32
        %shift_left3A_1021 = vector.broadcast %shift_left3A_1020 : i32 to vector<16xi32>
        %shift_left3A_1022 = arith.shli %get3A_1011, %shift_left3A_1021 : vector<16xi32>
        %bitcast_convert_type3A_1023 = tpu.bitcast %shift_left3A_1022 : vector<16xi32> -> vector<16xf32>
        %and3A_1024 = arith.andi %get3A_1003, %broadcast_in_dim3A_180 : vector<16xi32>
        %bitcast_convert_type3A_1025 = tpu.bitcast %and3A_1024 : vector<16xi32> -> vector<16xf32>
        %and3A_1026 = arith.andi %get3A_1007, %broadcast_in_dim3A_180 : vector<16xi32>
        %bitcast_convert_type3A_1027 = tpu.bitcast %and3A_1026 : vector<16xi32> -> vector<16xf32>
        %and3A_1028 = arith.andi %get3A_1011, %broadcast_in_dim3A_180 : vector<16xi32>
        %bitcast_convert_type3A_1029 = tpu.bitcast %and3A_1028 : vector<16xi32> -> vector<16xf32>
        %add3A_1030 = arith.addf %bitcast_convert_type3A_1015, %bitcast_convert_type3A_1019 : vector<16xf32>
        %add3A_1031 = arith.addf %add3A_1030, %bitcast_convert_type3A_1023 : vector<16xf32>
        %max3A_1032 = arith.constant 0.000000e+00 : f32
        %max3A_1033 = vector.broadcast %max3A_1032 : f32 to vector<16xf32>
        %max3A_1034 = arith.maximumf %add3A_1031, %max3A_1033 : vector<16xf32>
        %swap3A_1035 = arith.index_cast %add3A_849 : i32 to index
        %swap3A_1036 = arith.constant 48 : index
        %swap3A_1037 = tpu.vector_load %arg20[%swap3A_1035, %swap3A_1036] {strides = array<i32>} : memref<16x128xf32, #tpu.memory_space<vmem>>, vector<1x16xf32>,
        %swap3A_1038 = vector.shape_cast %swap3A_1037 : vector<1x16xf32> to vector<16xf32>
        %swap3A_1039 = vector.shape_cast %max3A_1034 : vector<16xf32> to vector<1x16xf32>
        tpu.vector_store %arg20[%swap3A_1035, %swap3A_1036], %swap3A_1039 {strides = array<i32>} : memref<16x128xf32, #tpu.memory_space<vmem>>, vector<1x16xf32>,
        %add3A_1040 = arith.addf %bitcast_convert_type3A_1025, %bitcast_convert_type3A_1027 : vector<16xf32>
        %add3A_1041 = arith.addf %add3A_1040, %bitcast_convert_type3A_1029 : vector<16xf32>
        %max3A_1042 = arith.constant 0.000000e+00 : f32
        %max3A_1043 = vector.broadcast %max3A_1042 : f32 to vector<16xf32>
        %max3A_1044 = arith.maximumf %add3A_1041, %max3A_1043 : vector<16xf32>
        %swap3A_1045 = arith.index_cast %add3A_849 : i32 to index
        %swap3A_1046 = arith.constant 112 : index
        %swap3A_1047 = tpu.vector_load %arg20[%swap3A_1045, %swap3A_1046] {strides = array<i32>} : memref<16x128xf32, #tpu.memory_space<vmem>>, vector<1x16xf32>,
        %swap3A_1048 = vector.shape_cast %swap3A_1047 : vector<1x16xf32> to vector<16xf32>
        %swap3A_1049 = vector.shape_cast %max3A_1044 : vector<16xf32> to vector<1x16xf32>
        tpu.vector_store %arg20[%swap3A_1045, %swap3A_1046], %swap3A_1049 {strides = array<i32>} : memref<16x128xf32, #tpu.memory_space<vmem>>, vector<1x16xf32>,
      }
      %scan3A_548 = arith.constant 8 : i32
      %dma_start3A_549 = arith.constant 0 : i32
      %dma_start3A_550 = tpu.memref_slice %arg13[%rem3A_536, %dma_start3A_549] : memref<6x16xi32, #tpu.memory_space<vmem>> -> memref<1x16xi32, #tpu.memory_space<vmem>>
      %dma_start3A_551 = tpu.memref_squeeze %dma_start3A_550 : memref<1x16xi32, #tpu.memory_space<vmem>> -> memref<16xi32, #tpu.memory_space<vmem>>
      %dma_start3A_552 = arith.constant 0 : i32
      %dma_start3A_553 = arith.constant 0 : i32
      %dma_start3A_554 = tpu.memref_slice %arg24[%dma_start3A_552, %dma_start3A_553] : memref<10240x128xf32, #tpu.memory_space<vmem_shared>> -> memref<10240x128xf32, #tpu.memory_space<vmem_shared>>
      tpu.enqueue_indirect_dma source(%arg20 : memref<16x128xf32, #tpu.memory_space<vmem>>) target(%dma_start3A_554 : memref<10240x128xf32, #tpu.memory_space<vmem_shared>>) offsets(%dma_start3A_551 : memref<16xi32, #tpu.memory_space<vmem>>) semaphore(%arg30 : memref<!tpu.dma_semaphore, #tpu.memory_space<semaphore_mem>>) {add = true}
      %eq3A_555 = arith.constant 0 : i32
      %eq3A_556 = arith.cmpi eq, %arg0, %eq3A_555 : i32
      %convert_element_type3A_557 = arith.extui %eq3A_556 : i1 to i32
      %cond3A_558 = arith.constant 0 : i32
      %cond3A_559 = arith.cmpi ne, %convert_element_type3A_557, %cond3A_558 : i32
      scf.if %cond3A_559 {
        %dma_wait3A_646 = arith.constant 0 : i32
        %dma_wait3A_647 = tpu.memref_slice %arg13[%rem3A_536, %dma_wait3A_646] : memref<6x16xi32, #tpu.memory_space<vmem>> -> memref<1x16xi32, #tpu.memory_space<vmem>>
        %dma_wait3A_648 = tpu.memref_squeeze %dma_wait3A_647 : memref<1x16xi32, #tpu.memory_space<vmem>> -> memref<16xi32, #tpu.memory_space<vmem>>
        %dma_wait3A_649 = arith.constant 0 : i32
        %dma_wait3A_650 = tpu.memref_slice %arg25[%dma_wait3A_649] : memref<10240xf32, #tpu.memory_space<vmem_shared>> -> memref<10240xf32, #tpu.memory_space<vmem_shared>>
        tpu.wait_indirect_dma semaphore(%arg32 : memref<!tpu.dma_semaphore, #tpu.memory_space<semaphore_mem>>) src(%arg22 : memref<16xf32, #tpu.memory_space<vmem>>) dst(%dma_wait3A_650 : memref<10240xf32, #tpu.memory_space<vmem_shared>>)
        %dma_start3A_651 = arith.constant 0 : i32
        %dma_start3A_652 = tpu.memref_slice %arg13[%rem3A_536, %dma_start3A_651] : memref<6x16xi32, #tpu.memory_space<vmem>> -> memref<1x16xi32, #tpu.memory_space<vmem>>
        %dma_start3A_653 = tpu.memref_squeeze %dma_start3A_652 : memref<1x16xi32, #tpu.memory_space<vmem>> -> memref<16xi32, #tpu.memory_space<vmem>>
        %dma_start3A_654 = arith.constant 0 : i32
        %dma_start3A_655 = tpu.memref_slice %arg25[%dma_start3A_654] : memref<10240xf32, #tpu.memory_space<vmem_shared>> -> memref<10240xf32, #tpu.memory_space<vmem_shared>>
        tpu.enqueue_indirect_dma source(%arg22 : memref<16xf32, #tpu.memory_space<vmem>>) target(%dma_start3A_655 : memref<10240xf32, #tpu.memory_space<vmem_shared>>) offsets(%dma_start3A_653 : memref<16xi32, #tpu.memory_space<vmem>>) semaphore(%arg32 : memref<!tpu.dma_semaphore, #tpu.memory_space<semaphore_mem>>) {add = true}
      } else {
      }
      %add3A_560 = arith.constant 2 : i32
      %add3A_561 = arith.addi %mul3A_478, %add3A_560 : i32
      %rem3A_562 = arith.constant 3 : i32
      %rem3A_563 = arith.remsi %add3A_561, %rem3A_562 : i32
      %rem3A_564 = arith.constant 6 : i32
      %rem3A_565 = arith.remsi %add3A_561, %rem3A_564 : i32
      %eq3A_566 = arith.constant 0 : i32
      %eq3A_567 = arith.cmpi eq, %arg0, %eq3A_566 : i32
      %convert_element_type3A_568 = arith.extui %eq3A_567 : i1 to i32
      %cond3A_569 = arith.constant 0 : i32
      %cond3A_570 = arith.cmpi ne, %convert_element_type3A_568, %cond3A_569 : i32
      scf.if %cond3A_570 {
        %dma_start3A_646 = arith.constant 0 : i32
        %dma_start3A_647 = tpu.memref_slice %arg12[%rem3A_563, %dma_start3A_646] : memref<3x16xi32, #tpu.memory_space<vmem>> -> memref<1x16xi32, #tpu.memory_space<vmem>>
        %dma_start3A_648 = tpu.memref_squeeze %dma_start3A_647 : memref<1x16xi32, #tpu.memory_space<vmem>> -> memref<16xi32, #tpu.memory_space<vmem>>
        %dma_start3A_649 = arith.constant 0 : i32
        %dma_start3A_650 = arith.constant 0 : i32
        %dma_start3A_651 = tpu.memref_slice %arg2[%dma_start3A_649, %dma_start3A_650] : memref<10000x128xi32, #tpu.memory_space<hbm>> -> memref<10000x128xi32, #tpu.memory_space<hbm>>
        tpu.enqueue_indirect_dma source(%dma_start3A_651 : memref<10000x128xi32, #tpu.memory_space<hbm>>) target(%arg14 : memref<16x128xi32, #tpu.memory_space<vmem>>) offsets(%dma_start3A_648 : memref<16xi32, #tpu.memory_space<vmem>>) semaphore(%arg28 : memref<!tpu.dma_semaphore, #tpu.memory_space<semaphore_mem>>)
        %dma_start3A_652 = arith.constant 0 : i32
        %dma_start3A_653 = tpu.memref_slice %arg13[%rem3A_565, %dma_start3A_652] : memref<6x16xi32, #tpu.memory_space<vmem>> -> memref<1x16xi32, #tpu.memory_space<vmem>>
        %dma_start3A_654 = tpu.memref_squeeze %dma_start3A_653 : memref<1x16xi32, #tpu.memory_space<vmem>> -> memref<16xi32, #tpu.memory_space<vmem>>
        %dma_start3A_655 = arith.constant 0 : i32
        %dma_start3A_656 = arith.constant 0 : i32
        %dma_start3A_657 = tpu.memref_slice %arg4[%dma_start3A_655, %dma_start3A_656] : memref<10000x128xi32, #tpu.memory_space<hbm>> -> memref<10000x128xi32, #tpu.memory_space<hbm>>
        tpu.enqueue_indirect_dma source(%dma_start3A_657 : memref<10000x128xi32, #tpu.memory_space<hbm>>) target(%arg16 : memref<16x128xi32, #tpu.memory_space<vmem>>) offsets(%dma_start3A_654 : memref<16xi32, #tpu.memory_space<vmem>>) semaphore(%arg28 : memref<!tpu.dma_semaphore, #tpu.memory_space<semaphore_mem>>)
      } else {
      }
      %eq3A_571 = arith.constant 1 : i32
      %eq3A_572 = arith.cmpi eq, %arg0, %eq3A_571 : i32
      %convert_element_type3A_573 = arith.extui %eq3A_572 : i1 to i32
      %cond3A_574 = arith.constant 0 : i32
      %cond3A_575 = arith.cmpi ne, %convert_element_type3A_573, %cond3A_574 : i32
      scf.if %cond3A_575 {
        %dma_start3A_646 = arith.constant 0 : i32
        %dma_start3A_647 = tpu.memref_slice %arg12[%rem3A_563, %dma_start3A_646] : memref<3x16xi32, #tpu.memory_space<vmem>> -> memref<1x16xi32, #tpu.memory_space<vmem>>
        %dma_start3A_648 = tpu.memref_squeeze %dma_start3A_647 : memref<1x16xi32, #tpu.memory_space<vmem>> -> memref<16xi32, #tpu.memory_space<vmem>>
        %dma_start3A_649 = arith.constant 0 : i32
        %dma_start3A_650 = arith.constant 0 : i32
        %dma_start3A_651 = tpu.memref_slice %arg3[%dma_start3A_649, %dma_start3A_650] : memref<10000x128xi32, #tpu.memory_space<hbm>> -> memref<10000x128xi32, #tpu.memory_space<hbm>>
        tpu.enqueue_indirect_dma source(%dma_start3A_651 : memref<10000x128xi32, #tpu.memory_space<hbm>>) target(%arg14 : memref<16x128xi32, #tpu.memory_space<vmem>>) offsets(%dma_start3A_648 : memref<16xi32, #tpu.memory_space<vmem>>) semaphore(%arg28 : memref<!tpu.dma_semaphore, #tpu.memory_space<semaphore_mem>>)
        %dma_start3A_652 = arith.constant 0 : i32
        %dma_start3A_653 = tpu.memref_slice %arg13[%rem3A_565, %dma_start3A_652] : memref<6x16xi32, #tpu.memory_space<vmem>> -> memref<1x16xi32, #tpu.memory_space<vmem>>
        %dma_start3A_654 = tpu.memref_squeeze %dma_start3A_653 : memref<1x16xi32, #tpu.memory_space<vmem>> -> memref<16xi32, #tpu.memory_space<vmem>>
        %dma_start3A_655 = arith.constant 0 : i32
        %dma_start3A_656 = arith.constant 0 : i32
        %dma_start3A_657 = tpu.memref_slice %arg5[%dma_start3A_655, %dma_start3A_656] : memref<10000x128xi32, #tpu.memory_space<hbm>> -> memref<10000x128xi32, #tpu.memory_space<hbm>>
        tpu.enqueue_indirect_dma source(%dma_start3A_657 : memref<10000x128xi32, #tpu.memory_space<hbm>>) target(%arg16 : memref<16x128xi32, #tpu.memory_space<vmem>>) offsets(%dma_start3A_654 : memref<16xi32, #tpu.memory_space<vmem>>) semaphore(%arg28 : memref<!tpu.dma_semaphore, #tpu.memory_space<semaphore_mem>>)
      } else {
      }
      %mul3A_576 = arith.constant 160000 : i32
      %mul3A_577 = arith.muli %arg0, %mul3A_576 : i32
      %add3A_578 = arith.addi %mul3A_577, %mul3A_178 : i32
      %mul3A_579 = arith.constant 16 : i32
      %mul3A_580 = arith.muli %add3A_561, %mul3A_579 : i32
      %add3A_581 = arith.addi %add3A_578, %mul3A_580 : i32
      %dma_start3A_582 = arith.constant 0 : i32
      %dma_start3A_583 = tpu.memref_slice %arg6[%add3A_581, %dma_start3A_582] : memref<320000x128xi32, #tpu.memory_space<hbm>> -> memref<16x128xi32, #tpu.memory_space<hbm>>
      %dma_start3A_584 = arith.constant 0 : i32
      %dma_start3A_585 = tpu.memref_slice %arg6[%add3A_581, %dma_start3A_584] : memref<320000x128xi32, #tpu.memory_space<hbm>> -> memref<16x128xi32, #tpu.memory_space<hbm>>
      tpu.enqueue_dma source(%dma_start3A_585 : memref<16x128xi32, #tpu.memory_space<hbm>>) target(%arg18 : memref<16x128xi32, #tpu.memory_space<vmem>>) target_semaphore(%arg28 : memref<!tpu.dma_semaphore, #tpu.memory_space<semaphore_mem>>)
      %lt3A = arith.constant 311 : i32
      %lt3A_586 = arith.cmpi slt, %scan3A_476, %lt3A : i32
      %convert_element_type3A_587 = arith.extui %lt3A_586 : i1 to i32
      %cond3A_588 = arith.constant 0 : i32
      %cond3A_589 = arith.cmpi ne, %convert_element_type3A_587, %cond3A_588 : i32
      scf.if %cond3A_589 {
        %add3A_646 = arith.constant 3 : i32
        %add3A_647 = arith.addi %mul3A_478, %add3A_646 : i32
        %rem3A_648 = arith.constant 3 : i32
        %rem3A_649 = arith.remsi %add3A_647, %rem3A_648 : i32
        %rem3A_650 = arith.constant 6 : i32
        %rem3A_651 = arith.remsi %add3A_647, %rem3A_650 : i32
        %mul3A_652 = arith.constant 16 : i32
        %mul3A_653 = arith.muli %add3A_647, %mul3A_652 : i32
        %add3A_654 = arith.addi %mul3A_178, %mul3A_653 : i32
        %dma_start3A_655 = arith.constant 0 : i32
        %dma_start3A_656 = tpu.memref_slice %arg12[%rem3A_649, %dma_start3A_655] : memref<3x16xi32, #tpu.memory_space<vmem>> -> memref<1x16xi32, #tpu.memory_space<vmem>>
        %dma_start3A_657 = tpu.memref_squeeze %dma_start3A_656 : memref<1x16xi32, #tpu.memory_space<vmem>> -> memref<16xi32, #tpu.memory_space<vmem>>
        %dma_start3A_658 = tpu.memref_slice %arg7[%add3A_654] : memref<160000xi32, #tpu.memory_space<hbm>> -> memref<16xi32, #tpu.memory_space<hbm>>
        %dma_start3A_659 = arith.constant 0 : i32
        %dma_start3A_660 = tpu.memref_slice %arg12[%rem3A_649, %dma_start3A_659] : memref<3x16xi32, #tpu.memory_space<vmem>> -> memref<1x16xi32, #tpu.memory_space<vmem>>
        %dma_start3A_661 = tpu.memref_squeeze %dma_start3A_660 : memref<1x16xi32, #tpu.memory_space<vmem>> -> memref<16xi32, #tpu.memory_space<vmem>>
        %dma_start3A_662 = tpu.memref_slice %arg7[%add3A_654] : memref<160000xi32, #tpu.memory_space<hbm>> -> memref<16xi32, #tpu.memory_space<hbm>>
        tpu.enqueue_dma source(%dma_start3A_662 : memref<16xi32, #tpu.memory_space<hbm>>) target(%dma_start3A_661 : memref<16xi32, #tpu.memory_space<vmem>>) target_semaphore(%arg27 : memref<!tpu.dma_semaphore, #tpu.memory_space<semaphore_mem>>)
        %mul3A_663 = arith.constant 16 : i32
        %mul3A_664 = arith.muli %add3A_647, %mul3A_663 : i32
        %add3A_665 = arith.addi %mul3A_178, %mul3A_664 : i32
        %dma_start3A_666 = arith.constant 0 : i32
        %dma_start3A_667 = tpu.memref_slice %arg13[%rem3A_651, %dma_start3A_666] : memref<6x16xi32, #tpu.memory_space<vmem>> -> memref<1x16xi32, #tpu.memory_space<vmem>>
        %dma_start3A_668 = tpu.memref_squeeze %dma_start3A_667 : memref<1x16xi32, #tpu.memory_space<vmem>> -> memref<16xi32, #tpu.memory_space<vmem>>
        %dma_start3A_669 = tpu.memref_slice %arg8[%add3A_665] : memref<160000xi32, #tpu.memory_space<hbm>> -> memref<16xi32, #tpu.memory_space<hbm>>
        %dma_start3A_670 = arith.constant 0 : i32
        %dma_start3A_671 = tpu.memref_slice %arg13[%rem3A_651, %dma_start3A_670] : memref<6x16xi32, #tpu.memory_space<vmem>> -> memref<1x16xi32, #tpu.memory_space<vmem>>
        %dma_start3A_672 = tpu.memref_squeeze %dma_start3A_671 : memref<1x16xi32, #tpu.memory_space<vmem>> -> memref<16xi32, #tpu.memory_space<vmem>>
        %dma_start3A_673 = tpu.memref_slice %arg8[%add3A_665] : memref<160000xi32, #tpu.memory_space<hbm>> -> memref<16xi32, #tpu.memory_space<hbm>>
        tpu.enqueue_dma source(%dma_start3A_673 : memref<16xi32, #tpu.memory_space<hbm>>) target(%dma_start3A_672 : memref<16xi32, #tpu.memory_space<vmem>>) target_semaphore(%arg27 : memref<!tpu.dma_semaphore, #tpu.memory_space<semaphore_mem>>)
        %add3A_674 = arith.constant 2 : i32
        %add3A_675 = arith.addi %add3A_480, %add3A_674 : i32
        %rem3A_676 = arith.constant 3 : i32
        %rem3A_677 = arith.remsi %add3A_675, %rem3A_676 : i32
        %rem3A_678 = arith.constant 6 : i32
        %rem3A_679 = arith.remsi %add3A_675, %rem3A_678 : i32
        %mul3A_680 = arith.constant 16 : i32
        %mul3A_681 = arith.muli %add3A_675, %mul3A_680 : i32
        %add3A_682 = arith.addi %mul3A_178, %mul3A_681 : i32
        %dma_wait3A_683 = arith.constant 0 : i32
        %dma_wait3A_684 = tpu.memref_slice %arg12[%rem3A_677, %dma_wait3A_683] : memref<3x16xi32, #tpu.memory_space<vmem>> -> memref<1x16xi32, #tpu.memory_space<vmem>>
        %dma_wait3A_685 = tpu.memref_squeeze %dma_wait3A_684 : memref<1x16xi32, #tpu.memory_space<vmem>> -> memref<16xi32, #tpu.memory_space<vmem>>
        %dma_wait3A_686 = tpu.memref_slice %arg7[%add3A_682] : memref<160000xi32, #tpu.memory_space<hbm>> -> memref<16xi32, #tpu.memory_space<hbm>>
        %dma_wait3A_687 = arith.constant 0 : i32
        %dma_wait3A_688 = tpu.memref_slice %arg12[%rem3A_677, %dma_wait3A_687] : memref<3x16xi32, #tpu.memory_space<vmem>> -> memref<1x16xi32, #tpu.memory_space<vmem>>
        %dma_wait3A_689 = tpu.memref_squeeze %dma_wait3A_688 : memref<1x16xi32, #tpu.memory_space<vmem>> -> memref<16xi32, #tpu.memory_space<vmem>>
        %dma_wait3A_690 = tpu.memref_slice %arg7[%add3A_682] : memref<160000xi32, #tpu.memory_space<hbm>> -> memref<16xi32, #tpu.memory_space<hbm>>
        tpu.wait_dma2 semaphore(%arg27 : memref<!tpu.dma_semaphore, #tpu.memory_space<semaphore_mem>>) src(%dma_wait3A_690 : memref<16xi32, #tpu.memory_space<hbm>>) dst(%dma_wait3A_689 : memref<16xi32, #tpu.memory_space<vmem>>)
        %mul3A_691 = arith.constant 16 : i32
        %mul3A_692 = arith.muli %add3A_675, %mul3A_691 : i32
        %add3A_693 = arith.addi %mul3A_178, %mul3A_692 : i32
        %dma_wait3A_694 = arith.constant 0 : i32
        %dma_wait3A_695 = tpu.memref_slice %arg13[%rem3A_679, %dma_wait3A_694] : memref<6x16xi32, #tpu.memory_space<vmem>> -> memref<1x16xi32, #tpu.memory_space<vmem>>
        %dma_wait3A_696 = tpu.memref_squeeze %dma_wait3A_695 : memref<1x16xi32, #tpu.memory_space<vmem>> -> memref<16xi32, #tpu.memory_space<vmem>>
        %dma_wait3A_697 = tpu.memref_slice %arg8[%add3A_693] : memref<160000xi32, #tpu.memory_space<hbm>> -> memref<16xi32, #tpu.memory_space<hbm>>
        %dma_wait3A_698 = arith.constant 0 : i32
        %dma_wait3A_699 = tpu.memref_slice %arg13[%rem3A_679, %dma_wait3A_698] : memref<6x16xi32, #tpu.memory_space<vmem>> -> memref<1x16xi32, #tpu.memory_space<vmem>>
        %dma_wait3A_700 = tpu.memref_squeeze %dma_wait3A_699 : memref<1x16xi32, #tpu.memory_space<vmem>> -> memref<16xi32, #tpu.memory_space<vmem>>
        %dma_wait3A_701 = tpu.memref_slice %arg8[%add3A_693] : memref<160000xi32, #tpu.memory_space<hbm>> -> memref<16xi32, #tpu.memory_space<hbm>>
        tpu.wait_dma2 semaphore(%arg27 : memref<!tpu.dma_semaphore, #tpu.memory_space<semaphore_mem>>) src(%dma_wait3A_701 : memref<16xi32, #tpu.memory_space<hbm>>) dst(%dma_wait3A_700 : memref<16xi32, #tpu.memory_space<vmem>>)
      } else {
      }
      %rem3A_590 = arith.constant 3 : i32
      %rem3A_591 = arith.remsi %add3A_480, %rem3A_590 : i32
      %rem3A_592 = arith.constant 6 : i32
      %rem3A_593 = arith.remsi %add3A_480, %rem3A_592 : i32
      %dma_wait3A_594 = arith.constant 0 : i32
      %dma_wait3A_595 = tpu.memref_slice %arg12[%rem3A_591, %dma_wait3A_594] : memref<3x16xi32, #tpu.memory_space<vmem>> -> memref<1x16xi32, #tpu.memory_space<vmem>>
      %dma_wait3A_596 = tpu.memref_squeeze %dma_wait3A_595 : memref<1x16xi32, #tpu.memory_space<vmem>> -> memref<16xi32, #tpu.memory_space<vmem>>
      %dma_wait3A_597 = arith.constant 0 : i32
      %dma_wait3A_598 = arith.constant 0 : i32
      %dma_wait3A_599 = tpu.memref_slice %arg2[%dma_wait3A_597, %dma_wait3A_598] : memref<10000x128xi32, #tpu.memory_space<hbm>> -> memref<10000x128xi32, #tpu.memory_space<hbm>>
      tpu.wait_indirect_dma semaphore(%arg29 : memref<!tpu.dma_semaphore, #tpu.memory_space<semaphore_mem>>) src(%dma_wait3A_599 : memref<10000x128xi32, #tpu.memory_space<hbm>>) dst(%arg15 : memref<16x128xi32, #tpu.memory_space<vmem>>)
      %dma_wait3A_600 = arith.constant 0 : i32
      %dma_wait3A_601 = tpu.memref_slice %arg13[%rem3A_593, %dma_wait3A_600] : memref<6x16xi32, #tpu.memory_space<vmem>> -> memref<1x16xi32, #tpu.memory_space<vmem>>
      %dma_wait3A_602 = tpu.memref_squeeze %dma_wait3A_601 : memref<1x16xi32, #tpu.memory_space<vmem>> -> memref<16xi32, #tpu.memory_space<vmem>>
      %dma_wait3A_603 = arith.constant 0 : i32
      %dma_wait3A_604 = arith.constant 0 : i32
      %dma_wait3A_605 = tpu.memref_slice %arg4[%dma_wait3A_603, %dma_wait3A_604] : memref<10000x128xi32, #tpu.memory_space<hbm>> -> memref<10000x128xi32, #tpu.memory_space<hbm>>
      tpu.wait_indirect_dma semaphore(%arg29 : memref<!tpu.dma_semaphore, #tpu.memory_space<semaphore_mem>>) src(%dma_wait3A_605 : memref<10000x128xi32, #tpu.memory_space<hbm>>) dst(%arg17 : memref<16x128xi32, #tpu.memory_space<vmem>>)
      %mul3A_606 = arith.constant 160000 : i32
      %mul3A_607 = arith.muli %arg0, %mul3A_606 : i32
      %add3A_608 = arith.addi %mul3A_607, %mul3A_178 : i32
      %mul3A_609 = arith.constant 16 : i32
      %mul3A_610 = arith.muli %add3A_480, %mul3A_609 : i32
      %add3A_611 = arith.addi %add3A_608, %mul3A_610 : i32
      %dma_wait3A_612 = arith.constant 0 : i32
      %dma_wait3A_613 = tpu.memref_slice %arg6[%add3A_611, %dma_wait3A_612] : memref<320000x128xi32, #tpu.memory_space<hbm>> -> memref<16x128xi32, #tpu.memory_space<hbm>>
      %dma_wait3A_614 = arith.constant 0 : i32
      %dma_wait3A_615 = tpu.memref_slice %arg6[%add3A_611, %dma_wait3A_614] : memref<320000x128xi32, #tpu.memory_space<hbm>> -> memref<16x128xi32, #tpu.memory_space<hbm>>
      tpu.wait_dma2 semaphore(%arg29 : memref<!tpu.dma_semaphore, #tpu.memory_space<semaphore_mem>>) src(%dma_wait3A_615 : memref<16x128xi32, #tpu.memory_space<hbm>>) dst(%arg19 : memref<16x128xi32, #tpu.memory_space<vmem>>)
      %rem3A_616 = arith.constant 6 : i32
      %rem3A_617 = arith.remsi %add3A_480, %rem3A_616 : i32
      %dma_wait3A_618 = arith.constant 0 : i32
      %dma_wait3A_619 = tpu.memref_slice %arg13[%rem3A_617, %dma_wait3A_618] : memref<6x16xi32, #tpu.memory_space<vmem>> -> memref<1x16xi32, #tpu.memory_space<vmem>>
      %dma_wait3A_620 = tpu.memref_squeeze %dma_wait3A_619 : memref<1x16xi32, #tpu.memory_space<vmem>> -> memref<16xi32, #tpu.memory_space<vmem>>
      %dma_wait3A_621 = arith.constant 0 : i32
      %dma_wait3A_622 = arith.constant 0 : i32
      %dma_wait3A_623 = tpu.memref_slice %arg24[%dma_wait3A_621, %dma_wait3A_622] : memref<10240x128xf32, #tpu.memory_space<vmem_shared>> -> memref<10240x128xf32, #tpu.memory_space<vmem_shared>>
      tpu.wait_indirect_dma semaphore(%arg31 : memref<!tpu.dma_semaphore, #tpu.memory_space<semaphore_mem>>) src(%arg21 : memref<16x128xf32, #tpu.memory_space<vmem>>) dst(%dma_wait3A_623 : memref<10240x128xf32, #tpu.memory_space<vmem_shared>>)
      %scan3A_624 = arith.constant 0 : i32
      %scan3A_625 = arith.constant 0 : i32
      %scan3A_626 = arith.constant 8 : i32
      %scan3A_627 = arith.addi %scan3A_625, %scan3A_626 : i32
      %scan3A_628 = arith.constant 1 : i32
      scf.for %scan3A_646 = %scan3A_625 to %scan3A_627 step %scan3A_628  : i32 {
        %mul3A_647 = arith.constant 2 : i32
        %mul3A_648 = arith.muli %mul3A_647, %scan3A_646 : i32
        %add3A_649 = arith.constant 0 : i32
        %add3A_650 = arith.addi %mul3A_648, %add3A_649 : i32
        %get3A = arith.index_cast %add3A_650 : i32 to index
        %get3A_651 = arith.constant 0 : index
        %get3A_652 = tpu.vector_load %arg15[%get3A, %get3A_651] {strides = array<i32>} : memref<16x128xi32, #tpu.memory_space<vmem>>, vector<1x16xi32>,
        %get3A_653 = vector.shape_cast %get3A_652 : vector<1x16xi32> to vector<16xi32>
        %get3A_654 = arith.index_cast %add3A_650 : i32 to index
        %get3A_655 = arith.constant 0 : index
        %get3A_656 = tpu.vector_load %arg17[%get3A_654, %get3A_655] {strides = array<i32>} : memref<16x128xi32, #tpu.memory_space<vmem>>, vector<1x16xi32>,
        %get3A_657 = vector.shape_cast %get3A_656 : vector<1x16xi32> to vector<16xi32>
        %get3A_658 = arith.index_cast %add3A_650 : i32 to index
        %get3A_659 = arith.constant 0 : index
        %get3A_660 = tpu.vector_load %arg19[%get3A_658, %get3A_659] {strides = array<i32>} : memref<16x128xi32, #tpu.memory_space<vmem>>, vector<1x16xi32>,
        %get3A_661 = vector.shape_cast %get3A_660 : vector<1x16xi32> to vector<16xi32>
        %shift_left3A = arith.constant 16 : i32
        %shift_left3A_662 = vector.broadcast %shift_left3A : i32 to vector<16xi32>
        %shift_left3A_663 = arith.shli %get3A_653, %shift_left3A_662 : vector<16xi32>
        %bitcast_convert_type3A = tpu.bitcast %shift_left3A_663 : vector<16xi32> -> vector<16xf32>
        %shift_left3A_664 = arith.constant 16 : i32
        %shift_left3A_665 = vector.broadcast %shift_left3A_664 : i32 to vector<16xi32>
        %shift_left3A_666 = arith.shli %get3A_657, %shift_left3A_665 : vector<16xi32>
        %bitcast_convert_type3A_667 = tpu.bitcast %shift_left3A_666 : vector<16xi32> -> vector<16xf32>
        %shift_left3A_668 = arith.constant 16 : i32
        %shift_left3A_669 = vector.broadcast %shift_left3A_668 : i32 to vector<16xi32>
        %shift_left3A_670 = arith.shli %get3A_661, %shift_left3A_669 : vector<16xi32>
        %bitcast_convert_type3A_671 = tpu.bitcast %shift_left3A_670 : vector<16xi32> -> vector<16xf32>
        %and3A = arith.andi %get3A_653, %broadcast_in_dim3A_180 : vector<16xi32>
        %bitcast_convert_type3A_672 = tpu.bitcast %and3A : vector<16xi32> -> vector<16xf32>
        %and3A_673 = arith.andi %get3A_657, %broadcast_in_dim3A_180 : vector<16xi32>
        %bitcast_convert_type3A_674 = tpu.bitcast %and3A_673 : vector<16xi32> -> vector<16xf32>
        %and3A_675 = arith.andi %get3A_661, %broadcast_in_dim3A_180 : vector<16xi32>
        %bitcast_convert_type3A_676 = tpu.bitcast %and3A_675 : vector<16xi32> -> vector<16xf32>
        %add3A_677 = arith.addf %bitcast_convert_type3A, %bitcast_convert_type3A_667 : vector<16xf32>
        %add3A_678 = arith.addf %add3A_677, %bitcast_convert_type3A_671 : vector<16xf32>
        %max3A = arith.constant 0.000000e+00 : f32
        %max3A_679 = vector.broadcast %max3A : f32 to vector<16xf32>
        %max3A_680 = arith.maximumf %add3A_678, %max3A_679 : vector<16xf32>
        %swap3A_681 = arith.index_cast %add3A_650 : i32 to index
        %swap3A_682 = arith.constant 0 : index
        %swap3A_683 = tpu.vector_load %arg21[%swap3A_681, %swap3A_682] {strides = array<i32>} : memref<16x128xf32, #tpu.memory_space<vmem>>, vector<1x16xf32>,
        %swap3A_684 = vector.shape_cast %swap3A_683 : vector<1x16xf32> to vector<16xf32>
        %swap3A_685 = vector.shape_cast %max3A_680 : vector<16xf32> to vector<1x16xf32>
        tpu.vector_store %arg21[%swap3A_681, %swap3A_682], %swap3A_685 {strides = array<i32>} : memref<16x128xf32, #tpu.memory_space<vmem>>, vector<1x16xf32>,
        %add3A_686 = arith.addf %bitcast_convert_type3A_672, %bitcast_convert_type3A_674 : vector<16xf32>
        %add3A_687 = arith.addf %add3A_686, %bitcast_convert_type3A_676 : vector<16xf32>
        %max3A_688 = arith.constant 0.000000e+00 : f32
        %max3A_689 = vector.broadcast %max3A_688 : f32 to vector<16xf32>
        %max3A_690 = arith.maximumf %add3A_687, %max3A_689 : vector<16xf32>
        %swap3A_691 = arith.index_cast %add3A_650 : i32 to index
        %swap3A_692 = arith.constant 64 : index
        %swap3A_693 = tpu.vector_load %arg21[%swap3A_691, %swap3A_692] {strides = array<i32>} : memref<16x128xf32, #tpu.memory_space<vmem>>, vector<1x16xf32>,
        %swap3A_694 = vector.shape_cast %swap3A_693 : vector<1x16xf32> to vector<16xf32>
        %swap3A_695 = vector.shape_cast %max3A_690 : vector<16xf32> to vector<1x16xf32>
        tpu.vector_store %arg21[%swap3A_691, %swap3A_692], %swap3A_695 {strides = array<i32>} : memref<16x128xf32, #tpu.memory_space<vmem>>, vector<1x16xf32>,
        %get3A_696 = arith.index_cast %add3A_650 : i32 to index
        %get3A_697 = arith.constant 16 : index
        %get3A_698 = tpu.vector_load %arg15[%get3A_696, %get3A_697] {strides = array<i32>} : memref<16x128xi32, #tpu.memory_space<vmem>>, vector<1x16xi32>,
        %get3A_699 = vector.shape_cast %get3A_698 : vector<1x16xi32> to vector<16xi32>
        %get3A_700 = arith.index_cast %add3A_650 : i32 to index
        %get3A_701 = arith.constant 16 : index
        %get3A_702 = tpu.vector_load %arg17[%get3A_700, %get3A_701] {strides = array<i32>} : memref<16x128xi32, #tpu.memory_space<vmem>>, vector<1x16xi32>,
        %get3A_703 = vector.shape_cast %get3A_702 : vector<1x16xi32> to vector<16xi32>
        %get3A_704 = arith.index_cast %add3A_650 : i32 to index
        %get3A_705 = arith.constant 16 : index
        %get3A_706 = tpu.vector_load %arg19[%get3A_704, %get3A_705] {strides = array<i32>} : memref<16x128xi32, #tpu.memory_space<vmem>>, vector<1x16xi32>,
        %get3A_707 = vector.shape_cast %get3A_706 : vector<1x16xi32> to vector<16xi32>
        %shift_left3A_708 = arith.constant 16 : i32
        %shift_left3A_709 = vector.broadcast %shift_left3A_708 : i32 to vector<16xi32>
        %shift_left3A_710 = arith.shli %get3A_699, %shift_left3A_709 : vector<16xi32>
        %bitcast_convert_type3A_711 = tpu.bitcast %shift_left3A_710 : vector<16xi32> -> vector<16xf32>
        %shift_left3A_712 = arith.constant 16 : i32
        %shift_left3A_713 = vector.broadcast %shift_left3A_712 : i32 to vector<16xi32>
        %shift_left3A_714 = arith.shli %get3A_703, %shift_left3A_713 : vector<16xi32>
        %bitcast_convert_type3A_715 = tpu.bitcast %shift_left3A_714 : vector<16xi32> -> vector<16xf32>
        %shift_left3A_716 = arith.constant 16 : i32
        %shift_left3A_717 = vector.broadcast %shift_left3A_716 : i32 to vector<16xi32>
        %shift_left3A_718 = arith.shli %get3A_707, %shift_left3A_717 : vector<16xi32>
        %bitcast_convert_type3A_719 = tpu.bitcast %shift_left3A_718 : vector<16xi32> -> vector<16xf32>
        %and3A_720 = arith.andi %get3A_699, %broadcast_in_dim3A_180 : vector<16xi32>
        %bitcast_convert_type3A_721 = tpu.bitcast %and3A_720 : vector<16xi32> -> vector<16xf32>
        %and3A_722 = arith.andi %get3A_703, %broadcast_in_dim3A_180 : vector<16xi32>
        %bitcast_convert_type3A_723 = tpu.bitcast %and3A_722 : vector<16xi32> -> vector<16xf32>
        %and3A_724 = arith.andi %get3A_707, %broadcast_in_dim3A_180 : vector<16xi32>
        %bitcast_convert_type3A_725 = tpu.bitcast %and3A_724 : vector<16xi32> -> vector<16xf32>
        %add3A_726 = arith.addf %bitcast_convert_type3A_711, %bitcast_convert_type3A_715 : vector<16xf32>
        %add3A_727 = arith.addf %add3A_726, %bitcast_convert_type3A_719 : vector<16xf32>
        %max3A_728 = arith.constant 0.000000e+00 : f32
        %max3A_729 = vector.broadcast %max3A_728 : f32 to vector<16xf32>
        %max3A_730 = arith.maximumf %add3A_727, %max3A_729 : vector<16xf32>
        %swap3A_731 = arith.index_cast %add3A_650 : i32 to index
        %swap3A_732 = arith.constant 16 : index
        %swap3A_733 = tpu.vector_load %arg21[%swap3A_731, %swap3A_732] {strides = array<i32>} : memref<16x128xf32, #tpu.memory_space<vmem>>, vector<1x16xf32>,
        %swap3A_734 = vector.shape_cast %swap3A_733 : vector<1x16xf32> to vector<16xf32>
        %swap3A_735 = vector.shape_cast %max3A_730 : vector<16xf32> to vector<1x16xf32>
        tpu.vector_store %arg21[%swap3A_731, %swap3A_732], %swap3A_735 {strides = array<i32>} : memref<16x128xf32, #tpu.memory_space<vmem>>, vector<1x16xf32>,
        %add3A_736 = arith.addf %bitcast_convert_type3A_721, %bitcast_convert_type3A_723 : vector<16xf32>
        %add3A_737 = arith.addf %add3A_736, %bitcast_convert_type3A_725 : vector<16xf32>
        %max3A_738 = arith.constant 0.000000e+00 : f32
        %max3A_739 = vector.broadcast %max3A_738 : f32 to vector<16xf32>
        %max3A_740 = arith.maximumf %add3A_737, %max3A_739 : vector<16xf32>
        %swap3A_741 = arith.index_cast %add3A_650 : i32 to index
        %swap3A_742 = arith.constant 80 : index
        %swap3A_743 = tpu.vector_load %arg21[%swap3A_741, %swap3A_742] {strides = array<i32>} : memref<16x128xf32, #tpu.memory_space<vmem>>, vector<1x16xf32>,
        %swap3A_744 = vector.shape_cast %swap3A_743 : vector<1x16xf32> to vector<16xf32>
        %swap3A_745 = vector.shape_cast %max3A_740 : vector<16xf32> to vector<1x16xf32>
        tpu.vector_store %arg21[%swap3A_741, %swap3A_742], %swap3A_745 {strides = array<i32>} : memref<16x128xf32, #tpu.memory_space<vmem>>, vector<1x16xf32>,
        %get3A_746 = arith.index_cast %add3A_650 : i32 to index
        %get3A_747 = arith.constant 32 : index
        %get3A_748 = tpu.vector_load %arg15[%get3A_746, %get3A_747] {strides = array<i32>} : memref<16x128xi32, #tpu.memory_space<vmem>>, vector<1x16xi32>,
        %get3A_749 = vector.shape_cast %get3A_748 : vector<1x16xi32> to vector<16xi32>
        %get3A_750 = arith.index_cast %add3A_650 : i32 to index
        %get3A_751 = arith.constant 32 : index
        %get3A_752 = tpu.vector_load %arg17[%get3A_750, %get3A_751] {strides = array<i32>} : memref<16x128xi32, #tpu.memory_space<vmem>>, vector<1x16xi32>,
        %get3A_753 = vector.shape_cast %get3A_752 : vector<1x16xi32> to vector<16xi32>
        %get3A_754 = arith.index_cast %add3A_650 : i32 to index
        %get3A_755 = arith.constant 32 : index
        %get3A_756 = tpu.vector_load %arg19[%get3A_754, %get3A_755] {strides = array<i32>} : memref<16x128xi32, #tpu.memory_space<vmem>>, vector<1x16xi32>,
        %get3A_757 = vector.shape_cast %get3A_756 : vector<1x16xi32> to vector<16xi32>
        %shift_left3A_758 = arith.constant 16 : i32
        %shift_left3A_759 = vector.broadcast %shift_left3A_758 : i32 to vector<16xi32>
        %shift_left3A_760 = arith.shli %get3A_749, %shift_left3A_759 : vector<16xi32>
        %bitcast_convert_type3A_761 = tpu.bitcast %shift_left3A_760 : vector<16xi32> -> vector<16xf32>
        %shift_left3A_762 = arith.constant 16 : i32
        %shift_left3A_763 = vector.broadcast %shift_left3A_762 : i32 to vector<16xi32>
        %shift_left3A_764 = arith.shli %get3A_753, %shift_left3A_763 : vector<16xi32>
        %bitcast_convert_type3A_765 = tpu.bitcast %shift_left3A_764 : vector<16xi32> -> vector<16xf32>
        %shift_left3A_766 = arith.constant 16 : i32
        %shift_left3A_767 = vector.broadcast %shift_left3A_766 : i32 to vector<16xi32>
        %shift_left3A_768 = arith.shli %get3A_757, %shift_left3A_767 : vector<16xi32>
        %bitcast_convert_type3A_769 = tpu.bitcast %shift_left3A_768 : vector<16xi32> -> vector<16xf32>
        %and3A_770 = arith.andi %get3A_749, %broadcast_in_dim3A_180 : vector<16xi32>
        %bitcast_convert_type3A_771 = tpu.bitcast %and3A_770 : vector<16xi32> -> vector<16xf32>
        %and3A_772 = arith.andi %get3A_753, %broadcast_in_dim3A_180 : vector<16xi32>
        %bitcast_convert_type3A_773 = tpu.bitcast %and3A_772 : vector<16xi32> -> vector<16xf32>
        %and3A_774 = arith.andi %get3A_757, %broadcast_in_dim3A_180 : vector<16xi32>
        %bitcast_convert_type3A_775 = tpu.bitcast %and3A_774 : vector<16xi32> -> vector<16xf32>
        %add3A_776 = arith.addf %bitcast_convert_type3A_761, %bitcast_convert_type3A_765 : vector<16xf32>
        %add3A_777 = arith.addf %add3A_776, %bitcast_convert_type3A_769 : vector<16xf32>
        %max3A_778 = arith.constant 0.000000e+00 : f32
        %max3A_779 = vector.broadcast %max3A_778 : f32 to vector<16xf32>
        %max3A_780 = arith.maximumf %add3A_777, %max3A_779 : vector<16xf32>
        %swap3A_781 = arith.index_cast %add3A_650 : i32 to index
        %swap3A_782 = arith.constant 32 : index
        %swap3A_783 = tpu.vector_load %arg21[%swap3A_781, %swap3A_782] {strides = array<i32>} : memref<16x128xf32, #tpu.memory_space<vmem>>, vector<1x16xf32>,
        %swap3A_784 = vector.shape_cast %swap3A_783 : vector<1x16xf32> to vector<16xf32>
        %swap3A_785 = vector.shape_cast %max3A_780 : vector<16xf32> to vector<1x16xf32>
        tpu.vector_store %arg21[%swap3A_781, %swap3A_782], %swap3A_785 {strides = array<i32>} : memref<16x128xf32, #tpu.memory_space<vmem>>, vector<1x16xf32>,
        %add3A_786 = arith.addf %bitcast_convert_type3A_771, %bitcast_convert_type3A_773 : vector<16xf32>
        %add3A_787 = arith.addf %add3A_786, %bitcast_convert_type3A_775 : vector<16xf32>
        %max3A_788 = arith.constant 0.000000e+00 : f32
        %max3A_789 = vector.broadcast %max3A_788 : f32 to vector<16xf32>
        %max3A_790 = arith.maximumf %add3A_787, %max3A_789 : vector<16xf32>
        %swap3A_791 = arith.index_cast %add3A_650 : i32 to index
        %swap3A_792 = arith.constant 96 : index
        %swap3A_793 = tpu.vector_load %arg21[%swap3A_791, %swap3A_792] {strides = array<i32>} : memref<16x128xf32, #tpu.memory_space<vmem>>, vector<1x16xf32>,
        %swap3A_794 = vector.shape_cast %swap3A_793 : vector<1x16xf32> to vector<16xf32>
        %swap3A_795 = vector.shape_cast %max3A_790 : vector<16xf32> to vector<1x16xf32>
        tpu.vector_store %arg21[%swap3A_791, %swap3A_792], %swap3A_795 {strides = array<i32>} : memref<16x128xf32, #tpu.memory_space<vmem>>, vector<1x16xf32>,
        %get3A_796 = arith.index_cast %add3A_650 : i32 to index
        %get3A_797 = arith.constant 48 : index
        %get3A_798 = tpu.vector_load %arg15[%get3A_796, %get3A_797] {strides = array<i32>} : memref<16x128xi32, #tpu.memory_space<vmem>>, vector<1x16xi32>,
        %get3A_799 = vector.shape_cast %get3A_798 : vector<1x16xi32> to vector<16xi32>
        %get3A_800 = arith.index_cast %add3A_650 : i32 to index
        %get3A_801 = arith.constant 48 : index
        %get3A_802 = tpu.vector_load %arg17[%get3A_800, %get3A_801] {strides = array<i32>} : memref<16x128xi32, #tpu.memory_space<vmem>>, vector<1x16xi32>,
        %get3A_803 = vector.shape_cast %get3A_802 : vector<1x16xi32> to vector<16xi32>
        %get3A_804 = arith.index_cast %add3A_650 : i32 to index
        %get3A_805 = arith.constant 48 : index
        %get3A_806 = tpu.vector_load %arg19[%get3A_804, %get3A_805] {strides = array<i32>} : memref<16x128xi32, #tpu.memory_space<vmem>>, vector<1x16xi32>,
        %get3A_807 = vector.shape_cast %get3A_806 : vector<1x16xi32> to vector<16xi32>
        %shift_left3A_808 = arith.constant 16 : i32
        %shift_left3A_809 = vector.broadcast %shift_left3A_808 : i32 to vector<16xi32>
        %shift_left3A_810 = arith.shli %get3A_799, %shift_left3A_809 : vector<16xi32>
        %bitcast_convert_type3A_811 = tpu.bitcast %shift_left3A_810 : vector<16xi32> -> vector<16xf32>
        %shift_left3A_812 = arith.constant 16 : i32
        %shift_left3A_813 = vector.broadcast %shift_left3A_812 : i32 to vector<16xi32>
        %shift_left3A_814 = arith.shli %get3A_803, %shift_left3A_813 : vector<16xi32>
        %bitcast_convert_type3A_815 = tpu.bitcast %shift_left3A_814 : vector<16xi32> -> vector<16xf32>
        %shift_left3A_816 = arith.constant 16 : i32
        %shift_left3A_817 = vector.broadcast %shift_left3A_816 : i32 to vector<16xi32>
        %shift_left3A_818 = arith.shli %get3A_807, %shift_left3A_817 : vector<16xi32>
        %bitcast_convert_type3A_819 = tpu.bitcast %shift_left3A_818 : vector<16xi32> -> vector<16xf32>
        %and3A_820 = arith.andi %get3A_799, %broadcast_in_dim3A_180 : vector<16xi32>
        %bitcast_convert_type3A_821 = tpu.bitcast %and3A_820 : vector<16xi32> -> vector<16xf32>
        %and3A_822 = arith.andi %get3A_803, %broadcast_in_dim3A_180 : vector<16xi32>
        %bitcast_convert_type3A_823 = tpu.bitcast %and3A_822 : vector<16xi32> -> vector<16xf32>
        %and3A_824 = arith.andi %get3A_807, %broadcast_in_dim3A_180 : vector<16xi32>
        %bitcast_convert_type3A_825 = tpu.bitcast %and3A_824 : vector<16xi32> -> vector<16xf32>
        %add3A_826 = arith.addf %bitcast_convert_type3A_811, %bitcast_convert_type3A_815 : vector<16xf32>
        %add3A_827 = arith.addf %add3A_826, %bitcast_convert_type3A_819 : vector<16xf32>
        %max3A_828 = arith.constant 0.000000e+00 : f32
        %max3A_829 = vector.broadcast %max3A_828 : f32 to vector<16xf32>
        %max3A_830 = arith.maximumf %add3A_827, %max3A_829 : vector<16xf32>
        %swap3A_831 = arith.index_cast %add3A_650 : i32 to index
        %swap3A_832 = arith.constant 48 : index
        %swap3A_833 = tpu.vector_load %arg21[%swap3A_831, %swap3A_832] {strides = array<i32>} : memref<16x128xf32, #tpu.memory_space<vmem>>, vector<1x16xf32>,
        %swap3A_834 = vector.shape_cast %swap3A_833 : vector<1x16xf32> to vector<16xf32>
        %swap3A_835 = vector.shape_cast %max3A_830 : vector<16xf32> to vector<1x16xf32>
        tpu.vector_store %arg21[%swap3A_831, %swap3A_832], %swap3A_835 {strides = array<i32>} : memref<16x128xf32, #tpu.memory_space<vmem>>, vector<1x16xf32>,
        %add3A_836 = arith.addf %bitcast_convert_type3A_821, %bitcast_convert_type3A_823 : vector<16xf32>
        %add3A_837 = arith.addf %add3A_836, %bitcast_convert_type3A_825 : vector<16xf32>
        %max3A_838 = arith.constant 0.000000e+00 : f32
        %max3A_839 = vector.broadcast %max3A_838 : f32 to vector<16xf32>
        %max3A_840 = arith.maximumf %add3A_837, %max3A_839 : vector<16xf32>
        %swap3A_841 = arith.index_cast %add3A_650 : i32 to index
        %swap3A_842 = arith.constant 112 : index
        %swap3A_843 = tpu.vector_load %arg21[%swap3A_841, %swap3A_842] {strides = array<i32>} : memref<16x128xf32, #tpu.memory_space<vmem>>, vector<1x16xf32>,
        %swap3A_844 = vector.shape_cast %swap3A_843 : vector<1x16xf32> to vector<16xf32>
        %swap3A_845 = vector.shape_cast %max3A_840 : vector<16xf32> to vector<1x16xf32>
        tpu.vector_store %arg21[%swap3A_841, %swap3A_842], %swap3A_845 {strides = array<i32>} : memref<16x128xf32, #tpu.memory_space<vmem>>, vector<1x16xf32>,
        %mul3A_846 = arith.constant 2 : i32
        %mul3A_847 = arith.muli %mul3A_846, %scan3A_646 : i32
        %add3A_848 = arith.constant 1 : i32
        %add3A_849 = arith.addi %mul3A_847, %add3A_848 : i32
        %get3A_850 = arith.index_cast %add3A_849 : i32 to index
        %get3A_851 = arith.constant 0 : index
        %get3A_852 = tpu.vector_load %arg15[%get3A_850, %get3A_851] {strides = array<i32>} : memref<16x128xi32, #tpu.memory_space<vmem>>, vector<1x16xi32>,
        %get3A_853 = vector.shape_cast %get3A_852 : vector<1x16xi32> to vector<16xi32>
        %get3A_854 = arith.index_cast %add3A_849 : i32 to index
        %get3A_855 = arith.constant 0 : index
        %get3A_856 = tpu.vector_load %arg17[%get3A_854, %get3A_855] {strides = array<i32>} : memref<16x128xi32, #tpu.memory_space<vmem>>, vector<1x16xi32>,
        %get3A_857 = vector.shape_cast %get3A_856 : vector<1x16xi32> to vector<16xi32>
        %get3A_858 = arith.index_cast %add3A_849 : i32 to index
        %get3A_859 = arith.constant 0 : index
        %get3A_860 = tpu.vector_load %arg19[%get3A_858, %get3A_859] {strides = array<i32>} : memref<16x128xi32, #tpu.memory_space<vmem>>, vector<1x16xi32>,
        %get3A_861 = vector.shape_cast %get3A_860 : vector<1x16xi32> to vector<16xi32>
        %shift_left3A_862 = arith.constant 16 : i32
        %shift_left3A_863 = vector.broadcast %shift_left3A_862 : i32 to vector<16xi32>
        %shift_left3A_864 = arith.shli %get3A_853, %shift_left3A_863 : vector<16xi32>
        %bitcast_convert_type3A_865 = tpu.bitcast %shift_left3A_864 : vector<16xi32> -> vector<16xf32>
        %shift_left3A_866 = arith.constant 16 : i32
        %shift_left3A_867 = vector.broadcast %shift_left3A_866 : i32 to vector<16xi32>
        %shift_left3A_868 = arith.shli %get3A_857, %shift_left3A_867 : vector<16xi32>
        %bitcast_convert_type3A_869 = tpu.bitcast %shift_left3A_868 : vector<16xi32> -> vector<16xf32>
        %shift_left3A_870 = arith.constant 16 : i32
        %shift_left3A_871 = vector.broadcast %shift_left3A_870 : i32 to vector<16xi32>
        %shift_left3A_872 = arith.shli %get3A_861, %shift_left3A_871 : vector<16xi32>
        %bitcast_convert_type3A_873 = tpu.bitcast %shift_left3A_872 : vector<16xi32> -> vector<16xf32>
        %and3A_874 = arith.andi %get3A_853, %broadcast_in_dim3A_180 : vector<16xi32>
        %bitcast_convert_type3A_875 = tpu.bitcast %and3A_874 : vector<16xi32> -> vector<16xf32>
        %and3A_876 = arith.andi %get3A_857, %broadcast_in_dim3A_180 : vector<16xi32>
        %bitcast_convert_type3A_877 = tpu.bitcast %and3A_876 : vector<16xi32> -> vector<16xf32>
        %and3A_878 = arith.andi %get3A_861, %broadcast_in_dim3A_180 : vector<16xi32>
        %bitcast_convert_type3A_879 = tpu.bitcast %and3A_878 : vector<16xi32> -> vector<16xf32>
        %add3A_880 = arith.addf %bitcast_convert_type3A_865, %bitcast_convert_type3A_869 : vector<16xf32>
        %add3A_881 = arith.addf %add3A_880, %bitcast_convert_type3A_873 : vector<16xf32>
        %max3A_882 = arith.constant 0.000000e+00 : f32
        %max3A_883 = vector.broadcast %max3A_882 : f32 to vector<16xf32>
        %max3A_884 = arith.maximumf %add3A_881, %max3A_883 : vector<16xf32>
        %swap3A_885 = arith.index_cast %add3A_849 : i32 to index
        %swap3A_886 = arith.constant 0 : index
        %swap3A_887 = tpu.vector_load %arg21[%swap3A_885, %swap3A_886] {strides = array<i32>} : memref<16x128xf32, #tpu.memory_space<vmem>>, vector<1x16xf32>,
        %swap3A_888 = vector.shape_cast %swap3A_887 : vector<1x16xf32> to vector<16xf32>
        %swap3A_889 = vector.shape_cast %max3A_884 : vector<16xf32> to vector<1x16xf32>
        tpu.vector_store %arg21[%swap3A_885, %swap3A_886], %swap3A_889 {strides = array<i32>} : memref<16x128xf32, #tpu.memory_space<vmem>>, vector<1x16xf32>,
        %add3A_890 = arith.addf %bitcast_convert_type3A_875, %bitcast_convert_type3A_877 : vector<16xf32>
        %add3A_891 = arith.addf %add3A_890, %bitcast_convert_type3A_879 : vector<16xf32>
        %max3A_892 = arith.constant 0.000000e+00 : f32
        %max3A_893 = vector.broadcast %max3A_892 : f32 to vector<16xf32>
        %max3A_894 = arith.maximumf %add3A_891, %max3A_893 : vector<16xf32>
        %swap3A_895 = arith.index_cast %add3A_849 : i32 to index
        %swap3A_896 = arith.constant 64 : index
        %swap3A_897 = tpu.vector_load %arg21[%swap3A_895, %swap3A_896] {strides = array<i32>} : memref<16x128xf32, #tpu.memory_space<vmem>>, vector<1x16xf32>,
        %swap3A_898 = vector.shape_cast %swap3A_897 : vector<1x16xf32> to vector<16xf32>
        %swap3A_899 = vector.shape_cast %max3A_894 : vector<16xf32> to vector<1x16xf32>
        tpu.vector_store %arg21[%swap3A_895, %swap3A_896], %swap3A_899 {strides = array<i32>} : memref<16x128xf32, #tpu.memory_space<vmem>>, vector<1x16xf32>,
        %get3A_900 = arith.index_cast %add3A_849 : i32 to index
        %get3A_901 = arith.constant 16 : index
        %get3A_902 = tpu.vector_load %arg15[%get3A_900, %get3A_901] {strides = array<i32>} : memref<16x128xi32, #tpu.memory_space<vmem>>, vector<1x16xi32>,
        %get3A_903 = vector.shape_cast %get3A_902 : vector<1x16xi32> to vector<16xi32>
        %get3A_904 = arith.index_cast %add3A_849 : i32 to index
        %get3A_905 = arith.constant 16 : index
        %get3A_906 = tpu.vector_load %arg17[%get3A_904, %get3A_905] {strides = array<i32>} : memref<16x128xi32, #tpu.memory_space<vmem>>, vector<1x16xi32>,
        %get3A_907 = vector.shape_cast %get3A_906 : vector<1x16xi32> to vector<16xi32>
        %get3A_908 = arith.index_cast %add3A_849 : i32 to index
        %get3A_909 = arith.constant 16 : index
        %get3A_910 = tpu.vector_load %arg19[%get3A_908, %get3A_909] {strides = array<i32>} : memref<16x128xi32, #tpu.memory_space<vmem>>, vector<1x16xi32>,
        %get3A_911 = vector.shape_cast %get3A_910 : vector<1x16xi32> to vector<16xi32>
        %shift_left3A_912 = arith.constant 16 : i32
        %shift_left3A_913 = vector.broadcast %shift_left3A_912 : i32 to vector<16xi32>
        %shift_left3A_914 = arith.shli %get3A_903, %shift_left3A_913 : vector<16xi32>
        %bitcast_convert_type3A_915 = tpu.bitcast %shift_left3A_914 : vector<16xi32> -> vector<16xf32>
        %shift_left3A_916 = arith.constant 16 : i32
        %shift_left3A_917 = vector.broadcast %shift_left3A_916 : i32 to vector<16xi32>
        %shift_left3A_918 = arith.shli %get3A_907, %shift_left3A_917 : vector<16xi32>
        %bitcast_convert_type3A_919 = tpu.bitcast %shift_left3A_918 : vector<16xi32> -> vector<16xf32>
        %shift_left3A_920 = arith.constant 16 : i32
        %shift_left3A_921 = vector.broadcast %shift_left3A_920 : i32 to vector<16xi32>
        %shift_left3A_922 = arith.shli %get3A_911, %shift_left3A_921 : vector<16xi32>
        %bitcast_convert_type3A_923 = tpu.bitcast %shift_left3A_922 : vector<16xi32> -> vector<16xf32>
        %and3A_924 = arith.andi %get3A_903, %broadcast_in_dim3A_180 : vector<16xi32>
        %bitcast_convert_type3A_925 = tpu.bitcast %and3A_924 : vector<16xi32> -> vector<16xf32>
        %and3A_926 = arith.andi %get3A_907, %broadcast_in_dim3A_180 : vector<16xi32>
        %bitcast_convert_type3A_927 = tpu.bitcast %and3A_926 : vector<16xi32> -> vector<16xf32>
        %and3A_928 = arith.andi %get3A_911, %broadcast_in_dim3A_180 : vector<16xi32>
        %bitcast_convert_type3A_929 = tpu.bitcast %and3A_928 : vector<16xi32> -> vector<16xf32>
        %add3A_930 = arith.addf %bitcast_convert_type3A_915, %bitcast_convert_type3A_919 : vector<16xf32>
        %add3A_931 = arith.addf %add3A_930, %bitcast_convert_type3A_923 : vector<16xf32>
        %max3A_932 = arith.constant 0.000000e+00 : f32
        %max3A_933 = vector.broadcast %max3A_932 : f32 to vector<16xf32>
        %max3A_934 = arith.maximumf %add3A_931, %max3A_933 : vector<16xf32>
        %swap3A_935 = arith.index_cast %add3A_849 : i32 to index
        %swap3A_936 = arith.constant 16 : index
        %swap3A_937 = tpu.vector_load %arg21[%swap3A_935, %swap3A_936] {strides = array<i32>} : memref<16x128xf32, #tpu.memory_space<vmem>>, vector<1x16xf32>,
        %swap3A_938 = vector.shape_cast %swap3A_937 : vector<1x16xf32> to vector<16xf32>
        %swap3A_939 = vector.shape_cast %max3A_934 : vector<16xf32> to vector<1x16xf32>
        tpu.vector_store %arg21[%swap3A_935, %swap3A_936], %swap3A_939 {strides = array<i32>} : memref<16x128xf32, #tpu.memory_space<vmem>>, vector<1x16xf32>,
        %add3A_940 = arith.addf %bitcast_convert_type3A_925, %bitcast_convert_type3A_927 : vector<16xf32>
        %add3A_941 = arith.addf %add3A_940, %bitcast_convert_type3A_929 : vector<16xf32>
        %max3A_942 = arith.constant 0.000000e+00 : f32
        %max3A_943 = vector.broadcast %max3A_942 : f32 to vector<16xf32>
        %max3A_944 = arith.maximumf %add3A_941, %max3A_943 : vector<16xf32>
        %swap3A_945 = arith.index_cast %add3A_849 : i32 to index
        %swap3A_946 = arith.constant 80 : index
        %swap3A_947 = tpu.vector_load %arg21[%swap3A_945, %swap3A_946] {strides = array<i32>} : memref<16x128xf32, #tpu.memory_space<vmem>>, vector<1x16xf32>,
        %swap3A_948 = vector.shape_cast %swap3A_947 : vector<1x16xf32> to vector<16xf32>
        %swap3A_949 = vector.shape_cast %max3A_944 : vector<16xf32> to vector<1x16xf32>
        tpu.vector_store %arg21[%swap3A_945, %swap3A_946], %swap3A_949 {strides = array<i32>} : memref<16x128xf32, #tpu.memory_space<vmem>>, vector<1x16xf32>,
        %get3A_950 = arith.index_cast %add3A_849 : i32 to index
        %get3A_951 = arith.constant 32 : index
        %get3A_952 = tpu.vector_load %arg15[%get3A_950, %get3A_951] {strides = array<i32>} : memref<16x128xi32, #tpu.memory_space<vmem>>, vector<1x16xi32>,
        %get3A_953 = vector.shape_cast %get3A_952 : vector<1x16xi32> to vector<16xi32>
        %get3A_954 = arith.index_cast %add3A_849 : i32 to index
        %get3A_955 = arith.constant 32 : index
        %get3A_956 = tpu.vector_load %arg17[%get3A_954, %get3A_955] {strides = array<i32>} : memref<16x128xi32, #tpu.memory_space<vmem>>, vector<1x16xi32>,
        %get3A_957 = vector.shape_cast %get3A_956 : vector<1x16xi32> to vector<16xi32>
        %get3A_958 = arith.index_cast %add3A_849 : i32 to index
        %get3A_959 = arith.constant 32 : index
        %get3A_960 = tpu.vector_load %arg19[%get3A_958, %get3A_959] {strides = array<i32>} : memref<16x128xi32, #tpu.memory_space<vmem>>, vector<1x16xi32>,
        %get3A_961 = vector.shape_cast %get3A_960 : vector<1x16xi32> to vector<16xi32>
        %shift_left3A_962 = arith.constant 16 : i32
        %shift_left3A_963 = vector.broadcast %shift_left3A_962 : i32 to vector<16xi32>
        %shift_left3A_964 = arith.shli %get3A_953, %shift_left3A_963 : vector<16xi32>
        %bitcast_convert_type3A_965 = tpu.bitcast %shift_left3A_964 : vector<16xi32> -> vector<16xf32>
        %shift_left3A_966 = arith.constant 16 : i32
        %shift_left3A_967 = vector.broadcast %shift_left3A_966 : i32 to vector<16xi32>
        %shift_left3A_968 = arith.shli %get3A_957, %shift_left3A_967 : vector<16xi32>
        %bitcast_convert_type3A_969 = tpu.bitcast %shift_left3A_968 : vector<16xi32> -> vector<16xf32>
        %shift_left3A_970 = arith.constant 16 : i32
        %shift_left3A_971 = vector.broadcast %shift_left3A_970 : i32 to vector<16xi32>
        %shift_left3A_972 = arith.shli %get3A_961, %shift_left3A_971 : vector<16xi32>
        %bitcast_convert_type3A_973 = tpu.bitcast %shift_left3A_972 : vector<16xi32> -> vector<16xf32>
        %and3A_974 = arith.andi %get3A_953, %broadcast_in_dim3A_180 : vector<16xi32>
        %bitcast_convert_type3A_975 = tpu.bitcast %and3A_974 : vector<16xi32> -> vector<16xf32>
        %and3A_976 = arith.andi %get3A_957, %broadcast_in_dim3A_180 : vector<16xi32>
        %bitcast_convert_type3A_977 = tpu.bitcast %and3A_976 : vector<16xi32> -> vector<16xf32>
        %and3A_978 = arith.andi %get3A_961, %broadcast_in_dim3A_180 : vector<16xi32>
        %bitcast_convert_type3A_979 = tpu.bitcast %and3A_978 : vector<16xi32> -> vector<16xf32>
        %add3A_980 = arith.addf %bitcast_convert_type3A_965, %bitcast_convert_type3A_969 : vector<16xf32>
        %add3A_981 = arith.addf %add3A_980, %bitcast_convert_type3A_973 : vector<16xf32>
        %max3A_982 = arith.constant 0.000000e+00 : f32
        %max3A_983 = vector.broadcast %max3A_982 : f32 to vector<16xf32>
        %max3A_984 = arith.maximumf %add3A_981, %max3A_983 : vector<16xf32>
        %swap3A_985 = arith.index_cast %add3A_849 : i32 to index
        %swap3A_986 = arith.constant 32 : index
        %swap3A_987 = tpu.vector_load %arg21[%swap3A_985, %swap3A_986] {strides = array<i32>} : memref<16x128xf32, #tpu.memory_space<vmem>>, vector<1x16xf32>,
        %swap3A_988 = vector.shape_cast %swap3A_987 : vector<1x16xf32> to vector<16xf32>
        %swap3A_989 = vector.shape_cast %max3A_984 : vector<16xf32> to vector<1x16xf32>
        tpu.vector_store %arg21[%swap3A_985, %swap3A_986], %swap3A_989 {strides = array<i32>} : memref<16x128xf32, #tpu.memory_space<vmem>>, vector<1x16xf32>,
        %add3A_990 = arith.addf %bitcast_convert_type3A_975, %bitcast_convert_type3A_977 : vector<16xf32>
        %add3A_991 = arith.addf %add3A_990, %bitcast_convert_type3A_979 : vector<16xf32>
        %max3A_992 = arith.constant 0.000000e+00 : f32
        %max3A_993 = vector.broadcast %max3A_992 : f32 to vector<16xf32>
        %max3A_994 = arith.maximumf %add3A_991, %max3A_993 : vector<16xf32>
        %swap3A_995 = arith.index_cast %add3A_849 : i32 to index
        %swap3A_996 = arith.constant 96 : index
        %swap3A_997 = tpu.vector_load %arg21[%swap3A_995, %swap3A_996] {strides = array<i32>} : memref<16x128xf32, #tpu.memory_space<vmem>>, vector<1x16xf32>,
        %swap3A_998 = vector.shape_cast %swap3A_997 : vector<1x16xf32> to vector<16xf32>
        %swap3A_999 = vector.shape_cast %max3A_994 : vector<16xf32> to vector<1x16xf32>
        tpu.vector_store %arg21[%swap3A_995, %swap3A_996], %swap3A_999 {strides = array<i32>} : memref<16x128xf32, #tpu.memory_space<vmem>>, vector<1x16xf32>,
        %get3A_1000 = arith.index_cast %add3A_849 : i32 to index
        %get3A_1001 = arith.constant 48 : index
        %get3A_1002 = tpu.vector_load %arg15[%get3A_1000, %get3A_1001] {strides = array<i32>} : memref<16x128xi32, #tpu.memory_space<vmem>>, vector<1x16xi32>,
        %get3A_1003 = vector.shape_cast %get3A_1002 : vector<1x16xi32> to vector<16xi32>
        %get3A_1004 = arith.index_cast %add3A_849 : i32 to index
        %get3A_1005 = arith.constant 48 : index
        %get3A_1006 = tpu.vector_load %arg17[%get3A_1004, %get3A_1005] {strides = array<i32>} : memref<16x128xi32, #tpu.memory_space<vmem>>, vector<1x16xi32>,
        %get3A_1007 = vector.shape_cast %get3A_1006 : vector<1x16xi32> to vector<16xi32>
        %get3A_1008 = arith.index_cast %add3A_849 : i32 to index
        %get3A_1009 = arith.constant 48 : index
        %get3A_1010 = tpu.vector_load %arg19[%get3A_1008, %get3A_1009] {strides = array<i32>} : memref<16x128xi32, #tpu.memory_space<vmem>>, vector<1x16xi32>,
        %get3A_1011 = vector.shape_cast %get3A_1010 : vector<1x16xi32> to vector<16xi32>
        %shift_left3A_1012 = arith.constant 16 : i32
        %shift_left3A_1013 = vector.broadcast %shift_left3A_1012 : i32 to vector<16xi32>
        %shift_left3A_1014 = arith.shli %get3A_1003, %shift_left3A_1013 : vector<16xi32>
        %bitcast_convert_type3A_1015 = tpu.bitcast %shift_left3A_1014 : vector<16xi32> -> vector<16xf32>
        %shift_left3A_1016 = arith.constant 16 : i32
        %shift_left3A_1017 = vector.broadcast %shift_left3A_1016 : i32 to vector<16xi32>
        %shift_left3A_1018 = arith.shli %get3A_1007, %shift_left3A_1017 : vector<16xi32>
        %bitcast_convert_type3A_1019 = tpu.bitcast %shift_left3A_1018 : vector<16xi32> -> vector<16xf32>
        %shift_left3A_1020 = arith.constant 16 : i32
        %shift_left3A_1021 = vector.broadcast %shift_left3A_1020 : i32 to vector<16xi32>
        %shift_left3A_1022 = arith.shli %get3A_1011, %shift_left3A_1021 : vector<16xi32>
        %bitcast_convert_type3A_1023 = tpu.bitcast %shift_left3A_1022 : vector<16xi32> -> vector<16xf32>
        %and3A_1024 = arith.andi %get3A_1003, %broadcast_in_dim3A_180 : vector<16xi32>
        %bitcast_convert_type3A_1025 = tpu.bitcast %and3A_1024 : vector<16xi32> -> vector<16xf32>
        %and3A_1026 = arith.andi %get3A_1007, %broadcast_in_dim3A_180 : vector<16xi32>
        %bitcast_convert_type3A_1027 = tpu.bitcast %and3A_1026 : vector<16xi32> -> vector<16xf32>
        %and3A_1028 = arith.andi %get3A_1011, %broadcast_in_dim3A_180 : vector<16xi32>
        %bitcast_convert_type3A_1029 = tpu.bitcast %and3A_1028 : vector<16xi32> -> vector<16xf32>
        %add3A_1030 = arith.addf %bitcast_convert_type3A_1015, %bitcast_convert_type3A_1019 : vector<16xf32>
        %add3A_1031 = arith.addf %add3A_1030, %bitcast_convert_type3A_1023 : vector<16xf32>
        %max3A_1032 = arith.constant 0.000000e+00 : f32
        %max3A_1033 = vector.broadcast %max3A_1032 : f32 to vector<16xf32>
        %max3A_1034 = arith.maximumf %add3A_1031, %max3A_1033 : vector<16xf32>
        %swap3A_1035 = arith.index_cast %add3A_849 : i32 to index
        %swap3A_1036 = arith.constant 48 : index
        %swap3A_1037 = tpu.vector_load %arg21[%swap3A_1035, %swap3A_1036] {strides = array<i32>} : memref<16x128xf32, #tpu.memory_space<vmem>>, vector<1x16xf32>,
        %swap3A_1038 = vector.shape_cast %swap3A_1037 : vector<1x16xf32> to vector<16xf32>
        %swap3A_1039 = vector.shape_cast %max3A_1034 : vector<16xf32> to vector<1x16xf32>
        tpu.vector_store %arg21[%swap3A_1035, %swap3A_1036], %swap3A_1039 {strides = array<i32>} : memref<16x128xf32, #tpu.memory_space<vmem>>, vector<1x16xf32>,
        %add3A_1040 = arith.addf %bitcast_convert_type3A_1025, %bitcast_convert_type3A_1027 : vector<16xf32>
        %add3A_1041 = arith.addf %add3A_1040, %bitcast_convert_type3A_1029 : vector<16xf32>
        %max3A_1042 = arith.constant 0.000000e+00 : f32
        %max3A_1043 = vector.broadcast %max3A_1042 : f32 to vector<16xf32>
        %max3A_1044 = arith.maximumf %add3A_1041, %max3A_1043 : vector<16xf32>
        %swap3A_1045 = arith.index_cast %add3A_849 : i32 to index
        %swap3A_1046 = arith.constant 112 : index
        %swap3A_1047 = tpu.vector_load %arg21[%swap3A_1045, %swap3A_1046] {strides = array<i32>} : memref<16x128xf32, #tpu.memory_space<vmem>>, vector<1x16xf32>,
        %swap3A_1048 = vector.shape_cast %swap3A_1047 : vector<1x16xf32> to vector<16xf32>
        %swap3A_1049 = vector.shape_cast %max3A_1044 : vector<16xf32> to vector<1x16xf32>
        tpu.vector_store %arg21[%swap3A_1045, %swap3A_1046], %swap3A_1049 {strides = array<i32>} : memref<16x128xf32, #tpu.memory_space<vmem>>, vector<1x16xf32>,
      }
      %scan3A_629 = arith.constant 8 : i32
      %dma_start3A_630 = arith.constant 0 : i32
      %dma_start3A_631 = tpu.memref_slice %arg13[%rem3A_617, %dma_start3A_630] : memref<6x16xi32, #tpu.memory_space<vmem>> -> memref<1x16xi32, #tpu.memory_space<vmem>>
      %dma_start3A_632 = tpu.memref_squeeze %dma_start3A_631 : memref<1x16xi32, #tpu.memory_space<vmem>> -> memref<16xi32, #tpu.memory_space<vmem>>
      %dma_start3A_633 = arith.constant 0 : i32
      %dma_start3A_634 = arith.constant 0 : i32
      %dma_start3A_635 = tpu.memref_slice %arg24[%dma_start3A_633, %dma_start3A_634] : memref<10240x128xf32, #tpu.memory_space<vmem_shared>> -> memref<10240x128xf32, #tpu.memory_space<vmem_shared>>
      tpu.enqueue_indirect_dma source(%arg21 : memref<16x128xf32, #tpu.memory_space<vmem>>) target(%dma_start3A_635 : memref<10240x128xf32, #tpu.memory_space<vmem_shared>>) offsets(%dma_start3A_632 : memref<16xi32, #tpu.memory_space<vmem>>) semaphore(%arg31 : memref<!tpu.dma_semaphore, #tpu.memory_space<semaphore_mem>>) {add = true}
      %eq3A_636 = arith.constant 1 : i32
      %eq3A_637 = arith.cmpi eq, %arg0, %eq3A_636 : i32
      %convert_element_type3A_638 = arith.extui %eq3A_637 : i1 to i32
      %cond3A_639 = arith.constant 0 : i32
      %cond3A_640 = arith.cmpi ne, %convert_element_type3A_638, %cond3A_639 : i32
      scf.if %cond3A_640 {
        %dma_wait3A_646 = arith.constant 0 : i32
        %dma_wait3A_647 = tpu.memref_slice %arg13[%rem3A_617, %dma_wait3A_646] : memref<6x16xi32, #tpu.memory_space<vmem>> -> memref<1x16xi32, #tpu.memory_space<vmem>>
        %dma_wait3A_648 = tpu.memref_squeeze %dma_wait3A_647 : memref<1x16xi32, #tpu.memory_space<vmem>> -> memref<16xi32, #tpu.memory_space<vmem>>
        %dma_wait3A_649 = arith.constant 0 : i32
        %dma_wait3A_650 = tpu.memref_slice %arg25[%dma_wait3A_649] : memref<10240xf32, #tpu.memory_space<vmem_shared>> -> memref<10240xf32, #tpu.memory_space<vmem_shared>>
        tpu.wait_indirect_dma semaphore(%arg32 : memref<!tpu.dma_semaphore, #tpu.memory_space<semaphore_mem>>) src(%arg22 : memref<16xf32, #tpu.memory_space<vmem>>) dst(%dma_wait3A_650 : memref<10240xf32, #tpu.memory_space<vmem_shared>>)
        %dma_start3A_651 = arith.constant 0 : i32
        %dma_start3A_652 = tpu.memref_slice %arg13[%rem3A_617, %dma_start3A_651] : memref<6x16xi32, #tpu.memory_space<vmem>> -> memref<1x16xi32, #tpu.memory_space<vmem>>
        %dma_start3A_653 = tpu.memref_squeeze %dma_start3A_652 : memref<1x16xi32, #tpu.memory_space<vmem>> -> memref<16xi32, #tpu.memory_space<vmem>>
        %dma_start3A_654 = arith.constant 0 : i32
        %dma_start3A_655 = tpu.memref_slice %arg25[%dma_start3A_654] : memref<10240xf32, #tpu.memory_space<vmem_shared>> -> memref<10240xf32, #tpu.memory_space<vmem_shared>>
        tpu.enqueue_indirect_dma source(%arg22 : memref<16xf32, #tpu.memory_space<vmem>>) target(%dma_start3A_655 : memref<10240xf32, #tpu.memory_space<vmem_shared>>) offsets(%dma_start3A_653 : memref<16xi32, #tpu.memory_space<vmem>>) semaphore(%arg32 : memref<!tpu.dma_semaphore, #tpu.memory_space<semaphore_mem>>) {add = true}
      } else {
      }
      %lt3A_641 = arith.constant 311 : i32
      %lt3A_642 = arith.cmpi slt, %scan3A_476, %lt3A_641 : i32
      %convert_element_type3A_643 = arith.extui %lt3A_642 : i1 to i32
      %cond3A_644 = arith.constant 0 : i32
      %cond3A_645 = arith.cmpi ne, %convert_element_type3A_643, %cond3A_644 : i32
      scf.if %cond3A_645 {
        %add3A_646 = arith.constant 2 : i32
        %add3A_647 = arith.addi %add3A_480, %add3A_646 : i32
        %rem3A_648 = arith.constant 3 : i32
        %rem3A_649 = arith.remsi %add3A_647, %rem3A_648 : i32
        %rem3A_650 = arith.constant 6 : i32
        %rem3A_651 = arith.remsi %add3A_647, %rem3A_650 : i32
        %eq3A_652 = arith.constant 0 : i32
        %eq3A_653 = arith.cmpi eq, %arg0, %eq3A_652 : i32
        %convert_element_type3A_654 = arith.extui %eq3A_653 : i1 to i32
        %cond3A_655 = arith.constant 0 : i32
        %cond3A_656 = arith.cmpi ne, %convert_element_type3A_654, %cond3A_655 : i32
        scf.if %cond3A_656 {
          %dma_start3A_700 = arith.constant 0 : i32
          %dma_start3A_701 = tpu.memref_slice %arg12[%rem3A_649, %dma_start3A_700] : memref<3x16xi32, #tpu.memory_space<vmem>> -> memref<1x16xi32, #tpu.memory_space<vmem>>
          %dma_start3A_702 = tpu.memref_squeeze %dma_start3A_701 : memref<1x16xi32, #tpu.memory_space<vmem>> -> memref<16xi32, #tpu.memory_space<vmem>>
          %dma_start3A_703 = arith.constant 0 : i32
          %dma_start3A_704 = arith.constant 0 : i32
          %dma_start3A_705 = tpu.memref_slice %arg2[%dma_start3A_703, %dma_start3A_704] : memref<10000x128xi32, #tpu.memory_space<hbm>> -> memref<10000x128xi32, #tpu.memory_space<hbm>>
          tpu.enqueue_indirect_dma source(%dma_start3A_705 : memref<10000x128xi32, #tpu.memory_space<hbm>>) target(%arg15 : memref<16x128xi32, #tpu.memory_space<vmem>>) offsets(%dma_start3A_702 : memref<16xi32, #tpu.memory_space<vmem>>) semaphore(%arg29 : memref<!tpu.dma_semaphore, #tpu.memory_space<semaphore_mem>>)
          %dma_start3A_706 = arith.constant 0 : i32
          %dma_start3A_707 = tpu.memref_slice %arg13[%rem3A_651, %dma_start3A_706] : memref<6x16xi32, #tpu.memory_space<vmem>> -> memref<1x16xi32, #tpu.memory_space<vmem>>
          %dma_start3A_708 = tpu.memref_squeeze %dma_start3A_707 : memref<1x16xi32, #tpu.memory_space<vmem>> -> memref<16xi32, #tpu.memory_space<vmem>>
          %dma_start3A_709 = arith.constant 0 : i32
          %dma_start3A_710 = arith.constant 0 : i32
          %dma_start3A_711 = tpu.memref_slice %arg4[%dma_start3A_709, %dma_start3A_710] : memref<10000x128xi32, #tpu.memory_space<hbm>> -> memref<10000x128xi32, #tpu.memory_space<hbm>>
          tpu.enqueue_indirect_dma source(%dma_start3A_711 : memref<10000x128xi32, #tpu.memory_space<hbm>>) target(%arg17 : memref<16x128xi32, #tpu.memory_space<vmem>>) offsets(%dma_start3A_708 : memref<16xi32, #tpu.memory_space<vmem>>) semaphore(%arg29 : memref<!tpu.dma_semaphore, #tpu.memory_space<semaphore_mem>>)
        } else {
        }
        %eq3A_657 = arith.constant 1 : i32
        %eq3A_658 = arith.cmpi eq, %arg0, %eq3A_657 : i32
        %convert_element_type3A_659 = arith.extui %eq3A_658 : i1 to i32
        %cond3A_660 = arith.constant 0 : i32
        %cond3A_661 = arith.cmpi ne, %convert_element_type3A_659, %cond3A_660 : i32
        scf.if %cond3A_661 {
          %dma_start3A_700 = arith.constant 0 : i32
          %dma_start3A_701 = tpu.memref_slice %arg12[%rem3A_649, %dma_start3A_700] : memref<3x16xi32, #tpu.memory_space<vmem>> -> memref<1x16xi32, #tpu.memory_space<vmem>>
          %dma_start3A_702 = tpu.memref_squeeze %dma_start3A_701 : memref<1x16xi32, #tpu.memory_space<vmem>> -> memref<16xi32, #tpu.memory_space<vmem>>
          %dma_start3A_703 = arith.constant 0 : i32
          %dma_start3A_704 = arith.constant 0 : i32
          %dma_start3A_705 = tpu.memref_slice %arg3[%dma_start3A_703, %dma_start3A_704] : memref<10000x128xi32, #tpu.memory_space<hbm>> -> memref<10000x128xi32, #tpu.memory_space<hbm>>
          tpu.enqueue_indirect_dma source(%dma_start3A_705 : memref<10000x128xi32, #tpu.memory_space<hbm>>) target(%arg15 : memref<16x128xi32, #tpu.memory_space<vmem>>) offsets(%dma_start3A_702 : memref<16xi32, #tpu.memory_space<vmem>>) semaphore(%arg29 : memref<!tpu.dma_semaphore, #tpu.memory_space<semaphore_mem>>)
          %dma_start3A_706 = arith.constant 0 : i32
          %dma_start3A_707 = tpu.memref_slice %arg13[%rem3A_651, %dma_start3A_706] : memref<6x16xi32, #tpu.memory_space<vmem>> -> memref<1x16xi32, #tpu.memory_space<vmem>>
          %dma_start3A_708 = tpu.memref_squeeze %dma_start3A_707 : memref<1x16xi32, #tpu.memory_space<vmem>> -> memref<16xi32, #tpu.memory_space<vmem>>
          %dma_start3A_709 = arith.constant 0 : i32
          %dma_start3A_710 = arith.constant 0 : i32
          %dma_start3A_711 = tpu.memref_slice %arg5[%dma_start3A_709, %dma_start3A_710] : memref<10000x128xi32, #tpu.memory_space<hbm>> -> memref<10000x128xi32, #tpu.memory_space<hbm>>
          tpu.enqueue_indirect_dma source(%dma_start3A_711 : memref<10000x128xi32, #tpu.memory_space<hbm>>) target(%arg17 : memref<16x128xi32, #tpu.memory_space<vmem>>) offsets(%dma_start3A_708 : memref<16xi32, #tpu.memory_space<vmem>>) semaphore(%arg29 : memref<!tpu.dma_semaphore, #tpu.memory_space<semaphore_mem>>)
        } else {
        }
        %mul3A_662 = arith.constant 160000 : i32
        %mul3A_663 = arith.muli %arg0, %mul3A_662 : i32
        %add3A_664 = arith.addi %mul3A_663, %mul3A_178 : i32
        %mul3A_665 = arith.constant 16 : i32
        %mul3A_666 = arith.muli %add3A_647, %mul3A_665 : i32
        %add3A_667 = arith.addi %add3A_664, %mul3A_666 : i32
        %dma_start3A_668 = arith.constant 0 : i32
        %dma_start3A_669 = tpu.memref_slice %arg6[%add3A_667, %dma_start3A_668] : memref<320000x128xi32, #tpu.memory_space<hbm>> -> memref<16x128xi32, #tpu.memory_space<hbm>>
        %dma_start3A_670 = arith.constant 0 : i32
        %dma_start3A_671 = tpu.memref_slice %arg6[%add3A_667, %dma_start3A_670] : memref<320000x128xi32, #tpu.memory_space<hbm>> -> memref<16x128xi32, #tpu.memory_space<hbm>>
        tpu.enqueue_dma source(%dma_start3A_671 : memref<16x128xi32, #tpu.memory_space<hbm>>) target(%arg19 : memref<16x128xi32, #tpu.memory_space<vmem>>) target_semaphore(%arg29 : memref<!tpu.dma_semaphore, #tpu.memory_space<semaphore_mem>>)
        %add3A_672 = arith.constant 3 : i32
        %add3A_673 = arith.addi %add3A_480, %add3A_672 : i32
        %rem3A_674 = arith.constant 3 : i32
        %rem3A_675 = arith.remsi %add3A_673, %rem3A_674 : i32
        %rem3A_676 = arith.constant 6 : i32
        %rem3A_677 = arith.remsi %add3A_673, %rem3A_676 : i32
        %mul3A_678 = arith.constant 16 : i32
        %mul3A_679 = arith.muli %add3A_673, %mul3A_678 : i32
        %add3A_680 = arith.addi %mul3A_178, %mul3A_679 : i32
        %dma_start3A_681 = arith.constant 0 : i32
        %dma_start3A_682 = tpu.memref_slice %arg12[%rem3A_675, %dma_start3A_681] : memref<3x16xi32, #tpu.memory_space<vmem>> -> memref<1x16xi32, #tpu.memory_space<vmem>>
        %dma_start3A_683 = tpu.memref_squeeze %dma_start3A_682 : memref<1x16xi32, #tpu.memory_space<vmem>> -> memref<16xi32, #tpu.memory_space<vmem>>
        %dma_start3A_684 = tpu.memref_slice %arg7[%add3A_680] : memref<160000xi32, #tpu.memory_space<hbm>> -> memref<16xi32, #tpu.memory_space<hbm>>
        %dma_start3A_685 = arith.constant 0 : i32
        %dma_start3A_686 = tpu.memref_slice %arg12[%rem3A_675, %dma_start3A_685] : memref<3x16xi32, #tpu.memory_space<vmem>> -> memref<1x16xi32, #tpu.memory_space<vmem>>
        %dma_start3A_687 = tpu.memref_squeeze %dma_start3A_686 : memref<1x16xi32, #tpu.memory_space<vmem>> -> memref<16xi32, #tpu.memory_space<vmem>>
        %dma_start3A_688 = tpu.memref_slice %arg7[%add3A_680] : memref<160000xi32, #tpu.memory_space<hbm>> -> memref<16xi32, #tpu.memory_space<hbm>>
        tpu.enqueue_dma source(%dma_start3A_688 : memref<16xi32, #tpu.memory_space<hbm>>) target(%dma_start3A_687 : memref<16xi32, #tpu.memory_space<vmem>>) target_semaphore(%arg26 : memref<!tpu.dma_semaphore, #tpu.memory_space<semaphore_mem>>)
        %mul3A_689 = arith.constant 16 : i32
        %mul3A_690 = arith.muli %add3A_673, %mul3A_689 : i32
        %add3A_691 = arith.addi %mul3A_178, %mul3A_690 : i32
        %dma_start3A_692 = arith.constant 0 : i32
        %dma_start3A_693 = tpu.memref_slice %arg13[%rem3A_677, %dma_start3A_692] : memref<6x16xi32, #tpu.memory_space<vmem>> -> memref<1x16xi32, #tpu.memory_space<vmem>>
        %dma_start3A_694 = tpu.memref_squeeze %dma_start3A_693 : memref<1x16xi32, #tpu.memory_space<vmem>> -> memref<16xi32, #tpu.memory_space<vmem>>
        %dma_start3A_695 = tpu.memref_slice %arg8[%add3A_691] : memref<160000xi32, #tpu.memory_space<hbm>> -> memref<16xi32, #tpu.memory_space<hbm>>
        %dma_start3A_696 = arith.constant 0 : i32
        %dma_start3A_697 = tpu.memref_slice %arg13[%rem3A_677, %dma_start3A_696] : memref<6x16xi32, #tpu.memory_space<vmem>> -> memref<1x16xi32, #tpu.memory_space<vmem>>
        %dma_start3A_698 = tpu.memref_squeeze %dma_start3A_697 : memref<1x16xi32, #tpu.memory_space<vmem>> -> memref<16xi32, #tpu.memory_space<vmem>>
        %dma_start3A_699 = tpu.memref_slice %arg8[%add3A_691] : memref<160000xi32, #tpu.memory_space<hbm>> -> memref<16xi32, #tpu.memory_space<hbm>>
        tpu.enqueue_dma source(%dma_start3A_699 : memref<16xi32, #tpu.memory_space<hbm>>) target(%dma_start3A_698 : memref<16xi32, #tpu.memory_space<vmem>>) target_semaphore(%arg26 : memref<!tpu.dma_semaphore, #tpu.memory_space<semaphore_mem>>)
      } else {
      }
    }
    %scan3A_384 = arith.constant 312 : i32
    %rem3A_385 = arith.constant 624 : i32
    %rem3A_386 = arith.constant 3 : i32
    %rem3A_387 = arith.remsi %rem3A_385, %rem3A_386 : i32
    %rem3A_388 = arith.constant 624 : i32
    %rem3A_389 = arith.constant 6 : i32
    %rem3A_390 = arith.remsi %rem3A_388, %rem3A_389 : i32
    %dma_wait3A_391 = arith.constant 0 : i32
    %dma_wait3A_392 = tpu.memref_slice %arg12[%rem3A_387, %dma_wait3A_391] : memref<3x16xi32, #tpu.memory_space<vmem>> -> memref<1x16xi32, #tpu.memory_space<vmem>>
    %dma_wait3A_393 = tpu.memref_squeeze %dma_wait3A_392 : memref<1x16xi32, #tpu.memory_space<vmem>> -> memref<16xi32, #tpu.memory_space<vmem>>
    %dma_wait3A_394 = arith.constant 0 : i32
    %dma_wait3A_395 = arith.constant 0 : i32
    %dma_wait3A_396 = tpu.memref_slice %arg2[%dma_wait3A_394, %dma_wait3A_395] : memref<10000x128xi32, #tpu.memory_space<hbm>> -> memref<10000x128xi32, #tpu.memory_space<hbm>>
    tpu.wait_indirect_dma semaphore(%arg28 : memref<!tpu.dma_semaphore, #tpu.memory_space<semaphore_mem>>) src(%dma_wait3A_396 : memref<10000x128xi32, #tpu.memory_space<hbm>>) dst(%arg14 : memref<16x128xi32, #tpu.memory_space<vmem>>)
    %dma_wait3A_397 = arith.constant 0 : i32
    %dma_wait3A_398 = tpu.memref_slice %arg13[%rem3A_390, %dma_wait3A_397] : memref<6x16xi32, #tpu.memory_space<vmem>> -> memref<1x16xi32, #tpu.memory_space<vmem>>
    %dma_wait3A_399 = tpu.memref_squeeze %dma_wait3A_398 : memref<1x16xi32, #tpu.memory_space<vmem>> -> memref<16xi32, #tpu.memory_space<vmem>>
    %dma_wait3A_400 = arith.constant 0 : i32
    %dma_wait3A_401 = arith.constant 0 : i32
    %dma_wait3A_402 = tpu.memref_slice %arg4[%dma_wait3A_400, %dma_wait3A_401] : memref<10000x128xi32, #tpu.memory_space<hbm>> -> memref<10000x128xi32, #tpu.memory_space<hbm>>
    tpu.wait_indirect_dma semaphore(%arg28 : memref<!tpu.dma_semaphore, #tpu.memory_space<semaphore_mem>>) src(%dma_wait3A_402 : memref<10000x128xi32, #tpu.memory_space<hbm>>) dst(%arg16 : memref<16x128xi32, #tpu.memory_space<vmem>>)
    %mul3A_403 = arith.constant 160000 : i32
    %mul3A_404 = arith.muli %arg0, %mul3A_403 : i32
    %add3A_405 = arith.addi %mul3A_404, %mul3A_178 : i32
    %add3A_406 = arith.constant 9984 : i32
    %add3A_407 = arith.addi %add3A_405, %add3A_406 : i32
    %dma_wait3A_408 = arith.constant 0 : i32
    %dma_wait3A_409 = tpu.memref_slice %arg6[%add3A_407, %dma_wait3A_408] : memref<320000x128xi32, #tpu.memory_space<hbm>> -> memref<16x128xi32, #tpu.memory_space<hbm>>
    %dma_wait3A_410 = arith.constant 0 : i32
    %dma_wait3A_411 = tpu.memref_slice %arg6[%add3A_407, %dma_wait3A_410] : memref<320000x128xi32, #tpu.memory_space<hbm>> -> memref<16x128xi32, #tpu.memory_space<hbm>>
    tpu.wait_dma2 semaphore(%arg28 : memref<!tpu.dma_semaphore, #tpu.memory_space<semaphore_mem>>) src(%dma_wait3A_411 : memref<16x128xi32, #tpu.memory_space<hbm>>) dst(%arg18 : memref<16x128xi32, #tpu.memory_space<vmem>>)
    %rem3A_412 = arith.constant 624 : i32
    %rem3A_413 = arith.constant 6 : i32
    %rem3A_414 = arith.remsi %rem3A_412, %rem3A_413 : i32
    %dma_wait3A_415 = arith.constant 0 : i32
    %dma_wait3A_416 = tpu.memref_slice %arg13[%rem3A_414, %dma_wait3A_415] : memref<6x16xi32, #tpu.memory_space<vmem>> -> memref<1x16xi32, #tpu.memory_space<vmem>>
    %dma_wait3A_417 = tpu.memref_squeeze %dma_wait3A_416 : memref<1x16xi32, #tpu.memory_space<vmem>> -> memref<16xi32, #tpu.memory_space<vmem>>
    %dma_wait3A_418 = arith.constant 0 : i32
    %dma_wait3A_419 = arith.constant 0 : i32
    %dma_wait3A_420 = tpu.memref_slice %arg24[%dma_wait3A_418, %dma_wait3A_419] : memref<10240x128xf32, #tpu.memory_space<vmem_shared>> -> memref<10240x128xf32, #tpu.memory_space<vmem_shared>>
    tpu.wait_indirect_dma semaphore(%arg30 : memref<!tpu.dma_semaphore, #tpu.memory_space<semaphore_mem>>) src(%arg20 : memref<16x128xf32, #tpu.memory_space<vmem>>) dst(%dma_wait3A_420 : memref<10240x128xf32, #tpu.memory_space<vmem_shared>>)
    %scan3A_421 = arith.constant 0 : i32
    %scan3A_422 = arith.constant 0 : i32
    %scan3A_423 = arith.constant 8 : i32
    %scan3A_424 = arith.addi %scan3A_422, %scan3A_423 : i32
    %scan3A_425 = arith.constant 1 : i32
    scf.for %scan3A_476 = %scan3A_422 to %scan3A_424 step %scan3A_425  : i32 {
      %mul3A_477 = arith.constant 2 : i32
      %mul3A_478 = arith.muli %mul3A_477, %scan3A_476 : i32
      %add3A_479 = arith.constant 0 : i32
      %add3A_480 = arith.addi %mul3A_478, %add3A_479 : i32
      %get3A = arith.index_cast %add3A_480 : i32 to index
      %get3A_481 = arith.constant 0 : index
      %get3A_482 = tpu.vector_load %arg14[%get3A, %get3A_481] {strides = array<i32>} : memref<16x128xi32, #tpu.memory_space<vmem>>, vector<1x16xi32>,
      %get3A_483 = vector.shape_cast %get3A_482 : vector<1x16xi32> to vector<16xi32>
      %get3A_484 = arith.index_cast %add3A_480 : i32 to index
      %get3A_485 = arith.constant 0 : index
      %get3A_486 = tpu.vector_load %arg16[%get3A_484, %get3A_485] {strides = array<i32>} : memref<16x128xi32, #tpu.memory_space<vmem>>, vector<1x16xi32>,
      %get3A_487 = vector.shape_cast %get3A_486 : vector<1x16xi32> to vector<16xi32>
      %get3A_488 = arith.index_cast %add3A_480 : i32 to index
      %get3A_489 = arith.constant 0 : index
      %get3A_490 = tpu.vector_load %arg18[%get3A_488, %get3A_489] {strides = array<i32>} : memref<16x128xi32, #tpu.memory_space<vmem>>, vector<1x16xi32>,
      %get3A_491 = vector.shape_cast %get3A_490 : vector<1x16xi32> to vector<16xi32>
      %shift_left3A = arith.constant 16 : i32
      %shift_left3A_492 = vector.broadcast %shift_left3A : i32 to vector<16xi32>
      %shift_left3A_493 = arith.shli %get3A_483, %shift_left3A_492 : vector<16xi32>
      %bitcast_convert_type3A = tpu.bitcast %shift_left3A_493 : vector<16xi32> -> vector<16xf32>
      %shift_left3A_494 = arith.constant 16 : i32
      %shift_left3A_495 = vector.broadcast %shift_left3A_494 : i32 to vector<16xi32>
      %shift_left3A_496 = arith.shli %get3A_487, %shift_left3A_495 : vector<16xi32>
      %bitcast_convert_type3A_497 = tpu.bitcast %shift_left3A_496 : vector<16xi32> -> vector<16xf32>
      %shift_left3A_498 = arith.constant 16 : i32
      %shift_left3A_499 = vector.broadcast %shift_left3A_498 : i32 to vector<16xi32>
      %shift_left3A_500 = arith.shli %get3A_491, %shift_left3A_499 : vector<16xi32>
      %bitcast_convert_type3A_501 = tpu.bitcast %shift_left3A_500 : vector<16xi32> -> vector<16xf32>
      %and3A = arith.andi %get3A_483, %broadcast_in_dim3A_180 : vector<16xi32>
      %bitcast_convert_type3A_502 = tpu.bitcast %and3A : vector<16xi32> -> vector<16xf32>
      %and3A_503 = arith.andi %get3A_487, %broadcast_in_dim3A_180 : vector<16xi32>
      %bitcast_convert_type3A_504 = tpu.bitcast %and3A_503 : vector<16xi32> -> vector<16xf32>
      %and3A_505 = arith.andi %get3A_491, %broadcast_in_dim3A_180 : vector<16xi32>
      %bitcast_convert_type3A_506 = tpu.bitcast %and3A_505 : vector<16xi32> -> vector<16xf32>
      %add3A_507 = arith.addf %bitcast_convert_type3A, %bitcast_convert_type3A_497 : vector<16xf32>
      %add3A_508 = arith.addf %add3A_507, %bitcast_convert_type3A_501 : vector<16xf32>
      %max3A = arith.constant 0.000000e+00 : f32
      %max3A_509 = vector.broadcast %max3A : f32 to vector<16xf32>
      %max3A_510 = arith.maximumf %add3A_508, %max3A_509 : vector<16xf32>
      %swap3A_511 = arith.index_cast %add3A_480 : i32 to index
      %swap3A_512 = arith.constant 0 : index
      %swap3A_513 = tpu.vector_load %arg20[%swap3A_511, %swap3A_512] {strides = array<i32>} : memref<16x128xf32, #tpu.memory_space<vmem>>, vector<1x16xf32>,
      %swap3A_514 = vector.shape_cast %swap3A_513 : vector<1x16xf32> to vector<16xf32>
      %swap3A_515 = vector.shape_cast %max3A_510 : vector<16xf32> to vector<1x16xf32>
      tpu.vector_store %arg20[%swap3A_511, %swap3A_512], %swap3A_515 {strides = array<i32>} : memref<16x128xf32, #tpu.memory_space<vmem>>, vector<1x16xf32>,
      %add3A_516 = arith.addf %bitcast_convert_type3A_502, %bitcast_convert_type3A_504 : vector<16xf32>
      %add3A_517 = arith.addf %add3A_516, %bitcast_convert_type3A_506 : vector<16xf32>
      %max3A_518 = arith.constant 0.000000e+00 : f32
      %max3A_519 = vector.broadcast %max3A_518 : f32 to vector<16xf32>
      %max3A_520 = arith.maximumf %add3A_517, %max3A_519 : vector<16xf32>
      %swap3A_521 = arith.index_cast %add3A_480 : i32 to index
      %swap3A_522 = arith.constant 64 : index
      %swap3A_523 = tpu.vector_load %arg20[%swap3A_521, %swap3A_522] {strides = array<i32>} : memref<16x128xf32, #tpu.memory_space<vmem>>, vector<1x16xf32>,
      %swap3A_524 = vector.shape_cast %swap3A_523 : vector<1x16xf32> to vector<16xf32>
      %swap3A_525 = vector.shape_cast %max3A_520 : vector<16xf32> to vector<1x16xf32>
      tpu.vector_store %arg20[%swap3A_521, %swap3A_522], %swap3A_525 {strides = array<i32>} : memref<16x128xf32, #tpu.memory_space<vmem>>, vector<1x16xf32>,
      %get3A_526 = arith.index_cast %add3A_480 : i32 to index
      %get3A_527 = arith.constant 16 : index
      %get3A_528 = tpu.vector_load %arg14[%get3A_526, %get3A_527] {strides = array<i32>} : memref<16x128xi32, #tpu.memory_space<vmem>>, vector<1x16xi32>,
      %get3A_529 = vector.shape_cast %get3A_528 : vector<1x16xi32> to vector<16xi32>
      %get3A_530 = arith.index_cast %add3A_480 : i32 to index
      %get3A_531 = arith.constant 16 : index
      %get3A_532 = tpu.vector_load %arg16[%get3A_530, %get3A_531] {strides = array<i32>} : memref<16x128xi32, #tpu.memory_space<vmem>>, vector<1x16xi32>,
      %get3A_533 = vector.shape_cast %get3A_532 : vector<1x16xi32> to vector<16xi32>
      %get3A_534 = arith.index_cast %add3A_480 : i32 to index
      %get3A_535 = arith.constant 16 : index
      %get3A_536 = tpu.vector_load %arg18[%get3A_534, %get3A_535] {strides = array<i32>} : memref<16x128xi32, #tpu.memory_space<vmem>>, vector<1x16xi32>,
      %get3A_537 = vector.shape_cast %get3A_536 : vector<1x16xi32> to vector<16xi32>
      %shift_left3A_538 = arith.constant 16 : i32
      %shift_left3A_539 = vector.broadcast %shift_left3A_538 : i32 to vector<16xi32>
      %shift_left3A_540 = arith.shli %get3A_529, %shift_left3A_539 : vector<16xi32>
      %bitcast_convert_type3A_541 = tpu.bitcast %shift_left3A_540 : vector<16xi32> -> vector<16xf32>
      %shift_left3A_542 = arith.constant 16 : i32
      %shift_left3A_543 = vector.broadcast %shift_left3A_542 : i32 to vector<16xi32>
      %shift_left3A_544 = arith.shli %get3A_533, %shift_left3A_543 : vector<16xi32>
      %bitcast_convert_type3A_545 = tpu.bitcast %shift_left3A_544 : vector<16xi32> -> vector<16xf32>
      %shift_left3A_546 = arith.constant 16 : i32
      %shift_left3A_547 = vector.broadcast %shift_left3A_546 : i32 to vector<16xi32>
      %shift_left3A_548 = arith.shli %get3A_537, %shift_left3A_547 : vector<16xi32>
      %bitcast_convert_type3A_549 = tpu.bitcast %shift_left3A_548 : vector<16xi32> -> vector<16xf32>
      %and3A_550 = arith.andi %get3A_529, %broadcast_in_dim3A_180 : vector<16xi32>
      %bitcast_convert_type3A_551 = tpu.bitcast %and3A_550 : vector<16xi32> -> vector<16xf32>
      %and3A_552 = arith.andi %get3A_533, %broadcast_in_dim3A_180 : vector<16xi32>
      %bitcast_convert_type3A_553 = tpu.bitcast %and3A_552 : vector<16xi32> -> vector<16xf32>
      %and3A_554 = arith.andi %get3A_537, %broadcast_in_dim3A_180 : vector<16xi32>
      %bitcast_convert_type3A_555 = tpu.bitcast %and3A_554 : vector<16xi32> -> vector<16xf32>
      %add3A_556 = arith.addf %bitcast_convert_type3A_541, %bitcast_convert_type3A_545 : vector<16xf32>
      %add3A_557 = arith.addf %add3A_556, %bitcast_convert_type3A_549 : vector<16xf32>
      %max3A_558 = arith.constant 0.000000e+00 : f32
      %max3A_559 = vector.broadcast %max3A_558 : f32 to vector<16xf32>
      %max3A_560 = arith.maximumf %add3A_557, %max3A_559 : vector<16xf32>
      %swap3A_561 = arith.index_cast %add3A_480 : i32 to index
      %swap3A_562 = arith.constant 16 : index
      %swap3A_563 = tpu.vector_load %arg20[%swap3A_561, %swap3A_562] {strides = array<i32>} : memref<16x128xf32, #tpu.memory_space<vmem>>, vector<1x16xf32>,
      %swap3A_564 = vector.shape_cast %swap3A_563 : vector<1x16xf32> to vector<16xf32>
      %swap3A_565 = vector.shape_cast %max3A_560 : vector<16xf32> to vector<1x16xf32>
      tpu.vector_store %arg20[%swap3A_561, %swap3A_562], %swap3A_565 {strides = array<i32>} : memref<16x128xf32, #tpu.memory_space<vmem>>, vector<1x16xf32>,
      %add3A_566 = arith.addf %bitcast_convert_type3A_551, %bitcast_convert_type3A_553 : vector<16xf32>
      %add3A_567 = arith.addf %add3A_566, %bitcast_convert_type3A_555 : vector<16xf32>
      %max3A_568 = arith.constant 0.000000e+00 : f32
      %max3A_569 = vector.broadcast %max3A_568 : f32 to vector<16xf32>
      %max3A_570 = arith.maximumf %add3A_567, %max3A_569 : vector<16xf32>
      %swap3A_571 = arith.index_cast %add3A_480 : i32 to index
      %swap3A_572 = arith.constant 80 : index
      %swap3A_573 = tpu.vector_load %arg20[%swap3A_571, %swap3A_572] {strides = array<i32>} : memref<16x128xf32, #tpu.memory_space<vmem>>, vector<1x16xf32>,
      %swap3A_574 = vector.shape_cast %swap3A_573 : vector<1x16xf32> to vector<16xf32>
      %swap3A_575 = vector.shape_cast %max3A_570 : vector<16xf32> to vector<1x16xf32>
      tpu.vector_store %arg20[%swap3A_571, %swap3A_572], %swap3A_575 {strides = array<i32>} : memref<16x128xf32, #tpu.memory_space<vmem>>, vector<1x16xf32>,
      %get3A_576 = arith.index_cast %add3A_480 : i32 to index
      %get3A_577 = arith.constant 32 : index
      %get3A_578 = tpu.vector_load %arg14[%get3A_576, %get3A_577] {strides = array<i32>} : memref<16x128xi32, #tpu.memory_space<vmem>>, vector<1x16xi32>,
      %get3A_579 = vector.shape_cast %get3A_578 : vector<1x16xi32> to vector<16xi32>
      %get3A_580 = arith.index_cast %add3A_480 : i32 to index
      %get3A_581 = arith.constant 32 : index
      %get3A_582 = tpu.vector_load %arg16[%get3A_580, %get3A_581] {strides = array<i32>} : memref<16x128xi32, #tpu.memory_space<vmem>>, vector<1x16xi32>,
      %get3A_583 = vector.shape_cast %get3A_582 : vector<1x16xi32> to vector<16xi32>
      %get3A_584 = arith.index_cast %add3A_480 : i32 to index
      %get3A_585 = arith.constant 32 : index
      %get3A_586 = tpu.vector_load %arg18[%get3A_584, %get3A_585] {strides = array<i32>} : memref<16x128xi32, #tpu.memory_space<vmem>>, vector<1x16xi32>,
      %get3A_587 = vector.shape_cast %get3A_586 : vector<1x16xi32> to vector<16xi32>
      %shift_left3A_588 = arith.constant 16 : i32
      %shift_left3A_589 = vector.broadcast %shift_left3A_588 : i32 to vector<16xi32>
      %shift_left3A_590 = arith.shli %get3A_579, %shift_left3A_589 : vector<16xi32>
      %bitcast_convert_type3A_591 = tpu.bitcast %shift_left3A_590 : vector<16xi32> -> vector<16xf32>
      %shift_left3A_592 = arith.constant 16 : i32
      %shift_left3A_593 = vector.broadcast %shift_left3A_592 : i32 to vector<16xi32>
      %shift_left3A_594 = arith.shli %get3A_583, %shift_left3A_593 : vector<16xi32>
      %bitcast_convert_type3A_595 = tpu.bitcast %shift_left3A_594 : vector<16xi32> -> vector<16xf32>
      %shift_left3A_596 = arith.constant 16 : i32
      %shift_left3A_597 = vector.broadcast %shift_left3A_596 : i32 to vector<16xi32>
      %shift_left3A_598 = arith.shli %get3A_587, %shift_left3A_597 : vector<16xi32>
      %bitcast_convert_type3A_599 = tpu.bitcast %shift_left3A_598 : vector<16xi32> -> vector<16xf32>
      %and3A_600 = arith.andi %get3A_579, %broadcast_in_dim3A_180 : vector<16xi32>
      %bitcast_convert_type3A_601 = tpu.bitcast %and3A_600 : vector<16xi32> -> vector<16xf32>
      %and3A_602 = arith.andi %get3A_583, %broadcast_in_dim3A_180 : vector<16xi32>
      %bitcast_convert_type3A_603 = tpu.bitcast %and3A_602 : vector<16xi32> -> vector<16xf32>
      %and3A_604 = arith.andi %get3A_587, %broadcast_in_dim3A_180 : vector<16xi32>
      %bitcast_convert_type3A_605 = tpu.bitcast %and3A_604 : vector<16xi32> -> vector<16xf32>
      %add3A_606 = arith.addf %bitcast_convert_type3A_591, %bitcast_convert_type3A_595 : vector<16xf32>
      %add3A_607 = arith.addf %add3A_606, %bitcast_convert_type3A_599 : vector<16xf32>
      %max3A_608 = arith.constant 0.000000e+00 : f32
      %max3A_609 = vector.broadcast %max3A_608 : f32 to vector<16xf32>
      %max3A_610 = arith.maximumf %add3A_607, %max3A_609 : vector<16xf32>
      %swap3A_611 = arith.index_cast %add3A_480 : i32 to index
      %swap3A_612 = arith.constant 32 : index
      %swap3A_613 = tpu.vector_load %arg20[%swap3A_611, %swap3A_612] {strides = array<i32>} : memref<16x128xf32, #tpu.memory_space<vmem>>, vector<1x16xf32>,
      %swap3A_614 = vector.shape_cast %swap3A_613 : vector<1x16xf32> to vector<16xf32>
      %swap3A_615 = vector.shape_cast %max3A_610 : vector<16xf32> to vector<1x16xf32>
      tpu.vector_store %arg20[%swap3A_611, %swap3A_612], %swap3A_615 {strides = array<i32>} : memref<16x128xf32, #tpu.memory_space<vmem>>, vector<1x16xf32>,
      %add3A_616 = arith.addf %bitcast_convert_type3A_601, %bitcast_convert_type3A_603 : vector<16xf32>
      %add3A_617 = arith.addf %add3A_616, %bitcast_convert_type3A_605 : vector<16xf32>
      %max3A_618 = arith.constant 0.000000e+00 : f32
      %max3A_619 = vector.broadcast %max3A_618 : f32 to vector<16xf32>
      %max3A_620 = arith.maximumf %add3A_617, %max3A_619 : vector<16xf32>
      %swap3A_621 = arith.index_cast %add3A_480 : i32 to index
      %swap3A_622 = arith.constant 96 : index
      %swap3A_623 = tpu.vector_load %arg20[%swap3A_621, %swap3A_622] {strides = array<i32>} : memref<16x128xf32, #tpu.memory_space<vmem>>, vector<1x16xf32>,
      %swap3A_624 = vector.shape_cast %swap3A_623 : vector<1x16xf32> to vector<16xf32>
      %swap3A_625 = vector.shape_cast %max3A_620 : vector<16xf32> to vector<1x16xf32>
      tpu.vector_store %arg20[%swap3A_621, %swap3A_622], %swap3A_625 {strides = array<i32>} : memref<16x128xf32, #tpu.memory_space<vmem>>, vector<1x16xf32>,
      %get3A_626 = arith.index_cast %add3A_480 : i32 to index
      %get3A_627 = arith.constant 48 : index
      %get3A_628 = tpu.vector_load %arg14[%get3A_626, %get3A_627] {strides = array<i32>} : memref<16x128xi32, #tpu.memory_space<vmem>>, vector<1x16xi32>,
      %get3A_629 = vector.shape_cast %get3A_628 : vector<1x16xi32> to vector<16xi32>
      %get3A_630 = arith.index_cast %add3A_480 : i32 to index
      %get3A_631 = arith.constant 48 : index
      %get3A_632 = tpu.vector_load %arg16[%get3A_630, %get3A_631] {strides = array<i32>} : memref<16x128xi32, #tpu.memory_space<vmem>>, vector<1x16xi32>,
      %get3A_633 = vector.shape_cast %get3A_632 : vector<1x16xi32> to vector<16xi32>
      %get3A_634 = arith.index_cast %add3A_480 : i32 to index
      %get3A_635 = arith.constant 48 : index
      %get3A_636 = tpu.vector_load %arg18[%get3A_634, %get3A_635] {strides = array<i32>} : memref<16x128xi32, #tpu.memory_space<vmem>>, vector<1x16xi32>,
      %get3A_637 = vector.shape_cast %get3A_636 : vector<1x16xi32> to vector<16xi32>
      %shift_left3A_638 = arith.constant 16 : i32
      %shift_left3A_639 = vector.broadcast %shift_left3A_638 : i32 to vector<16xi32>
      %shift_left3A_640 = arith.shli %get3A_629, %shift_left3A_639 : vector<16xi32>
      %bitcast_convert_type3A_641 = tpu.bitcast %shift_left3A_640 : vector<16xi32> -> vector<16xf32>
      %shift_left3A_642 = arith.constant 16 : i32
      %shift_left3A_643 = vector.broadcast %shift_left3A_642 : i32 to vector<16xi32>
      %shift_left3A_644 = arith.shli %get3A_633, %shift_left3A_643 : vector<16xi32>
      %bitcast_convert_type3A_645 = tpu.bitcast %shift_left3A_644 : vector<16xi32> -> vector<16xf32>
      %shift_left3A_646 = arith.constant 16 : i32
      %shift_left3A_647 = vector.broadcast %shift_left3A_646 : i32 to vector<16xi32>
      %shift_left3A_648 = arith.shli %get3A_637, %shift_left3A_647 : vector<16xi32>
      %bitcast_convert_type3A_649 = tpu.bitcast %shift_left3A_648 : vector<16xi32> -> vector<16xf32>
      %and3A_650 = arith.andi %get3A_629, %broadcast_in_dim3A_180 : vector<16xi32>
      %bitcast_convert_type3A_651 = tpu.bitcast %and3A_650 : vector<16xi32> -> vector<16xf32>
      %and3A_652 = arith.andi %get3A_633, %broadcast_in_dim3A_180 : vector<16xi32>
      %bitcast_convert_type3A_653 = tpu.bitcast %and3A_652 : vector<16xi32> -> vector<16xf32>
      %and3A_654 = arith.andi %get3A_637, %broadcast_in_dim3A_180 : vector<16xi32>
      %bitcast_convert_type3A_655 = tpu.bitcast %and3A_654 : vector<16xi32> -> vector<16xf32>
      %add3A_656 = arith.addf %bitcast_convert_type3A_641, %bitcast_convert_type3A_645 : vector<16xf32>
      %add3A_657 = arith.addf %add3A_656, %bitcast_convert_type3A_649 : vector<16xf32>
      %max3A_658 = arith.constant 0.000000e+00 : f32
      %max3A_659 = vector.broadcast %max3A_658 : f32 to vector<16xf32>
      %max3A_660 = arith.maximumf %add3A_657, %max3A_659 : vector<16xf32>
      %swap3A_661 = arith.index_cast %add3A_480 : i32 to index
      %swap3A_662 = arith.constant 48 : index
      %swap3A_663 = tpu.vector_load %arg20[%swap3A_661, %swap3A_662] {strides = array<i32>} : memref<16x128xf32, #tpu.memory_space<vmem>>, vector<1x16xf32>,
      %swap3A_664 = vector.shape_cast %swap3A_663 : vector<1x16xf32> to vector<16xf32>
      %swap3A_665 = vector.shape_cast %max3A_660 : vector<16xf32> to vector<1x16xf32>
      tpu.vector_store %arg20[%swap3A_661, %swap3A_662], %swap3A_665 {strides = array<i32>} : memref<16x128xf32, #tpu.memory_space<vmem>>, vector<1x16xf32>,
      %add3A_666 = arith.addf %bitcast_convert_type3A_651, %bitcast_convert_type3A_653 : vector<16xf32>
      %add3A_667 = arith.addf %add3A_666, %bitcast_convert_type3A_655 : vector<16xf32>
      %max3A_668 = arith.constant 0.000000e+00 : f32
      %max3A_669 = vector.broadcast %max3A_668 : f32 to vector<16xf32>
      %max3A_670 = arith.maximumf %add3A_667, %max3A_669 : vector<16xf32>
      %swap3A_671 = arith.index_cast %add3A_480 : i32 to index
      %swap3A_672 = arith.constant 112 : index
      %swap3A_673 = tpu.vector_load %arg20[%swap3A_671, %swap3A_672] {strides = array<i32>} : memref<16x128xf32, #tpu.memory_space<vmem>>, vector<1x16xf32>,
      %swap3A_674 = vector.shape_cast %swap3A_673 : vector<1x16xf32> to vector<16xf32>
      %swap3A_675 = vector.shape_cast %max3A_670 : vector<16xf32> to vector<1x16xf32>
      tpu.vector_store %arg20[%swap3A_671, %swap3A_672], %swap3A_675 {strides = array<i32>} : memref<16x128xf32, #tpu.memory_space<vmem>>, vector<1x16xf32>,
      %mul3A_676 = arith.constant 2 : i32
      %mul3A_677 = arith.muli %mul3A_676, %scan3A_476 : i32
      %add3A_678 = arith.constant 1 : i32
      %add3A_679 = arith.addi %mul3A_677, %add3A_678 : i32
      %get3A_680 = arith.index_cast %add3A_679 : i32 to index
      %get3A_681 = arith.constant 0 : index
      %get3A_682 = tpu.vector_load %arg14[%get3A_680, %get3A_681] {strides = array<i32>} : memref<16x128xi32, #tpu.memory_space<vmem>>, vector<1x16xi32>,
      %get3A_683 = vector.shape_cast %get3A_682 : vector<1x16xi32> to vector<16xi32>
      %get3A_684 = arith.index_cast %add3A_679 : i32 to index
      %get3A_685 = arith.constant 0 : index
      %get3A_686 = tpu.vector_load %arg16[%get3A_684, %get3A_685] {strides = array<i32>} : memref<16x128xi32, #tpu.memory_space<vmem>>, vector<1x16xi32>,
      %get3A_687 = vector.shape_cast %get3A_686 : vector<1x16xi32> to vector<16xi32>
      %get3A_688 = arith.index_cast %add3A_679 : i32 to index
      %get3A_689 = arith.constant 0 : index
      %get3A_690 = tpu.vector_load %arg18[%get3A_688, %get3A_689] {strides = array<i32>} : memref<16x128xi32, #tpu.memory_space<vmem>>, vector<1x16xi32>,
      %get3A_691 = vector.shape_cast %get3A_690 : vector<1x16xi32> to vector<16xi32>
      %shift_left3A_692 = arith.constant 16 : i32
      %shift_left3A_693 = vector.broadcast %shift_left3A_692 : i32 to vector<16xi32>
      %shift_left3A_694 = arith.shli %get3A_683, %shift_left3A_693 : vector<16xi32>
      %bitcast_convert_type3A_695 = tpu.bitcast %shift_left3A_694 : vector<16xi32> -> vector<16xf32>
      %shift_left3A_696 = arith.constant 16 : i32
      %shift_left3A_697 = vector.broadcast %shift_left3A_696 : i32 to vector<16xi32>
      %shift_left3A_698 = arith.shli %get3A_687, %shift_left3A_697 : vector<16xi32>
      %bitcast_convert_type3A_699 = tpu.bitcast %shift_left3A_698 : vector<16xi32> -> vector<16xf32>
      %shift_left3A_700 = arith.constant 16 : i32
      %shift_left3A_701 = vector.broadcast %shift_left3A_700 : i32 to vector<16xi32>
      %shift_left3A_702 = arith.shli %get3A_691, %shift_left3A_701 : vector<16xi32>
      %bitcast_convert_type3A_703 = tpu.bitcast %shift_left3A_702 : vector<16xi32> -> vector<16xf32>
      %and3A_704 = arith.andi %get3A_683, %broadcast_in_dim3A_180 : vector<16xi32>
      %bitcast_convert_type3A_705 = tpu.bitcast %and3A_704 : vector<16xi32> -> vector<16xf32>
      %and3A_706 = arith.andi %get3A_687, %broadcast_in_dim3A_180 : vector<16xi32>
      %bitcast_convert_type3A_707 = tpu.bitcast %and3A_706 : vector<16xi32> -> vector<16xf32>
      %and3A_708 = arith.andi %get3A_691, %broadcast_in_dim3A_180 : vector<16xi32>
      %bitcast_convert_type3A_709 = tpu.bitcast %and3A_708 : vector<16xi32> -> vector<16xf32>
      %add3A_710 = arith.addf %bitcast_convert_type3A_695, %bitcast_convert_type3A_699 : vector<16xf32>
      %add3A_711 = arith.addf %add3A_710, %bitcast_convert_type3A_703 : vector<16xf32>
      %max3A_712 = arith.constant 0.000000e+00 : f32
      %max3A_713 = vector.broadcast %max3A_712 : f32 to vector<16xf32>
      %max3A_714 = arith.maximumf %add3A_711, %max3A_713 : vector<16xf32>
      %swap3A_715 = arith.index_cast %add3A_679 : i32 to index
      %swap3A_716 = arith.constant 0 : index
      %swap3A_717 = tpu.vector_load %arg20[%swap3A_715, %swap3A_716] {strides = array<i32>} : memref<16x128xf32, #tpu.memory_space<vmem>>, vector<1x16xf32>,
      %swap3A_718 = vector.shape_cast %swap3A_717 : vector<1x16xf32> to vector<16xf32>
      %swap3A_719 = vector.shape_cast %max3A_714 : vector<16xf32> to vector<1x16xf32>
      tpu.vector_store %arg20[%swap3A_715, %swap3A_716], %swap3A_719 {strides = array<i32>} : memref<16x128xf32, #tpu.memory_space<vmem>>, vector<1x16xf32>,
      %add3A_720 = arith.addf %bitcast_convert_type3A_705, %bitcast_convert_type3A_707 : vector<16xf32>
      %add3A_721 = arith.addf %add3A_720, %bitcast_convert_type3A_709 : vector<16xf32>
      %max3A_722 = arith.constant 0.000000e+00 : f32
      %max3A_723 = vector.broadcast %max3A_722 : f32 to vector<16xf32>
      %max3A_724 = arith.maximumf %add3A_721, %max3A_723 : vector<16xf32>
      %swap3A_725 = arith.index_cast %add3A_679 : i32 to index
      %swap3A_726 = arith.constant 64 : index
      %swap3A_727 = tpu.vector_load %arg20[%swap3A_725, %swap3A_726] {strides = array<i32>} : memref<16x128xf32, #tpu.memory_space<vmem>>, vector<1x16xf32>,
      %swap3A_728 = vector.shape_cast %swap3A_727 : vector<1x16xf32> to vector<16xf32>
      %swap3A_729 = vector.shape_cast %max3A_724 : vector<16xf32> to vector<1x16xf32>
      tpu.vector_store %arg20[%swap3A_725, %swap3A_726], %swap3A_729 {strides = array<i32>} : memref<16x128xf32, #tpu.memory_space<vmem>>, vector<1x16xf32>,
      %get3A_730 = arith.index_cast %add3A_679 : i32 to index
      %get3A_731 = arith.constant 16 : index
      %get3A_732 = tpu.vector_load %arg14[%get3A_730, %get3A_731] {strides = array<i32>} : memref<16x128xi32, #tpu.memory_space<vmem>>, vector<1x16xi32>,
      %get3A_733 = vector.shape_cast %get3A_732 : vector<1x16xi32> to vector<16xi32>
      %get3A_734 = arith.index_cast %add3A_679 : i32 to index
      %get3A_735 = arith.constant 16 : index
      %get3A_736 = tpu.vector_load %arg16[%get3A_734, %get3A_735] {strides = array<i32>} : memref<16x128xi32, #tpu.memory_space<vmem>>, vector<1x16xi32>,
      %get3A_737 = vector.shape_cast %get3A_736 : vector<1x16xi32> to vector<16xi32>
      %get3A_738 = arith.index_cast %add3A_679 : i32 to index
      %get3A_739 = arith.constant 16 : index
      %get3A_740 = tpu.vector_load %arg18[%get3A_738, %get3A_739] {strides = array<i32>} : memref<16x128xi32, #tpu.memory_space<vmem>>, vector<1x16xi32>,
      %get3A_741 = vector.shape_cast %get3A_740 : vector<1x16xi32> to vector<16xi32>
      %shift_left3A_742 = arith.constant 16 : i32
      %shift_left3A_743 = vector.broadcast %shift_left3A_742 : i32 to vector<16xi32>
      %shift_left3A_744 = arith.shli %get3A_733, %shift_left3A_743 : vector<16xi32>
      %bitcast_convert_type3A_745 = tpu.bitcast %shift_left3A_744 : vector<16xi32> -> vector<16xf32>
      %shift_left3A_746 = arith.constant 16 : i32
      %shift_left3A_747 = vector.broadcast %shift_left3A_746 : i32 to vector<16xi32>
      %shift_left3A_748 = arith.shli %get3A_737, %shift_left3A_747 : vector<16xi32>
      %bitcast_convert_type3A_749 = tpu.bitcast %shift_left3A_748 : vector<16xi32> -> vector<16xf32>
      %shift_left3A_750 = arith.constant 16 : i32
      %shift_left3A_751 = vector.broadcast %shift_left3A_750 : i32 to vector<16xi32>
      %shift_left3A_752 = arith.shli %get3A_741, %shift_left3A_751 : vector<16xi32>
      %bitcast_convert_type3A_753 = tpu.bitcast %shift_left3A_752 : vector<16xi32> -> vector<16xf32>
      %and3A_754 = arith.andi %get3A_733, %broadcast_in_dim3A_180 : vector<16xi32>
      %bitcast_convert_type3A_755 = tpu.bitcast %and3A_754 : vector<16xi32> -> vector<16xf32>
      %and3A_756 = arith.andi %get3A_737, %broadcast_in_dim3A_180 : vector<16xi32>
      %bitcast_convert_type3A_757 = tpu.bitcast %and3A_756 : vector<16xi32> -> vector<16xf32>
      %and3A_758 = arith.andi %get3A_741, %broadcast_in_dim3A_180 : vector<16xi32>
      %bitcast_convert_type3A_759 = tpu.bitcast %and3A_758 : vector<16xi32> -> vector<16xf32>
      %add3A_760 = arith.addf %bitcast_convert_type3A_745, %bitcast_convert_type3A_749 : vector<16xf32>
      %add3A_761 = arith.addf %add3A_760, %bitcast_convert_type3A_753 : vector<16xf32>
      %max3A_762 = arith.constant 0.000000e+00 : f32
      %max3A_763 = vector.broadcast %max3A_762 : f32 to vector<16xf32>
      %max3A_764 = arith.maximumf %add3A_761, %max3A_763 : vector<16xf32>
      %swap3A_765 = arith.index_cast %add3A_679 : i32 to index
      %swap3A_766 = arith.constant 16 : index
      %swap3A_767 = tpu.vector_load %arg20[%swap3A_765, %swap3A_766] {strides = array<i32>} : memref<16x128xf32, #tpu.memory_space<vmem>>, vector<1x16xf32>,
      %swap3A_768 = vector.shape_cast %swap3A_767 : vector<1x16xf32> to vector<16xf32>
      %swap3A_769 = vector.shape_cast %max3A_764 : vector<16xf32> to vector<1x16xf32>
      tpu.vector_store %arg20[%swap3A_765, %swap3A_766], %swap3A_769 {strides = array<i32>} : memref<16x128xf32, #tpu.memory_space<vmem>>, vector<1x16xf32>,
      %add3A_770 = arith.addf %bitcast_convert_type3A_755, %bitcast_convert_type3A_757 : vector<16xf32>
      %add3A_771 = arith.addf %add3A_770, %bitcast_convert_type3A_759 : vector<16xf32>
      %max3A_772 = arith.constant 0.000000e+00 : f32
      %max3A_773 = vector.broadcast %max3A_772 : f32 to vector<16xf32>
      %max3A_774 = arith.maximumf %add3A_771, %max3A_773 : vector<16xf32>
      %swap3A_775 = arith.index_cast %add3A_679 : i32 to index
      %swap3A_776 = arith.constant 80 : index
      %swap3A_777 = tpu.vector_load %arg20[%swap3A_775, %swap3A_776] {strides = array<i32>} : memref<16x128xf32, #tpu.memory_space<vmem>>, vector<1x16xf32>,
      %swap3A_778 = vector.shape_cast %swap3A_777 : vector<1x16xf32> to vector<16xf32>
      %swap3A_779 = vector.shape_cast %max3A_774 : vector<16xf32> to vector<1x16xf32>
      tpu.vector_store %arg20[%swap3A_775, %swap3A_776], %swap3A_779 {strides = array<i32>} : memref<16x128xf32, #tpu.memory_space<vmem>>, vector<1x16xf32>,
      %get3A_780 = arith.index_cast %add3A_679 : i32 to index
      %get3A_781 = arith.constant 32 : index
      %get3A_782 = tpu.vector_load %arg14[%get3A_780, %get3A_781] {strides = array<i32>} : memref<16x128xi32, #tpu.memory_space<vmem>>, vector<1x16xi32>,
      %get3A_783 = vector.shape_cast %get3A_782 : vector<1x16xi32> to vector<16xi32>
      %get3A_784 = arith.index_cast %add3A_679 : i32 to index
      %get3A_785 = arith.constant 32 : index
      %get3A_786 = tpu.vector_load %arg16[%get3A_784, %get3A_785] {strides = array<i32>} : memref<16x128xi32, #tpu.memory_space<vmem>>, vector<1x16xi32>,
      %get3A_787 = vector.shape_cast %get3A_786 : vector<1x16xi32> to vector<16xi32>
      %get3A_788 = arith.index_cast %add3A_679 : i32 to index
      %get3A_789 = arith.constant 32 : index
      %get3A_790 = tpu.vector_load %arg18[%get3A_788, %get3A_789] {strides = array<i32>} : memref<16x128xi32, #tpu.memory_space<vmem>>, vector<1x16xi32>,
      %get3A_791 = vector.shape_cast %get3A_790 : vector<1x16xi32> to vector<16xi32>
      %shift_left3A_792 = arith.constant 16 : i32
      %shift_left3A_793 = vector.broadcast %shift_left3A_792 : i32 to vector<16xi32>
      %shift_left3A_794 = arith.shli %get3A_783, %shift_left3A_793 : vector<16xi32>
      %bitcast_convert_type3A_795 = tpu.bitcast %shift_left3A_794 : vector<16xi32> -> vector<16xf32>
      %shift_left3A_796 = arith.constant 16 : i32
      %shift_left3A_797 = vector.broadcast %shift_left3A_796 : i32 to vector<16xi32>
      %shift_left3A_798 = arith.shli %get3A_787, %shift_left3A_797 : vector<16xi32>
      %bitcast_convert_type3A_799 = tpu.bitcast %shift_left3A_798 : vector<16xi32> -> vector<16xf32>
      %shift_left3A_800 = arith.constant 16 : i32
      %shift_left3A_801 = vector.broadcast %shift_left3A_800 : i32 to vector<16xi32>
      %shift_left3A_802 = arith.shli %get3A_791, %shift_left3A_801 : vector<16xi32>
      %bitcast_convert_type3A_803 = tpu.bitcast %shift_left3A_802 : vector<16xi32> -> vector<16xf32>
      %and3A_804 = arith.andi %get3A_783, %broadcast_in_dim3A_180 : vector<16xi32>
      %bitcast_convert_type3A_805 = tpu.bitcast %and3A_804 : vector<16xi32> -> vector<16xf32>
      %and3A_806 = arith.andi %get3A_787, %broadcast_in_dim3A_180 : vector<16xi32>
      %bitcast_convert_type3A_807 = tpu.bitcast %and3A_806 : vector<16xi32> -> vector<16xf32>
      %and3A_808 = arith.andi %get3A_791, %broadcast_in_dim3A_180 : vector<16xi32>
      %bitcast_convert_type3A_809 = tpu.bitcast %and3A_808 : vector<16xi32> -> vector<16xf32>
      %add3A_810 = arith.addf %bitcast_convert_type3A_795, %bitcast_convert_type3A_799 : vector<16xf32>
      %add3A_811 = arith.addf %add3A_810, %bitcast_convert_type3A_803 : vector<16xf32>
      %max3A_812 = arith.constant 0.000000e+00 : f32
      %max3A_813 = vector.broadcast %max3A_812 : f32 to vector<16xf32>
      %max3A_814 = arith.maximumf %add3A_811, %max3A_813 : vector<16xf32>
      %swap3A_815 = arith.index_cast %add3A_679 : i32 to index
      %swap3A_816 = arith.constant 32 : index
      %swap3A_817 = tpu.vector_load %arg20[%swap3A_815, %swap3A_816] {strides = array<i32>} : memref<16x128xf32, #tpu.memory_space<vmem>>, vector<1x16xf32>,
      %swap3A_818 = vector.shape_cast %swap3A_817 : vector<1x16xf32> to vector<16xf32>
      %swap3A_819 = vector.shape_cast %max3A_814 : vector<16xf32> to vector<1x16xf32>
      tpu.vector_store %arg20[%swap3A_815, %swap3A_816], %swap3A_819 {strides = array<i32>} : memref<16x128xf32, #tpu.memory_space<vmem>>, vector<1x16xf32>,
      %add3A_820 = arith.addf %bitcast_convert_type3A_805, %bitcast_convert_type3A_807 : vector<16xf32>
      %add3A_821 = arith.addf %add3A_820, %bitcast_convert_type3A_809 : vector<16xf32>
      %max3A_822 = arith.constant 0.000000e+00 : f32
      %max3A_823 = vector.broadcast %max3A_822 : f32 to vector<16xf32>
      %max3A_824 = arith.maximumf %add3A_821, %max3A_823 : vector<16xf32>
      %swap3A_825 = arith.index_cast %add3A_679 : i32 to index
      %swap3A_826 = arith.constant 96 : index
      %swap3A_827 = tpu.vector_load %arg20[%swap3A_825, %swap3A_826] {strides = array<i32>} : memref<16x128xf32, #tpu.memory_space<vmem>>, vector<1x16xf32>,
      %swap3A_828 = vector.shape_cast %swap3A_827 : vector<1x16xf32> to vector<16xf32>
      %swap3A_829 = vector.shape_cast %max3A_824 : vector<16xf32> to vector<1x16xf32>
      tpu.vector_store %arg20[%swap3A_825, %swap3A_826], %swap3A_829 {strides = array<i32>} : memref<16x128xf32, #tpu.memory_space<vmem>>, vector<1x16xf32>,
      %get3A_830 = arith.index_cast %add3A_679 : i32 to index
      %get3A_831 = arith.constant 48 : index
      %get3A_832 = tpu.vector_load %arg14[%get3A_830, %get3A_831] {strides = array<i32>} : memref<16x128xi32, #tpu.memory_space<vmem>>, vector<1x16xi32>,
      %get3A_833 = vector.shape_cast %get3A_832 : vector<1x16xi32> to vector<16xi32>
      %get3A_834 = arith.index_cast %add3A_679 : i32 to index
      %get3A_835 = arith.constant 48 : index
      %get3A_836 = tpu.vector_load %arg16[%get3A_834, %get3A_835] {strides = array<i32>} : memref<16x128xi32, #tpu.memory_space<vmem>>, vector<1x16xi32>,
      %get3A_837 = vector.shape_cast %get3A_836 : vector<1x16xi32> to vector<16xi32>
      %get3A_838 = arith.index_cast %add3A_679 : i32 to index
      %get3A_839 = arith.constant 48 : index
      %get3A_840 = tpu.vector_load %arg18[%get3A_838, %get3A_839] {strides = array<i32>} : memref<16x128xi32, #tpu.memory_space<vmem>>, vector<1x16xi32>,
      %get3A_841 = vector.shape_cast %get3A_840 : vector<1x16xi32> to vector<16xi32>
      %shift_left3A_842 = arith.constant 16 : i32
      %shift_left3A_843 = vector.broadcast %shift_left3A_842 : i32 to vector<16xi32>
      %shift_left3A_844 = arith.shli %get3A_833, %shift_left3A_843 : vector<16xi32>
      %bitcast_convert_type3A_845 = tpu.bitcast %shift_left3A_844 : vector<16xi32> -> vector<16xf32>
      %shift_left3A_846 = arith.constant 16 : i32
      %shift_left3A_847 = vector.broadcast %shift_left3A_846 : i32 to vector<16xi32>
      %shift_left3A_848 = arith.shli %get3A_837, %shift_left3A_847 : vector<16xi32>
      %bitcast_convert_type3A_849 = tpu.bitcast %shift_left3A_848 : vector<16xi32> -> vector<16xf32>
      %shift_left3A_850 = arith.constant 16 : i32
      %shift_left3A_851 = vector.broadcast %shift_left3A_850 : i32 to vector<16xi32>
      %shift_left3A_852 = arith.shli %get3A_841, %shift_left3A_851 : vector<16xi32>
      %bitcast_convert_type3A_853 = tpu.bitcast %shift_left3A_852 : vector<16xi32> -> vector<16xf32>
      %and3A_854 = arith.andi %get3A_833, %broadcast_in_dim3A_180 : vector<16xi32>
      %bitcast_convert_type3A_855 = tpu.bitcast %and3A_854 : vector<16xi32> -> vector<16xf32>
      %and3A_856 = arith.andi %get3A_837, %broadcast_in_dim3A_180 : vector<16xi32>
      %bitcast_convert_type3A_857 = tpu.bitcast %and3A_856 : vector<16xi32> -> vector<16xf32>
      %and3A_858 = arith.andi %get3A_841, %broadcast_in_dim3A_180 : vector<16xi32>
      %bitcast_convert_type3A_859 = tpu.bitcast %and3A_858 : vector<16xi32> -> vector<16xf32>
      %add3A_860 = arith.addf %bitcast_convert_type3A_845, %bitcast_convert_type3A_849 : vector<16xf32>
      %add3A_861 = arith.addf %add3A_860, %bitcast_convert_type3A_853 : vector<16xf32>
      %max3A_862 = arith.constant 0.000000e+00 : f32
      %max3A_863 = vector.broadcast %max3A_862 : f32 to vector<16xf32>
      %max3A_864 = arith.maximumf %add3A_861, %max3A_863 : vector<16xf32>
      %swap3A_865 = arith.index_cast %add3A_679 : i32 to index
      %swap3A_866 = arith.constant 48 : index
      %swap3A_867 = tpu.vector_load %arg20[%swap3A_865, %swap3A_866] {strides = array<i32>} : memref<16x128xf32, #tpu.memory_space<vmem>>, vector<1x16xf32>,
      %swap3A_868 = vector.shape_cast %swap3A_867 : vector<1x16xf32> to vector<16xf32>
      %swap3A_869 = vector.shape_cast %max3A_864 : vector<16xf32> to vector<1x16xf32>
      tpu.vector_store %arg20[%swap3A_865, %swap3A_866], %swap3A_869 {strides = array<i32>} : memref<16x128xf32, #tpu.memory_space<vmem>>, vector<1x16xf32>,
      %add3A_870 = arith.addf %bitcast_convert_type3A_855, %bitcast_convert_type3A_857 : vector<16xf32>
      %add3A_871 = arith.addf %add3A_870, %bitcast_convert_type3A_859 : vector<16xf32>
      %max3A_872 = arith.constant 0.000000e+00 : f32
      %max3A_873 = vector.broadcast %max3A_872 : f32 to vector<16xf32>
      %max3A_874 = arith.maximumf %add3A_871, %max3A_873 : vector<16xf32>
      %swap3A_875 = arith.index_cast %add3A_679 : i32 to index
      %swap3A_876 = arith.constant 112 : index
      %swap3A_877 = tpu.vector_load %arg20[%swap3A_875, %swap3A_876] {strides = array<i32>} : memref<16x128xf32, #tpu.memory_space<vmem>>, vector<1x16xf32>,
      %swap3A_878 = vector.shape_cast %swap3A_877 : vector<1x16xf32> to vector<16xf32>
      %swap3A_879 = vector.shape_cast %max3A_874 : vector<16xf32> to vector<1x16xf32>
      tpu.vector_store %arg20[%swap3A_875, %swap3A_876], %swap3A_879 {strides = array<i32>} : memref<16x128xf32, #tpu.memory_space<vmem>>, vector<1x16xf32>,
    }
    %scan3A_426 = arith.constant 8 : i32
    %dma_start3A_427 = arith.constant 0 : i32
    %dma_start3A_428 = tpu.memref_slice %arg13[%rem3A_414, %dma_start3A_427] : memref<6x16xi32, #tpu.memory_space<vmem>> -> memref<1x16xi32, #tpu.memory_space<vmem>>
    %dma_start3A_429 = tpu.memref_squeeze %dma_start3A_428 : memref<1x16xi32, #tpu.memory_space<vmem>> -> memref<16xi32, #tpu.memory_space<vmem>>
    %dma_start3A_430 = arith.constant 0 : i32
    %dma_start3A_431 = arith.constant 0 : i32
    %dma_start3A_432 = tpu.memref_slice %arg24[%dma_start3A_430, %dma_start3A_431] : memref<10240x128xf32, #tpu.memory_space<vmem_shared>> -> memref<10240x128xf32, #tpu.memory_space<vmem_shared>>
    tpu.enqueue_indirect_dma source(%arg20 : memref<16x128xf32, #tpu.memory_space<vmem>>) target(%dma_start3A_432 : memref<10240x128xf32, #tpu.memory_space<vmem_shared>>) offsets(%dma_start3A_429 : memref<16xi32, #tpu.memory_space<vmem>>) semaphore(%arg30 : memref<!tpu.dma_semaphore, #tpu.memory_space<semaphore_mem>>) {add = true}
    %eq3A_433 = arith.constant 0 : i32
    %eq3A_434 = arith.cmpi eq, %arg0, %eq3A_433 : i32
    %convert_element_type3A_435 = arith.extui %eq3A_434 : i1 to i32
    %cond3A_436 = arith.constant 0 : i32
    %cond3A_437 = arith.cmpi ne, %convert_element_type3A_435, %cond3A_436 : i32
    scf.if %cond3A_437 {
      %dma_wait3A_476 = arith.constant 0 : i32
      %dma_wait3A_477 = tpu.memref_slice %arg13[%rem3A_414, %dma_wait3A_476] : memref<6x16xi32, #tpu.memory_space<vmem>> -> memref<1x16xi32, #tpu.memory_space<vmem>>
      %dma_wait3A_478 = tpu.memref_squeeze %dma_wait3A_477 : memref<1x16xi32, #tpu.memory_space<vmem>> -> memref<16xi32, #tpu.memory_space<vmem>>
      %dma_wait3A_479 = arith.constant 0 : i32
      %dma_wait3A_480 = tpu.memref_slice %arg25[%dma_wait3A_479] : memref<10240xf32, #tpu.memory_space<vmem_shared>> -> memref<10240xf32, #tpu.memory_space<vmem_shared>>
      tpu.wait_indirect_dma semaphore(%arg32 : memref<!tpu.dma_semaphore, #tpu.memory_space<semaphore_mem>>) src(%arg22 : memref<16xf32, #tpu.memory_space<vmem>>) dst(%dma_wait3A_480 : memref<10240xf32, #tpu.memory_space<vmem_shared>>)
      %dma_start3A_481 = arith.constant 0 : i32
      %dma_start3A_482 = tpu.memref_slice %arg13[%rem3A_414, %dma_start3A_481] : memref<6x16xi32, #tpu.memory_space<vmem>> -> memref<1x16xi32, #tpu.memory_space<vmem>>
      %dma_start3A_483 = tpu.memref_squeeze %dma_start3A_482 : memref<1x16xi32, #tpu.memory_space<vmem>> -> memref<16xi32, #tpu.memory_space<vmem>>
      %dma_start3A_484 = arith.constant 0 : i32
      %dma_start3A_485 = tpu.memref_slice %arg25[%dma_start3A_484] : memref<10240xf32, #tpu.memory_space<vmem_shared>> -> memref<10240xf32, #tpu.memory_space<vmem_shared>>
      tpu.enqueue_indirect_dma source(%arg22 : memref<16xf32, #tpu.memory_space<vmem>>) target(%dma_start3A_485 : memref<10240xf32, #tpu.memory_space<vmem_shared>>) offsets(%dma_start3A_483 : memref<16xi32, #tpu.memory_space<vmem>>) semaphore(%arg32 : memref<!tpu.dma_semaphore, #tpu.memory_space<semaphore_mem>>) {add = true}
    } else {
    }
    %dma_wait3A_438 = arith.constant 0 : i32
    %dma_wait3A_439 = arith.constant 0 : i32
    %dma_wait3A_440 = tpu.memref_slice %arg13[%dma_wait3A_438, %dma_wait3A_439] : memref<6x16xi32, #tpu.memory_space<vmem>> -> memref<1x16xi32, #tpu.memory_space<vmem>>
    %dma_wait3A_441 = tpu.memref_squeeze %dma_wait3A_440 : memref<1x16xi32, #tpu.memory_space<vmem>> -> memref<16xi32, #tpu.memory_space<vmem>>
    %dma_wait3A_442 = arith.constant 0 : i32
    %dma_wait3A_443 = arith.constant 0 : i32
    %dma_wait3A_444 = tpu.memref_slice %arg24[%dma_wait3A_442, %dma_wait3A_443] : memref<10240x128xf32, #tpu.memory_space<vmem_shared>> -> memref<10240x128xf32, #tpu.memory_space<vmem_shared>>
    tpu.wait_indirect_dma semaphore(%arg30 : memref<!tpu.dma_semaphore, #tpu.memory_space<semaphore_mem>>) src(%arg20 : memref<16x128xf32, #tpu.memory_space<vmem>>) dst(%dma_wait3A_444 : memref<10240x128xf32, #tpu.memory_space<vmem_shared>>)
    %dma_wait3A_445 = arith.constant 0 : i32
    %dma_wait3A_446 = arith.constant 0 : i32
    %dma_wait3A_447 = tpu.memref_slice %arg13[%dma_wait3A_445, %dma_wait3A_446] : memref<6x16xi32, #tpu.memory_space<vmem>> -> memref<1x16xi32, #tpu.memory_space<vmem>>
    %dma_wait3A_448 = tpu.memref_squeeze %dma_wait3A_447 : memref<1x16xi32, #tpu.memory_space<vmem>> -> memref<16xi32, #tpu.memory_space<vmem>>
    %dma_wait3A_449 = arith.constant 0 : i32
    %dma_wait3A_450 = arith.constant 0 : i32
    %dma_wait3A_451 = tpu.memref_slice %arg24[%dma_wait3A_449, %dma_wait3A_450] : memref<10240x128xf32, #tpu.memory_space<vmem_shared>> -> memref<10240x128xf32, #tpu.memory_space<vmem_shared>>
    tpu.wait_indirect_dma semaphore(%arg31 : memref<!tpu.dma_semaphore, #tpu.memory_space<semaphore_mem>>) src(%arg21 : memref<16x128xf32, #tpu.memory_space<vmem>>) dst(%dma_wait3A_451 : memref<10240x128xf32, #tpu.memory_space<vmem_shared>>)
    %dma_wait3A_452 = arith.constant 0 : i32
    %dma_wait3A_453 = arith.constant 0 : i32
    %dma_wait3A_454 = tpu.memref_slice %arg13[%dma_wait3A_452, %dma_wait3A_453] : memref<6x16xi32, #tpu.memory_space<vmem>> -> memref<1x16xi32, #tpu.memory_space<vmem>>
    %dma_wait3A_455 = tpu.memref_squeeze %dma_wait3A_454 : memref<1x16xi32, #tpu.memory_space<vmem>> -> memref<16xi32, #tpu.memory_space<vmem>>
    %dma_wait3A_456 = arith.constant 0 : i32
    %dma_wait3A_457 = tpu.memref_slice %arg25[%dma_wait3A_456] : memref<10240xf32, #tpu.memory_space<vmem_shared>> -> memref<10240xf32, #tpu.memory_space<vmem_shared>>
    tpu.wait_indirect_dma semaphore(%arg32 : memref<!tpu.dma_semaphore, #tpu.memory_space<semaphore_mem>>) src(%arg22 : memref<16xf32, #tpu.memory_space<vmem>>) dst(%dma_wait3A_457 : memref<10240xf32, #tpu.memory_space<vmem_shared>>)
    %barrier3A_458 = arith.constant 0 : index
    tpu.barrier barrier_id(%barrier3A_458)
    %mul3A_459 = arith.constant 640 : i32
    %mul3A_460 = arith.muli %arg1, %mul3A_459 : i32
    %mul3A_461 = arith.constant 10240 : i32
    %mul3A_462 = arith.muli %arg0, %mul3A_461 : i32
    %mul3A_463 = arith.constant 640 : i32
    %mul3A_464 = arith.muli %arg1, %mul3A_463 : i32
    %add3A_465 = arith.addi %mul3A_462, %mul3A_464 : i32
    "tpu.region"() ({
      %run_scoped3A = tpu.sem_alloc : memref<!tpu.dma_semaphore, #tpu.memory_space<semaphore_mem>>
      %dma_start3A_476 = tpu.memref_slice %arg11[%add3A_465] : memref<20480xf32, #tpu.memory_space<hbm>> -> memref<640xf32, #tpu.memory_space<hbm>>
      %dma_start3A_477 = tpu.memref_slice %arg25[%mul3A_460] : memref<10240xf32, #tpu.memory_space<vmem_shared>> -> memref<640xf32, #tpu.memory_space<vmem_shared>>
      tpu.enqueue_dma source(%dma_start3A_477 : memref<640xf32, #tpu.memory_space<vmem_shared>>) target(%dma_start3A_476 : memref<640xf32, #tpu.memory_space<hbm>>) target_semaphore(%run_scoped3A : memref<!tpu.dma_semaphore, #tpu.memory_space<semaphore_mem>>)
      %dma_wait3A_478 = tpu.memref_slice %arg11[%add3A_465] : memref<20480xf32, #tpu.memory_space<hbm>> -> memref<640xf32, #tpu.memory_space<hbm>>
      %dma_wait3A_479 = tpu.memref_slice %arg25[%mul3A_460] : memref<10240xf32, #tpu.memory_space<vmem_shared>> -> memref<640xf32, #tpu.memory_space<vmem_shared>>
      tpu.wait_dma2 semaphore(%run_scoped3A : memref<!tpu.dma_semaphore, #tpu.memory_space<semaphore_mem>>) src(%dma_wait3A_479 : memref<640xf32, #tpu.memory_space<vmem_shared>>) dst(%dma_wait3A_478 : memref<640xf32, #tpu.memory_space<hbm>>)
      tpu.yield
    }) : () -> ()
    %eq3A_466 = arith.constant 0 : i32
    %eq3A_467 = arith.cmpi eq, %arg0, %eq3A_466 : i32
    %convert_element_type3A_468 = arith.extui %eq3A_467 : i1 to i32
    %cond3A_469 = arith.constant 0 : i32
    %cond3A_470 = arith.cmpi ne, %convert_element_type3A_468, %cond3A_469 : i32
    scf.if %cond3A_470 {
      %mul3A_476 = arith.constant 640 : i32
      %mul3A_477 = arith.muli %arg1, %mul3A_476 : i32
      %mul3A_478 = arith.constant 640 : i32
      %mul3A_479 = arith.muli %arg1, %mul3A_478 : i32
      "tpu.region"() ({
        %run_scoped3A = tpu.sem_alloc : memref<!tpu.dma_semaphore, #tpu.memory_space<semaphore_mem>>
        %dma_start3A_480 = arith.constant 0 : i32
        %dma_start3A_481 = tpu.memref_slice %arg9[%mul3A_479, %dma_start3A_480] : memref<10240x128xf32, #tpu.memory_space<hbm>> -> memref<640x128xf32, #tpu.memory_space<hbm>>
        %dma_start3A_482 = arith.constant 0 : i32
        %dma_start3A_483 = tpu.memref_slice %arg24[%mul3A_477, %dma_start3A_482] : memref<10240x128xf32, #tpu.memory_space<vmem_shared>> -> memref<640x128xf32, #tpu.memory_space<vmem_shared>>
        tpu.enqueue_dma source(%dma_start3A_483 : memref<640x128xf32, #tpu.memory_space<vmem_shared>>) target(%dma_start3A_481 : memref<640x128xf32, #tpu.memory_space<hbm>>) target_semaphore(%run_scoped3A : memref<!tpu.dma_semaphore, #tpu.memory_space<semaphore_mem>>)
        %dma_wait3A_484 = arith.constant 0 : i32
        %dma_wait3A_485 = tpu.memref_slice %arg9[%mul3A_479, %dma_wait3A_484] : memref<10240x128xf32, #tpu.memory_space<hbm>> -> memref<640x128xf32, #tpu.memory_space<hbm>>
        %dma_wait3A_486 = arith.constant 0 : i32
        %dma_wait3A_487 = tpu.memref_slice %arg24[%mul3A_477, %dma_wait3A_486] : memref<10240x128xf32, #tpu.memory_space<vmem_shared>> -> memref<640x128xf32, #tpu.memory_space<vmem_shared>>
        tpu.wait_dma2 semaphore(%run_scoped3A : memref<!tpu.dma_semaphore, #tpu.memory_space<semaphore_mem>>) src(%dma_wait3A_487 : memref<640x128xf32, #tpu.memory_space<vmem_shared>>) dst(%dma_wait3A_485 : memref<640x128xf32, #tpu.memory_space<hbm>>)
        tpu.yield
      }) : () -> ()
    } else {
    }
    %eq3A_471 = arith.constant 1 : i32
    %eq3A_472 = arith.cmpi eq, %arg0, %eq3A_471 : i32
    %convert_element_type3A_473 = arith.extui %eq3A_472 : i1 to i32
    %cond3A_474 = arith.constant 0 : i32
    %cond3A_475 = arith.cmpi ne, %convert_element_type3A_473, %cond3A_474 : i32
    scf.if %cond3A_475 {
      %mul3A_476 = arith.constant 640 : i32
      %mul3A_477 = arith.muli %arg1, %mul3A_476 : i32
      %mul3A_478 = arith.constant 640 : i32
      %mul3A_479 = arith.muli %arg1, %mul3A_478 : i32
      "tpu.region"() ({
        %run_scoped3A = tpu.sem_alloc : memref<!tpu.dma_semaphore, #tpu.memory_space<semaphore_mem>>
        %dma_start3A_480 = arith.constant 0 : i32
        %dma_start3A_481 = tpu.memref_slice %arg10[%mul3A_479, %dma_start3A_480] : memref<10240x128xf32, #tpu.memory_space<hbm>> -> memref<640x128xf32, #tpu.memory_space<hbm>>
        %dma_start3A_482 = arith.constant 0 : i32
        %dma_start3A_483 = tpu.memref_slice %arg24[%mul3A_477, %dma_start3A_482] : memref<10240x128xf32, #tpu.memory_space<vmem_shared>> -> memref<640x128xf32, #tpu.memory_space<vmem_shared>>
        tpu.enqueue_dma source(%dma_start3A_483 : memref<640x128xf32, #tpu.memory_space<vmem_shared>>) target(%dma_start3A_481 : memref<640x128xf32, #tpu.memory_space<hbm>>) target_semaphore(%run_scoped3A : memref<!tpu.dma_semaphore, #tpu.memory_space<semaphore_mem>>)
        %dma_wait3A_484 = arith.constant 0 : i32
        %dma_wait3A_485 = tpu.memref_slice %arg10[%mul3A_479, %dma_wait3A_484] : memref<10240x128xf32, #tpu.memory_space<hbm>> -> memref<640x128xf32, #tpu.memory_space<hbm>>
        %dma_wait3A_486 = arith.constant 0 : i32
        %dma_wait3A_487 = tpu.memref_slice %arg24[%mul3A_477, %dma_wait3A_486] : memref<10240x128xf32, #tpu.memory_space<vmem_shared>> -> memref<640x128xf32, #tpu.memory_space<vmem_shared>>
        tpu.wait_dma2 semaphore(%run_scoped3A : memref<!tpu.dma_semaphore, #tpu.memory_space<semaphore_mem>>) src(%dma_wait3A_487 : memref<640x128xf32, #tpu.memory_space<vmem_shared>>) dst(%dma_wait3A_485 : memref<640x128xf32, #tpu.memory_space<hbm>>)
        tpu.yield
      }) : () -> ()
    } else {
    }
    return
  }
}

module attributes {stable_mosaic.version = 14 : i64} {
  func.func @_tc2_body(%arg0: i32, %arg1: i32, %arg2: memref<2000x16xf32, #tpu.memory_space<vmem>>, %arg3: memref<16x128xf32, #tpu.memory_space<vmem>>, %arg4: memref<1x128xf32, #tpu.memory_space<vmem>>, %arg5: memref<2000x128xi32, #tpu.memory_space<vmem>>) attributes {dimension_semantics = [#tpu.dimension_semantics<arbitrary>, #tpu.dimension_semantics<arbitrary>], iteration_bounds = array<i64: 2, 80>, scalar_prefetch = 0 : i64, scratch_operands = 0 : i64, tpu.core_type = #tpu.core_type<tc>, window_params = [{transform_indices = @transform_0, window_bounds = array<i64: 2000, 16>}, {transform_indices = @transform_1, window_bounds = array<i64: 16, 128>}, {transform_indices = @transform_2, window_bounds = array<i64: 1, 128>}, {transform_indices = @transform_3, window_bounds = array<i64: 2000, 128>}]} {
    %get3A = arith.constant 0 : index
    %get3A_0 = arith.constant 0 : index
    %get3A_1 = vector.load %arg2[%get3A, %get3A_0] : memref<2000x16xf32, #tpu.memory_space<vmem>>, vector<2000x16xf32>
    %get3A_2 = arith.constant 0 : index
    %get3A_3 = arith.constant 0 : index
    %get3A_4 = vector.load %arg3[%get3A_2, %get3A_3] : memref<16x128xf32, #tpu.memory_space<vmem>>, vector<16x128xf32>
    %dot_general3A = arith.constant dense<0.000000e+00> : vector<2000x128xf32>
    %dot_general3A_5 = tpu.matmul %get3A_1, %get3A_4, %dot_general3A {dimension_numbers = #tpu.dot_dimension_numbers<[1], [0], [0], [1], [0, 0, 1, 1], [], []>, transpose_lhs_hint = false} : vector<2000x16xf32>, vector<16x128xf32>, vector<2000x128xf32> -> vector<2000x128xf32>
    %get3A_6 = arith.constant 0 : index
    %get3A_7 = arith.constant 0 : index
    %get3A_8 = vector.load %arg4[%get3A_6, %get3A_7] : memref<1x128xf32, #tpu.memory_space<vmem>>, vector<1x128xf32>
    %add3A = vector.broadcast %get3A_8 : vector<1x128xf32> to vector<2000x128xf32>
    %add3A_9 = arith.addf %dot_general3A_5, %add3A : vector<2000x128xf32>
    %slice3A = vector.extract_strided_slice %add3A_9 {offsets = [0, 0], sizes = [2000, 64], strides = [1, 1]} : vector<2000x128xf32> to vector<2000x64xf32>
    %convert_element_type3A = arith.truncf %slice3A : vector<2000x64xf32> to vector<2000x64xbf16>
    %bitcast_convert_type3A = tpu.bitcast %convert_element_type3A : vector<2000x64xbf16> -> vector<2000x64xi16>
    %convert_element_type3A_10 = arith.extui %bitcast_convert_type3A : vector<2000x64xi16> to vector<2000x64xi32>
    %slice3A_11 = vector.extract_strided_slice %add3A_9 {offsets = [0, 64], sizes = [2000, 64], strides = [1, 1]} : vector<2000x128xf32> to vector<2000x64xf32>
    %convert_element_type3A_12 = arith.truncf %slice3A_11 : vector<2000x64xf32> to vector<2000x64xbf16>
    %bitcast_convert_type3A_13 = tpu.bitcast %convert_element_type3A_12 : vector<2000x64xbf16> -> vector<2000x64xi16>
    %convert_element_type3A_14 = arith.extui %bitcast_convert_type3A_13 : vector<2000x64xi16> to vector<2000x64xi32>
    %shift_left3A = arith.constant 16 : i32
    %shift_left3A_15 = vector.broadcast %shift_left3A : i32 to vector<2000x64xi32>
    %shift_left3A_16 = arith.shli %convert_element_type3A_14, %shift_left3A_15 : vector<2000x64xi32>
    %or3A = arith.ori %convert_element_type3A_10, %shift_left3A_16 : vector<2000x64xi32>
    %bitcast_convert_type3A_17 = tpu.bitcast %or3A : vector<2000x64xi32> -> vector<2000x64xi32>
    %broadcast_in_dim3A = arith.constant 0 : i32
    %broadcast_in_dim3A_18 = vector.broadcast %broadcast_in_dim3A : i32 to vector<2000x64xi32>
    %concatenate3A = tpu.concatenate %bitcast_convert_type3A_17, %broadcast_in_dim3A_18 in 1 : vector<2000x64xi32>, vector<2000x64xi32> -> vector<2000x128xi32>
    %swap3A = arith.constant 0 : index
    %swap3A_19 = arith.constant 0 : index
    %swap3A_20 = vector.load %arg5[%swap3A, %swap3A_19] : memref<2000x128xi32, #tpu.memory_space<vmem>>, vector<2000x128xi32>
    tpu.vector_store %arg5[%swap3A, %swap3A_19], %concatenate3A {strides = array<i32>} : memref<2000x128xi32, #tpu.memory_space<vmem>>, vector<2000x128xi32>,
    return
  }
  func.func @transform_0(%arg0: i32, %arg1: i32) -> (i32, i32) {
    %c0_i32 = arith.constant 0 : i32
    %c0_i32_0 = arith.constant 0 : i32
    return %arg1, %c0_i32 : i32, i32
  }
  func.func @transform_1(%arg0: i32, %arg1: i32) -> (i32, i32) {
    %c32_i32 = arith.constant 32 : i32
    %c0_i32 = arith.constant 0 : i32
    return %c32_i32, %arg0 : i32, i32
  }
  func.func @transform_2(%arg0: i32, %arg1: i32) -> (i32, i32) {
    %c0_i32 = arith.constant 0 : i32
    %c0_i32_0 = arith.constant 0 : i32
    return %c0_i32, %arg0 : i32, i32
  }
  func.func @transform_3(%arg0: i32, %arg1: i32) -> (i32, i32) {
    %mul3A = arith.constant 80 : i32
    %mul3A_0 = arith.muli %arg0, %mul3A : i32
    %add3A = arith.addi %mul3A_0, %arg1 : i32
    %c0_i32 = arith.constant 0 : i32
    %c0_i32_1 = arith.constant 0 : i32
    return %add3A, %c0_i32 : i32, i32
  }
}

module attributes {stable_mosaic.version = 14 : i64} {
  func.func @_tc1_body(%arg0: i32, %arg1: memref<1000x256xf32, #tpu.memory_space<vmem>>, %arg2: memref<256x256xf32, #tpu.memory_space<vmem>>, %arg3: memref<1x256xf32, #tpu.memory_space<vmem>>, %arg4: memref<256x256xf32, #tpu.memory_space<vmem>>, %arg5: memref<1x256xf32, #tpu.memory_space<vmem>>, %arg6: memref<528x256xf32, #tpu.memory_space<vmem>>, %arg7: memref<1000x256xf32, #tpu.memory_space<vmem>>, %arg8: memref<1000x128xi32, #tpu.memory_space<vmem>>, %arg9: memref<1000x128xi32, #tpu.memory_space<vmem>>, %arg10: memref<1000x128xi32, #tpu.memory_space<vmem>>, %arg11: memref<1000x128xi32, #tpu.memory_space<vmem>>) attributes {dimension_semantics = [#tpu.dimension_semantics<arbitrary>], iteration_bounds = array<i64: 10>, scalar_prefetch = 0 : i64, scratch_operands = 0 : i64, tpu.core_type = #tpu.core_type<tc>, window_params = [{transform_indices = @transform_0, window_bounds = array<i64: 1000, 256>}, {pipeline_mode = #tpu.pipeline_mode<synchronous>, transform_indices = @transform_1, window_bounds = array<i64: 256, 256>}, {pipeline_mode = #tpu.pipeline_mode<synchronous>, transform_indices = @transform_2, window_bounds = array<i64: 1, 256>}, {pipeline_mode = #tpu.pipeline_mode<synchronous>, transform_indices = @transform_3, window_bounds = array<i64: 256, 256>}, {pipeline_mode = #tpu.pipeline_mode<synchronous>, transform_indices = @transform_4, window_bounds = array<i64: 1, 256>}, {pipeline_mode = #tpu.pipeline_mode<synchronous>, transform_indices = @transform_5, window_bounds = array<i64: 528, 256>}, {transform_indices = @transform_6, window_bounds = array<i64: 1000, 256>}, {transform_indices = @transform_7, window_bounds = array<i64: 1000, 128>}, {transform_indices = @transform_8, window_bounds = array<i64: 1000, 128>}, {transform_indices = @transform_9, window_bounds = array<i64: 1000, 128>}, {transform_indices = @transform_10, window_bounds = array<i64: 1000, 128>}]} {
    %get3A = arith.constant 0 : index
    %get3A_0 = arith.constant 0 : index
    %get3A_1 = vector.load %arg1[%get3A, %get3A_0] : memref<1000x256xf32, #tpu.memory_space<vmem>>, vector<1000x256xf32>
    %get3A_2 = arith.constant 0 : index
    %get3A_3 = arith.constant 0 : index
    %get3A_4 = vector.load %arg2[%get3A_2, %get3A_3] : memref<256x256xf32, #tpu.memory_space<vmem>>, vector<256x256xf32>
    %dot_general3A = arith.constant dense<0.000000e+00> : vector<1000x256xf32>
    %dot_general3A_5 = tpu.matmul %get3A_1, %get3A_4, %dot_general3A {dimension_numbers = #tpu.dot_dimension_numbers<[1], [0], [0], [1], [0, 0, 1, 1], [], []>, transpose_lhs_hint = false} : vector<1000x256xf32>, vector<256x256xf32>, vector<1000x256xf32> -> vector<1000x256xf32>
    %get3A_6 = arith.constant 0 : index
    %get3A_7 = arith.constant 0 : index
    %get3A_8 = vector.load %arg3[%get3A_6, %get3A_7] : memref<1x256xf32, #tpu.memory_space<vmem>>, vector<1x256xf32>
    %add3A = vector.broadcast %get3A_8 : vector<1x256xf32> to vector<1000x256xf32>
    %add3A_9 = arith.addf %dot_general3A_5, %add3A : vector<1000x256xf32>
    %max3A = arith.constant 0.000000e+00 : f32
    %max3A_10 = vector.broadcast %max3A : f32 to vector<1000x256xf32>
    %max3A_11 = arith.maximumf %add3A_9, %max3A_10 : vector<1000x256xf32>
    %get3A_12 = arith.constant 0 : index
    %get3A_13 = arith.constant 0 : index
    %get3A_14 = vector.load %arg4[%get3A_12, %get3A_13] : memref<256x256xf32, #tpu.memory_space<vmem>>, vector<256x256xf32>
    %dot_general3A_15 = arith.constant dense<0.000000e+00> : vector<1000x256xf32>
    %dot_general3A_16 = tpu.matmul %max3A_11, %get3A_14, %dot_general3A_15 {dimension_numbers = #tpu.dot_dimension_numbers<[1], [0], [0], [1], [0, 0, 1, 1], [], []>, transpose_lhs_hint = false} : vector<1000x256xf32>, vector<256x256xf32>, vector<1000x256xf32> -> vector<1000x256xf32>
    %get3A_17 = arith.constant 0 : index
    %get3A_18 = arith.constant 0 : index
    %get3A_19 = vector.load %arg5[%get3A_17, %get3A_18] : memref<1x256xf32, #tpu.memory_space<vmem>>, vector<1x256xf32>
    %add3A_20 = vector.broadcast %get3A_19 : vector<1x256xf32> to vector<1000x256xf32>
    %add3A_21 = arith.addf %dot_general3A_16, %add3A_20 : vector<1000x256xf32>
    %swap3A = arith.constant 0 : index
    %swap3A_22 = arith.constant 0 : index
    %swap3A_23 = vector.load %arg7[%swap3A, %swap3A_22] : memref<1000x256xf32, #tpu.memory_space<vmem>>, vector<1000x256xf32>
    tpu.vector_store %arg7[%swap3A, %swap3A_22], %add3A_21 {strides = array<i32>} : memref<1000x256xf32, #tpu.memory_space<vmem>>, vector<1000x256xf32>,
    %get3A_24 = arith.constant 0 : index
    %get3A_25 = arith.constant 0 : index
    %get3A_26 = vector.load %arg6[%get3A_24, %get3A_25] : memref<528x256xf32, #tpu.memory_space<vmem>>, vector<256x256xf32>
    %dot_general3A_27 = arith.constant dense<0.000000e+00> : vector<1000x256xf32>
    %dot_general3A_28 = tpu.matmul %get3A_1, %get3A_26, %dot_general3A_27 {dimension_numbers = #tpu.dot_dimension_numbers<[1], [0], [0], [1], [0, 0, 1, 1], [], []>, transpose_lhs_hint = false} : vector<1000x256xf32>, vector<256x256xf32>, vector<1000x256xf32> -> vector<1000x256xf32>
    %slice3A = vector.extract_strided_slice %dot_general3A_28 {offsets = [0, 0], sizes = [1000, 128], strides = [1, 1]} : vector<1000x256xf32> to vector<1000x128xf32>
    %slice3A_29 = vector.extract_strided_slice %slice3A {offsets = [0, 0], sizes = [1000, 64], strides = [1, 1]} : vector<1000x128xf32> to vector<1000x64xf32>
    %convert_element_type3A = arith.truncf %slice3A_29 : vector<1000x64xf32> to vector<1000x64xbf16>
    %bitcast_convert_type3A = tpu.bitcast %convert_element_type3A : vector<1000x64xbf16> -> vector<1000x64xi16>
    %convert_element_type3A_30 = arith.extui %bitcast_convert_type3A : vector<1000x64xi16> to vector<1000x64xi32>
    %slice3A_31 = vector.extract_strided_slice %slice3A {offsets = [0, 64], sizes = [1000, 64], strides = [1, 1]} : vector<1000x128xf32> to vector<1000x64xf32>
    %convert_element_type3A_32 = arith.truncf %slice3A_31 : vector<1000x64xf32> to vector<1000x64xbf16>
    %bitcast_convert_type3A_33 = tpu.bitcast %convert_element_type3A_32 : vector<1000x64xbf16> -> vector<1000x64xi16>
    %convert_element_type3A_34 = arith.extui %bitcast_convert_type3A_33 : vector<1000x64xi16> to vector<1000x64xi32>
    %shift_left3A = arith.constant 16 : i32
    %shift_left3A_35 = vector.broadcast %shift_left3A : i32 to vector<1000x64xi32>
    %shift_left3A_36 = arith.shli %convert_element_type3A_34, %shift_left3A_35 : vector<1000x64xi32>
    %or3A = arith.ori %convert_element_type3A_30, %shift_left3A_36 : vector<1000x64xi32>
    %bitcast_convert_type3A_37 = tpu.bitcast %or3A : vector<1000x64xi32> -> vector<1000x64xi32>
    %broadcast_in_dim3A = arith.constant 0 : i32
    %broadcast_in_dim3A_38 = vector.broadcast %broadcast_in_dim3A : i32 to vector<1000x64xi32>
    %concatenate3A = tpu.concatenate %bitcast_convert_type3A_37, %broadcast_in_dim3A_38 in 1 : vector<1000x64xi32>, vector<1000x64xi32> -> vector<1000x128xi32>
    %swap3A_39 = arith.constant 0 : index
    %swap3A_40 = arith.constant 0 : index
    %swap3A_41 = vector.load %arg8[%swap3A_39, %swap3A_40] : memref<1000x128xi32, #tpu.memory_space<vmem>>, vector<1000x128xi32>
    tpu.vector_store %arg8[%swap3A_39, %swap3A_40], %concatenate3A {strides = array<i32>} : memref<1000x128xi32, #tpu.memory_space<vmem>>, vector<1000x128xi32>,
    %slice3A_42 = vector.extract_strided_slice %dot_general3A_28 {offsets = [0, 128], sizes = [1000, 128], strides = [1, 1]} : vector<1000x256xf32> to vector<1000x128xf32>
    %slice3A_43 = vector.extract_strided_slice %slice3A_42 {offsets = [0, 0], sizes = [1000, 64], strides = [1, 1]} : vector<1000x128xf32> to vector<1000x64xf32>
    %convert_element_type3A_44 = arith.truncf %slice3A_43 : vector<1000x64xf32> to vector<1000x64xbf16>
    %bitcast_convert_type3A_45 = tpu.bitcast %convert_element_type3A_44 : vector<1000x64xbf16> -> vector<1000x64xi16>
    %convert_element_type3A_46 = arith.extui %bitcast_convert_type3A_45 : vector<1000x64xi16> to vector<1000x64xi32>
    %slice3A_47 = vector.extract_strided_slice %slice3A_42 {offsets = [0, 64], sizes = [1000, 64], strides = [1, 1]} : vector<1000x128xf32> to vector<1000x64xf32>
    %convert_element_type3A_48 = arith.truncf %slice3A_47 : vector<1000x64xf32> to vector<1000x64xbf16>
    %bitcast_convert_type3A_49 = tpu.bitcast %convert_element_type3A_48 : vector<1000x64xbf16> -> vector<1000x64xi16>
    %convert_element_type3A_50 = arith.extui %bitcast_convert_type3A_49 : vector<1000x64xi16> to vector<1000x64xi32>
    %shift_left3A_51 = arith.constant 16 : i32
    %shift_left3A_52 = vector.broadcast %shift_left3A_51 : i32 to vector<1000x64xi32>
    %shift_left3A_53 = arith.shli %convert_element_type3A_50, %shift_left3A_52 : vector<1000x64xi32>
    %or3A_54 = arith.ori %convert_element_type3A_46, %shift_left3A_53 : vector<1000x64xi32>
    %bitcast_convert_type3A_55 = tpu.bitcast %or3A_54 : vector<1000x64xi32> -> vector<1000x64xi32>
    %broadcast_in_dim3A_56 = arith.constant 0 : i32
    %broadcast_in_dim3A_57 = vector.broadcast %broadcast_in_dim3A_56 : i32 to vector<1000x64xi32>
    %concatenate3A_58 = tpu.concatenate %bitcast_convert_type3A_55, %broadcast_in_dim3A_57 in 1 : vector<1000x64xi32>, vector<1000x64xi32> -> vector<1000x128xi32>
    %swap3A_59 = arith.constant 0 : index
    %swap3A_60 = arith.constant 0 : index
    %swap3A_61 = vector.load %arg9[%swap3A_59, %swap3A_60] : memref<1000x128xi32, #tpu.memory_space<vmem>>, vector<1000x128xi32>
    tpu.vector_store %arg9[%swap3A_59, %swap3A_60], %concatenate3A_58 {strides = array<i32>} : memref<1000x128xi32, #tpu.memory_space<vmem>>, vector<1000x128xi32>,
    %get3A_62 = arith.constant 256 : index
    %get3A_63 = arith.constant 0 : index
    %get3A_64 = vector.load %arg6[%get3A_62, %get3A_63] : memref<528x256xf32, #tpu.memory_space<vmem>>, vector<256x256xf32>
    %dot_general3A_65 = arith.constant dense<0.000000e+00> : vector<1000x256xf32>
    %dot_general3A_66 = tpu.matmul %get3A_1, %get3A_64, %dot_general3A_65 {dimension_numbers = #tpu.dot_dimension_numbers<[1], [0], [0], [1], [0, 0, 1, 1], [], []>, transpose_lhs_hint = false} : vector<1000x256xf32>, vector<256x256xf32>, vector<1000x256xf32> -> vector<1000x256xf32>
    %slice3A_67 = vector.extract_strided_slice %dot_general3A_66 {offsets = [0, 0], sizes = [1000, 128], strides = [1, 1]} : vector<1000x256xf32> to vector<1000x128xf32>
    %slice3A_68 = vector.extract_strided_slice %slice3A_67 {offsets = [0, 0], sizes = [1000, 64], strides = [1, 1]} : vector<1000x128xf32> to vector<1000x64xf32>
    %convert_element_type3A_69 = arith.truncf %slice3A_68 : vector<1000x64xf32> to vector<1000x64xbf16>
    %bitcast_convert_type3A_70 = tpu.bitcast %convert_element_type3A_69 : vector<1000x64xbf16> -> vector<1000x64xi16>
    %convert_element_type3A_71 = arith.extui %bitcast_convert_type3A_70 : vector<1000x64xi16> to vector<1000x64xi32>
    %slice3A_72 = vector.extract_strided_slice %slice3A_67 {offsets = [0, 64], sizes = [1000, 64], strides = [1, 1]} : vector<1000x128xf32> to vector<1000x64xf32>
    %convert_element_type3A_73 = arith.truncf %slice3A_72 : vector<1000x64xf32> to vector<1000x64xbf16>
    %bitcast_convert_type3A_74 = tpu.bitcast %convert_element_type3A_73 : vector<1000x64xbf16> -> vector<1000x64xi16>
    %convert_element_type3A_75 = arith.extui %bitcast_convert_type3A_74 : vector<1000x64xi16> to vector<1000x64xi32>
    %shift_left3A_76 = arith.constant 16 : i32
    %shift_left3A_77 = vector.broadcast %shift_left3A_76 : i32 to vector<1000x64xi32>
    %shift_left3A_78 = arith.shli %convert_element_type3A_75, %shift_left3A_77 : vector<1000x64xi32>
    %or3A_79 = arith.ori %convert_element_type3A_71, %shift_left3A_78 : vector<1000x64xi32>
    %bitcast_convert_type3A_80 = tpu.bitcast %or3A_79 : vector<1000x64xi32> -> vector<1000x64xi32>
    %broadcast_in_dim3A_81 = arith.constant 0 : i32
    %broadcast_in_dim3A_82 = vector.broadcast %broadcast_in_dim3A_81 : i32 to vector<1000x64xi32>
    %concatenate3A_83 = tpu.concatenate %bitcast_convert_type3A_80, %broadcast_in_dim3A_82 in 1 : vector<1000x64xi32>, vector<1000x64xi32> -> vector<1000x128xi32>
    %swap3A_84 = arith.constant 0 : index
    %swap3A_85 = arith.constant 0 : index
    %swap3A_86 = vector.load %arg10[%swap3A_84, %swap3A_85] : memref<1000x128xi32, #tpu.memory_space<vmem>>, vector<1000x128xi32>
    tpu.vector_store %arg10[%swap3A_84, %swap3A_85], %concatenate3A_83 {strides = array<i32>} : memref<1000x128xi32, #tpu.memory_space<vmem>>, vector<1000x128xi32>,
    %slice3A_87 = vector.extract_strided_slice %dot_general3A_66 {offsets = [0, 128], sizes = [1000, 128], strides = [1, 1]} : vector<1000x256xf32> to vector<1000x128xf32>
    %slice3A_88 = vector.extract_strided_slice %slice3A_87 {offsets = [0, 0], sizes = [1000, 64], strides = [1, 1]} : vector<1000x128xf32> to vector<1000x64xf32>
    %convert_element_type3A_89 = arith.truncf %slice3A_88 : vector<1000x64xf32> to vector<1000x64xbf16>
    %bitcast_convert_type3A_90 = tpu.bitcast %convert_element_type3A_89 : vector<1000x64xbf16> -> vector<1000x64xi16>
    %convert_element_type3A_91 = arith.extui %bitcast_convert_type3A_90 : vector<1000x64xi16> to vector<1000x64xi32>
    %slice3A_92 = vector.extract_strided_slice %slice3A_87 {offsets = [0, 64], sizes = [1000, 64], strides = [1, 1]} : vector<1000x128xf32> to vector<1000x64xf32>
    %convert_element_type3A_93 = arith.truncf %slice3A_92 : vector<1000x64xf32> to vector<1000x64xbf16>
    %bitcast_convert_type3A_94 = tpu.bitcast %convert_element_type3A_93 : vector<1000x64xbf16> -> vector<1000x64xi16>
    %convert_element_type3A_95 = arith.extui %bitcast_convert_type3A_94 : vector<1000x64xi16> to vector<1000x64xi32>
    %shift_left3A_96 = arith.constant 16 : i32
    %shift_left3A_97 = vector.broadcast %shift_left3A_96 : i32 to vector<1000x64xi32>
    %shift_left3A_98 = arith.shli %convert_element_type3A_95, %shift_left3A_97 : vector<1000x64xi32>
    %or3A_99 = arith.ori %convert_element_type3A_91, %shift_left3A_98 : vector<1000x64xi32>
    %bitcast_convert_type3A_100 = tpu.bitcast %or3A_99 : vector<1000x64xi32> -> vector<1000x64xi32>
    %broadcast_in_dim3A_101 = arith.constant 0 : i32
    %broadcast_in_dim3A_102 = vector.broadcast %broadcast_in_dim3A_101 : i32 to vector<1000x64xi32>
    %concatenate3A_103 = tpu.concatenate %bitcast_convert_type3A_100, %broadcast_in_dim3A_102 in 1 : vector<1000x64xi32>, vector<1000x64xi32> -> vector<1000x128xi32>
    %swap3A_104 = arith.constant 0 : index
    %swap3A_105 = arith.constant 0 : index
    %swap3A_106 = vector.load %arg11[%swap3A_104, %swap3A_105] : memref<1000x128xi32, #tpu.memory_space<vmem>>, vector<1000x128xi32>
    tpu.vector_store %arg11[%swap3A_104, %swap3A_105], %concatenate3A_103 {strides = array<i32>} : memref<1000x128xi32, #tpu.memory_space<vmem>>, vector<1000x128xi32>,
    return
  }
  func.func @transform_0(%arg0: i32) -> (i32, i32) {
    %c0_i32 = arith.constant 0 : i32
    %c0_i32_0 = arith.constant 0 : i32
    return %arg0, %c0_i32 : i32, i32
  }
  func.func @transform_1(%arg0: i32) -> (i32, i32) {
    %c0_i32 = arith.constant 0 : i32
    %c0_i32_0 = arith.constant 0 : i32
    %c0_i32_1 = arith.constant 0 : i32
    return %c0_i32, %c0_i32_0 : i32, i32
  }
  func.func @transform_2(%arg0: i32) -> (i32, i32) {
    %c0_i32 = arith.constant 0 : i32
    %c0_i32_0 = arith.constant 0 : i32
    %c0_i32_1 = arith.constant 0 : i32
    return %c0_i32, %c0_i32_0 : i32, i32
  }
  func.func @transform_3(%arg0: i32) -> (i32, i32) {
    %c0_i32 = arith.constant 0 : i32
    %c0_i32_0 = arith.constant 0 : i32
    %c0_i32_1 = arith.constant 0 : i32
    return %c0_i32, %c0_i32_0 : i32, i32
  }
  func.func @transform_4(%arg0: i32) -> (i32, i32) {
    %c0_i32 = arith.constant 0 : i32
    %c0_i32_0 = arith.constant 0 : i32
    %c0_i32_1 = arith.constant 0 : i32
    return %c0_i32, %c0_i32_0 : i32, i32
  }
  func.func @transform_5(%arg0: i32) -> (i32, i32) {
    %c0_i32 = arith.constant 0 : i32
    %c0_i32_0 = arith.constant 0 : i32
    %c0_i32_1 = arith.constant 0 : i32
    return %c0_i32, %c0_i32_0 : i32, i32
  }
  func.func @transform_6(%arg0: i32) -> (i32, i32) {
    %c0_i32 = arith.constant 0 : i32
    %c0_i32_0 = arith.constant 0 : i32
    return %arg0, %c0_i32 : i32, i32
  }
  func.func @transform_7(%arg0: i32) -> (i32, i32) {
    %c0_i32 = arith.constant 0 : i32
    %c0_i32_0 = arith.constant 0 : i32
    return %arg0, %c0_i32 : i32, i32
  }
  func.func @transform_8(%arg0: i32) -> (i32, i32) {
    %c0_i32 = arith.constant 0 : i32
    %c0_i32_0 = arith.constant 0 : i32
    return %arg0, %c0_i32 : i32, i32
  }
  func.func @transform_9(%arg0: i32) -> (i32, i32) {
    %c0_i32 = arith.constant 0 : i32
    %c0_i32_0 = arith.constant 0 : i32
    return %arg0, %c0_i32 : i32, i32
  }
  func.func @transform_10(%arg0: i32) -> (i32, i32) {
    %c0_i32 = arith.constant 0 : i32
    %c0_i32_0 = arith.constant 0 : i32
    return %arg0, %c0_i32 : i32, i32
  }
}

module attributes {stable_mosaic.version = 14 : i64} {
  func.func @_tc3_body(%arg0: i32, %arg1: memref<1000x256xf32, #tpu.memory_space<vmem>>, %arg2: memref<1000x128xf32, #tpu.memory_space<vmem>>, %arg3: memref<1000x128xf32, #tpu.memory_space<vmem>>, %arg4: memref<256x256xf32, #tpu.memory_space<vmem>>, %arg5: memref<512x256xf32, #tpu.memory_space<vmem>>, %arg6: memref<1x256xf32, #tpu.memory_space<vmem>>, %arg7: memref<1000x256xf32, #tpu.memory_space<vmem>>) attributes {dimension_semantics = [#tpu.dimension_semantics<arbitrary>], iteration_bounds = array<i64: 10>, scalar_prefetch = 0 : i64, scratch_operands = 0 : i64, tpu.core_type = #tpu.core_type<tc>, window_params = [{transform_indices = @transform_0, window_bounds = array<i64: 1000, 256>}, {transform_indices = @transform_1, window_bounds = array<i64: 1000, 128>}, {transform_indices = @transform_2, window_bounds = array<i64: 1000, 128>}, {pipeline_mode = #tpu.pipeline_mode<synchronous>, transform_indices = @transform_3, window_bounds = array<i64: 256, 256>}, {pipeline_mode = #tpu.pipeline_mode<synchronous>, transform_indices = @transform_4, window_bounds = array<i64: 512, 256>}, {pipeline_mode = #tpu.pipeline_mode<synchronous>, transform_indices = @transform_5, window_bounds = array<i64: 1, 256>}, {transform_indices = @transform_6, window_bounds = array<i64: 1000, 256>}]} {
    %get3A = arith.constant 0 : index
    %get3A_0 = arith.constant 0 : index
    %get3A_1 = vector.load %arg2[%get3A, %get3A_0] : memref<1000x128xf32, #tpu.memory_space<vmem>>, vector<1000x128xf32>
    %get3A_2 = arith.constant 0 : index
    %get3A_3 = arith.constant 0 : index
    %get3A_4 = vector.load %arg4[%get3A_2, %get3A_3] : memref<256x256xf32, #tpu.memory_space<vmem>>, vector<128x256xf32>
    %dot_general3A = arith.constant dense<0.000000e+00> : vector<1000x256xf32>
    %dot_general3A_5 = tpu.matmul %get3A_1, %get3A_4, %dot_general3A {dimension_numbers = #tpu.dot_dimension_numbers<[1], [0], [0], [1], [0, 0, 1, 1], [], []>, transpose_lhs_hint = false} : vector<1000x128xf32>, vector<128x256xf32>, vector<1000x256xf32> -> vector<1000x256xf32>
    %get3A_6 = arith.constant 0 : index
    %get3A_7 = arith.constant 0 : index
    %get3A_8 = vector.load %arg3[%get3A_6, %get3A_7] : memref<1000x128xf32, #tpu.memory_space<vmem>>, vector<1000x128xf32>
    %get3A_9 = arith.constant 128 : index
    %get3A_10 = arith.constant 0 : index
    %get3A_11 = vector.load %arg4[%get3A_9, %get3A_10] : memref<256x256xf32, #tpu.memory_space<vmem>>, vector<128x256xf32>
    %dot_general3A_12 = arith.constant dense<0.000000e+00> : vector<1000x256xf32>
    %dot_general3A_13 = tpu.matmul %get3A_8, %get3A_11, %dot_general3A_12 {dimension_numbers = #tpu.dot_dimension_numbers<[1], [0], [0], [1], [0, 0, 1, 1], [], []>, transpose_lhs_hint = false} : vector<1000x128xf32>, vector<128x256xf32>, vector<1000x256xf32> -> vector<1000x256xf32>
    %add3A = arith.addf %dot_general3A_5, %dot_general3A_13 : vector<1000x256xf32>
    %get3A_14 = arith.constant 0 : index
    %get3A_15 = arith.constant 0 : index
    %get3A_16 = vector.load %arg1[%get3A_14, %get3A_15] : memref<1000x256xf32, #tpu.memory_space<vmem>>, vector<1000x256xf32>
    %get3A_17 = arith.constant 0 : index
    %get3A_18 = arith.constant 0 : index
    %get3A_19 = vector.load %arg5[%get3A_17, %get3A_18] : memref<512x256xf32, #tpu.memory_space<vmem>>, vector<256x256xf32>
    %dot_general3A_20 = arith.constant dense<0.000000e+00> : vector<1000x256xf32>
    %dot_general3A_21 = tpu.matmul %get3A_16, %get3A_19, %dot_general3A_20 {dimension_numbers = #tpu.dot_dimension_numbers<[1], [0], [0], [1], [0, 0, 1, 1], [], []>, transpose_lhs_hint = false} : vector<1000x256xf32>, vector<256x256xf32>, vector<1000x256xf32> -> vector<1000x256xf32>
    %get3A_22 = arith.constant 256 : index
    %get3A_23 = arith.constant 0 : index
    %get3A_24 = vector.load %arg5[%get3A_22, %get3A_23] : memref<512x256xf32, #tpu.memory_space<vmem>>, vector<256x256xf32>
    %dot_general3A_25 = arith.constant dense<0.000000e+00> : vector<1000x256xf32>
    %dot_general3A_26 = tpu.matmul %add3A, %get3A_24, %dot_general3A_25 {dimension_numbers = #tpu.dot_dimension_numbers<[1], [0], [0], [1], [0, 0, 1, 1], [], []>, transpose_lhs_hint = false} : vector<1000x256xf32>, vector<256x256xf32>, vector<1000x256xf32> -> vector<1000x256xf32>
    %add3A_27 = arith.addf %dot_general3A_21, %dot_general3A_26 : vector<1000x256xf32>
    %get3A_28 = arith.constant 0 : index
    %get3A_29 = arith.constant 0 : index
    %get3A_30 = vector.load %arg6[%get3A_28, %get3A_29] : memref<1x256xf32, #tpu.memory_space<vmem>>, vector<1x256xf32>
    %add3A_31 = vector.broadcast %get3A_30 : vector<1x256xf32> to vector<1000x256xf32>
    %add3A_32 = arith.addf %add3A_27, %add3A_31 : vector<1000x256xf32>
    %swap3A = arith.constant 0 : index
    %swap3A_33 = arith.constant 0 : index
    %swap3A_34 = vector.load %arg7[%swap3A, %swap3A_33] : memref<1000x256xf32, #tpu.memory_space<vmem>>, vector<1000x256xf32>
    tpu.vector_store %arg7[%swap3A, %swap3A_33], %add3A_32 {strides = array<i32>} : memref<1000x256xf32, #tpu.memory_space<vmem>>, vector<1000x256xf32>,
    return
  }
  func.func @transform_0(%arg0: i32) -> (i32, i32) {
    %c0_i32 = arith.constant 0 : i32
    %c0_i32_0 = arith.constant 0 : i32
    return %arg0, %c0_i32 : i32, i32
  }
  func.func @transform_1(%arg0: i32) -> (i32, i32) {
    %c0_i32 = arith.constant 0 : i32
    %c0_i32_0 = arith.constant 0 : i32
    return %arg0, %c0_i32 : i32, i32
  }
  func.func @transform_2(%arg0: i32) -> (i32, i32) {
    %c0_i32 = arith.constant 0 : i32
    %c0_i32_0 = arith.constant 0 : i32
    return %arg0, %c0_i32 : i32, i32
  }
  func.func @transform_3(%arg0: i32) -> (i32, i32) {
    %c0_i32 = arith.constant 0 : i32
    %c0_i32_0 = arith.constant 0 : i32
    %c0_i32_1 = arith.constant 0 : i32
    return %c0_i32, %c0_i32_0 : i32, i32
  }
  func.func @transform_4(%arg0: i32) -> (i32, i32) {
    %c0_i32 = arith.constant 0 : i32
    %c0_i32_0 = arith.constant 0 : i32
    %c0_i32_1 = arith.constant 0 : i32
    return %c0_i32, %c0_i32_0 : i32, i32
  }
  func.func @transform_5(%arg0: i32) -> (i32, i32) {
    %c0_i32 = arith.constant 0 : i32
    %c0_i32_0 = arith.constant 0 : i32
    %c0_i32_1 = arith.constant 0 : i32
    return %c0_i32, %c0_i32_0 : i32, i32
  }
  func.func @transform_6(%arg0: i32) -> (i32, i32) {
    %c0_i32 = arith.constant 0 : i32
    %c0_i32_0 = arith.constant 0 : i32
    return %arg0, %c0_i32 : i32, i32
  }
}

</mosaic_0001>

<sc_bundles>
// kernel: kernel.6.cloned.1.call-start
scs
__scs_entry_jumppad:
0x0: {  	(pc) =	sbr.rel $0x88, $3  }
0x1: {  	(tag) =	ssettag $0x0;
	lr =	simm.s32 $0x1  }
0x2: {  	[smem:$0x3F94] =	sst lr;
	_ =	strace $0xD0000000  }
0x3: {  	_ = 	snop  }
0x4: {  	_ = 	snop  }
0x5: {  	_ = 	snop  }
0x6: {  	_ = 	snop  }
0x7: {  	_ = 	snop  }
__scs_overlays_trampoline_lowered:
0x8: {  	[smem:$0x3FA3] =	sst s0  }
0x9: {  	[smem:$0x3FA4] =	sst s1  }
0xa: {  	[smem:$0x3FA5] =	sst s2  }
0xb: {  	[smem:$0x3FA6] =	sst s3  }
0xc: {  	[smem:$0x3FA7] =	sst s4  }
0xd: {  	[smem:$0x3FA8] =	sst s5  }
0xe: {  	[smem:$0x3FA9] =	sst s6  }
0xf: {  	[smem:$0x3FAA] =	sst s7  }
0x10: {  	[smem:$0x3FAB] =	sst s8  }
0x11: {  	[smem:$0x3FAC] =	sst s9;
	s0 =	simm.s32 @!p0 $0x0  }
0x12: {  	s1 =	sld [smem:$0x3F92];
	s0 =	simm.s32 @p0 $0x1  }
0x13: {  	[smem:$0x3FAD] =	sst s0;
	s0 =	simm.s32 @!p1 $0x0  }
0x14: {  	s2 =	sld [smem:$0x3F91];
	s0 =	simm.s32 @p1 $0x1  }
0x15: {  	[smem:$0x3FAE] =	sst s0;
	s0 =	simm.s32 @!p2 $0x0  }
0x16: {  	s3 =	sld [smem:$0x3FDB];
	s0 =	simm.s32 @p2 $0x1  }
0x17: {  	s4 =	simm.s32 $0x1BF5;
	[smem:$0x3FB0] =	sst s0  }
0x18: {  	s0 =	sld [smem:$0x3F93];
	_ =	swait.ge [sflag:s4], $0x0  }
0x19: {  	s7 =	sld [smem:$0x3F94]  }
0x1a: {  	s8 =	sadd.s32 $0xFFFFE003, lr  }
0x1b: {  	s9 =	sadd.s32 $0xFFFFFEF7, lr;
	s5 =	simm.s32 $0xFFFFFFFF;
	p2 =	slt.u32 s8, $0xFFFFF086  }
0x1c: {  	p1 =	slt.u32 s9, $0xF7A;
	s5 =	simm.s32 @!p2 $0x0  }
0x1d: {  	s5 =	simm.s32 @p1 $0x1;
	p0 =	seq.s32 s7, s2  }
0x1e: {  	s7 =	smul.u32 @!p0 $0xF7A, s2;
	p2 =	seq.s32 @!p0 s5, $0x0  }
0x1f: {  	s9 =	smul.u32 $0xF7A, s1;
	s8 =	simm.s32 @!p0 $0x1BF5;
	p2 =	por !p2, p0  }
0x20: {  	[sflag:s8] =	ssyncset.s32 @!p0 $0xFFFFF086;
	s6 =	sadd.s32 @!p0 s3, s7;
	s7 =	simm.s32 @!p0 $0x108  }
0x21: {  	s3 =	sadd.s32 s3, s9;
	s6 =	sadd.s32 @!p0 $0x88, s6;
	s7 =	simm.s32 @p2 $0x1082  }
0x22: {  	[simem:s7], [sflag:s8] =	dma.local @!p0 [hbm:s6], $0xF7A  }
0x23: {  	s9 =	sor.u32 $0xD0000000, s2;
	s6 =	simm.s32 $0x108;
	_ =	swait.ge @!p0 [sflag:s8], $0x0  }
0x24: {  	s3 =	sadd.s32 $0x88, s3;
	s6 =	simm.s32 @!p1 $0x1082;
	[sflag:s4] =	ssyncset.s32 $0xFFFFF086  }
0x25: {  	[simem:s6], [sflag:s4] =	dma.local [hbm:s3], $0xF7A  }
0x26: {  	[smem:$0x3F94] =	sst s1;
	(tag) =	ssettag s2;
	_ =	strace s9  }
0x27: {  	s1 =	sld [smem:$0x3FA4]  }
0x28: {  	s2 =	sld [smem:$0x3FA5]  }
0x29: {  	s4 =	sld [smem:$0x3FA7]  }
0x2a: {  	p0 =	seq.s32 s5, $0x0;
	s5 =	sld [smem:$0x3FA8]  }
0x2b: {  	s6 =	sld [smem:$0x3FA9]  }
0x2c: {  	s7 =	sld [smem:$0x3FAA]  }
0x2d: {  	s3 =	simm.s32 $0x108;
	s8 =	sld [smem:$0x3FAB]  }
0x2e: {  	s3 =	simm.s32 @!p0 $0x1082;
	s9 =	sld [smem:$0x3FAC]  }
0x2f: {  	lr =	sadd.s32 s0, s3;
	s0 =	sld [smem:$0x3FA3]  }
0x30: {  	s3 =	sld [smem:$0x3FA6]  }
0x31: {  	[smem:$0x3FAF] =	sst s10  }
0x32: {  	s10 =	sld [smem:$0x3FAD];
	_ =	sdelay $0x3  }
0x33: {  	p0 =	seq.s32 s10, $0x1;
	s10 =	sld [smem:$0x3FAF];
	_ =	sdelay $0x3  }
0x34: {  	[smem:$0x3FAF] =	sst s10  }
0x35: {  	s10 =	sld [smem:$0x3FAE];
	_ =	sdelay $0x3  }
0x36: {  	p1 =	seq.s32 s10, $0x1;
	s10 =	sld [smem:$0x3FAF];
	_ =	sdelay $0x3  }
0x37: {  	[smem:$0x3FAF] =	sst s10  }
0x38: {  	s10 =	sld [smem:$0x3FB0]  }
0x39: {  	_ = 	snop;
	(pc) =	sbr.ind lr, $3  }
0x3a: {  	_ = 	snop  }
0x3b: {  	_ = 	snop  }
0x3c: {  	p2 =	seq.s32 s10, $0x1;
	s10 =	sld [smem:$0x3FAF]  }
0x3d: {  	_ =	shalt  }
0x3e: {  	_ =	shalt  }
0x3f: {  	_ =	shalt  }
0x40: {  	_ =	shalt  }
0x41: {  	_ =	shalt  }
0x42: {  	_ =	shalt  }
0x43: {  	_ =	shalt  }
0x44: {  	_ =	shalt  }
0x45: {  	_ =	shalt  }
0x46: {  	_ =	shalt  }
0x47: {  	_ =	shalt  }
0x48: {  	_ =	shalt  }
0x49: {  	_ =	shalt  }
0x4a: {  	_ =	shalt  }
0x4b: {  	_ =	shalt  }
0x4c: {  	_ =	shalt  }
0x4d: {  	_ =	shalt  }
0x4e: {  	_ =	shalt  }
0x4f: {  	_ =	shalt  }
0x50: {  	_ =	shalt  }
0x51: {  	_ =	shalt  }
0x52: {  	_ =	shalt  }
0x53: {  	_ =	shalt  }
0x54: {  	_ =	shalt  }
0x55: {  	_ =	shalt  }
0x56: {  	_ =	shalt  }
0x57: {  	_ =	shalt  }
0x58: {  	_ =	shalt  }
0x59: {  	_ =	shalt  }
0x5a: {  	_ =	shalt  }
0x5b: {  	_ =	shalt  }
0x5c: {  	_ =	shalt  }
0x5d: {  	_ =	shalt  }
0x5e: {  	_ =	shalt  }
0x5f: {  	_ =	shalt  }
0x60: {  	_ =	shalt  }
0x61: {  	_ =	shalt  }
0x62: {  	_ =	shalt  }
0x63: {  	_ =	shalt  }
0x64: {  	_ =	shalt  }
0x65: {  	_ =	shalt  }
0x66: {  	_ =	shalt  }
0x67: {  	_ =	shalt  }
0x68: {  	_ =	shalt  }
0x69: {  	_ =	shalt  }
0x6a: {  	_ =	shalt  }
0x6b: {  	_ =	shalt  }
0x6c: {  	_ =	shalt  }
0x6d: {  	_ =	shalt  }
0x6e: {  	_ =	shalt  }
0x6f: {  	_ =	shalt  }
0x70: {  	_ =	shalt  }
0x71: {  	_ =	shalt  }
0x72: {  	_ =	shalt  }
0x73: {  	_ =	shalt  }
0x74: {  	_ =	shalt  }
0x75: {  	_ =	shalt  }
0x76: {  	_ =	shalt  }
0x77: {  	_ =	shalt  }
0x78: {  	_ =	shalt  }
0x79: {  	_ =	shalt  }
0x7a: {  	_ =	shalt  }
0x7b: {  	_ =	shalt  }
0x7c: {  	_ =	shalt  }
0x7d: {  	_ =	shalt  }
0x7e: {  	_ =	shalt  }
0x7f: {  	_ =	shalt  }
0x80: {  	_ =	shalt  }
0x81: {  	_ =	shalt  }
0x82: {  	_ =	shalt  }
0x83: {  	_ =	shalt  }
0x84: {  	_ =	shalt  }
0x85: {  	_ =	shalt  }
0x86: {  	_ =	shalt  }
0x87: {  	_ =	shalt  }
.Lfunc_end0:
.L_simem_size_0:
called_computation_lowered:
.L_overlay_start_0:
0x88: {  	s2 =	sld [smem:$0x3FD9]  }
0x89: {  	s3 =	sld [smem:$0x3FFE];
	_ =	sdelay $0x1  }
0x8a: {  	s1 =	srdreg.scid  }
0x8b: {  	s0 =	sand.u32 $0x1, s1  }
0x8c: {  	s16 =	sshll.u32 s0, $0xA;
	s2 =	sadd.s32 s3, s2  }
0x8d: {  	s2 =	sadd.s32 s2, s16  }
0x8e: {  	[smem:$0x3FBB] =	sst s2  }
0x8f: {  	_ = 	snop  }
0x90: {  	(tm) =	ssettm $0x1  }
0x91: {  	s17 =	sld [smem:$0x3FFB];
	_ =	sdelay $0x3  }
0x92: {  	_ =	strace s17  }
0x93: {  	s2 =	sld [smem:$0x3FFC];
	_ =	sdelay $0x3  }
0x94: {  	_ =	strace s2  }
0x95: {  	s2 =	sld [smem:$0x3FFD];
	_ =	sdelay $0x3  }
0x96: {  	_ =	strace s2  }
0x97: {  	_ =	strace $0x8FFFFFFF  }
0x98: {  	s18 =	sld [smem:$0x3FDB];
	_ =	sdelay $0x1  }
0x99: {  	s19 =	simm.s32 $_scs_section_size  }
0x9a: {  	s4 =	simm.s32 $_size__tile_overlayer_lowered;
	s5 =	simm.s32 $_tile_overlayer_lowered  }
0x9b: {  	s22 =	simm.s32 $0x1BFF;
	s21 =	sshll.u32 s5, $0x1;
	s2 =	sadd.s32 s19, s18  }
0x9c: {  	s6 =	simm.s32 $0x0;
	s20 =	sshll.u32 s4, $0x1;
	s4 =	sadd.s32 s21, s2  }
0x9d: {  	[timem:s6], [sflag:s22] =	dma.local [hbm:s4], s20  }
0x9e: {  	_ =	swait.ge [sflag:s22], s20  }
0x9f: {  	s3 =	ssub.s32 $0x0, s20;
	[sflag:s22] =	ssyncset.done $0x0  }
0xa0: {  	[sflag:s22] =	ssyncadd.s32 s3;
	_ =	sdelay $0x1  }
0xa1: {  	s23 =	simm.s32 $0x1B8B  }
0xa2: {  	_ =	swait.ge [sflag:s23], $0x1  }
0xa3: {  	[sflag:s23] =	ssyncset.done $0x0  }
0xa4: {  	s25 =	simm.s32 $0x1B8E;
	s24 =	sld [smem:$0x3FFE];
	[sflag:s23] =	ssyncadd.s32 $0xFFFFFFFF  }
0xa5: {  	s26 =	simm.s32 $execute0_lowered;
	[smem:$0x3FD2] =	sst s25  }
0xa6: {  	s4 =	sshll.u32 s26, $0x1;
	_ =	strace $0x80000046;
	[dreg:$0x1] =	wrdreg $0xFFFFFFFF  }
0xa7: {  	s28 =	simm.s32 $_size_execute0_lowered;
	s2 =	sadd.s32 s2, s4;
	[dreg:$0x0] =	wrdreg $0x0  }
0xa8: {  	s4 =	sshll.u32 s28, $0x1;
	[dreg:$0x2] =	wrdreg s2  }
0xa9: {  	[dreg:$0x3] =	wrdreg s4  }
0xaa: {  	[dreg:$0x4] =	wrdreg $0xC0  }
0xab: {  	_ =	task [dreg:s6], $0x5FFFF  }
0xac: {  	[dreg:$0x1] =	wrdreg $0xFFFFFFFF  }
0xad: {  	[dreg:$0x0] =	wrdreg $0x60  }
0xae: {  	[dreg:$0x2] =	wrdreg s24  }
0xaf: {  	[dreg:$0x3] =	wrdreg $0x49000  }
0xb0: {  	[dreg:$0x4] =	wrdreg $0x189000  }
0xb1: {  	[dreg:$0x5] =	wrdreg $0x9  }
0xb2: {  	_ =	task.clear_ibuf [dreg:s6], $0x6FFFF;
	_ =	strace $0x90000046  }
0xb3: {  	s29 =	simm.s32 $0x9;
	_ =	strace $0x80000048  }
0xb4: {  	_ =	swait.ge [sflag:s29], $0x1  }
0xb5: {  	[sflag:s29] =	ssyncadd.s32 $0xFFFFFFFF  }
0xb6: {  	_ =	strace $0x90000048  }
0xb7: {  	_ =	sfence  }
0xb8: {  	s30 =	sld [smem:$0x0];
	_ =	sdelay $0x2  }
0xb9: {  	s31 =	sshll.u32 s1, $0xD;
	s1 =	sshrl.u32 s1, $0x2  }
0xba: {  	s3 =	sand.u32 $0x4000, s31;
	s1 =	sadd.s32 s1, s30  }
0xbb: {  	s0 =	sor.u32 s3, s0;
	s1 =	sshll.u32 s1, $0x11  }
0xbc: {  	s0 =	sor.u32 s1, s0  }
0xbd: {  	s0 =	sadd.s32 $0x8F2B, s0  }
0xbe: {  	[sflag:s0] =	ssyncadd.remote.s32 $0x1  }
0xbf: {  	_ =	sfence.sel $0xFFFF  }
0xc0: {  	[dreg:$0x0] =	wrdreg $0xFFFFFFFF;
	(pc) =	sbr.abs _section_cstart, $3  }
0xc1: {  	[dreg:$0x1] =	wrdreg $0xFFFFFFFF  }
0xc2: {  	_ =	task.clear_ibuf [dreg:s6], $0x2FFFF;
	_ =	strace $0x9FFFFFFF  }
0xc3: {  	(tm) =	ssettm $0x7FFFFFFF  }
tec
execute0_lowered:
.L_overlay_start_1:
0x0: {  	(tag) =	ssettag $0x1  }
0x1: {  	s0 =	rddreg [dreg:$0x0]  }
0x2: {  	s2 =	rddreg [dreg:$0x1]  }
0x3: {  	s3 =	rddreg [dreg:$0x2]  }
0x4: {  	s1 =	srdreg.scid;
	s20 =	stileid.u32  }
0x5: {  	s4 =	simm.s32 $0x0;
	s1 =	sand.u32 $0x1, s1;
	s5 =	smul.u32 $0x2710, s20  }
0x6: {  	[smem:$0x7FF] =	sst s4;
	s6 =	sadd.s32 $0x2400, s0;
	s12 =	smul.u32 $0x280, s20  }
0x7: {  	s7 =	sadd.s32 $0x29600, s0;
	s8 =	sadd.s32 $0x50800, s0;
	s16 =	smul.u32 $0x50000, s20  }
0x8: {  	s11 =	sadd.s32 $0x273400, s0;
	s15 =	sadd.s32 $0x9F600, s0;
	s22 =	smul.u32 $0x2800, s20  }
0x9: {  	s17 =	sadd.s32 $0xC7600, s0;
	s20 =	simm.s32 $0x200;
	s9 =	smul.u32 $0x27100, s1  }
0xa: {  	_ =	strace $0x80000047;
	s14 =	smul.u32 $0x2800, s1;
	s18 =	ssub.s32 $0x2, s1  }
0xb: {  	p0 =	seq.s32 s1, $0x0;
	s19 =	sshrl.u32 s18, $0x1;
	s16 =	sshrl.u32 s16, $0x2  }
0xc: {  	s28 =	sadd.s32 s12, s3;
	s21 =	sshrl.u32 s5, $0x3;
	s20 =	simm.s32 @!p0 $0x280  }
0xd: {  	s10 =	sadd.s32 s5, s9;
	s9 =	sadd.s32 $0x77A00, s0;
	[dreg:$0x8] =	wrdreg s20  }
0xe: {  	s14 =	sadd.s32 s12, s14;
	s25 =	sadd.s32 s11, s21;
	[dreg:$0x5] =	wrdreg s28  }
0xf: {  	s10 =	sshll.u32 s10, $0x4;
	s14 =	sshrl.u32 s14, $0x3;
	[dreg:$0xa] =	wrdreg s25  }
0x10: {  	s13 =	sadd.s32 s10, s0;
	s10 =	sadd.s32 $0x278400, s0;
	s0 =	sadd.s32 s14, s0  }
0x11: {  	s14 =	ssub.s32 s18, s19;
	s18 =	sadd.s32 s16, s2;
	s19 =	smov.u32 s7  }
0x12: {  	s19 =	smov.u32 @p0 s6;
	[dreg:$0x4] =	wrdreg s18  }
0x13: {  	s24 =	sadd.s32 $0x2, s21;
	s23 =	sadd.s32 s10, s21;
	[dreg:$0x6] =	wrdreg s19  }
0x14: {  	s26 =	sadd.s32 s10, s24;
	[dreg:$0x9] =	wrdreg s23  }
0x15: {  	s0 =	sadd.s32 $0x9EC00, s0;
	[dreg:$0xc] =	wrdreg s26  }
0x16: {  	s16 =	smax.u32 s14, $0x1;
	[dreg:$0x11] =	wrdreg s0  }
0x17: {  	s20 =	sadd.s32 $0x1800, s18;
	[dreg:$0x12] =	wrdreg s16  }
0x18: {  	s30 =	sadd.s32 $0x4, s21;
	s21 =	sadd.s32 $0x2000, s18;
	[dreg:$0x15] =	wrdreg s20  }
0x19: {  	s25 =	sadd.s32 $0x3800, s18;
	[dreg:$0x16] =	wrdreg s21  }
0x1a: {  	s12 =	sadd.s32 $0x5800, s18;
	[dreg:$0x19] =	wrdreg s25  }
0x1b: {  	s14 =	sadd.s32 $0x6800, s18;
	[dreg:$0x1d] =	wrdreg s12  }
0x1c: {  	s23 =	sadd.s32 $0x2800, s18;
	[dreg:$0x1f] =	wrdreg s14  }
0x1d: {  	s26 =	sadd.s32 $0x4000, s18;
	[dreg:$0x17] =	wrdreg s23  }
0x1e: {  	s16 =	sadd.s32 $0x7800, s18;
	[dreg:$0x1a] =	wrdreg s26  }
0x1f: {  	s20 =	sadd.s32 $0x9000, s18;
	[smem:$0x7E5] =	sst s16  }
0x20: {  	s21 =	sadd.s32 $0x9800, s18;
	[smem:$0x7E8] =	sst s20  }
0x21: {  	s25 =	sadd.s32 $0xB000, s18;
	[smem:$0x7E9] =	sst s21  }
0x22: {  	s12 =	sadd.s32 $0xD000, s18;
	[smem:$0x7EC] =	sst s25  }
0x23: {  	s19 =	smov.u32 s9;
	s14 =	sadd.s32 $0xE000, s18;
	[smem:$0x7F0] =	sst s12  }
0x24: {  	s19 =	smov.u32 @p0 s8;
	[smem:$0x7F2] =	sst s14  }
0x25: {  	p0 =	sne.s32 s1, $0x0;
	s1 =	sadd.s32 s11, s24;
	[dreg:$0x7] =	wrdreg s19  }
0x26: {  	s24 =	sadd.s32 $0x3000, s18;
	[dreg:$0xd] =	wrdreg s1  }
0x27: {  	s23 =	sadd.s32 $0xA000, s18;
	[dreg:$0x18] =	wrdreg s24  }
0x28: {  	s26 =	sadd.s32 $0xB800, s18;
	[smem:$0x7EA] =	sst s23  }
0x29: {  	s16 =	sadd.s32 $0xF000, s18;
	[smem:$0x7ED] =	sst s26  }
0x2a: {  	s20 =	sadd.s32 $0x10800, s18;
	[smem:$0x7F4] =	sst s16  }
0x2b: {  	s21 =	sadd.s32 $0x11000, s18;
	[smem:$0x7F7] =	sst s20  }
0x2c: {  	s25 =	sadd.s32 $0x12800, s18;
	[smem:$0x7F8] =	sst s21  }
0x2d: {  	s1 =	sadd.s32 s11, s30;
	[smem:$0x7FB] =	sst s25  }
0x2e: {  	s15 =	smov.u32 @p0 s17;
	s17 =	sadd.s32 $0x800, s18;
	[dreg:$0x10] =	wrdreg s1  }
0x2f: {  	s19 =	sadd.s32 $0x1000, s18;
	[dreg:$0x13] =	wrdreg s17  }
0x30: {  	s24 =	sadd.s32 $0xA800, s18;
	[dreg:$0x14] =	wrdreg s19  }
0x31: {  	s23 =	sadd.s32 $0x11800, s18;
	[smem:$0x7EB] =	sst s24  }
0x32: {  	s26 =	sadd.s32 $0x13000, s18;
	[smem:$0x7F9] =	sst s23  }
0x33: {  	s15 =	sadd.s32 s15, s22;
	[smem:$0x7FC] =	sst s26  }
0x34: {  	s22 =	sadd.s32 $0x27D400, s13;
	s13 =	sadd.s32 $0x27D500, s13;
	[dreg:$0xb] =	wrdreg s15  }
0x35: {  	s1 =	sadd.s32 $0x5000, s18;
	[dreg:$0xe] =	wrdreg s13  }
0x36: {  	s17 =	sadd.s32 $0x8000, s18;
	[dreg:$0x1c] =	wrdreg s1  }
0x37: {  	s19 =	sadd.s32 $0x8800, s18;
	[smem:$0x7E6] =	sst s17  }
0x38: {  	s29 =	simm.s32 $0x10;
	s24 =	sadd.s32 $0x12000, s18;
	[smem:$0x7E7] =	sst s19  }
0x39: {  	s31 =	simm.s32 $0x1600;
	s15 =	sadd.s32 s10, s30;
	[smem:$0x7FA] =	sst s24  }
0x3a: {  	s0 =	simm.s32 $0x2600;
	s30 =	sadd.s32 $0x4800, s18;
	[dreg:$0xf] =	wrdreg s15  }
0x3b: {  	s12 =	simm.s32 $0x0;
	s13 =	sadd.s32 $0x6000, s18;
	[dreg:$0x1b] =	wrdreg s30  }
0x3c: {  	s20 =	simm.s32 $0x3;
	s1 =	sadd.s32 $0xC800, s18;
	[dreg:$0x1e] =	wrdreg s13  }
0x3d: {  	s16 =	simm.s32 $0x5;
	s17 =	sadd.s32 $0xF800, s18;
	[smem:$0x7EF] =	sst s1  }
0x3e: {  	s25 =	simm.s32 $0x4;
	s19 =	sadd.s32 $0x10000, s18;
	[smem:$0x7F5] =	sst s17  }
0x3f: {  	s21 =	simm.s32 $0x7;
	s15 =	sadd.s32 $0x7000, s18;
	[smem:$0x7F6] =	sst s19  }
0x40: {  	s23 =	simm.s32 $0x3600;
	s30 =	sadd.s32 $0xC000, s18;
	[smem:$0x7E4] =	sst s15  }
0x41: {  	s26 =	simm.s32 $0x1;
	s13 =	sadd.s32 $0xD800, s18;
	[smem:$0x7EE] =	sst s30  }
0x42: {  	s24 =	simm.s32 $0x8;
	[smem:$0x7F1] =	sst s13;
	s15 =	sadd.s32 $0xE800, s18  }
0x43: {  	s19 =	simm.s32 $0x3E00;
	s30 =	sadd.s32 $0x13800, s18;
	[smem:$0x7F3] =	sst s15  }
0x44: {  	v0 =	vimm.f32 $1.000000000e+00;
	v1 =	vimm.f32 $0.0e+00;
	s13 =	simm.s32 $0x6;
	[smem:$0x7FD] =	sst s30;
	s15 =	simm.s32 $0x200  }
.LBB2_1:
0x45: {  	[tilespmem:$0x4600] =	vst v0  }
0x46: {  	[tilespmem:$0x4680] =	vst v1  }
0x47: {  	[tilespmem:$0x4690] =	vst v1  }
0x48: {  	[tilespmem:$0x46A0] =	vst v1  }
0x49: {  	[tilespmem:$0x46B0] =	vst v1  }
0x4a: {  	[tilespmem:$0x46C0] =	vst v1  }
0x4b: {  	[tilespmem:$0x46D0] =	vst v1  }
0x4c: {  	[tilespmem:$0x46E0] =	vst v1  }
0x4d: {  	[tilespmem:$0x46F0] =	vst v1  }
0x4e: {  	[tilespmem:$0x4700] =	vst v1  }
0x4f: {  	[tilespmem:$0x4710] =	vst v1  }
0x50: {  	[tilespmem:$0x4720] =	vst v1  }
0x51: {  	[tilespmem:$0x4730] =	vst v1  }
0x52: {  	[tilespmem:$0x4740] =	vst v1  }
0x53: {  	[tilespmem:$0x4750] =	vst v1  }
0x54: {  	[tilespmem:$0x4760] =	vst v1  }
0x55: {  	[tilespmem:$0x4770] =	vst v1  }
0x56: {  	[tilespmem:$0x4780] =	vst v1  }
0x57: {  	[tilespmem:$0x4790] =	vst v1  }
0x58: {  	[tilespmem:$0x47A0] =	vst v1  }
0x59: {  	[tilespmem:$0x47B0] =	vst v1  }
0x5a: {  	[tilespmem:$0x47C0] =	vst v1  }
0x5b: {  	[tilespmem:$0x47D0] =	vst v1  }
0x5c: {  	[tilespmem:$0x47E0] =	vst v1  }
0x5d: {  	[tilespmem:$0x47F0] =	vst v1  }
0x5e: {  	[tilespmem:$0x4800] =	vst v1  }
0x5f: {  	[tilespmem:$0x4810] =	vst v1  }
0x60: {  	[tilespmem:$0x4820] =	vst v1  }
0x61: {  	[tilespmem:$0x4830] =	vst v1  }
0x62: {  	[tilespmem:$0x4840] =	vst v1  }
0x63: {  	[tilespmem:$0x4850] =	vst v1  }
0x64: {  	[tilespmem:$0x4860] =	vst v1  }
0x65: {  	[tilespmem:$0x4870] =	vst v1  }
0x66: {  	[tilespmem:$0x4880] =	vst v1  }
0x67: {  	[tilespmem:$0x4890] =	vst v1  }
0x68: {  	[tilespmem:$0x48A0] =	vst v1  }
0x69: {  	[tilespmem:$0x48B0] =	vst v1  }
0x6a: {  	[tilespmem:$0x48C0] =	vst v1  }
0x6b: {  	[tilespmem:$0x48D0] =	vst v1  }
0x6c: {  	[tilespmem:$0x48E0] =	vst v1  }
0x6d: {  	[smem:$0x7E3] =	sst s12;
	[tilespmem:$0x48F0] =	vst v1;
	s1 =	simm.s32 $0x0;
	s12 =	simm.s32 $0x200  }
.LBB2_2:
0x6e: {  	p1 =	sne.s32 s12, $0x1E00;
	[tilespmem:s1+$0x3E70] =	vst v1  }
0x6f: {  	[tilespmem:s1+$0x3600] =	vst v1  }
0x70: {  	[tilespmem:s1+$0x3E00] =	vst v1  }
0x71: {  	[tilespmem:s1+$0x3610] =	vst v1  }
0x72: {  	[tilespmem:s1+$0x3E10] =	vst v1  }
0x73: {  	[tilespmem:s1+$0x3620] =	vst v1  }
0x74: {  	[tilespmem:s1+$0x3E20] =	vst v1  }
0x75: {  	[tilespmem:s1+$0x3630] =	vst v1  }
0x76: {  	[tilespmem:s1+$0x3E30] =	vst v1  }
0x77: {  	[tilespmem:s1+$0x3640] =	vst v1  }
0x78: {  	[tilespmem:s1+$0x3E40] =	vst v1  }
.Ltmp0:
0x79: {  	[tilespmem:s1+$0x3650] =	vst v1;
	(pc) =	sbr.rel @p1 .LBB2_2-.Ltmp0, $4  }
0x7a: {  	[tilespmem:s1+$0x3E50] =	vst v1  }
0x7b: {  	[tilespmem:s1+$0x3660] =	vst v1  }
0x7c: {  	[tilespmem:s1+$0x3E60] =	vst v1  }
0x7d: {  	[tilespmem:s1+$0x3670] =	vst v1;
	s1 =	sshra.s32 s12, $0x2;
	s12 =	sadd.s32 $0x200, s12  }
0x7e: {  	[tilespmem:s1+$0x3E70] =	vst v1  }
0x7f: {  	[tilespmem:s1+$0x3600] =	vst v1  }
0x80: {  	[tilespmem:s1+$0x3E00] =	vst v1  }
0x81: {  	[tilespmem:s1+$0x3610] =	vst v1  }
0x82: {  	[tilespmem:s1+$0x3E10] =	vst v1  }
0x83: {  	[tilespmem:s1+$0x3620] =	vst v1  }
0x84: {  	[tilespmem:s1+$0x3E20] =	vst v1  }
0x85: {  	[tilespmem:s1+$0x3630] =	vst v1  }
0x86: {  	[tilespmem:s1+$0x3E30] =	vst v1  }
0x87: {  	[tilespmem:s1+$0x3640] =	vst v1  }
0x88: {  	[tilespmem:s1+$0x3E40] =	vst v1  }
0x89: {  	[tilespmem:s1+$0x3650] =	vst v1  }
0x8a: {  	[tilespmem:s1+$0x3E50] =	vst v1  }
0x8b: {  	[tilespmem:s1+$0x3660] =	vst v1  }
0x8c: {  	[tilespmem:s1+$0x3E60] =	vst v1  }
0x8d: {  	[tilespmem:s1+$0x3670] =	vst v1  }
0x8e: {  	[spmem:s18] =	stream.linear.scatter [tilespmem:s23], [sflag:$0x8], $0x800, $0x38;
	[tilespmem:$0x18B80] =	vst v63  }
0x8f: {  	_ =	swait.ge [sflag:s24], $0x800  }
0x90: {  	[sflag:s24] =	ssyncset.done $0x0  }
0x91: {  	s14 =	rddreg [dreg:$0x13];
	[sflag:s24] =	ssyncadd.s32 $0xFFFFF800  }
0x92: {  	[spmem:s14] =	stream.linear.scatter [tilespmem:s23], [sflag:$0x8], $0x800, $0x38;
	[tilespmem:$0x18B80] =	vst v63  }
0x93: {  	_ =	swait.ge [sflag:s24], $0x800  }
0x94: {  	[sflag:s24] =	ssyncset.done $0x0  }
0x95: {  	s17 =	rddreg [dreg:$0x14];
	[sflag:s24] =	ssyncadd.s32 $0xFFFFF800  }
0x96: {  	[spmem:s17] =	stream.linear.scatter [tilespmem:s23], [sflag:$0x8], $0x800, $0x38;
	[tilespmem:$0x18B80] =	vst v63  }
0x97: {  	_ =	swait.ge [sflag:s24], $0x800  }
0x98: {  	[sflag:s24] =	ssyncset.done $0x0  }
0x99: {  	s18 =	rddreg [dreg:$0x15];
	[sflag:s24] =	ssyncadd.s32 $0xFFFFF800  }
0x9a: {  	[spmem:s18] =	stream.linear.scatter [tilespmem:s23], [sflag:$0x8], $0x800, $0x38;
	[tilespmem:$0x18B80] =	vst v63  }
0x9b: {  	_ =	swait.ge [sflag:s24], $0x800  }
0x9c: {  	[sflag:s24] =	ssyncset.done $0x0  }
0x9d: {  	s30 =	rddreg [dreg:$0x16];
	[sflag:s24] =	ssyncadd.s32 $0xFFFFF800  }
0x9e: {  	[spmem:s30] =	stream.linear.scatter [tilespmem:s23], [sflag:$0x8], $0x800, $0x38;
	[tilespmem:$0x18B80] =	vst v63  }
0x9f: {  	_ =	swait.ge [sflag:s24], $0x800  }
0xa0: {  	[sflag:s24] =	ssyncset.done $0x0  }
0xa1: {  	s12 =	rddreg [dreg:$0x17];
	[sflag:s24] =	ssyncadd.s32 $0xFFFFF800  }
0xa2: {  	[spmem:s12] =	stream.linear.scatter [tilespmem:s23], [sflag:$0x8], $0x800, $0x38;
	[tilespmem:$0x18B80] =	vst v63  }
0xa3: {  	_ =	swait.ge [sflag:s24], $0x800  }
0xa4: {  	[sflag:s24] =	ssyncset.done $0x0  }
0xa5: {  	s14 =	rddreg [dreg:$0x18];
	[sflag:s24] =	ssyncadd.s32 $0xFFFFF800  }
0xa6: {  	[spmem:s14] =	stream.linear.scatter [tilespmem:s23], [sflag:$0x8], $0x800, $0x38;
	[tilespmem:$0x18B80] =	vst v63  }
0xa7: {  	_ =	swait.ge [sflag:s24], $0x800  }
0xa8: {  	[sflag:s24] =	ssyncset.done $0x0  }
0xa9: {  	s17 =	rddreg [dreg:$0x19];
	[sflag:s24] =	ssyncadd.s32 $0xFFFFF800  }
0xaa: {  	[spmem:s17] =	stream.linear.scatter [tilespmem:s23], [sflag:$0x8], $0x800, $0x38;
	[tilespmem:$0x18B80] =	vst v63  }
0xab: {  	_ =	swait.ge [sflag:s24], $0x800  }
0xac: {  	[sflag:s24] =	ssyncset.done $0x0  }
0xad: {  	s18 =	rddreg [dreg:$0x1a];
	[sflag:s24] =	ssyncadd.s32 $0xFFFFF800  }
0xae: {  	[spmem:s18] =	stream.linear.scatter [tilespmem:s23], [sflag:$0x8], $0x800, $0x38;
	[tilespmem:$0x18B80] =	vst v63  }
0xaf: {  	_ =	swait.ge [sflag:s24], $0x800  }
0xb0: {  	[sflag:s24] =	ssyncset.done $0x0  }
0xb1: {  	s30 =	rddreg [dreg:$0x1b];
	[sflag:s24] =	ssyncadd.s32 $0xFFFFF800  }
0xb2: {  	[spmem:s30] =	stream.linear.scatter [tilespmem:s23], [sflag:$0x8], $0x800, $0x38;
	[tilespmem:$0x18B80] =	vst v63  }
0xb3: {  	_ =	swait.ge [sflag:s24], $0x800  }
0xb4: {  	[sflag:s24] =	ssyncset.done $0x0  }
0xb5: {  	s12 =	rddreg [dreg:$0x1c];
	[sflag:s24] =	ssyncadd.s32 $0xFFFFF800  }
0xb6: {  	[spmem:s12] =	stream.linear.scatter [tilespmem:s23], [sflag:$0x8], $0x800, $0x38;
	[tilespmem:$0x18B80] =	vst v63  }
0xb7: {  	_ =	swait.ge [sflag:s24], $0x800  }
0xb8: {  	[sflag:s24] =	ssyncset.done $0x0  }
0xb9: {  	s14 =	rddreg [dreg:$0x1d];
	[sflag:s24] =	ssyncadd.s32 $0xFFFFF800  }
0xba: {  	[spmem:s14] =	stream.linear.scatter [tilespmem:s23], [sflag:$0x8], $0x800, $0x38;
	[tilespmem:$0x18B80] =	vst v63  }
0xbb: {  	_ =	swait.ge [sflag:s24], $0x800  }
0xbc: {  	[sflag:s24] =	ssyncset.done $0x0  }
0xbd: {  	s17 =	rddreg [dreg:$0x1e];
	[sflag:s24] =	ssyncadd.s32 $0xFFFFF800  }
0xbe: {  	[spmem:s17] =	stream.linear.scatter [tilespmem:s23], [sflag:$0x8], $0x800, $0x38;
	[tilespmem:$0x18B80] =	vst v63  }
0xbf: {  	_ =	swait.ge [sflag:s24], $0x800  }
0xc0: {  	[sflag:s24] =	ssyncset.done $0x0  }
0xc1: {  	s18 =	rddreg [dreg:$0x1f];
	[sflag:s24] =	ssyncadd.s32 $0xFFFFF800  }
0xc2: {  	[spmem:s18] =	stream.linear.scatter [tilespmem:s23], [sflag:$0x8], $0x800, $0x38;
	[tilespmem:$0x18B80] =	vst v63  }
0xc3: {  	_ =	swait.ge [sflag:s24], $0x800  }
0xc4: {  	s30 =	sld [smem:$0x7E4]  }
0xc5: {  	[sflag:s24] =	ssyncset.done $0x0  }
0xc6: {  	[sflag:s24] =	ssyncadd.s32 $0xFFFFF800  }
0xc7: {  	[spmem:s30] =	stream.linear.scatter [tilespmem:s23], [sflag:$0x8], $0x800, $0x38;
	[tilespmem:$0x18B80] =	vst v63  }
0xc8: {  	_ =	swait.ge [sflag:s24], $0x800  }
0xc9: {  	s12 =	sld [smem:$0x7E5]  }
0xca: {  	[sflag:s24] =	ssyncset.done $0x0  }
0xcb: {  	[sflag:s24] =	ssyncadd.s32 $0xFFFFF800  }
0xcc: {  	[spmem:s12] =	stream.linear.scatter [tilespmem:s23], [sflag:$0x8], $0x800, $0x38;
	[tilespmem:$0x18B80] =	vst v63  }
0xcd: {  	_ =	swait.ge [sflag:s24], $0x800  }
0xce: {  	s14 =	sld [smem:$0x7E6]  }
0xcf: {  	[sflag:s24] =	ssyncset.done $0x0  }
0xd0: {  	[sflag:s24] =	ssyncadd.s32 $0xFFFFF800  }
0xd1: {  	[spmem:s14] =	stream.linear.scatter [tilespmem:s23], [sflag:$0x8], $0x800, $0x38;
	[tilespmem:$0x18B80] =	vst v63  }
0xd2: {  	_ =	swait.ge [sflag:s24], $0x800  }
0xd3: {  	s17 =	sld [smem:$0x7E7]  }
0xd4: {  	[sflag:s24] =	ssyncset.done $0x0  }
0xd5: {  	[sflag:s24] =	ssyncadd.s32 $0xFFFFF800  }
0xd6: {  	[spmem:s17] =	stream.linear.scatter [tilespmem:s23], [sflag:$0x8], $0x800, $0x38;
	[tilespmem:$0x18B80] =	vst v63  }
0xd7: {  	_ =	swait.ge [sflag:s24], $0x800  }
0xd8: {  	s18 =	sld [smem:$0x7E8]  }
0xd9: {  	[sflag:s24] =	ssyncset.done $0x0  }
0xda: {  	[sflag:s24] =	ssyncadd.s32 $0xFFFFF800  }
0xdb: {  	[spmem:s18] =	stream.linear.scatter [tilespmem:s23], [sflag:$0x8], $0x800, $0x38;
	[tilespmem:$0x18B80] =	vst v63  }
0xdc: {  	_ =	swait.ge [sflag:s24], $0x800  }
0xdd: {  	s30 =	sld [smem:$0x7E9]  }
0xde: {  	[sflag:s24] =	ssyncset.done $0x0  }
0xdf: {  	[sflag:s24] =	ssyncadd.s32 $0xFFFFF800  }
0xe0: {  	[spmem:s30] =	stream.linear.scatter [tilespmem:s23], [sflag:$0x8], $0x800, $0x38;
	[tilespmem:$0x18B80] =	vst v63  }
0xe1: {  	_ =	swait.ge [sflag:s24], $0x800  }
0xe2: {  	s12 =	sld [smem:$0x7EA]  }
0xe3: {  	[sflag:s24] =	ssyncset.done $0x0  }
0xe4: {  	[sflag:s24] =	ssyncadd.s32 $0xFFFFF800  }
0xe5: {  	[spmem:s12] =	stream.linear.scatter [tilespmem:s23], [sflag:$0x8], $0x800, $0x38;
	[tilespmem:$0x18B80] =	vst v63  }
0xe6: {  	_ =	swait.ge [sflag:s24], $0x800  }
0xe7: {  	s14 =	sld [smem:$0x7EB]  }
0xe8: {  	[sflag:s24] =	ssyncset.done $0x0  }
0xe9: {  	[sflag:s24] =	ssyncadd.s32 $0xFFFFF800  }
0xea: {  	[spmem:s14] =	stream.linear.scatter [tilespmem:s23], [sflag:$0x8], $0x800, $0x38;
	[tilespmem:$0x18B80] =	vst v63  }
0xeb: {  	_ =	swait.ge [sflag:s24], $0x800  }
0xec: {  	s17 =	sld [smem:$0x7EC]  }
0xed: {  	[sflag:s24] =	ssyncset.done $0x0  }
0xee: {  	[sflag:s24] =	ssyncadd.s32 $0xFFFFF800  }
0xef: {  	[spmem:s17] =	stream.linear.scatter [tilespmem:s23], [sflag:$0x8], $0x800, $0x38;
	[tilespmem:$0x18B80] =	vst v63  }
0xf0: {  	_ =	swait.ge [sflag:s24], $0x800  }
0xf1: {  	s18 =	sld [smem:$0x7ED]  }
0xf2: {  	[sflag:s24] =	ssyncset.done $0x0  }
0xf3: {  	[sflag:s24] =	ssyncadd.s32 $0xFFFFF800  }
0xf4: {  	[spmem:s18] =	stream.linear.scatter [tilespmem:s23], [sflag:$0x8], $0x800, $0x38;
	[tilespmem:$0x18B80] =	vst v63  }
0xf5: {  	_ =	swait.ge [sflag:s24], $0x800  }
0xf6: {  	s30 =	sld [smem:$0x7EE]  }
0xf7: {  	[sflag:s24] =	ssyncset.done $0x0  }
0xf8: {  	[sflag:s24] =	ssyncadd.s32 $0xFFFFF800  }
0xf9: {  	[spmem:s30] =	stream.linear.scatter [tilespmem:s23], [sflag:$0x8], $0x800, $0x38;
	[tilespmem:$0x18B80] =	vst v63  }
0xfa: {  	_ =	swait.ge [sflag:s24], $0x800  }
0xfb: {  	s12 =	sld [smem:$0x7EF]  }
0xfc: {  	[sflag:s24] =	ssyncset.done $0x0  }
0xfd: {  	[sflag:s24] =	ssyncadd.s32 $0xFFFFF800  }
0xfe: {  	[spmem:s12] =	stream.linear.scatter [tilespmem:s23], [sflag:$0x8], $0x800, $0x38;
	[tilespmem:$0x18B80] =	vst v63  }
0xff: {  	_ =	swait.ge [sflag:s24], $0x800  }
0x100: {  	s14 =	sld [smem:$0x7F0]  }
0x101: {  	[sflag:s24] =	ssyncset.done $0x0  }
0x102: {  	[sflag:s24] =	ssyncadd.s32 $0xFFFFF800  }
0x103: {  	[spmem:s14] =	stream.linear.scatter [tilespmem:s23], [sflag:$0x8], $0x800, $0x38;
	[tilespmem:$0x18B80] =	vst v63  }
0x104: {  	_ =	swait.ge [sflag:s24], $0x800  }
0x105: {  	s17 =	sld [smem:$0x7F1]  }
0x106: {  	[sflag:s24] =	ssyncset.done $0x0  }
0x107: {  	[sflag:s24] =	ssyncadd.s32 $0xFFFFF800  }
0x108: {  	[spmem:s17] =	stream.linear.scatter [tilespmem:s23], [sflag:$0x8], $0x800, $0x38;
	[tilespmem:$0x18B80] =	vst v63  }
0x109: {  	_ =	swait.ge [sflag:s24], $0x800  }
0x10a: {  	s18 =	sld [smem:$0x7F2]  }
0x10b: {  	[sflag:s24] =	ssyncset.done $0x0  }
0x10c: {  	[sflag:s24] =	ssyncadd.s32 $0xFFFFF800  }
0x10d: {  	[spmem:s18] =	stream.linear.scatter [tilespmem:s23], [sflag:$0x8], $0x800, $0x38;
	[tilespmem:$0x18B80] =	vst v63  }
0x10e: {  	_ =	swait.ge [sflag:s24], $0x800  }
0x10f: {  	s30 =	sld [smem:$0x7F3]  }
0x110: {  	[sflag:s24] =	ssyncset.done $0x0  }
0x111: {  	[sflag:s24] =	ssyncadd.s32 $0xFFFFF800  }
0x112: {  	[spmem:s30] =	stream.linear.scatter [tilespmem:s23], [sflag:$0x8], $0x800, $0x38;
	[tilespmem:$0x18B80] =	vst v63  }
0x113: {  	_ =	swait.ge [sflag:s24], $0x800  }
0x114: {  	s12 =	sld [smem:$0x7F4]  }
0x115: {  	[sflag:s24] =	ssyncset.done $0x0  }
0x116: {  	[sflag:s24] =	ssyncadd.s32 $0xFFFFF800  }
0x117: {  	[spmem:s12] =	stream.linear.scatter [tilespmem:s23], [sflag:$0x8], $0x800, $0x38;
	[tilespmem:$0x18B80] =	vst v63  }
0x118: {  	_ =	swait.ge [sflag:s24], $0x800  }
0x119: {  	s14 =	sld [smem:$0x7F5]  }
0x11a: {  	[sflag:s24] =	ssyncset.done $0x0  }
0x11b: {  	[sflag:s24] =	ssyncadd.s32 $0xFFFFF800  }
0x11c: {  	[spmem:s14] =	stream.linear.scatter [tilespmem:s23], [sflag:$0x8], $0x800, $0x38;
	[tilespmem:$0x18B80] =	vst v63  }
0x11d: {  	_ =	swait.ge [sflag:s24], $0x800  }
0x11e: {  	s17 =	sld [smem:$0x7F6]  }
0x11f: {  	[sflag:s24] =	ssyncset.done $0x0  }
0x120: {  	[sflag:s24] =	ssyncadd.s32 $0xFFFFF800  }
0x121: {  	[spmem:s17] =	stream.linear.scatter [tilespmem:s23], [sflag:$0x8], $0x800, $0x38;
	[tilespmem:$0x18B80] =	vst v63  }
0x122: {  	_ =	swait.ge [sflag:s24], $0x800  }
0x123: {  	s18 =	sld [smem:$0x7F7]  }
0x124: {  	[sflag:s24] =	ssyncset.done $0x0  }
0x125: {  	[sflag:s24] =	ssyncadd.s32 $0xFFFFF800  }
0x126: {  	[spmem:s18] =	stream.linear.scatter [tilespmem:s23], [sflag:$0x8], $0x800, $0x38;
	[tilespmem:$0x18B80] =	vst v63  }
0x127: {  	_ =	swait.ge [sflag:s24], $0x800  }
0x128: {  	s30 =	sld [smem:$0x7F8]  }
0x129: {  	[sflag:s24] =	ssyncset.done $0x0  }
0x12a: {  	[sflag:s24] =	ssyncadd.s32 $0xFFFFF800  }
0x12b: {  	[spmem:s30] =	stream.linear.scatter [tilespmem:s23], [sflag:$0x8], $0x800, $0x38;
	[tilespmem:$0x18B80] =	vst v63  }
0x12c: {  	_ =	swait.ge [sflag:s24], $0x800  }
0x12d: {  	s12 =	sld [smem:$0x7F9]  }
0x12e: {  	[sflag:s24] =	ssyncset.done $0x0  }
0x12f: {  	[sflag:s24] =	ssyncadd.s32 $0xFFFFF800  }
0x130: {  	[spmem:s12] =	stream.linear.scatter [tilespmem:s23], [sflag:$0x8], $0x800, $0x38;
	[tilespmem:$0x18B80] =	vst v63  }
0x131: {  	_ =	swait.ge [sflag:s24], $0x800  }
0x132: {  	s14 =	sld [smem:$0x7FA]  }
0x133: {  	[sflag:s24] =	ssyncset.done $0x0  }
0x134: {  	[sflag:s24] =	ssyncadd.s32 $0xFFFFF800  }
0x135: {  	[spmem:s14] =	stream.linear.scatter [tilespmem:s23], [sflag:$0x8], $0x800, $0x38;
	[tilespmem:$0x18B80] =	vst v63  }
0x136: {  	_ =	swait.ge [sflag:s24], $0x800  }
0x137: {  	s17 =	sld [smem:$0x7FB]  }
0x138: {  	[sflag:s24] =	ssyncset.done $0x0  }
0x139: {  	[sflag:s24] =	ssyncadd.s32 $0xFFFFF800  }
0x13a: {  	[spmem:s17] =	stream.linear.scatter [tilespmem:s23], [sflag:$0x8], $0x800, $0x38;
	[tilespmem:$0x18B80] =	vst v63  }
0x13b: {  	_ =	swait.ge [sflag:s24], $0x800  }
0x13c: {  	s18 =	sld [smem:$0x7FC]  }
0x13d: {  	[sflag:s24] =	ssyncset.done $0x0  }
0x13e: {  	[sflag:s24] =	ssyncadd.s32 $0xFFFFF800  }
0x13f: {  	[spmem:s18] =	stream.linear.scatter [tilespmem:s23], [sflag:$0x8], $0x800, $0x38;
	[tilespmem:$0x18B80] =	vst v63  }
0x140: {  	_ =	swait.ge [sflag:s24], $0x800  }
0x141: {  	s30 =	sld [smem:$0x7FD]  }
0x142: {  	[sflag:s24] =	ssyncset.done $0x0  }
0x143: {  	[sflag:s24] =	ssyncadd.s32 $0xFFFFF800  }
0x144: {  	[spmem:s30] =	stream.linear.scatter [tilespmem:s23], [sflag:$0x8], $0x800, $0x38;
	[tilespmem:$0x18B80] =	vst v63  }
0x145: {  	_ =	swait.ge [sflag:s24], $0x800  }
0x146: {  	[sflag:s24] =	ssyncset.done $0x0  }
0x147: {  	s14 =	simm.s32 $0x4680;
	[sflag:s24] =	ssyncadd.s32 $0xFFFFF800  }
0x148: {  	[spmem:s28] =	stream.linear.scatter [tilespmem:s14], [sflag:$0x8], $0x280, $0x38;
	[tilespmem:$0x18B80] =	vst v63  }
0x149: {  	_ =	swait.ge [sflag:s24], $0x280  }
0x14a: {  	[sflag:s24] =	ssyncset.done $0x0  }
0x14b: {  	[sflag:s24] =	ssyncadd.s32 $0xFFFFFD80  }
0x14c: {  	[bflag:$0x0] =	sbarrier.arrive $0xFFFF  }
0x14d: {  	s28 =	simm.s32 $0x0;
	s12 =	rddreg [dreg:$0x9]  }
0x14e: {  	[tilespmem:s28], [sflag:$0x1] =	stream.linear.gather [hbm4b:s12+s28], $0x10, $0x38;
	[tilespmem:$0x18B80] =	vst v63  }
0x14f: {  	s17 =	rddreg [dreg:$0xa]  }
0x150: {  	[tilespmem:s15], [sflag:$0x1] =	stream.linear.gather [hbm4b:s17+s28], $0x10, $0x38;
	[tilespmem:$0x18B80] =	vst v63  }
0x151: {  	s18 =	rddreg [dreg:$0xc];
	s17 =	simm.s32 $0x80  }
0x152: {  	[tilespmem:s17], [sflag:$0x2] =	stream.linear.gather [hbm4b:s18+s28], $0x10, $0x38;
	[tilespmem:$0x18B80] =	vst v63  }
0x153: {  	s30 =	rddreg [dreg:$0xd];
	s18 =	simm.s32 $0x280  }
0x154: {  	[tilespmem:s18], [sflag:$0x2] =	stream.linear.gather [hbm4b:s30+s28], $0x10, $0x38;
	[tilespmem:$0x18B80] =	vst v63  }
0x155: {  	_ =	swait.ge [sflag:s26], $0x10  }
0x156: {  	[sflag:s26] =	ssyncset.done $0x0  }
0x157: {  	[sflag:s26] =	ssyncadd.s32 $0xFFFFFFF0  }
0x158: {  	_ =	swait.ge [sflag:s26], $0x10  }
0x159: {  	[sflag:s26] =	ssyncset.done $0x0  }
0x15a: {  	s12 =	simm.s32 $0x2;
	[sflag:s26] =	ssyncadd.s32 $0xFFFFFFF0  }
0x15b: {  	_ =	swait.ge [sflag:s12], $0x10  }
0x15c: {  	[sflag:s12] =	ssyncset.done $0x0  }
0x15d: {  	[sflag:s12] =	ssyncadd.s32 $0xFFFFFFF0  }
0x15e: {  	_ =	swait.ge [sflag:s12], $0x10  }
0x15f: {  	[sflag:s12] =	ssyncset.done $0x0  }
0x160: {  	s1 =	rddreg [dreg:$0x6];
	[sflag:s12] =	ssyncadd.s32 $0xFFFFFFF0;
	s12 =	simm.s32 $0x600  }
0x161: {  	[tilespmem:s12], [sflag:$0x3] =	stream.indirect.gather [hbm4b:s1+s29], $0x80, s28, s29, $0xb8;
	[tilespmem:$0x18B80] =	vst v63  }
0x162: {  	s12 =	rddreg [dreg:$0x7]  }
0x163: {  	[tilespmem:s31], [sflag:$0x3] =	stream.indirect.gather [hbm4b:s12+s29], $0x80, s15, s29, $0xb8;
	[tilespmem:$0x18B80] =	vst v63  }
0x164: {  	_ = 	snop  }
0x165: {  	[tilespmem:s0], [sflag:$0x3] =	stream.linear.gather [hbm4b:s22+s28], $0x800, $0x38;
	[tilespmem:$0x18B80] =	vst v63  }
0x166: {  	s30 =	simm.s32 $0xE00  }
0x167: {  	[tilespmem:s30], [sflag:$0x4] =	stream.indirect.gather [hbm4b:s1+s29], $0x80, s17, s29, $0xb8;
	[tilespmem:$0x18B80] =	vst v63  }
0x168: {  	s30 =	simm.s32 $0x1E00  }
0x169: {  	[tilespmem:s30], [sflag:$0x4] =	stream.indirect.gather [hbm4b:s12+s29], $0x80, s18, s29, $0xb8;
	[tilespmem:$0x18B80] =	vst v63  }
0x16a: {  	s17 =	rddreg [dreg:$0xe];
	s30 =	simm.s32 $0x2E00  }
0x16b: {  	[tilespmem:s30], [sflag:$0x4] =	stream.linear.gather [hbm4b:s17+s28], $0x800, $0x38;
	[tilespmem:$0x18B80] =	vst v63  }
0x16c: {  	s17 =	rddreg [dreg:$0xf];
	s30 =	simm.s32 $0x100  }
0x16d: {  	[tilespmem:s30], [sflag:$0x1] =	stream.linear.gather [hbm4b:s17+s28], $0x10, $0x38;
	[tilespmem:$0x18B80] =	vst v63  }
0x16e: {  	s12 =	rddreg [dreg:$0x10];
	s17 =	simm.s32 $0x300  }
0x16f: {  	[tilespmem:s17], [sflag:$0x1] =	stream.linear.gather [hbm4b:s12+s28], $0x10, $0x38;
	[tilespmem:$0x18B80] =	vst v63  }
0x170: {  	_ = 	snop  }
0x171: {  	[spmem:s2] =	stream.indirect.scatter.add.f32 [tilespmem:s23], [sflag:$0x5], $0x80, s15, s29, $0xb8;
	[tilespmem:$0x18B80] =	vst v63  }
0x172: {  	_ = 	snop  }
0x173: {  	[spmem:s2] =	stream.indirect.scatter.add.f32 [tilespmem:s19], [sflag:$0x6], $0x80, s18, s29, $0xb8;
	[tilespmem:$0x18B80] =	vst v63  }
0x174: {  	s30 =	rddreg [dreg:$0x8]  }
0x175: {  	[spmem:s3] =	stream.indirect.scatter.add.f32 [tilespmem:s14], [sflag:$0x7], $0x1, s30, s29, $0xb8;
	[tilespmem:$0x18B80] =	vst v63  }
.LBB2_4:
0x176: {  	_ =	swait.ge [sflag:s26], $0x10  }
0x177: {  	[sflag:s26] =	ssyncset.done $0x0  }
0x178: {  	[sflag:s26] =	ssyncadd.s32 $0xFFFFFFF0  }
0x179: {  	_ =	swait.ge [sflag:s26], $0x10  }
0x17a: {  	[sflag:s26] =	ssyncset.done $0x0  }
0x17b: {  	[sflag:s26] =	ssyncadd.s32 $0xFFFFFFF0  }
0x17c: {  	_ =	swait.ge [sflag:s20], $0x800  }
0x17d: {  	[sflag:s20] =	ssyncset.done $0x0  }
0x17e: {  	[sflag:s20] =	ssyncadd.s32 $0xFFFFF800  }
0x17f: {  	_ =	swait.ge [sflag:s20], $0x800  }
0x180: {  	[sflag:s20] =	ssyncset.done $0x0  }
0x181: {  	[sflag:s20] =	ssyncadd.s32 $0xFFFFF800  }
0x182: {  	_ =	swait.ge [sflag:s20], $0x800  }
0x183: {  	[sflag:s20] =	ssyncset.done $0x0  }
0x184: {  	[sflag:s20] =	ssyncadd.s32 $0xFFFFF800  }
0x185: {  	_ =	swait.ge [sflag:s16], $0x800  }
0x186: {  	[sflag:s16] =	ssyncset.done $0x0  }
0x187: {  	s12 =	simm.s32 $0x0;
	[sflag:s16] =	ssyncadd.s32 $0xFFFFF800  }
0x188: {  	v2 =	vld [tilespmem:s12+$0x6B0]  }
0x189: {  	v3 =	vld [tilespmem:s12+$0x16B0]  }
0x18a: {  	v4 =	vld [tilespmem:s12+$0x600]  }
0x18b: {  	v9 =	vld [tilespmem:s12+$0x1610]  }
0x18c: {  	v21 =	vld [tilespmem:s12+$0x2600]  }
0x18d: {  	v25 =	vld [tilespmem:s12+$0x2680]  }
0x18e: {  	v27 =	vld [tilespmem:s12+$0x2690]  }
0x18f: {  	v5 =	vld [tilespmem:s12+$0x26B0];
	v8 =	vshll.u32 v2, $0x10  }
0x190: {  	v6 =	vld [tilespmem:s12+$0x1600];
	v10 =	vshll.u32 v3, $0x10;
	v2 =	vand.u32 $0xFFFF0000, v2;
	v3 =	vand.u32 $0xFFFF0000, v3  }
0x191: {  	v7 =	vld [tilespmem:s12+$0x610];
	v12 =	vshll.u32 v4, $0x10;
	v4 =	vand.u32 $0xFFFF0000, v4;
	v16 =	vshll.u32 v9, $0x10  }
0x192: {  	v11 =	vld [tilespmem:s12+$0x620];
	v9 =	vand.u32 $0xFFFF0000, v9;
	v61 =	vshll.u32 v21, $0x10;
	v30 =	vshll.u32 v25, $0x10  }
0x193: {  	v25 =	vand.u32 $0xFFFF0000, v25;
	v31 =	vshll.u32 v27, $0x10;
	v27 =	vand.u32 $0xFFFF0000, v27  }
0x194: {  	v14 =	vld [tilespmem:s12+$0x1620];
	v13 =	vadd.f32 v3, v2;
	v2 =	vshll.u32 v5, $0x10;
	v5 =	vand.u32 $0xFFFF0000, v5  }
0x195: {  	v3 =	vadd.f32 v10, v8;
	v8 =	vld [tilespmem:s12+$0x630];
	v10 =	vshll.u32 v6, $0x10;
	v6 =	vand.u32 $0xFFFF0000, v6  }
0x196: {  	v15 =	vld [tilespmem:s12+$0x680];
	v10 =	vadd.f32 v10, v12;
	v12 =	vshll.u32 v7, $0x10;
	v5 =	vadd.f32 v5, v13  }
0x197: {  	v7 =	vand.u32 $0xFFFF0000, v7;
	v4 =	vadd.f32 v6, v4;
	v6 =	vshll.u32 v11, $0x10;
	v13 =	vld [tilespmem:s12+$0x1630]  }
0x198: {  	v17 =	vld [tilespmem:s12+$0x1680];
	v11 =	vand.u32 $0xFFFF0000, v11;
	v12 =	vadd.f32 v16, v12;
	v5 =	vmax.f32 v5, $0.0e+00  }
0x199: {  	v16 =	vld [tilespmem:s12+$0x690];
	v7 =	vadd.f32 v9, v7;
	v10 =	vadd.f32 v61, v10;
	[tilespmem:s12+$0x36F0] =	vst v5;
	v5 =	vshll.u32 v14, $0x10  }
0x19a: {  	v18 =	vld [tilespmem:s12+$0x1690];
	v14 =	vand.u32 $0xFFFF0000, v14;
	v9 =	vshll.u32 v8, $0x10;
	v8 =	vand.u32 $0xFFFF0000, v8  }
0x19b: {  	v20 =	vld [tilespmem:s12+$0x16A0];
	v19 =	vadd.f32 v5, v6;
	v11 =	vadd.f32 v14, v11;
	v14 =	vshll.u32 v15, $0x10  }
0x19c: {  	v15 =	vand.u32 $0xFFFF0000, v15;
	v5 =	vshll.u32 v13, $0x10;
	v6 =	vand.u32 $0xFFFF0000, v13  }
0x19d: {  	v13 =	vld [tilespmem:s12+$0x6A0];
	v22 =	vadd.f32 v5, v9;
	v5 =	vshll.u32 v17, $0x10;
	v9 =	vand.u32 $0xFFFF0000, v17  }
0x19e: {  	v17 =	vld [tilespmem:s12+$0x2610];
	v23 =	vadd.f32 v6, v8;
	v6 =	vshll.u32 v16, $0x10;
	v8 =	vand.u32 $0xFFFF0000, v16  }
0x19f: {  	v16 =	vld [tilespmem:s12+$0x2620];
	v24 =	vadd.f32 v5, v14;
	v5 =	vshll.u32 v18, $0x10;
	v14 =	vand.u32 $0xFFFF0000, v18  }
0x1a0: {  	v18 =	vld [tilespmem:s12+$0x2630];
	v15 =	vadd.f32 v9, v15;
	v26 =	vadd.f32 v5, v6;
	v5 =	vshll.u32 v20, $0x10  }
0x1a1: {  	v6 =	vand.u32 $0xFFFF0000, v20;
	v28 =	vadd.f32 v14, v8;
	v8 =	vand.u32 $0xFFFF0000, v21  }
0x1a2: {  	v29 =	vadd.f32 v8, v4;
	v9 =	vshll.u32 v13, $0x10;
	v13 =	vand.u32 $0xFFFF0000, v13  }
0x1a3: {  	v14 =	vld [tilespmem:s12+$0x26A0];
	v5 =	vadd.f32 v5, v9;
	v9 =	vshll.u32 v17, $0x10;
	v6 =	vadd.f32 v6, v13  }
0x1a4: {  	v13 =	vand.u32 $0xFFFF0000, v17;
	v17 =	vshll.u32 v16, $0x10;
	v62 =	vand.u32 $0xFFFF0000, v16  }
0x1a5: {  	v63 =	vshll.u32 v18, $0x10;
	v12 =	vadd.f32 v9, v12;
	v32 =	vadd.f32 v13, v7  }
0x1a6: {  	v18 =	vand.u32 $0xFFFF0000, v18;
	v16 =	vadd.f32 v17, v19;
	v4 =	vadd.f32 v62, v11  }
0x1a7: {  	v7 =	vmax.f32 v10, $0.0e+00;
	v13 =	vadd.f32 v30, v24;
	v11 =	vadd.f32 v25, v15  }
0x1a8: {  	v15 =	vadd.f32 v31, v26;
	v8 =	vshll.u32 v14, $0x10;
	[tilespmem:s12+$0x3600] =	vst v7;
	v7 =	vmax.f32 v29, $0.0e+00  }
0x1a9: {  	s14 =	simm.s32 $0x100;
	v9 =	vand.u32 $0xFFFF0000, v14;
	v14 =	vadd.f32 v63, v22;
	[tilespmem:s12+$0x3640] =	vst v7;
	v12 =	vmax.f32 v12, $0.0e+00  }
0x1aa: {  	s1 =	simm.s32 $0x800;
	v10 =	vadd.f32 v18, v23;
	v17 =	vmax.f32 v32, $0.0e+00;
	v7 =	vld [tilespmem:s14+$0x6B0];
	[tilespmem:s12+$0x3610] =	vst v12;
	v12 =	vadd.f32 v27, v28  }
.LBB2_5:
0x1ab: {  	p1 =	sne.s32 s1, $0x1C00;
	v18 =	vld [tilespmem:s14+$0x16B0];
	[tilespmem:s12+$0x3650] =	vst v17;
	v16 =	vmax.f32 v16, $0.0e+00;
	v5 =	vadd.f32 v8, v5;
	v6 =	vadd.f32 v9, v6  }
0x1ac: {  	v4 =	vmax.f32 v4, $0.0e+00;
	v9 =	vmax.f32 v14, $0.0e+00;
	v2 =	vadd.f32 v2, v3;
	v8 =	vld [tilespmem:s14+$0x600];
	[tilespmem:s12+$0x3620] =	vst v16  }
0x1ad: {  	v11 =	vmax.f32 v11, $0.0e+00;
	v3 =	vld [tilespmem:s14+$0x26B0];
	[tilespmem:s12+$0x3660] =	vst v4;
	v4 =	vmax.f32 v10, $0.0e+00;
	v10 =	vmax.f32 v13, $0.0e+00  }
0x1ae: {  	v12 =	vmax.f32 v12, $0.0e+00;
	v5 =	vmax.f32 v5, $0.0e+00;
	v13 =	vld [tilespmem:s14+$0x1600];
	[tilespmem:s12+$0x3630] =	vst v9;
	v9 =	vmax.f32 v15, $0.0e+00  }
0x1af: {  	v14 =	vld [tilespmem:s14+$0x610];
	v15 =	vshll.u32 v7, $0x10;
	[tilespmem:s12+$0x3670] =	vst v4;
	v4 =	vmax.f32 v6, $0.0e+00;
	v6 =	vmax.f32 v2, $0.0e+00  }
0x1b0: {  	v2 =	vand.u32 $0xFFFF0000, v7;
	v16 =	vld [tilespmem:s14+$0x1610];
	v17 =	vshll.u32 v18, $0x10;
	v7 =	vand.u32 $0xFFFF0000, v18;
	[tilespmem:s12+$0x3680] =	vst v10  }
0x1b1: {  	v10 =	vshll.u32 v8, $0x10;
	v8 =	vand.u32 $0xFFFF0000, v8;
	v18 =	vld [tilespmem:s14+$0x620];
	v7 =	vadd.f32 v7, v2;
	[tilespmem:s12+$0x36C0] =	vst v11  }
0x1b2: {  	v11 =	vld [tilespmem:s14+$0x1620];
	v2 =	vshll.u32 v3, $0x10;
	v19 =	vand.u32 $0xFFFF0000, v3;
	v3 =	vadd.f32 v17, v15;
	[tilespmem:s12+$0x3690] =	vst v9  }
0x1b3: {  	v9 =	vshll.u32 v13, $0x10;
	v13 =	vand.u32 $0xFFFF0000, v13;
	v15 =	vld [tilespmem:s14+$0x630];
	v7 =	vadd.f32 v19, v7;
	[tilespmem:s12+$0x36D0] =	vst v12  }
0x1b4: {  	v9 =	vadd.f32 v9, v10;
	v10 =	vshll.u32 v14, $0x10;
	v12 =	vand.u32 $0xFFFF0000, v14;
	v14 =	vld [tilespmem:s14+$0x1630];
	[tilespmem:s12+$0x36A0] =	vst v5  }
0x1b5: {  	v5 =	vshll.u32 v16, $0x10;
	v16 =	vand.u32 $0xFFFF0000, v16;
	v17 =	vld [tilespmem:s14+$0x680];
	v7 =	vmax.f32 v7, $0.0e+00;
	[tilespmem:s12+$0x36E0] =	vst v4  }
0x1b6: {  	v4 =	vadd.f32 v13, v8;
	v8 =	vshll.u32 v18, $0x10;
	v13 =	vand.u32 $0xFFFF0000, v18;
	v18 =	vld [tilespmem:s14+$0x1680];
	[tilespmem:s14+$0x36F0] =	vst v7  }
0x1b7: {  	v7 =	vadd.f32 v5, v10;
	v5 =	vshll.u32 v11, $0x10;
	v10 =	vand.u32 $0xFFFF0000, v11;
	v11 =	vld [tilespmem:s14+$0x690];
	[tilespmem:s12+$0x36B0] =	vst v6;
	s12 =	smov.u32 s14  }
0x1b8: {  	v12 =	vadd.f32 v16, v12;
	v6 =	vshll.u32 v15, $0x10;
	v15 =	vand.u32 $0xFFFF0000, v15;
	v16 =	vld [tilespmem:s12+$0x1690]  }
0x1b9: {  	v19 =	vadd.f32 v5, v8;
	v5 =	vshll.u32 v14, $0x10;
	v8 =	vand.u32 $0xFFFF0000, v14;
	v14 =	vld [tilespmem:s12+$0x6A0]  }
0x1ba: {  	v10 =	vadd.f32 v10, v13;
	v13 =	vshll.u32 v17, $0x10;
	v17 =	vand.u32 $0xFFFF0000, v17;
	v20 =	vld [tilespmem:s12+$0x16A0]  }
0x1bb: {  	v22 =	vadd.f32 v5, v6;
	v21 =	vld [tilespmem:s12+$0x2600];
	v5 =	vshll.u32 v18, $0x10;
	v6 =	vand.u32 $0xFFFF0000, v18  }
0x1bc: {  	v15 =	vadd.f32 v8, v15;
	v18 =	vld [tilespmem:s12+$0x2610];
	v8 =	vshll.u32 v11, $0x10;
	v11 =	vand.u32 $0xFFFF0000, v11  }
0x1bd: {  	v13 =	vadd.f32 v5, v13;
	v23 =	vld [tilespmem:s12+$0x2620];
	v5 =	vshll.u32 v16, $0x10;
	v16 =	vand.u32 $0xFFFF0000, v16  }
0x1be: {  	v17 =	vadd.f32 v6, v17;
	v24 =	vld [tilespmem:s12+$0x2630];
	v6 =	vshll.u32 v14, $0x10;
	v14 =	vand.u32 $0xFFFF0000, v14  }
0x1bf: {  	v26 =	vadd.f32 v5, v8;
	v25 =	vld [tilespmem:s12+$0x2680];
	v5 =	vshll.u32 v20, $0x10;
	v8 =	vand.u32 $0xFFFF0000, v20  }
0x1c0: {  	v28 =	vadd.f32 v16, v11;
	v20 =	vshll.u32 v21, $0x10;
	v27 =	vld [tilespmem:s12+$0x2690];
	v5 =	vadd.f32 v5, v6  }
0x1c1: {  	v11 =	vand.u32 $0xFFFF0000, v21;
	v6 =	vadd.f32 v8, v14;
	v16 =	vshll.u32 v18, $0x10;
	v21 =	vld [tilespmem:s12+$0x26A0]  }
0x1c2: {  	v8 =	vand.u32 $0xFFFF0000, v18;
	v14 =	vshll.u32 v23, $0x10;
	v18 =	vand.u32 $0xFFFF0000, v23  }
0x1c3: {  	v20 =	vadd.f32 v20, v9;
	v23 =	vshll.u32 v24, $0x10;
	v24 =	vand.u32 $0xFFFF0000, v24  }
0x1c4: {  	v11 =	vadd.f32 v11, v4;
	v29 =	vshll.u32 v25, $0x10;
	v25 =	vand.u32 $0xFFFF0000, v25  }
0x1c5: {  	v7 =	vadd.f32 v16, v7;
	v30 =	vshll.u32 v27, $0x10;
	v27 =	vand.u32 $0xFFFF0000, v27  }
.Ltmp1:
0x1c6: {  	v12 =	vadd.f32 v8, v12;
	v8 =	vshll.u32 v21, $0x10;
	v9 =	vand.u32 $0xFFFF0000, v21;
	(pc) =	sbr.rel @p1 .LBB2_5-.Ltmp1, $4  }
0x1c7: {  	v20 =	vmax.f32 v20, $0.0e+00;
	v16 =	vadd.f32 v14, v19;
	v4 =	vadd.f32 v18, v10  }
0x1c8: {  	v11 =	vmax.f32 v11, $0.0e+00;
	v14 =	vadd.f32 v23, v22;
	v10 =	vadd.f32 v24, v15;
	[tilespmem:s12+$0x3600] =	vst v20  }
0x1c9: {  	s14 =	sshra.s32 s1, $0x2;
	v15 =	vmax.f32 v7, $0.0e+00;
	v13 =	vadd.f32 v29, v13;
	[tilespmem:s12+$0x3640] =	vst v11;
	v11 =	vadd.f32 v25, v17  }
0x1ca: {  	s1 =	sadd.s32 $0x400, s1;
	v17 =	vmax.f32 v12, $0.0e+00;
	v12 =	vadd.f32 v27, v28;
	v7 =	vld [tilespmem:s14+$0x6B0];
	[tilespmem:s12+$0x3610] =	vst v15;
	v15 =	vadd.f32 v30, v26  }
0x1cb: {  	v18 =	vld [tilespmem:s14+$0x16B0];
	[tilespmem:s12+$0x3650] =	vst v17;
	v16 =	vmax.f32 v16, $0.0e+00  }
0x1cc: {  	v17 =	vld [tilespmem:s14+$0x600];
	[tilespmem:s12+$0x3620] =	vst v16;
	v16 =	vmax.f32 v4, $0.0e+00  }
0x1cd: {  	v14 =	vmax.f32 v14, $0.0e+00;
	v4 =	vld [tilespmem:s14+$0x26B0];
	[tilespmem:s12+$0x3660] =	vst v16  }
0x1ce: {  	v10 =	vmax.f32 v10, $0.0e+00;
	v16 =	vld [tilespmem:s14+$0x1600];
	[tilespmem:s12+$0x3630] =	vst v14  }
0x1cf: {  	v14 =	vld [tilespmem:s14+$0x610];
	[tilespmem:s12+$0x3670] =	vst v10;
	v10 =	vmax.f32 v13, $0.0e+00  }
0x1d0: {  	v5 =	vadd.f32 v8, v5;
	v13 =	vld [tilespmem:s14+$0x1610];
	[tilespmem:s12+$0x3680] =	vst v10;
	v10 =	vmax.f32 v11, $0.0e+00  }
0x1d1: {  	v6 =	vadd.f32 v9, v6;
	v2 =	vadd.f32 v2, v3;
	v11 =	vld [tilespmem:s14+$0x620];
	[tilespmem:s12+$0x36C0] =	vst v10;
	v10 =	vmax.f32 v15, $0.0e+00  }
0x1d2: {  	v8 =	vmax.f32 v12, $0.0e+00;
	v3 =	vand.u32 $0xFFFF0000, v7;
	v15 =	vld [tilespmem:s14+$0x1620];
	[tilespmem:s12+$0x3690] =	vst v10;
	v10 =	vand.u32 $0xFFFF0000, v18  }
0x1d3: {  	v5 =	vmax.f32 v5, $0.0e+00;
	v6 =	vmax.f32 v6, $0.0e+00;
	v3 =	vadd.f32 v10, v3  }
0x1d4: {  	v2 =	vmax.f32 v2, $0.0e+00;
	v7 =	vshll.u32 v7, $0x10;
	v9 =	vld [tilespmem:s14+$0x630];
	[tilespmem:s12+$0x36D0] =	vst v8;
	v10 =	vand.u32 $0xFFFF0000, v4  }
0x1d5: {  	v12 =	vshll.u32 v17, $0x10;
	v8 =	vld [tilespmem:s14+$0x1630];
	[tilespmem:s12+$0x36A0] =	vst v5;
	v5 =	vshll.u32 v18, $0x10;
	v3 =	vadd.f32 v10, v3  }
0x1d6: {  	v17 =	vand.u32 $0xFFFF0000, v17;
	v5 =	vadd.f32 v5, v7;
	v7 =	vshll.u32 v16, $0x10  }
0x1d7: {  	v10 =	vld [tilespmem:s14+$0x680];
	[tilespmem:s12+$0x36E0] =	vst v6;
	v6 =	vand.u32 $0xFFFF0000, v16;
	v16 =	vshll.u32 v14, $0x10;
	v3 =	vmax.f32 v3, $0.0e+00  }
0x1d8: {  	v14 =	vand.u32 $0xFFFF0000, v14;
	v18 =	vshll.u32 v13, $0x10;
	v7 =	vadd.f32 v7, v12;
	v12 =	vld [tilespmem:s14+$0x1680];
	[tilespmem:s14+$0x36F0] =	vst v3  }
0x1d9: {  	v6 =	vadd.f32 v6, v17;
	v17 =	vld [tilespmem:s14+$0x690];
	v16 =	vadd.f32 v18, v16;
	v18 =	vshll.u32 v15, $0x10;
	[tilespmem:s12+$0x36B0] =	vst v2  }
0x1da: {  	v3 =	vand.u32 $0xFFFF0000, v13;
	v13 =	vshll.u32 v11, $0x10;
	v2 =	vand.u32 $0xFFFF0000, v15;
	v15 =	vld [tilespmem:s14+$0x1690]  }
0x1db: {  	v11 =	vand.u32 $0xFFFF0000, v11;
	v3 =	vadd.f32 v3, v14;
	v14 =	vshll.u32 v9, $0x10;
	v19 =	vld [tilespmem:s14+$0x6A0]  }
0x1dc: {  	v9 =	vand.u32 $0xFFFF0000, v9;
	v13 =	vadd.f32 v18, v13;
	v18 =	vshll.u32 v8, $0x10;
	v21 =	vld [tilespmem:s14+$0x2600]  }
0x1dd: {  	v8 =	vand.u32 $0xFFFF0000, v8;
	v2 =	vadd.f32 v2, v11;
	v11 =	vshll.u32 v10, $0x10;
	v22 =	vld [tilespmem:s14+$0x2610]  }
0x1de: {  	v10 =	vand.u32 $0xFFFF0000, v10;
	v14 =	vadd.f32 v18, v14;
	v8 =	vadd.f32 v8, v9;
	v23 =	vld [tilespmem:s14+$0x2620]  }
0x1df: {  	v20 =	vld [tilespmem:s14+$0x16A0];
	v18 =	vshll.u32 v12, $0x10;
	v12 =	vand.u32 $0xFFFF0000, v12;
	v9 =	vshll.u32 v17, $0x10  }
0x1e0: {  	v17 =	vand.u32 $0xFFFF0000, v17;
	v11 =	vadd.f32 v18, v11;
	v10 =	vadd.f32 v12, v10  }
0x1e1: {  	v18 =	vshll.u32 v15, $0x10;
	v15 =	vand.u32 $0xFFFF0000, v15;
	v12 =	vshll.u32 v19, $0x10  }
0x1e2: {  	v19 =	vand.u32 $0xFFFF0000, v19;
	v25 =	vshll.u32 v21, $0x10;
	v52 =	vshll.u32 v22, $0x10  }
0x1e3: {  	v53 =	vand.u32 $0xFFFF0000, v22;
	v54 =	vshll.u32 v23, $0x10;
	v9 =	vadd.f32 v18, v9  }
0x1e4: {  	v24 =	vld [tilespmem:s14+$0x2630];
	v18 =	vshll.u32 v20, $0x10;
	v15 =	vadd.f32 v15, v17;
	v7 =	vadd.f32 v25, v7  }
0x1e5: {  	v17 =	vld [tilespmem:s14+$0x2680];
	v3 =	vadd.f32 v53, v3;
	v12 =	vadd.f32 v18, v12;
	v18 =	vand.u32 $0xFFFF0000, v21  }
0x1e6: {  	v13 =	vadd.f32 v54, v13;
	v6 =	vadd.f32 v18, v6;
	v7 =	vmax.f32 v7, $0.0e+00  }
0x1e7: {  	v20 =	vand.u32 $0xFFFF0000, v20;
	v16 =	vadd.f32 v52, v16;
	v3 =	vmax.f32 v3, $0.0e+00;
	[tilespmem:s14+$0x3600] =	vst v7  }
0x1e8: {  	v51 =	vld [tilespmem:s14+$0x2690];
	v7 =	vand.u32 $0xFFFF0000, v23;
	[tilespmem:s14+$0x3650] =	vst v3;
	v3 =	vmax.f32 v13, $0.0e+00;
	v6 =	vmax.f32 v6, $0.0e+00  }
0x1e9: {  	v2 =	vadd.f32 v7, v2;
	[tilespmem:s14+$0x3640] =	vst v6;
	v6 =	vmax.f32 v16, $0.0e+00;
	v16 =	vshll.u32 v24, $0x10  }
0x1ea: {  	v19 =	vadd.f32 v20, v19;
	v18 =	vld [tilespmem:s14+$0x26A0];
	[tilespmem:s14+$0x3620] =	vst v3;
	v3 =	vand.u32 $0xFFFF0000, v17;
	v7 =	vadd.f32 v16, v14  }
0x1eb: {  	[tilespmem:s14+$0x3610] =	vst v6;
	v6 =	vand.u32 $0xFFFF0000, v24;
	v2 =	vmax.f32 v2, $0.0e+00;
	v3 =	vadd.f32 v3, v10  }
0x1ec: {  	s1 =	smul.u32 $0x15556, s28;
	v13 =	vshll.u32 v17, $0x10;
	v6 =	vadd.f32 v6, v8;
	[tilespmem:s14+$0x3660] =	vst v2;
	v7 =	vmax.f32 v7, $0.0e+00  }
0x1ed: {  	v8 =	vadd.f32 v13, v11;
	v2 =	vshll.u32 v51, $0x10;
	v3 =	vmax.f32 v3, $0.0e+00;
	[tilespmem:s14+$0x3630] =	vst v7  }
0x1ee: {  	s1 =	sshrl.u32 s1, $0x12;
	s12 =	sshll.u32 s28, $0x1;
	v2 =	vadd.f32 v2, v9;
	v6 =	vmax.f32 v6, $0.0e+00;
	v7 =	vand.u32 $0xFFFF0000, v51;
	[tilespmem:s14+$0x36C0] =	vst v3  }
0x1ef: {  	s1 =	smul.u32 $0x6, s1;
	s15 =	sadd.s32 $0x2, s12;
	v8 =	vmax.f32 v8, $0.0e+00;
	[tilespmem:s14+$0x3670] =	vst v6;
	v6 =	vshll.u32 v18, $0x10;
	v7 =	vadd.f32 v7, v15  }
0x1f0: {  	s17 =	smul.u32 $0xAAAB, s15;
	[tilespmem:s14+$0x3680] =	vst v8;
	v8 =	vand.u32 $0xFFFF0000, v18;
	v2 =	vmax.f32 v2, $0.0e+00;
	v6 =	vadd.f32 v6, v12  }
0x1f1: {  	s1 =	ssub.s32 s12, s1;
	v3 =	vshll.u32 v4, $0x10;
	v4 =	vadd.f32 v8, v19;
	[tilespmem:s14+$0x3690] =	vst v2;
	v7 =	vmax.f32 v7, $0.0e+00  }
0x1f2: {  	s1 =	sshll.u32 s1, $0x7;
	s18 =	sshrl.u32 s17, $0x11;
	v2 =	vadd.f32 v3, v5;
	v3 =	vmax.f32 v6, $0.0e+00;
	[tilespmem:s14+$0x36D0] =	vst v7  }
0x1f3: {  	s1 =	sand.u32 $0x3F00, s1;
	s18 =	smul.u32 $0x3, s18;
	v4 =	vmax.f32 v4, $0.0e+00;
	[tilespmem:s14+$0x36A0] =	vst v3  }
0x1f4: {  	p1 =	seq.s32 s28, $0x137;
	s17 =	sshrl.u32 s17, $0x12;
	s1 =	sadd.s32 $0x200, s1;
	v2 =	vmax.f32 v2, $0.0e+00;
	[tilespmem:s14+$0x36E0] =	vst v4  }
0x1f5: {  	s30 =	smul.u32 $0x6, s17;
	s17 =	simm.s32 @!p0 $0x7;
	s18 =	ssub.s32 s15, s18;
	[tilespmem:s14+$0x36B0] =	vst v2  }
0x1f6: {  	[spmem:s2] =	stream.indirect.scatter.add.f32 [tilespmem:s23], [sflag:$0x5], $0x80, s1, s29, $0xb8;
	[tilespmem:$0x18B80] =	vst v63  }
0x1f7: {  	s18 =	sshll.u32 s18, $0x7;
	s14 =	ssub.s32 s15, s30;
	_ =	swait.ge @!p0 [sflag:s17], $0x10  }
0x1f8: {  	s30 =	simm.s32 @!p0 $0x4600;
	s14 =	sshll.u32 s14, $0x7;
	[sflag:s17] =	ssyncset.done @!p0 $0x0  }
0x1f9: {  	s14 =	sand.u32 $0x3F00, s14;
	[sflag:s17] =	ssyncadd.s32 @!p0 $0xFFFFFFF0;
	s17 =	simm.s32 @!p0 $0x10  }
0x1fa: {  	[spmem:s3] =	stream.indirect.scatter.add.f32 @!p0 [tilespmem:s30], [sflag:$0x7], $0x1, s1, s17, $0xb8;
	[tilespmem:$0x18B80] =	vst v63  }
0x1fb: {  	s1 =	smov.u32 s6;
	s17 =	sand.u32 $0x3F80, s18;
	s18 =	smov.u32 s8  }
0x1fc: {  	s30 =	simm.s32 $0x600;
	s1 =	smov.u32 @p0 s7;
	s18 =	smov.u32 @p0 s9  }
0x1fd: {  	[tilespmem:s30], [sflag:$0x3] =	stream.indirect.gather [hbm4b:s1+s29], $0x80, s17, s29, $0xb8;
	[tilespmem:$0x18B80] =	vst v63  }
0x1fe: {  	s17 =	sadd.s32 $0x200, s14;
	s30 =	sshll.u32 s15, $0x8;
	s14 =	sadd.s32 @!p1 $0x3, s12  }
0x1ff: {  	[tilespmem:s31], [sflag:$0x3] =	stream.indirect.gather [hbm4b:s18+s29], $0x80, s17, s29, $0xb8;
	[tilespmem:$0x18B80] =	vst v63  }
0x200: {  	s1 =	sadd.s32 s30, s22;
	s15 =	smulhi.u32 @!p1 $0x55555556, s14  }
0x201: {  	[tilespmem:s0], [sflag:$0x3] =	stream.linear.gather [hbm4b:s1+s4], $0x800, $0x38;
	[tilespmem:$0x18B80] =	vst v63  }
0x202: {  	s1 =	smul.u32 @!p1 $0x3, s15;
	s15 =	sshll.u32 @!p1 s14, $0x4  }
0x203: {  	s17 =	smulhi.u32 @!p1 $0x2AAAAAAB, s14;
	s15 =	sadd.s32 @!p1 s5, s15  }
0x204: {  	s30 =	simm.s32 @!p1 $0x0;
	s1 =	ssub.s32 @!p1 s14, s1;
	s15 =	sshrl.u32 @!p1 s15, $0x3  }
0x205: {  	s17 =	smul.u32 @!p1 $0x6, s17;
	s1 =	sshll.u32 @!p1 s1, $0x7;
	s18 =	sadd.s32 @!p1 s10, s15  }
0x206: {  	[tilespmem:s1], [sflag:$0x2] =	stream.linear.gather @!p1 [hbm4b:s18+s30], $0x10, $0x38;
	[tilespmem:$0x18B80] =	vst v63  }
0x207: {  	s1 =	ssub.s32 @!p1 s14, s17  }
0x208: {  	s1 =	sshll.u32 @!p1 s1, $0x7  }
0x209: {  	s14 =	sadd.s32 @!p1 s11, s15;
	s1 =	sadd.s32 @!p1 $0x200, s1  }
0x20a: {  	[tilespmem:s1], [sflag:$0x2] =	stream.linear.gather @!p1 [hbm4b:s14+s30], $0x10, $0x38;
	[tilespmem:$0x18B80] =	vst v63  }
0x20b: {  	s1 =	simm.s32 @!p1 $0x2  }
0x20c: {  	_ =	swait.ge @!p1 [sflag:s1], $0x10  }
0x20d: {  	[sflag:s1] =	ssyncset.done @!p1 $0x0  }
0x20e: {  	[sflag:s1] =	ssyncadd.s32 @!p1 $0xFFFFFFF0  }
0x20f: {  	_ =	swait.ge @!p1 [sflag:s1], $0x10  }
0x210: {  	[sflag:s1] =	ssyncset.done @!p1 $0x0  }
0x211: {  	[sflag:s1] =	ssyncadd.s32 @!p1 $0xFFFFFFF0  }
0x212: {  	_ =	swait.ge [sflag:s25], $0x800  }
0x213: {  	[sflag:s25] =	ssyncset.done $0x0  }
0x214: {  	[sflag:s25] =	ssyncadd.s32 $0xFFFFF800  }
0x215: {  	_ =	swait.ge [sflag:s25], $0x800  }
0x216: {  	[sflag:s25] =	ssyncset.done $0x0  }
0x217: {  	[sflag:s25] =	ssyncadd.s32 $0xFFFFF800  }
0x218: {  	_ =	swait.ge [sflag:s25], $0x800  }
0x219: {  	[sflag:s25] =	ssyncset.done $0x0  }
0x21a: {  	[sflag:s25] =	ssyncadd.s32 $0xFFFFF800  }
0x21b: {  	_ =	swait.ge [sflag:s13], $0x800  }
0x21c: {  	[sflag:s13] =	ssyncset.done $0x0  }
0x21d: {  	s15 =	simm.s32 $0x0;
	[sflag:s13] =	ssyncadd.s32 $0xFFFFF800  }
0x21e: {  	v2 =	vld [tilespmem:s15+$0xEB0]  }
0x21f: {  	v3 =	vld [tilespmem:s15+$0x1EB0]  }
0x220: {  	v4 =	vld [tilespmem:s15+$0xE00]  }
0x221: {  	v9 =	vld [tilespmem:s15+$0x1E10]  }
0x222: {  	v56 =	vld [tilespmem:s15+$0x2E00]  }
0x223: {  	v60 =	vld [tilespmem:s15+$0x2E80]  }
0x224: {  	v27 =	vld [tilespmem:s15+$0x2E90]  }
0x225: {  	v5 =	vld [tilespmem:s15+$0x2EB0];
	v8 =	vshll.u32 v2, $0x10  }
0x226: {  	v6 =	vld [tilespmem:s15+$0x1E00];
	v10 =	vshll.u32 v3, $0x10;
	v2 =	vand.u32 $0xFFFF0000, v2;
	v3 =	vand.u32 $0xFFFF0000, v3  }
0x227: {  	v7 =	vld [tilespmem:s15+$0xE10];
	v12 =	vshll.u32 v4, $0x10;
	v4 =	vand.u32 $0xFFFF0000, v4;
	v16 =	vshll.u32 v9, $0x10  }
0x228: {  	v11 =	vld [tilespmem:s15+$0xE20];
	v9 =	vand.u32 $0xFFFF0000, v9;
	v61 =	vshll.u32 v56, $0x10;
	v30 =	vshll.u32 v60, $0x10  }
0x229: {  	v25 =	vand.u32 $0xFFFF0000, v60;
	v31 =	vshll.u32 v27, $0x10;
	v27 =	vand.u32 $0xFFFF0000, v27  }
0x22a: {  	v14 =	vld [tilespmem:s15+$0x1E20];
	v13 =	vadd.f32 v3, v2;
	v2 =	vshll.u32 v5, $0x10;
	v5 =	vand.u32 $0xFFFF0000, v5  }
0x22b: {  	v3 =	vadd.f32 v10, v8;
	v8 =	vld [tilespmem:s15+$0xE30];
	v10 =	vshll.u32 v6, $0x10;
	v6 =	vand.u32 $0xFFFF0000, v6  }
0x22c: {  	v15 =	vld [tilespmem:s15+$0xE80];
	v10 =	vadd.f32 v10, v12;
	v12 =	vshll.u32 v7, $0x10;
	v5 =	vadd.f32 v5, v13  }
0x22d: {  	v7 =	vand.u32 $0xFFFF0000, v7;
	v4 =	vadd.f32 v6, v4;
	v6 =	vshll.u32 v11, $0x10;
	v13 =	vld [tilespmem:s15+$0x1E30]  }
0x22e: {  	v17 =	vld [tilespmem:s15+$0x1E80];
	v11 =	vand.u32 $0xFFFF0000, v11;
	v12 =	vadd.f32 v16, v12;
	v5 =	vmax.f32 v5, $0.0e+00  }
0x22f: {  	v16 =	vld [tilespmem:s15+$0xE90];
	v7 =	vadd.f32 v9, v7;
	v10 =	vadd.f32 v61, v10;
	[tilespmem:s15+$0x3EF0] =	vst v5;
	v5 =	vshll.u32 v14, $0x10  }
0x230: {  	v18 =	vld [tilespmem:s15+$0x1E90];
	v14 =	vand.u32 $0xFFFF0000, v14;
	v9 =	vshll.u32 v8, $0x10;
	v8 =	vand.u32 $0xFFFF0000, v8  }
0x231: {  	v55 =	vld [tilespmem:s15+$0x1EA0];
	v19 =	vadd.f32 v5, v6;
	v11 =	vadd.f32 v14, v11;
	v14 =	vshll.u32 v15, $0x10  }
0x232: {  	v15 =	vand.u32 $0xFFFF0000, v15;
	v5 =	vshll.u32 v13, $0x10;
	v6 =	vand.u32 $0xFFFF0000, v13  }
0x233: {  	v13 =	vld [tilespmem:s15+$0xEA0];
	v57 =	vadd.f32 v5, v9;
	v5 =	vshll.u32 v17, $0x10;
	v9 =	vand.u32 $0xFFFF0000, v17  }
0x234: {  	v17 =	vld [tilespmem:s15+$0x2E10];
	v58 =	vadd.f32 v6, v8;
	v6 =	vshll.u32 v16, $0x10;
	v8 =	vand.u32 $0xFFFF0000, v16  }
0x235: {  	v16 =	vld [tilespmem:s15+$0x2E20];
	v59 =	vadd.f32 v5, v14;
	v5 =	vshll.u32 v18, $0x10;
	v14 =	vand.u32 $0xFFFF0000, v18  }
0x236: {  	v18 =	vld [tilespmem:s15+$0x2E30];
	v15 =	vadd.f32 v9, v15;
	v26 =	vadd.f32 v5, v6;
	v5 =	vshll.u32 v55, $0x10  }
0x237: {  	v6 =	vand.u32 $0xFFFF0000, v55;
	v28 =	vadd.f32 v14, v8;
	v8 =	vand.u32 $0xFFFF0000, v56  }
0x238: {  	v29 =	vadd.f32 v8, v4;
	v9 =	vshll.u32 v13, $0x10;
	v13 =	vand.u32 $0xFFFF0000, v13  }
0x239: {  	v14 =	vld [tilespmem:s15+$0x2EA0];
	v5 =	vadd.f32 v5, v9;
	v9 =	vshll.u32 v17, $0x10;
	v6 =	vadd.f32 v6, v13  }
0x23a: {  	v13 =	vand.u32 $0xFFFF0000, v17;
	v17 =	vshll.u32 v16, $0x10;
	v62 =	vand.u32 $0xFFFF0000, v16  }
0x23b: {  	v63 =	vshll.u32 v18, $0x10;
	v12 =	vadd.f32 v9, v12;
	v32 =	vadd.f32 v13, v7  }
0x23c: {  	v18 =	vand.u32 $0xFFFF0000, v18;
	v16 =	vadd.f32 v17, v19;
	v4 =	vadd.f32 v62, v11  }
0x23d: {  	v7 =	vmax.f32 v10, $0.0e+00;
	v13 =	vadd.f32 v30, v59;
	v11 =	vadd.f32 v25, v15  }
0x23e: {  	v15 =	vadd.f32 v31, v26;
	v8 =	vshll.u32 v14, $0x10;
	[tilespmem:s15+$0x3E00] =	vst v7;
	v7 =	vmax.f32 v29, $0.0e+00  }
0x23f: {  	s1 =	simm.s32 $0x100;
	v9 =	vand.u32 $0xFFFF0000, v14;
	v14 =	vadd.f32 v63, v57;
	[tilespmem:s15+$0x3E40] =	vst v7;
	v12 =	vmax.f32 v12, $0.0e+00  }
0x240: {  	s17 =	simm.s32 $0x800;
	s14 =	sshllo.u32 s28, $0x1;
	v10 =	vadd.f32 v18, v58;
	v17 =	vmax.f32 v32, $0.0e+00;
	v7 =	vld [tilespmem:s1+$0xEB0];
	[tilespmem:s15+$0x3E10] =	vst v12;
	v12 =	vadd.f32 v27, v28  }
.LBB2_7:
0x241: {  	p2 =	sne.s32 s17, $0x1C00;
	v18 =	vld [tilespmem:s1+$0x1EB0];
	[tilespmem:s15+$0x3E50] =	vst v17;
	v16 =	vmax.f32 v16, $0.0e+00;
	v5 =	vadd.f32 v8, v5;
	v6 =	vadd.f32 v9, v6  }
0x242: {  	v4 =	vmax.f32 v4, $0.0e+00;
	v9 =	vmax.f32 v14, $0.0e+00;
	v2 =	vadd.f32 v2, v3;
	v8 =	vld [tilespmem:s1+$0xE00];
	[tilespmem:s15+$0x3E20] =	vst v16  }
0x243: {  	v11 =	vmax.f32 v11, $0.0e+00;
	v3 =	vld [tilespmem:s1+$0x2EB0];
	[tilespmem:s15+$0x3E60] =	vst v4;
	v4 =	vmax.f32 v10, $0.0e+00;
	v10 =	vmax.f32 v13, $0.0e+00  }
0x244: {  	v12 =	vmax.f32 v12, $0.0e+00;
	v5 =	vmax.f32 v5, $0.0e+00;
	v13 =	vld [tilespmem:s1+$0x1E00];
	[tilespmem:s15+$0x3E30] =	vst v9;
	v9 =	vmax.f32 v15, $0.0e+00  }
0x245: {  	v14 =	vld [tilespmem:s1+$0xE10];
	v15 =	vshll.u32 v7, $0x10;
	[tilespmem:s15+$0x3E70] =	vst v4;
	v4 =	vmax.f32 v6, $0.0e+00;
	v6 =	vmax.f32 v2, $0.0e+00  }
0x246: {  	v2 =	vand.u32 $0xFFFF0000, v7;
	v16 =	vld [tilespmem:s1+$0x1E10];
	v17 =	vshll.u32 v18, $0x10;
	v7 =	vand.u32 $0xFFFF0000, v18;
	[tilespmem:s15+$0x3E80] =	vst v10  }
0x247: {  	v10 =	vshll.u32 v8, $0x10;
	v8 =	vand.u32 $0xFFFF0000, v8;
	v18 =	vld [tilespmem:s1+$0xE20];
	v7 =	vadd.f32 v7, v2;
	[tilespmem:s15+$0x3EC0] =	vst v11  }
0x248: {  	v11 =	vld [tilespmem:s1+$0x1E20];
	v2 =	vshll.u32 v3, $0x10;
	v19 =	vand.u32 $0xFFFF0000, v3;
	v3 =	vadd.f32 v17, v15;
	[tilespmem:s15+$0x3E90] =	vst v9  }
0x249: {  	v9 =	vshll.u32 v13, $0x10;
	v13 =	vand.u32 $0xFFFF0000, v13;
	v15 =	vld [tilespmem:s1+$0xE30];
	v7 =	vadd.f32 v19, v7;
	[tilespmem:s15+$0x3ED0] =	vst v12  }
0x24a: {  	v9 =	vadd.f32 v9, v10;
	v10 =	vshll.u32 v14, $0x10;
	v12 =	vand.u32 $0xFFFF0000, v14;
	v14 =	vld [tilespmem:s1+$0x1E30];
	[tilespmem:s15+$0x3EA0] =	vst v5  }
0x24b: {  	v5 =	vshll.u32 v16, $0x10;
	v16 =	vand.u32 $0xFFFF0000, v16;
	v17 =	vld [tilespmem:s1+$0xE80];
	v7 =	vmax.f32 v7, $0.0e+00;
	[tilespmem:s15+$0x3EE0] =	vst v4  }
0x24c: {  	v4 =	vadd.f32 v13, v8;
	v8 =	vshll.u32 v18, $0x10;
	v13 =	vand.u32 $0xFFFF0000, v18;
	v18 =	vld [tilespmem:s1+$0x1E80];
	[tilespmem:s1+$0x3EF0] =	vst v7  }
0x24d: {  	v7 =	vadd.f32 v5, v10;
	v5 =	vshll.u32 v11, $0x10;
	v10 =	vand.u32 $0xFFFF0000, v11;
	v11 =	vld [tilespmem:s1+$0xE90];
	[tilespmem:s15+$0x3EB0] =	vst v6;
	s15 =	smov.u32 s1  }
0x24e: {  	v12 =	vadd.f32 v16, v12;
	v6 =	vshll.u32 v15, $0x10;
	v15 =	vand.u32 $0xFFFF0000, v15;
	v16 =	vld [tilespmem:s15+$0x1E90]  }
0x24f: {  	v19 =	vadd.f32 v5, v8;
	v5 =	vshll.u32 v14, $0x10;
	v8 =	vand.u32 $0xFFFF0000, v14;
	v14 =	vld [tilespmem:s15+$0xEA0]  }
0x250: {  	v10 =	vadd.f32 v10, v13;
	v13 =	vshll.u32 v17, $0x10;
	v17 =	vand.u32 $0xFFFF0000, v17;
	v20 =	vld [tilespmem:s15+$0x1EA0]  }
0x251: {  	v22 =	vadd.f32 v5, v6;
	v21 =	vld [tilespmem:s15+$0x2E00];
	v5 =	vshll.u32 v18, $0x10;
	v6 =	vand.u32 $0xFFFF0000, v18  }
0x252: {  	v15 =	vadd.f32 v8, v15;
	v18 =	vld [tilespmem:s15+$0x2E10];
	v8 =	vshll.u32 v11, $0x10;
	v11 =	vand.u32 $0xFFFF0000, v11  }
0x253: {  	v13 =	vadd.f32 v5, v13;
	v23 =	vld [tilespmem:s15+$0x2E20];
	v5 =	vshll.u32 v16, $0x10;
	v16 =	vand.u32 $0xFFFF0000, v16  }
0x254: {  	v17 =	vadd.f32 v6, v17;
	v24 =	vld [tilespmem:s15+$0x2E30];
	v6 =	vshll.u32 v14, $0x10;
	v14 =	vand.u32 $0xFFFF0000, v14  }
0x255: {  	v26 =	vadd.f32 v5, v8;
	v25 =	vld [tilespmem:s15+$0x2E80];
	v5 =	vshll.u32 v20, $0x10;
	v8 =	vand.u32 $0xFFFF0000, v20  }
0x256: {  	v28 =	vadd.f32 v16, v11;
	v20 =	vshll.u32 v21, $0x10;
	v27 =	vld [tilespmem:s15+$0x2E90];
	v5 =	vadd.f32 v5, v6  }
0x257: {  	v11 =	vand.u32 $0xFFFF0000, v21;
	v6 =	vadd.f32 v8, v14;
	v16 =	vshll.u32 v18, $0x10;
	v21 =	vld [tilespmem:s15+$0x2EA0]  }
0x258: {  	v8 =	vand.u32 $0xFFFF0000, v18;
	v14 =	vshll.u32 v23, $0x10;
	v18 =	vand.u32 $0xFFFF0000, v23  }
0x259: {  	v20 =	vadd.f32 v20, v9;
	v23 =	vshll.u32 v24, $0x10;
	v24 =	vand.u32 $0xFFFF0000, v24  }
0x25a: {  	v11 =	vadd.f32 v11, v4;
	v29 =	vshll.u32 v25, $0x10;
	v25 =	vand.u32 $0xFFFF0000, v25  }
0x25b: {  	v7 =	vadd.f32 v16, v7;
	v30 =	vshll.u32 v27, $0x10;
	v27 =	vand.u32 $0xFFFF0000, v27  }
.Ltmp2:
0x25c: {  	v12 =	vadd.f32 v8, v12;
	v8 =	vshll.u32 v21, $0x10;
	v9 =	vand.u32 $0xFFFF0000, v21;
	(pc) =	sbr.rel @p2 .LBB2_7-.Ltmp2, $4  }
0x25d: {  	v20 =	vmax.f32 v20, $0.0e+00;
	v16 =	vadd.f32 v14, v19;
	v4 =	vadd.f32 v18, v10  }
0x25e: {  	v11 =	vmax.f32 v11, $0.0e+00;
	v14 =	vadd.f32 v23, v22;
	v10 =	vadd.f32 v24, v15;
	[tilespmem:s15+$0x3E00] =	vst v20  }
0x25f: {  	s1 =	sshra.s32 s17, $0x2;
	v15 =	vmax.f32 v7, $0.0e+00;
	v13 =	vadd.f32 v29, v13;
	[tilespmem:s15+$0x3E40] =	vst v11;
	v11 =	vadd.f32 v25, v17  }
0x260: {  	s17 =	sadd.s32 $0x400, s17;
	v17 =	vmax.f32 v12, $0.0e+00;
	v12 =	vadd.f32 v27, v28;
	v7 =	vld [tilespmem:s1+$0xEB0];
	[tilespmem:s15+$0x3E10] =	vst v15;
	v15 =	vadd.f32 v30, v26  }
0x261: {  	v18 =	vld [tilespmem:s1+$0x1EB0];
	[tilespmem:s15+$0x3E50] =	vst v17;
	v16 =	vmax.f32 v16, $0.0e+00  }
0x262: {  	v57 =	vmax.f32 v4, $0.0e+00;
	v17 =	vld [tilespmem:s1+$0xE00];
	[tilespmem:s15+$0x3E20] =	vst v16  }
0x263: {  	v14 =	vmax.f32 v14, $0.0e+00;
	v10 =	vmax.f32 v10, $0.0e+00;
	v4 =	vld [tilespmem:s1+$0x2EB0];
	[tilespmem:s15+$0x3E60] =	vst v57  }
0x264: {  	v58 =	vmax.f32 v13, $0.0e+00;
	v60 =	vmax.f32 v11, $0.0e+00;
	v5 =	vadd.f32 v8, v5;
	v16 =	vld [tilespmem:s1+$0x1E00];
	[tilespmem:s15+$0x3E30] =	vst v14  }
0x265: {  	v6 =	vadd.f32 v9, v6;
	v2 =	vadd.f32 v2, v3;
	v62 =	vmax.f32 v15, $0.0e+00;
	v14 =	vld [tilespmem:s1+$0xE10];
	[tilespmem:s15+$0x3E70] =	vst v10  }
0x266: {  	v21 =	vmax.f32 v12, $0.0e+00;
	v3 =	vand.u32 $0xFFFF0000, v7;
	v59 =	vld [tilespmem:s1+$0x1E10];
	[tilespmem:s15+$0x3E80] =	vst v58;
	v23 =	vand.u32 $0xFFFF0000, v18  }
0x267: {  	v5 =	vmax.f32 v5, $0.0e+00;
	v6 =	vmax.f32 v6, $0.0e+00;
	v61 =	vld [tilespmem:s1+$0xE20];
	[tilespmem:s15+$0x3EC0] =	vst v60;
	v3 =	vadd.f32 v23, v3  }
0x268: {  	v2 =	vmax.f32 v2, $0.0e+00;
	v24 =	vshll.u32 v7, $0x10;
	v63 =	vld [tilespmem:s1+$0x1E20];
	[tilespmem:s15+$0x3E90] =	vst v62;
	v25 =	vand.u32 $0xFFFF0000, v4  }
0x269: {  	v26 =	vshll.u32 v18, $0x10;
	v27 =	vshll.u32 v17, $0x10;
	v22 =	vld [tilespmem:s1+$0xE30];
	[tilespmem:s15+$0x3ED0] =	vst v21;
	v3 =	vadd.f32 v25, v3  }
0x26a: {  	v17 =	vand.u32 $0xFFFF0000, v17;
	v29 =	vshll.u32 v16, $0x10;
	v30 =	vand.u32 $0xFFFF0000, v16;
	v8 =	vld [tilespmem:s1+$0x1E30];
	[tilespmem:s15+$0x3EA0] =	vst v5  }
0x26b: {  	v5 =	vadd.f32 v26, v24;
	v7 =	vadd.f32 v29, v27;
	v28 =	vld [tilespmem:s1+$0xE80];
	[tilespmem:s15+$0x3EE0] =	vst v6;
	v3 =	vmax.f32 v3, $0.0e+00  }
0x26c: {  	v32 =	vshll.u32 v14, $0x10;
	v14 =	vand.u32 $0xFFFF0000, v14;
	v33 =	vshll.u32 v59, $0x10;
	v31 =	vld [tilespmem:s1+$0x1E80];
	[tilespmem:s1+$0x3EF0] =	vst v3  }
0x26d: {  	v6 =	vadd.f32 v30, v17;
	v3 =	vand.u32 $0xFFFF0000, v59;
	v34 =	vshll.u32 v61, $0x10;
	v35 =	vld [tilespmem:s1+$0xE90];
	[tilespmem:s15+$0x3EB0] =	vst v2  }
0x26e: {  	v11 =	vand.u32 $0xFFFF0000, v61;
	v16 =	vadd.f32 v33, v32;
	v36 =	vshll.u32 v63, $0x10;
	v38 =	vld [tilespmem:s1+$0x1E90]  }
0x26f: {  	v2 =	vand.u32 $0xFFFF0000, v63;
	v3 =	vadd.f32 v3, v14;
	v37 =	vshll.u32 v22, $0x10;
	v19 =	vld [tilespmem:s1+$0xEA0]  }
0x270: {  	v9 =	vand.u32 $0xFFFF0000, v22;
	v13 =	vadd.f32 v36, v34;
	v2 =	vadd.f32 v2, v11;
	v20 =	vld [tilespmem:s1+$0x1EA0]  }
0x271: {  	v21 =	vld [tilespmem:s1+$0x2E00];
	v39 =	vshll.u32 v8, $0x10;
	v8 =	vand.u32 $0xFFFF0000, v8;
	v40 =	vshll.u32 v28, $0x10  }
0x272: {  	v22 =	vld [tilespmem:s1+$0x2E10];
	v10 =	vand.u32 $0xFFFF0000, v28;
	v14 =	vadd.f32 v39, v37;
	v8 =	vadd.f32 v8, v9  }
0x273: {  	v23 =	vld [tilespmem:s1+$0x2E20];
	v41 =	vshll.u32 v31, $0x10;
	v12 =	vand.u32 $0xFFFF0000, v31;
	v42 =	vshll.u32 v35, $0x10  }
0x274: {  	v24 =	vld [tilespmem:s1+$0x2E30];
	v17 =	vand.u32 $0xFFFF0000, v35;
	v11 =	vadd.f32 v41, v40;
	v10 =	vadd.f32 v12, v10  }
0x275: {  	v43 =	vshll.u32 v38, $0x10;
	v15 =	vand.u32 $0xFFFF0000, v38;
	v44 =	vshll.u32 v19, $0x10  }
0x276: {  	v46 =	vld [tilespmem:s1+$0x2E80];
	v19 =	vand.u32 $0xFFFF0000, v19;
	v45 =	vshll.u32 v20, $0x10;
	v20 =	vand.u32 $0xFFFF0000, v20  }
0x277: {  	v48 =	vld [tilespmem:s1+$0x2E90];
	v25 =	vshll.u32 v21, $0x10;
	v47 =	vand.u32 $0xFFFF0000, v21;
	v49 =	vshll.u32 v22, $0x10  }
0x278: {  	v50 =	vld [tilespmem:s1+$0x2EA0];
	v51 =	vand.u32 $0xFFFF0000, v22;
	v52 =	vshll.u32 v23, $0x10;
	v7 =	vadd.f32 v25, v7  }
0x279: {  	v53 =	vand.u32 $0xFFFF0000, v23;
	v55 =	vshll.u32 v24, $0x10;
	v6 =	vadd.f32 v47, v6  }
0x27a: {  	v56 =	vand.u32 $0xFFFF0000, v24;
	v16 =	vadd.f32 v49, v16;
	v7 =	vmax.f32 v7, $0.0e+00  }
0x27b: {  	v58 =	vshll.u32 v46, $0x10;
	v3 =	vadd.f32 v51, v3;
	v6 =	vmax.f32 v6, $0.0e+00;
	[tilespmem:s1+$0x3E00] =	vst v7  }
0x27c: {  	v60 =	vand.u32 $0xFFFF0000, v48;
	v2 =	vadd.f32 v53, v2;
	v54 =	vmax.f32 v16, $0.0e+00;
	[tilespmem:s1+$0x3E40] =	vst v6  }
0x27d: {  	v62 =	vand.u32 $0xFFFF0000, v50;
	v13 =	vadd.f32 v52, v13;
	v3 =	vmax.f32 v3, $0.0e+00;
	[tilespmem:s1+$0x3E10] =	vst v54  }
0x27e: {  	v9 =	vadd.f32 v43, v42;
	v57 =	vadd.f32 v55, v14;
	v2 =	vmax.f32 v2, $0.0e+00;
	[tilespmem:s1+$0x3E50] =	vst v3  }
0x27f: {  	v15 =	vadd.f32 v15, v17;
	v59 =	vadd.f32 v58, v11;
	v3 =	vmax.f32 v13, $0.0e+00;
	[tilespmem:s1+$0x3E60] =	vst v2  }
0x280: {  	v6 =	vadd.f32 v56, v8;
	v7 =	vmax.f32 v57, $0.0e+00;
	v2 =	vshll.u32 v48, $0x10;
	[tilespmem:s1+$0x3E20] =	vst v3  }
0x281: {  	v8 =	vmax.f32 v59, $0.0e+00;
	v3 =	vand.u32 $0xFFFF0000, v46;
	[tilespmem:s1+$0x3E30] =	vst v7;
	v2 =	vadd.f32 v2, v9  }
0x282: {  	v19 =	vadd.f32 v20, v19;
	[tilespmem:s1+$0x3E80] =	vst v8;
	v3 =	vadd.f32 v3, v10;
	v6 =	vmax.f32 v6, $0.0e+00  }
0x283: {  	s18 =	smulhi.u32 $0x2AAAAAAB, s14;
	v12 =	vadd.f32 v45, v44;
	v7 =	vadd.f32 v60, v15;
	[tilespmem:s1+$0x3E70] =	vst v6;
	v2 =	vmax.f32 v2, $0.0e+00  }
0x284: {  	v61 =	vshll.u32 v50, $0x10;
	v63 =	vadd.f32 v62, v19;
	v3 =	vmax.f32 v3, $0.0e+00;
	[tilespmem:s1+$0x3E90] =	vst v2  }
0x285: {  	s15 =	smul.u32 $0x6, s18;
	v6 =	vadd.f32 v61, v12;
	v7 =	vmax.f32 v7, $0.0e+00;
	[tilespmem:s1+$0x3EC0] =	vst v3;
	v3 =	vshll.u32 v4, $0x10  }
0x286: {  	[tilespmem:s1+$0x3ED0] =	vst v7;
	v4 =	vmax.f32 v63, $0.0e+00;
	v2 =	vadd.f32 v3, v5  }
0x287: {  	s30 =	ssub.s32 s14, s15;
	v3 =	vmax.f32 v6, $0.0e+00;
	[tilespmem:s1+$0x3EE0] =	vst v4  }
0x288: {  	s14 =	sshll.u32 s30, $0x7;
	[tilespmem:s1+$0x3EA0] =	vst v3;
	v2 =	vmax.f32 v2, $0.0e+00  }
0x289: {  	[tilespmem:s1+$0x3EB0] =	vst v2;
	s1 =	sadd.s32 $0x200, s14  }
0x28a: {  	[spmem:s2] =	stream.indirect.scatter.add.f32 [tilespmem:s19], [sflag:$0x6], $0x80, s1, s29, $0xb8;
	[tilespmem:$0x18B80] =	vst v63  }
.Ltmp3:
0x28b: {  	_ =	swait.ge @p0 [sflag:s21], $0x10;
	(pc) =	sbr.rel @p1 .LBB2_9-.Ltmp3, $4  }
0x28c: {  	s14 =	smov.u32 @!p0 s6;
	[sflag:s21] =	ssyncset.done @p0 $0x0  }
0x28d: {  	s1 =	smov.u32 @!p0 s8;
	s14 =	simm.s32 @p0 $0x4600;
	[sflag:s21] =	ssyncadd.s32 @p0 $0xFFFFFFF0  }
0x28e: {  	[spmem:s3] =	stream.indirect.scatter.add.f32 @p0 [tilespmem:s14], [sflag:$0x7], $0x1, s1, s29, $0xb8;
	[tilespmem:$0x18B80] =	vst v63  }
0x28f: {  	s14 =	smov.u32 @p0 s7;
	s1 =	smov.u32 @p0 s9  }
0x290: {  	s15 =	sadd.s32 $0x3, s12  }
0x291: {  	s17 =	smulhi.u32 $0x55555556, s15  }
0x292: {  	s18 =	smulhi.u32 $0x2AAAAAAB, s15  }
0x293: {  	s17 =	smul.u32 $0x3, s17  }
0x294: {  	s18 =	smul.u32 $0x6, s18;
	_ =	sdelay $0x1  }
0x295: {  	s17 =	ssub.s32 s15, s17;
	s18 =	ssub.s32 s15, s18  }
0x296: {  	s30 =	simm.s32 $0xE00;
	s17 =	sshll.u32 s17, $0x7;
	s18 =	sshll.u32 s18, $0x7  }
0x297: {  	[tilespmem:s30], [sflag:$0x4] =	stream.indirect.gather [hbm4b:s14+s29], $0x80, s17, s29, $0xb8;
	[tilespmem:$0x18B80] =	vst v63  }
0x298: {  	s12 =	sadd.s32 $0x4, s12;
	s14 =	sadd.s32 $0x200, s18  }
0x299: {  	s30 =	simm.s32 $0x1E00;
	s17 =	sshll.u32 s15, $0x8;
	s18 =	smulhi.u32 $0x55555556, s12  }
0x29a: {  	[tilespmem:s30], [sflag:$0x4] =	stream.indirect.gather [hbm4b:s1+s29], $0x80, s14, s29, $0xb8;
	[tilespmem:$0x18B80] =	vst v63  }
0x29b: {  	s1 =	sadd.s32 s17, s22;
	s15 =	smul.u32 $0x3, s18;
	s17 =	sshll.u32 s12, $0x4  }
0x29c: {  	s30 =	simm.s32 $0x2E00;
	s18 =	smulhi.u32 $0x2AAAAAAB, s12;
	s14 =	sadd.s32 s5, s17  }
0x29d: {  	[tilespmem:s30], [sflag:$0x4] =	stream.linear.gather [hbm4b:s1+s4], $0x800, $0x38;
	[tilespmem:$0x18B80] =	vst v63  }
0x29e: {  	s1 =	ssub.s32 s12, s15;
	s14 =	sshrl.u32 s14, $0x3  }
0x29f: {  	s15 =	smul.u32 $0x6, s18;
	s1 =	sshll.u32 s1, $0x7;
	s30 =	sadd.s32 s10, s14  }
0x2a0: {  	[tilespmem:s1], [sflag:$0x1] =	stream.linear.gather [hbm4b:s30+s4], $0x10, $0x38;
	[tilespmem:$0x18B80] =	vst v63  }
.Ltmp4:
0x2a1: {  	_ = 	snop;
	(pc) =	sbr.rel .LBB2_4-.Ltmp4, $4  }
0x2a2: {  	s18 =	ssub.s32 s12, s15  }
0x2a3: {  	s1 =	sshll.u32 s18, $0x7  }
0x2a4: {  	s28 =	sadd.s32 $0x1, s28;
	s30 =	sadd.s32 s11, s14;
	s1 =	sadd.s32 $0x200, s1  }
0x2a5: {  	[tilespmem:s1], [sflag:$0x1] =	stream.linear.gather [hbm4b:s30+s4], $0x10, $0x38;
	[tilespmem:$0x18B80] =	vst v63  }
.LBB2_9:
0x2a6: {  	_ =	swait.ge [sflag:s20], $0x800  }
0x2a7: {  	[sflag:s20] =	ssyncset.done $0x0  }
0x2a8: {  	[sflag:s20] =	ssyncadd.s32 $0xFFFFF800  }
0x2a9: {  	_ =	swait.ge [sflag:s20], $0x800  }
0x2aa: {  	[sflag:s20] =	ssyncset.done $0x0  }
0x2ab: {  	[sflag:s20] =	ssyncadd.s32 $0xFFFFF800  }
0x2ac: {  	_ =	swait.ge [sflag:s20], $0x800  }
0x2ad: {  	[sflag:s20] =	ssyncset.done $0x0  }
0x2ae: {  	[sflag:s20] =	ssyncadd.s32 $0xFFFFF800  }
0x2af: {  	_ =	swait.ge [sflag:s16], $0x800  }
0x2b0: {  	[sflag:s16] =	ssyncset.done $0x0  }
0x2b1: {  	s12 =	simm.s32 $0x0;
	[sflag:s16] =	ssyncadd.s32 $0xFFFFF800  }
0x2b2: {  	v2 =	vld [tilespmem:s12+$0x6B0]  }
0x2b3: {  	v3 =	vld [tilespmem:s12+$0x16B0]  }
0x2b4: {  	v4 =	vld [tilespmem:s12+$0x600]  }
0x2b5: {  	v9 =	vld [tilespmem:s12+$0x1610]  }
0x2b6: {  	v21 =	vld [tilespmem:s12+$0x2600]  }
0x2b7: {  	v25 =	vld [tilespmem:s12+$0x2680]  }
0x2b8: {  	v27 =	vld [tilespmem:s12+$0x2690]  }
0x2b9: {  	v5 =	vld [tilespmem:s12+$0x26B0];
	v8 =	vshll.u32 v2, $0x10  }
0x2ba: {  	v6 =	vld [tilespmem:s12+$0x1600];
	v10 =	vshll.u32 v3, $0x10;
	v2 =	vand.u32 $0xFFFF0000, v2;
	v3 =	vand.u32 $0xFFFF0000, v3  }
0x2bb: {  	v7 =	vld [tilespmem:s12+$0x610];
	v12 =	vshll.u32 v4, $0x10;
	v4 =	vand.u32 $0xFFFF0000, v4;
	v16 =	vshll.u32 v9, $0x10  }
0x2bc: {  	v11 =	vld [tilespmem:s12+$0x620];
	v9 =	vand.u32 $0xFFFF0000, v9;
	v61 =	vshll.u32 v21, $0x10;
	v30 =	vshll.u32 v25, $0x10  }
0x2bd: {  	v25 =	vand.u32 $0xFFFF0000, v25;
	v31 =	vshll.u32 v27, $0x10;
	v27 =	vand.u32 $0xFFFF0000, v27  }
0x2be: {  	v14 =	vld [tilespmem:s12+$0x1620];
	v13 =	vadd.f32 v3, v2;
	v2 =	vshll.u32 v5, $0x10;
	v5 =	vand.u32 $0xFFFF0000, v5  }
0x2bf: {  	v3 =	vadd.f32 v10, v8;
	v8 =	vld [tilespmem:s12+$0x630];
	v10 =	vshll.u32 v6, $0x10;
	v6 =	vand.u32 $0xFFFF0000, v6  }
0x2c0: {  	v15 =	vld [tilespmem:s12+$0x680];
	v10 =	vadd.f32 v10, v12;
	v12 =	vshll.u32 v7, $0x10;
	v5 =	vadd.f32 v5, v13  }
0x2c1: {  	v7 =	vand.u32 $0xFFFF0000, v7;
	v4 =	vadd.f32 v6, v4;
	v6 =	vshll.u32 v11, $0x10;
	v13 =	vld [tilespmem:s12+$0x1630]  }
0x2c2: {  	v17 =	vld [tilespmem:s12+$0x1680];
	v11 =	vand.u32 $0xFFFF0000, v11;
	v12 =	vadd.f32 v16, v12;
	v5 =	vmax.f32 v5, $0.0e+00  }
0x2c3: {  	v16 =	vld [tilespmem:s12+$0x690];
	v7 =	vadd.f32 v9, v7;
	v10 =	vadd.f32 v61, v10;
	[tilespmem:s12+$0x36F0] =	vst v5;
	v5 =	vshll.u32 v14, $0x10  }
0x2c4: {  	v18 =	vld [tilespmem:s12+$0x1690];
	v14 =	vand.u32 $0xFFFF0000, v14;
	v9 =	vshll.u32 v8, $0x10;
	v8 =	vand.u32 $0xFFFF0000, v8  }
0x2c5: {  	v20 =	vld [tilespmem:s12+$0x16A0];
	v19 =	vadd.f32 v5, v6;
	v11 =	vadd.f32 v14, v11;
	v14 =	vshll.u32 v15, $0x10  }
0x2c6: {  	v15 =	vand.u32 $0xFFFF0000, v15;
	v5 =	vshll.u32 v13, $0x10;
	v6 =	vand.u32 $0xFFFF0000, v13  }
0x2c7: {  	v13 =	vld [tilespmem:s12+$0x6A0];
	v22 =	vadd.f32 v5, v9;
	v5 =	vshll.u32 v17, $0x10;
	v9 =	vand.u32 $0xFFFF0000, v17  }
0x2c8: {  	v17 =	vld [tilespmem:s12+$0x2610];
	v23 =	vadd.f32 v6, v8;
	v6 =	vshll.u32 v16, $0x10;
	v8 =	vand.u32 $0xFFFF0000, v16  }
0x2c9: {  	v16 =	vld [tilespmem:s12+$0x2620];
	v24 =	vadd.f32 v5, v14;
	v5 =	vshll.u32 v18, $0x10;
	v14 =	vand.u32 $0xFFFF0000, v18  }
0x2ca: {  	v18 =	vld [tilespmem:s12+$0x2630];
	v15 =	vadd.f32 v9, v15;
	v26 =	vadd.f32 v5, v6;
	v5 =	vshll.u32 v20, $0x10  }
0x2cb: {  	v6 =	vand.u32 $0xFFFF0000, v20;
	v28 =	vadd.f32 v14, v8;
	v8 =	vand.u32 $0xFFFF0000, v21  }
0x2cc: {  	v29 =	vadd.f32 v8, v4;
	v9 =	vshll.u32 v13, $0x10;
	v13 =	vand.u32 $0xFFFF0000, v13  }
0x2cd: {  	v14 =	vld [tilespmem:s12+$0x26A0];
	v5 =	vadd.f32 v5, v9;
	v9 =	vshll.u32 v17, $0x10;
	v6 =	vadd.f32 v6, v13  }
0x2ce: {  	v13 =	vand.u32 $0xFFFF0000, v17;
	v17 =	vshll.u32 v16, $0x10;
	v62 =	vand.u32 $0xFFFF0000, v16  }
0x2cf: {  	v63 =	vshll.u32 v18, $0x10;
	v12 =	vadd.f32 v9, v12;
	v32 =	vadd.f32 v13, v7  }
0x2d0: {  	v18 =	vand.u32 $0xFFFF0000, v18;
	v16 =	vadd.f32 v17, v19;
	v4 =	vadd.f32 v62, v11  }
0x2d1: {  	v7 =	vmax.f32 v10, $0.0e+00;
	v13 =	vadd.f32 v30, v24;
	v11 =	vadd.f32 v25, v15  }
0x2d2: {  	v15 =	vadd.f32 v31, v26;
	v8 =	vshll.u32 v14, $0x10;
	[tilespmem:s12+$0x3600] =	vst v7;
	v7 =	vmax.f32 v29, $0.0e+00  }
0x2d3: {  	s1 =	simm.s32 $0x100;
	v9 =	vand.u32 $0xFFFF0000, v14;
	v14 =	vadd.f32 v63, v22;
	[tilespmem:s12+$0x3640] =	vst v7;
	v12 =	vmax.f32 v12, $0.0e+00  }
0x2d4: {  	s14 =	simm.s32 $0x800;
	v10 =	vadd.f32 v18, v23;
	v17 =	vmax.f32 v32, $0.0e+00;
	v7 =	vld [tilespmem:s1+$0x6B0];
	[tilespmem:s12+$0x3610] =	vst v12;
	v12 =	vadd.f32 v27, v28  }
.LBB2_10:
0x2d5: {  	p1 =	sne.s32 s14, $0x1C00;
	v18 =	vld [tilespmem:s1+$0x16B0];
	[tilespmem:s12+$0x3650] =	vst v17;
	v16 =	vmax.f32 v16, $0.0e+00;
	v5 =	vadd.f32 v8, v5;
	v6 =	vadd.f32 v9, v6  }
0x2d6: {  	v4 =	vmax.f32 v4, $0.0e+00;
	v9 =	vmax.f32 v14, $0.0e+00;
	v2 =	vadd.f32 v2, v3;
	v8 =	vld [tilespmem:s1+$0x600];
	[tilespmem:s12+$0x3620] =	vst v16  }
0x2d7: {  	v11 =	vmax.f32 v11, $0.0e+00;
	v3 =	vld [tilespmem:s1+$0x26B0];
	[tilespmem:s12+$0x3660] =	vst v4;
	v4 =	vmax.f32 v10, $0.0e+00;
	v10 =	vmax.f32 v13, $0.0e+00  }
0x2d8: {  	v12 =	vmax.f32 v12, $0.0e+00;
	v5 =	vmax.f32 v5, $0.0e+00;
	v13 =	vld [tilespmem:s1+$0x1600];
	[tilespmem:s12+$0x3630] =	vst v9;
	v9 =	vmax.f32 v15, $0.0e+00  }
0x2d9: {  	v14 =	vld [tilespmem:s1+$0x610];
	v15 =	vshll.u32 v7, $0x10;
	[tilespmem:s12+$0x3670] =	vst v4;
	v4 =	vmax.f32 v6, $0.0e+00;
	v6 =	vmax.f32 v2, $0.0e+00  }
0x2da: {  	v2 =	vand.u32 $0xFFFF0000, v7;
	v16 =	vld [tilespmem:s1+$0x1610];
	v17 =	vshll.u32 v18, $0x10;
	v7 =	vand.u32 $0xFFFF0000, v18;
	[tilespmem:s12+$0x3680] =	vst v10  }
0x2db: {  	v10 =	vshll.u32 v8, $0x10;
	v8 =	vand.u32 $0xFFFF0000, v8;
	v18 =	vld [tilespmem:s1+$0x620];
	v7 =	vadd.f32 v7, v2;
	[tilespmem:s12+$0x36C0] =	vst v11  }
0x2dc: {  	v11 =	vld [tilespmem:s1+$0x1620];
	v2 =	vshll.u32 v3, $0x10;
	v19 =	vand.u32 $0xFFFF0000, v3;
	v3 =	vadd.f32 v17, v15;
	[tilespmem:s12+$0x3690] =	vst v9  }
0x2dd: {  	v9 =	vshll.u32 v13, $0x10;
	v13 =	vand.u32 $0xFFFF0000, v13;
	v15 =	vld [tilespmem:s1+$0x630];
	v7 =	vadd.f32 v19, v7;
	[tilespmem:s12+$0x36D0] =	vst v12  }
0x2de: {  	v9 =	vadd.f32 v9, v10;
	v10 =	vshll.u32 v14, $0x10;
	v12 =	vand.u32 $0xFFFF0000, v14;
	v14 =	vld [tilespmem:s1+$0x1630];
	[tilespmem:s12+$0x36A0] =	vst v5  }
0x2df: {  	v5 =	vshll.u32 v16, $0x10;
	v16 =	vand.u32 $0xFFFF0000, v16;
	v17 =	vld [tilespmem:s1+$0x680];
	v7 =	vmax.f32 v7, $0.0e+00;
	[tilespmem:s12+$0x36E0] =	vst v4  }
0x2e0: {  	v4 =	vadd.f32 v13, v8;
	v8 =	vshll.u32 v18, $0x10;
	v13 =	vand.u32 $0xFFFF0000, v18;
	v18 =	vld [tilespmem:s1+$0x1680];
	[tilespmem:s1+$0x36F0] =	vst v7  }
0x2e1: {  	v7 =	vadd.f32 v5, v10;
	v5 =	vshll.u32 v11, $0x10;
	v10 =	vand.u32 $0xFFFF0000, v11;
	v11 =	vld [tilespmem:s1+$0x690];
	[tilespmem:s12+$0x36B0] =	vst v6;
	s12 =	smov.u32 s1  }
0x2e2: {  	v12 =	vadd.f32 v16, v12;
	v6 =	vshll.u32 v15, $0x10;
	v15 =	vand.u32 $0xFFFF0000, v15;
	v16 =	vld [tilespmem:s12+$0x1690]  }
0x2e3: {  	v19 =	vadd.f32 v5, v8;
	v5 =	vshll.u32 v14, $0x10;
	v8 =	vand.u32 $0xFFFF0000, v14;
	v14 =	vld [tilespmem:s12+$0x6A0]  }
0x2e4: {  	v10 =	vadd.f32 v10, v13;
	v13 =	vshll.u32 v17, $0x10;
	v17 =	vand.u32 $0xFFFF0000, v17;
	v20 =	vld [tilespmem:s12+$0x16A0]  }
0x2e5: {  	v22 =	vadd.f32 v5, v6;
	v21 =	vld [tilespmem:s12+$0x2600];
	v5 =	vshll.u32 v18, $0x10;
	v6 =	vand.u32 $0xFFFF0000, v18  }
0x2e6: {  	v15 =	vadd.f32 v8, v15;
	v18 =	vld [tilespmem:s12+$0x2610];
	v8 =	vshll.u32 v11, $0x10;
	v11 =	vand.u32 $0xFFFF0000, v11  }
0x2e7: {  	v13 =	vadd.f32 v5, v13;
	v23 =	vld [tilespmem:s12+$0x2620];
	v5 =	vshll.u32 v16, $0x10;
	v16 =	vand.u32 $0xFFFF0000, v16  }
0x2e8: {  	v17 =	vadd.f32 v6, v17;
	v24 =	vld [tilespmem:s12+$0x2630];
	v6 =	vshll.u32 v14, $0x10;
	v14 =	vand.u32 $0xFFFF0000, v14  }
0x2e9: {  	v26 =	vadd.f32 v5, v8;
	v25 =	vld [tilespmem:s12+$0x2680];
	v5 =	vshll.u32 v20, $0x10;
	v8 =	vand.u32 $0xFFFF0000, v20  }
0x2ea: {  	v28 =	vadd.f32 v16, v11;
	v20 =	vshll.u32 v21, $0x10;
	v27 =	vld [tilespmem:s12+$0x2690];
	v5 =	vadd.f32 v5, v6  }
0x2eb: {  	v11 =	vand.u32 $0xFFFF0000, v21;
	v6 =	vadd.f32 v8, v14;
	v16 =	vshll.u32 v18, $0x10;
	v21 =	vld [tilespmem:s12+$0x26A0]  }
0x2ec: {  	v8 =	vand.u32 $0xFFFF0000, v18;
	v14 =	vshll.u32 v23, $0x10;
	v18 =	vand.u32 $0xFFFF0000, v23  }
0x2ed: {  	v20 =	vadd.f32 v20, v9;
	v23 =	vshll.u32 v24, $0x10;
	v24 =	vand.u32 $0xFFFF0000, v24  }
0x2ee: {  	v11 =	vadd.f32 v11, v4;
	v29 =	vshll.u32 v25, $0x10;
	v25 =	vand.u32 $0xFFFF0000, v25  }
0x2ef: {  	v7 =	vadd.f32 v16, v7;
	v30 =	vshll.u32 v27, $0x10;
	v27 =	vand.u32 $0xFFFF0000, v27  }
.Ltmp5:
0x2f0: {  	v12 =	vadd.f32 v8, v12;
	v8 =	vshll.u32 v21, $0x10;
	v9 =	vand.u32 $0xFFFF0000, v21;
	(pc) =	sbr.rel @p1 .LBB2_10-.Ltmp5, $4  }
0x2f1: {  	v20 =	vmax.f32 v20, $0.0e+00;
	v16 =	vadd.f32 v14, v19;
	v4 =	vadd.f32 v18, v10  }
0x2f2: {  	v11 =	vmax.f32 v11, $0.0e+00;
	v14 =	vadd.f32 v23, v22;
	v10 =	vadd.f32 v24, v15;
	[tilespmem:s12+$0x3600] =	vst v20  }
0x2f3: {  	s1 =	sshra.s32 s14, $0x2;
	v15 =	vmax.f32 v7, $0.0e+00;
	v13 =	vadd.f32 v29, v13;
	[tilespmem:s12+$0x3640] =	vst v11;
	v11 =	vadd.f32 v25, v17  }
0x2f4: {  	s14 =	sadd.s32 $0x400, s14;
	v17 =	vmax.f32 v12, $0.0e+00;
	v12 =	vadd.f32 v27, v28;
	v7 =	vld [tilespmem:s1+$0x6B0];
	[tilespmem:s12+$0x3610] =	vst v15;
	v15 =	vadd.f32 v30, v26  }
0x2f5: {  	v18 =	vld [tilespmem:s1+$0x16B0];
	[tilespmem:s12+$0x3650] =	vst v17;
	v16 =	vmax.f32 v16, $0.0e+00  }
0x2f6: {  	v57 =	vmax.f32 v4, $0.0e+00;
	v17 =	vld [tilespmem:s1+$0x600];
	[tilespmem:s12+$0x3620] =	vst v16  }
0x2f7: {  	v14 =	vmax.f32 v14, $0.0e+00;
	v10 =	vmax.f32 v10, $0.0e+00;
	v4 =	vld [tilespmem:s1+$0x26B0];
	[tilespmem:s12+$0x3660] =	vst v57  }
0x2f8: {  	v58 =	vmax.f32 v13, $0.0e+00;
	v60 =	vmax.f32 v11, $0.0e+00;
	v5 =	vadd.f32 v8, v5;
	v16 =	vld [tilespmem:s1+$0x1600];
	[tilespmem:s12+$0x3630] =	vst v14  }
0x2f9: {  	v6 =	vadd.f32 v9, v6;
	v2 =	vadd.f32 v2, v3;
	v62 =	vmax.f32 v15, $0.0e+00;
	v14 =	vld [tilespmem:s1+$0x610];
	[tilespmem:s12+$0x3670] =	vst v10  }
0x2fa: {  	v21 =	vmax.f32 v12, $0.0e+00;
	v3 =	vand.u32 $0xFFFF0000, v7;
	v59 =	vld [tilespmem:s1+$0x1610];
	[tilespmem:s12+$0x3680] =	vst v58;
	v23 =	vand.u32 $0xFFFF0000, v18  }
0x2fb: {  	v5 =	vmax.f32 v5, $0.0e+00;
	v6 =	vmax.f32 v6, $0.0e+00;
	v61 =	vld [tilespmem:s1+$0x620];
	[tilespmem:s12+$0x36C0] =	vst v60;
	v3 =	vadd.f32 v23, v3  }
0x2fc: {  	v2 =	vmax.f32 v2, $0.0e+00;
	v24 =	vshll.u32 v7, $0x10;
	v63 =	vld [tilespmem:s1+$0x1620];
	[tilespmem:s12+$0x3690] =	vst v62;
	v25 =	vand.u32 $0xFFFF0000, v4  }
0x2fd: {  	v26 =	vshll.u32 v18, $0x10;
	v27 =	vshll.u32 v17, $0x10;
	v22 =	vld [tilespmem:s1+$0x630];
	[tilespmem:s12+$0x36D0] =	vst v21;
	v3 =	vadd.f32 v25, v3  }
0x2fe: {  	v17 =	vand.u32 $0xFFFF0000, v17;
	v29 =	vshll.u32 v16, $0x10;
	v30 =	vand.u32 $0xFFFF0000, v16;
	v8 =	vld [tilespmem:s1+$0x1630];
	[tilespmem:s12+$0x36A0] =	vst v5  }
0x2ff: {  	v5 =	vadd.f32 v26, v24;
	v7 =	vadd.f32 v29, v27;
	v28 =	vld [tilespmem:s1+$0x680];
	[tilespmem:s12+$0x36E0] =	vst v6;
	v3 =	vmax.f32 v3, $0.0e+00  }
0x300: {  	v32 =	vshll.u32 v14, $0x10;
	v14 =	vand.u32 $0xFFFF0000, v14;
	v33 =	vshll.u32 v59, $0x10;
	v31 =	vld [tilespmem:s1+$0x1680];
	[tilespmem:s1+$0x36F0] =	vst v3  }
0x301: {  	v6 =	vadd.f32 v30, v17;
	v3 =	vand.u32 $0xFFFF0000, v59;
	v34 =	vshll.u32 v61, $0x10;
	v35 =	vld [tilespmem:s1+$0x690];
	[tilespmem:s12+$0x36B0] =	vst v2  }
0x302: {  	v11 =	vand.u32 $0xFFFF0000, v61;
	v16 =	vadd.f32 v33, v32;
	v36 =	vshll.u32 v63, $0x10;
	v38 =	vld [tilespmem:s1+$0x1690]  }
0x303: {  	v2 =	vand.u32 $0xFFFF0000, v63;
	v3 =	vadd.f32 v3, v14;
	v37 =	vshll.u32 v22, $0x10;
	v19 =	vld [tilespmem:s1+$0x6A0]  }
0x304: {  	v9 =	vand.u32 $0xFFFF0000, v22;
	v13 =	vadd.f32 v36, v34;
	v2 =	vadd.f32 v2, v11;
	v20 =	vld [tilespmem:s1+$0x16A0]  }
0x305: {  	v21 =	vld [tilespmem:s1+$0x2600];
	v39 =	vshll.u32 v8, $0x10;
	v8 =	vand.u32 $0xFFFF0000, v8;
	v40 =	vshll.u32 v28, $0x10  }
0x306: {  	v22 =	vld [tilespmem:s1+$0x2610];
	v10 =	vand.u32 $0xFFFF0000, v28;
	v14 =	vadd.f32 v39, v37;
	v8 =	vadd.f32 v8, v9  }
0x307: {  	v23 =	vld [tilespmem:s1+$0x2620];
	v41 =	vshll.u32 v31, $0x10;
	v12 =	vand.u32 $0xFFFF0000, v31;
	v42 =	vshll.u32 v35, $0x10  }
0x308: {  	v24 =	vld [tilespmem:s1+$0x2630];
	v17 =	vand.u32 $0xFFFF0000, v35;
	v11 =	vadd.f32 v41, v40;
	v10 =	vadd.f32 v12, v10  }
0x309: {  	v43 =	vshll.u32 v38, $0x10;
	v15 =	vand.u32 $0xFFFF0000, v38;
	v44 =	vshll.u32 v19, $0x10  }
0x30a: {  	v46 =	vld [tilespmem:s1+$0x2680];
	v19 =	vand.u32 $0xFFFF0000, v19;
	v45 =	vshll.u32 v20, $0x10;
	v20 =	vand.u32 $0xFFFF0000, v20  }
0x30b: {  	v48 =	vld [tilespmem:s1+$0x2690];
	v25 =	vshll.u32 v21, $0x10;
	v47 =	vand.u32 $0xFFFF0000, v21;
	v49 =	vshll.u32 v22, $0x10  }
0x30c: {  	v50 =	vld [tilespmem:s1+$0x26A0];
	v51 =	vand.u32 $0xFFFF0000, v22;
	v52 =	vshll.u32 v23, $0x10;
	v7 =	vadd.f32 v25, v7  }
0x30d: {  	v53 =	vand.u32 $0xFFFF0000, v23;
	v55 =	vshll.u32 v24, $0x10;
	v6 =	vadd.f32 v47, v6  }
0x30e: {  	v56 =	vand.u32 $0xFFFF0000, v24;
	v16 =	vadd.f32 v49, v16;
	v7 =	vmax.f32 v7, $0.0e+00  }
0x30f: {  	v58 =	vshll.u32 v46, $0x10;
	v3 =	vadd.f32 v51, v3;
	v6 =	vmax.f32 v6, $0.0e+00;
	[tilespmem:s1+$0x3600] =	vst v7  }
0x310: {  	v60 =	vand.u32 $0xFFFF0000, v48;
	v2 =	vadd.f32 v53, v2;
	v54 =	vmax.f32 v16, $0.0e+00;
	[tilespmem:s1+$0x3640] =	vst v6  }
0x311: {  	v62 =	vand.u32 $0xFFFF0000, v50;
	v13 =	vadd.f32 v52, v13;
	v3 =	vmax.f32 v3, $0.0e+00;
	[tilespmem:s1+$0x3610] =	vst v54  }
0x312: {  	v9 =	vadd.f32 v43, v42;
	v57 =	vadd.f32 v55, v14;
	v2 =	vmax.f32 v2, $0.0e+00;
	[tilespmem:s1+$0x3650] =	vst v3  }
0x313: {  	v15 =	vadd.f32 v15, v17;
	v59 =	vadd.f32 v58, v11;
	v3 =	vmax.f32 v13, $0.0e+00;
	[tilespmem:s1+$0x3660] =	vst v2  }
0x314: {  	v6 =	vadd.f32 v56, v8;
	v7 =	vmax.f32 v57, $0.0e+00;
	v2 =	vshll.u32 v48, $0x10;
	[tilespmem:s1+$0x3620] =	vst v3  }
0x315: {  	v8 =	vmax.f32 v59, $0.0e+00;
	v3 =	vand.u32 $0xFFFF0000, v46;
	[tilespmem:s1+$0x3630] =	vst v7;
	v2 =	vadd.f32 v2, v9  }
0x316: {  	v19 =	vadd.f32 v20, v19;
	[tilespmem:s1+$0x3680] =	vst v8;
	v3 =	vadd.f32 v3, v10;
	v6 =	vmax.f32 v6, $0.0e+00  }
0x317: {  	v12 =	vadd.f32 v45, v44;
	v7 =	vadd.f32 v60, v15;
	[tilespmem:s1+$0x3670] =	vst v6;
	v2 =	vmax.f32 v2, $0.0e+00  }
0x318: {  	v61 =	vshll.u32 v50, $0x10;
	v63 =	vadd.f32 v62, v19;
	v3 =	vmax.f32 v3, $0.0e+00;
	[tilespmem:s1+$0x3690] =	vst v2  }
0x319: {  	v6 =	vadd.f32 v61, v12;
	v7 =	vmax.f32 v7, $0.0e+00;
	[tilespmem:s1+$0x36C0] =	vst v3;
	v3 =	vshll.u32 v4, $0x10  }
0x31a: {  	[tilespmem:s1+$0x36D0] =	vst v7;
	v4 =	vmax.f32 v63, $0.0e+00;
	v2 =	vadd.f32 v3, v5  }
0x31b: {  	v3 =	vmax.f32 v6, $0.0e+00;
	[tilespmem:s1+$0x36E0] =	vst v4  }
0x31c: {  	[tilespmem:s1+$0x36A0] =	vst v3;
	v2 =	vmax.f32 v2, $0.0e+00  }
0x31d: {  	s15 =	simm.s32 $0x200;
	[tilespmem:s1+$0x36B0] =	vst v2;
	s1 =	simm.s32 @!p0 $0x7  }
0x31e: {  	[spmem:s2] =	stream.indirect.scatter.add.f32 [tilespmem:s23], [sflag:$0x5], $0x80, s15, s29, $0xb8;
	[tilespmem:$0x18B80] =	vst v63  }
0x31f: {  	_ =	swait.ge @!p0 [sflag:s1], $0x10  }
0x320: {  	s14 =	simm.s32 @!p0 $0x4600;
	[sflag:s1] =	ssyncset.done @!p0 $0x0  }
0x321: {  	s12 =	simm.s32 @!p0 $0x200;
	[sflag:s1] =	ssyncadd.s32 @!p0 $0xFFFFFFF0;
	s1 =	simm.s32 @!p0 $0x10  }
0x322: {  	[spmem:s3] =	stream.indirect.scatter.add.f32 @!p0 [tilespmem:s14], [sflag:$0x7], $0x1, s12, s1, $0xb8;
	[tilespmem:$0x18B80] =	vst v63  }
0x323: {  	_ =	swait.ge [sflag:s16], $0x800  }
0x324: {  	[sflag:s16] =	ssyncset.done $0x0  }
0x325: {  	[sflag:s16] =	ssyncadd.s32 $0xFFFFF800  }
0x326: {  	_ =	swait.ge [sflag:s13], $0x800  }
0x327: {  	[sflag:s13] =	ssyncset.done $0x0  }
0x328: {  	[sflag:s13] =	ssyncadd.s32 $0xFFFFF800  }
0x329: {  	_ =	swait.ge [sflag:s21], $0x10  }
0x32a: {  	[sflag:s21] =	ssyncset.done $0x0  }
0x32b: {  	[sflag:s21] =	ssyncadd.s32 $0xFFFFFFF0  }
0x32c: {  	s17 =	stileid.u32;
	[bflag:$0x0] =	sbarrier.arrive $0xFFFF  }
0x32d: {  	s1 =	sshll.u32 s17, $0x6;
	s28 =	rddreg [dreg:$0x5]  }
0x32e: {  	s1 =	sor.u32 $0x1C08, s1;
	s30 =	rddreg [dreg:$0x11];
	s18 =	sshrl.u32 s28, $0x3  }
0x32f: {  	[hbm:s30], [sflag:s1] =	dma.local [spmem:s18], $0x50  }
0x330: {  	_ =	swait.ge [sflag:s24], $0x50  }
0x331: {  	[sflag:s24] =	ssyncset.done $0x0;
	s18 =	rddreg [dreg:$0x4]  }
0x332: {  	s30 =	rddreg [dreg:$0xb];
	[sflag:s24] =	ssyncadd.s32 $0xFFFFFFB0;
	s17 =	sshrl.u32 s18, $0x3  }
0x333: {  	[hbm:s30], [sflag:s1] =	dma.local [spmem:s17], $0x2800  }
0x334: {  	_ =	swait.ge [sflag:s24], $0x2800  }
0x335: {  	s17 =	sld [smem:$0x7E3];
	_ =	sdelay $0x2  }
0x336: {  	s30 =	rddreg [dreg:$0x12];
	s12 =	sadd.s32 $0x1, s17  }
0x337: {  	p1 =	sne.s32 s12, s30  }
.Ltmp6:
0x338: {  	_ = 	snop;
	(pc) =	sbr.rel @p1 .LBB2_1-.Ltmp6, $3  }
0x339: {  	_ =	sdelay $0x1  }
0x33a: {  	[sflag:s24] =	ssyncset.done $0x0  }
0x33b: {  	[sflag:s24] =	ssyncadd.s32 $0xFFFFD800  }
0x33c: {  	_ =	sfence.sel $0x180000  }
0x33d: {  	[bflag:$0x0] =	sbarrier.arrive $0xFFFF  }
0x33e: {  	_ =	strace $0x90000047  }
0x33f: {  	s0 =	stileid.u32;
	[bflag:$0x2] =	sbarrier.arrive $0xFFFF  }
0x340: {  	p0 =	sne.s32 s0, $0x0;
	s0 =	rddreg [dreg:$0x3]  }
0x341: {  	s0 =	sadd.s32 @!p0 $0x100000, s0  }
0x342: {  	[sflag:s0] =	ssyncadd.tile.s32 @!p0 $0x1;
	_ =	shalt  }
.Lfunc_end2:
_tile_overlayer_lowered:
.L_overlay_start_2:
0x343: {  	(tag) =	ssettag $0x2  }
0x344: {  	s0 =	rddreg [dreg:$0x0];
	s2 =	stileid.u32  }
0x345: {  	s1 =	rddreg [dreg:$0x1];
	p0 =	sne.s32 s2, $0x0  }
0x346: {  	s3 =	rddreg [dreg:$0x2];
	[bflag:$0x3] =	sbarrier.arrive $0xFFFF;
	s2 =	simm.s32 @!p0 $0x1C08  }
0x347: {  	[timem:s3], [sflag:s2] =	dma.local @!p0 [hbm:s0], s1  }
0x348: {  	s0 =	simm.s32 @!p0 $0x8  }
0x349: {  	_ =	swait.ge @!p0 [sflag:s0], s1  }
0x34a: {  	s1 =	ssub.s32 @!p0 $0x0, s1;
	[sflag:s0] =	ssyncset.done @!p0 $0x0  }
0x34b: {  	[sflag:s0] =	ssyncadd.s32 @!p0 s1  }
0x34c: {  	[bflag:$0x3] =	sbarrier.arrive $0xFFFF  }
0x34d: {  	_ =	shalt  }

</sc_bundles>
